<compile_context>
chip_gen: v7x
topology: tpu7x:2x2x1
jax: 0.10.2.dev20260603
libtpu: 0.0.44.dev20260713+nightly
codegen_flags: <defaults>
</compile_context>

<pallas_src>
import functools

import jax
import jax.numpy as jnp
from jax import lax
from jax.experimental import pallas as pl
from jax.experimental.pallas import tpu as pltpu
from jax.experimental.pallas import tpu_sc as plsc

N = 10000
NNZ = 320000
D = 128
Q = 32
NQ = 4
EPS = 1e-5

NC = 2
NS = 16
R = 10240
RPT = R // NS
DUMMY = N
CH = 128
NCHUNK = 160
TOT = NS * NCHUNK * CH

_SC_PARAMS = pltpu.CompilerParams(use_tc_tiling_on_sc=False)


@functools.cache
def _mesh():
    return plsc.VectorSubcoreMesh(core_axis_name="c", subcore_axis_name="s",
                                  num_cores=NC, num_subcores=NS)


def _deg_body(n3_hbm, e3_hbm, z16_hbm, ones_hbm, binv_hbm, dinv_hbm,
              nidx_v, eidx_v, ones_v, deg_v, bd_v, deg):
    c = lax.axis_index("c")
    s = lax.axis_index("s")
    r0 = s * RPT

    pltpu.sync_copy(z16_hbm, deg.at[pl.ds(r0, RPT)])
    pltpu.sync_copy(n3_hbm.at[s], nidx_v)
    pltpu.sync_copy(e3_hbm.at[s], eidx_v)
    pltpu.sync_copy(ones_hbm, ones_v)
    plsc.subcore_barrier()

    @pl.loop(0, NCHUNK)
    def _hist_e(j):
        pltpu.sync_copy(ones_v, deg.at[eidx_v.at[j]], add=True)

    plsc.subcore_barrier()

    pltpu.sync_copy(deg.at[pl.ds(r0, RPT)], deg_v)

    @pl.loop(0, RPT)
    def _binv(i):
        cnt = deg_v[i]
        bd_v[i] = jnp.where(cnt > 0.0, 1.0 / cnt, 0.0)

    pltpu.sync_copy(bd_v, binv_hbm.at[c, pl.ds(r0, RPT)])
    pltpu.sync_copy(z16_hbm, deg.at[pl.ds(r0, RPT)])
    plsc.subcore_barrier()

    @pl.loop(0, NCHUNK)
    def _hist_n(j):
        pltpu.sync_copy(ones_v, deg.at[nidx_v.at[j]], add=True)

    plsc.subcore_barrier()

    pltpu.sync_copy(deg.at[pl.ds(r0, RPT)], deg_v)

    @pl.loop(0, RPT)
    def _dinv(i):
        cnt = deg_v[i]
        bd_v[i] = jnp.where(cnt > 0.0, 1.0 / cnt, 0.0)

    pltpu.sync_copy(bd_v, dinv_hbm.at[c, pl.ds(r0, RPT)])


def _deg(n3, e3, z16, ones):
    f = pl.kernel(
        _deg_body,
        out_type=(
            jax.ShapeDtypeStruct((NC, R, 16), jnp.float32),
            jax.ShapeDtypeStruct((NC, R, 16), jnp.float32),
        ),
        mesh=_mesh(),
        compiler_params=_SC_PARAMS,
        scratch_types=[
            pltpu.VMEM((NCHUNK, CH), jnp.int32),
            pltpu.VMEM((NCHUNK, CH), jnp.int32),
            pltpu.VMEM((CH, 16), jnp.float32),
            pltpu.VMEM((RPT, 16), jnp.float32),
            pltpu.VMEM((RPT, 16), jnp.float32),
            pltpu.VMEM_SHARED((R, 16), jnp.float32),
        ],
    )
    return f(n3, e3, z16, ones)


def _mm1_body(x_ref, w_ref, o_ref):
    o_ref[...] = lax.dot_general(
        x_ref[...], w_ref[0],
        (((1,), (1,)), ((), ())),
        preferred_element_type=jnp.float32,
    )[None]


def _mm1(xp, w1q):
    return pl.pallas_call(
        _mm1_body,
        grid=(8, NQ),
        in_specs=[
            pl.BlockSpec((R // 8, D), lambda i, j: (i, 0)),
            pl.BlockSpec((1, Q, D), lambda i, j: (j, 0, 0)),
        ],
        out_specs=pl.BlockSpec((1, R // 8, Q), lambda i, j: (j, i, 0)),
        out_shape=jax.ShapeDtypeStruct((NQ, R, Q), jnp.float32),
    )(xp, w1q)


def _hops(tbl_hbm, gidx_v, sidx_v, acc, bufs, gs, ss):
    nb = len(bufs)
    for u in range(nb):
        pltpu.async_copy(tbl_hbm.at[gidx_v.at[u]], bufs[u], gs[u])

    @pl.loop(0, NCHUNK // nb)
    def _(jq):
        base = nb * jq
        for u in range(nb):
            pltpu.make_async_copy(tbl_hbm.at[gidx_v.at[base + u]], bufs[u],
                                  gs[u]).wait()
            pltpu.async_copy(bufs[u], acc.at[sidx_v.at[base + u]], ss[u],
                             add=True)
        for u in range(nb):
            nxt = base + nb + u

            @pl.when(nxt < NCHUNK)
            def _():
                pltpu.make_async_copy(bufs[u], acc.at[sidx_v.at[base + u]],
                                      ss[u]).wait()
                pltpu.async_copy(tbl_hbm.at[gidx_v.at[nxt]], bufs[u], gs[u])

    for u in range(nb):
        pltpu.make_async_copy(bufs[u], acc.at[sidx_v.at[NCHUNK - nb + u]],
                              ss[u]).wait()


def _prop_body(h_hbm, n3_hbm, e3_hbm, z32_hbm, binv_hbm, dinv_hbm,
               out_hbm, he_hbm,
               nidx_v, eidx_v, b0, b1, b2, b3, rng_v, bd_v, bd2_v,
               gs0, gs1, gs2, gs3, ss0, ss1, ss2, ss3, acc):
    bufs = (b0, b1, b2, b3)
    gs = (gs0, gs1, gs2, gs3)
    ss = (ss0, ss1, ss2, ss3)
    c = lax.axis_index("c")
    s = lax.axis_index("s")
    r0 = s * RPT

    pltpu.sync_copy(n3_hbm.at[s], nidx_v)
    pltpu.sync_copy(e3_hbm.at[s], eidx_v)
    pltpu.sync_copy(binv_hbm.at[c, pl.ds(r0, RPT)], bd_v)
    pltpu.sync_copy(dinv_hbm.at[c, pl.ds(r0, RPT)], bd2_v)

    for p in range(2):
        fq = c * 2 + p

        pltpu.sync_copy(z32_hbm, acc.at[pl.ds(r0, RPT)])
        plsc.subcore_barrier()

        _hops(h_hbm.at[fq], nidx_v, eidx_v, acc, bufs, gs, ss)
        plsc.subcore_barrier()

        pltpu.sync_copy(acc.at[pl.ds(r0, RPT)], rng_v)

        @pl.loop(0, RPT)
        def _scale(i):
            inv = bd_v[i]
            for k in range(2):
                sl = (i, pl.ds(k * 16, 16))
                rng_v[sl] = rng_v[sl] * inv

        pltpu.sync_copy(rng_v, he_hbm.at[fq, pl.ds(r0, RPT)])
        pltpu.sync_copy(z32_hbm, acc.at[pl.ds(r0, RPT)])
        plsc.subcore_barrier()

        _hops(he_hbm.at[fq], eidx_v, nidx_v, acc, bufs, gs, ss)
        plsc.subcore_barrier()

        pltpu.sync_copy(acc.at[pl.ds(r0, RPT)], rng_v)

        @pl.loop(0, RPT)
        def _epi(i):
            dinv = bd2_v[i]
            for k in range(2):
                sl = (i, pl.ds(k * 16, 16))
                rng_v[sl] = rng_v[sl] * dinv

        pltpu.sync_copy(rng_v, out_hbm.at[fq, pl.ds(r0, RPT)])


def _prop(h, n3, e3, z32, binv, dinv):
    f = pl.kernel(
        _prop_body,
        out_type=(
            jax.ShapeDtypeStruct((NQ, R, Q), jnp.float32),
            jax.ShapeDtypeStruct((NQ, R, Q), jnp.float32),
        ),
        mesh=_mesh(),
        compiler_params=_SC_PARAMS,
        scratch_types=[
            pltpu.VMEM((NCHUNK, CH), jnp.int32),
            pltpu.VMEM((NCHUNK, CH), jnp.int32),
            pltpu.VMEM((CH, Q), jnp.float32),
            pltpu.VMEM((CH, Q), jnp.float32),
            pltpu.VMEM((CH, Q), jnp.float32),
            pltpu.VMEM((CH, Q), jnp.float32),
            pltpu.VMEM((RPT, Q), jnp.float32),
            pltpu.VMEM((RPT, 16), jnp.float32),
            pltpu.VMEM((RPT, 16), jnp.float32),
            pltpu.SemaphoreType.DMA,
            pltpu.SemaphoreType.DMA,
            pltpu.SemaphoreType.DMA,
            pltpu.SemaphoreType.DMA,
            pltpu.SemaphoreType.DMA,
            pltpu.SemaphoreType.DMA,
            pltpu.SemaphoreType.DMA,
            pltpu.SemaphoreType.DMA,
            pltpu.VMEM_SHARED((R, Q), jnp.float32),
        ],
    )
    return f(h, n3, e3, z32, binv, dinv)


def _bn_body(p_ref, s_ref, t_ref, o_ref):
    o_ref[...] = jnp.maximum(p_ref[...] * s_ref[...] + t_ref[...], 0.0)


def _bn(p1, s1q, t1q):
    return pl.pallas_call(
        _bn_body,
        grid=(8,),
        in_specs=[
            pl.BlockSpec((NQ, R // 8, Q), lambda i: (0, i, 0)),
            pl.BlockSpec((NQ, 1, Q), lambda i: (0, 0, 0)),
            pl.BlockSpec((NQ, 1, Q), lambda i: (0, 0, 0)),
        ],
        out_specs=pl.BlockSpec((NQ, R // 8, Q), lambda i: (0, i, 0)),
        out_shape=jax.ShapeDtypeStruct((NQ, R, Q), jnp.float32),
    )(p1, s1q, t1q)


def _mm2_body(q_ref, w2_ref, s2_ref, t2_ref, wl_ref, bl_ref, o_ref, acc_ref):
    i = pl.program_id(0)

    @pl.when(i == 0)
    def _():
        acc_ref[...] = jnp.zeros_like(acc_ref)

    o = lax.dot_general(q_ref[0], w2_ref[0], (((1,), (1,)), ((), ())),
                        preferred_element_type=jnp.float32)
    for f in range(1, NQ):
        o = o + lax.dot_general(q_ref[f], w2_ref[f], (((1,), (1,)), ((), ())),
                                preferred_element_type=jnp.float32)
    o = jnp.maximum(o * s2_ref[...] + t2_ref[...], 0.0)
    acc_ref[...] += jnp.sum(o, axis=0, keepdims=True)

    @pl.when(i == pl.num_programs(0) - 1)
    def _():
        m = acc_ref[...] * (1.0 / N)
        o_ref[...] = lax.dot_general(m, wl_ref[...], (((1,), (1,)), ((), ())),
                                     preferred_element_type=jnp.float32
                                     ) + bl_ref[...]


def _mm2(q, w2q, s2, t2, wl, bl2):
    blk = 2000
    return pl.pallas_call(
        _mm2_body,
        grid=(N // blk,),
        in_specs=[
            pl.BlockSpec((NQ, blk, Q), lambda i: (0, i, 0)),
            pl.BlockSpec((NQ, D, Q), lambda i: (0, 0, 0)),
            pl.BlockSpec((1, D), lambda i: (0, 0)),
            pl.BlockSpec((1, D), lambda i: (0, 0)),
            pl.BlockSpec((D, D), lambda i: (0, 0)),
            pl.BlockSpec((1, D), lambda i: (0, 0)),
        ],
        out_specs=pl.BlockSpec((1, D), lambda i: (0, 0)),
        out_shape=jax.ShapeDtypeStruct((1, D), jnp.float32),
        scratch_shapes=[pltpu.VMEM((1, D), jnp.float32)],
    )(q, w2q, s2, t2, wl, bl2)


def kernel(x, hyperedge_index, W1, b1, g1, be1, W2, b2, g2, be2, Wl, bl):
    f32 = jnp.float32
    xp = jnp.concatenate([x, jnp.zeros((R - N, D), f32)], axis=0)
    w1q = W1.reshape(NQ, Q, D)

    ni = hyperedge_index[0]
    ei = hyperedge_index[1]
    n3 = jnp.full((TOT,), DUMMY, jnp.int32).at[:NNZ].set(ni).reshape(
        NS, NCHUNK, CH)
    e3 = jnp.full((TOT,), DUMMY, jnp.int32).at[:NNZ].set(ei).reshape(
        NS, NCHUNK, CH)

    z32 = jnp.zeros((RPT, Q), f32)
    z16 = jnp.zeros((RPT, 16), f32)
    ones = jnp.ones((CH, 16), f32)

    c0 = 1.0 / (1.0 + EPS) ** 0.5
    s1q = (g1 * c0).reshape(NQ, 1, Q)
    t1q = ((g1 * c0) * b1 + be1).reshape(NQ, 1, Q)
    s2 = (g2 * c0).reshape(1, D)
    t2 = ((g2 * c0) * b2 + be2).reshape(1, D)
    w2q = jnp.transpose(W2.reshape(D, NQ, Q), (1, 0, 2))

    binv, dinv = _deg(n3, e3, z16, ones)
    h1 = _mm1(xp, w1q)
    p1, _ = _prop(h1, n3, e3, z32, binv, dinv)
    z1 = _bn(p1, s1q, t1q)
    q, _ = _prop(z1, n3, e3, z32, binv, dinv)
    out = _mm2(q, w2q, s2, t2, Wl, bl.reshape(1, D))
    return out[0]

# --- scband reference (transcript-rebuilt; emitter-appended) ---
"""Pipeline reference for scband-hyper-gnn-21861383537290 (READ-ONLY COPY).

The authoritative reference and input builder live on the scoring server;
editing this copy changes nothing except your own understanding.
"""

import jax, jax.numpy as jnp
import numpy as np

N = 10000        # num nodes; hyperedge ids also drawn from [0, N)
NNZ = 320000     # incidence (node, hyperedge) pairs
D_IN = 128
HID = 128
OUT = 128
EPS = 1e-5


def setup_inputs(seed: int = 0) -> dict:
    key = jax.random.key(seed)
    ks = jax.random.split(key, 12)
    x = jax.random.normal(ks[0], (N, D_IN), dtype=jnp.float32)
    hyperedge_index = jax.random.randint(ks[1], (2, NNZ), 0, N, dtype=jnp.int32)
    W1 = jax.random.normal(ks[2], (HID, D_IN), dtype=jnp.float32) * 0.05
    b1 = jax.random.normal(ks[3], (HID,), dtype=jnp.float32) * 0.05
    g1 = jnp.ones((HID,), dtype=jnp.float32)
    be1 = jnp.zeros((HID,), dtype=jnp.float32)
    W2 = jax.random.normal(ks[4], (HID, HID), dtype=jnp.float32) * 0.05
    b2 = jax.random.normal(ks[5], (HID,), dtype=jnp.float32) * 0.05
    g2 = jnp.ones((HID,), dtype=jnp.float32)
    be2 = jnp.zeros((HID,), dtype=jnp.float32)
    Wl = jax.random.normal(ks[6], (OUT, HID), dtype=jnp.float32) * 0.05
    bl = jax.random.normal(ks[7], (OUT,), dtype=jnp.float32) * 0.05
    return {"x": x, "hyperedge_index": hyperedge_index, "W1": W1, "b1": b1,
            "g1": g1, "be1": be1, "W2": W2, "b2": b2, "g2": g2, "be2": be2,
            "Wl": Wl, "bl": bl}


def _hypergraph_conv(x, node_idx, edge_idx, W, b):
    # x' = D^{-1} H B^{-1} H^T (x Theta) + bias   (hyperedge_weight = ones)
    h = x @ W.T
    ones = jnp.ones((node_idx.shape[0],), dtype=h.dtype)
    deg_n = jax.ops.segment_sum(ones, node_idx, num_segments=N)
    Dinv = jnp.where(deg_n > 0, 1.0 / deg_n, 0.0)
    deg_e = jax.ops.segment_sum(ones, edge_idx, num_segments=N)
    Binv = jnp.where(deg_e > 0, 1.0 / deg_e, 0.0)
    # node -> hyperedge (norm indexed by target hyperedge)
    m1 = Binv[edge_idx][:, None] * h[node_idx]
    he = jax.ops.segment_sum(m1, edge_idx, num_segments=N)
    # hyperedge -> node (norm indexed by target node)
    m2 = Dinv[node_idx][:, None] * he[edge_idx]
    out = jax.ops.segment_sum(m2, node_idx, num_segments=N)
    return out + b


def _bn_eval(x, gamma, beta):
    # eval-mode BatchNorm1d with fresh running stats (mean=0, var=1)
    return gamma * (x / jnp.sqrt(1.0 + EPS)) + beta


def reference(x, hyperedge_index, W1, b1, g1, be1, W2, b2, g2, be2, Wl, bl):
    node_idx = hyperedge_index[0]
    edge_idx = hyperedge_index[1]
    h = _hypergraph_conv(x, node_idx, edge_idx, W1, b1)
    h = _bn_eval(h, g1, be1)
    h = jax.nn.relu(h)
    # dropout: eval mode -> identity
    h = _hypergraph_conv(h, node_idx, edge_idx, W2, b2)
    h = _bn_eval(h, g2, be2)
    h = jax.nn.relu(h)
    h = jnp.mean(h, axis=0)
    return h @ Wl.T + bl

if __name__ == "__main__":
    import jax
    _d = setup_inputs()
    print(jax.jit(kernel)(*tuple(_d.values())))

</pallas_src>

<mosaic_0001>
#map = affine_map<(d0, d1) -> (0, 0, 0)>
#map1 = affine_map<(d0, d1) -> (0, 0)>
module attributes {stable_mosaic.version = 14 : i64} {
  func.func @_deg_body(%arg0: i32, %arg1: i32, %arg2: memref<16x160x128xi32, #tpu.memory_space<hbm>>, %arg3: memref<16x160x128xi32, #tpu.memory_space<hbm>>, %arg4: memref<640x16xf32, #tpu.memory_space<hbm>>, %arg5: memref<128x16xf32, #tpu.memory_space<hbm>>, %arg6: memref<2x10240x16xf32, #tpu.memory_space<hbm>>, %arg7: memref<2x10240x16xf32, #tpu.memory_space<hbm>>, %arg8: memref<160x128xi32, #tpu.memory_space<vmem>>, %arg9: memref<160x128xi32, #tpu.memory_space<vmem>>, %arg10: memref<128x16xf32, #tpu.memory_space<vmem>>, %arg11: memref<640x16xf32, #tpu.memory_space<vmem>>, %arg12: memref<640x16xf32, #tpu.memory_space<vmem>>, %arg13: memref<10240x16xf32, #tpu.memory_space<vmem_shared>>) attributes {dimension_semantics = [#tpu.dimension_semantics<core_parallel>, #tpu.dimension_semantics<subcore_parallel>], iteration_bounds = array<i64: 2, 16>, scalar_prefetch = 0 : i64, scratch_operands = 6 : i64, tpu.core_type = #tpu.core_type<sc_vector_subcore>, window_params = [{transform_indices = #map}, {transform_indices = #map}, {transform_indices = #map1}, {transform_indices = #map1}, {transform_indices = #map}, {transform_indices = #map}]} {
    %mul3A = arith.constant 640 : i32
    %mul3A_0 = arith.muli %arg1, %mul3A : i32
    "tpu.region"() ({
      %run_scoped3A = tpu.sem_alloc : memref<!tpu.dma_semaphore, #tpu.memory_space<semaphore_mem>>
      %dma_start3A = arith.constant 0 : i32
      %dma_start3A_23 = tpu.memref_slice %arg13[%mul3A_0, %dma_start3A] : memref<10240x16xf32, #tpu.memory_space<vmem_shared>> -> memref<640x16xf32, #tpu.memory_space<vmem_shared>>
      tpu.enqueue_dma source(%arg4 : memref<640x16xf32, #tpu.memory_space<hbm>>) target(%dma_start3A_23 : memref<640x16xf32, #tpu.memory_space<vmem_shared>>) target_semaphore(%run_scoped3A : memref<!tpu.dma_semaphore, #tpu.memory_space<semaphore_mem>>)
      %dma_wait3A = arith.constant 0 : i32
      %dma_wait3A_24 = tpu.memref_slice %arg13[%mul3A_0, %dma_wait3A] : memref<10240x16xf32, #tpu.memory_space<vmem_shared>> -> memref<640x16xf32, #tpu.memory_space<vmem_shared>>
      tpu.wait_dma2 semaphore(%run_scoped3A : memref<!tpu.dma_semaphore, #tpu.memory_space<semaphore_mem>>) src(%arg4 : memref<640x16xf32, #tpu.memory_space<hbm>>) dst(%dma_wait3A_24 : memref<640x16xf32, #tpu.memory_space<vmem_shared>>)
      tpu.yield
    }) : () -> ()
    "tpu.region"() ({
      %run_scoped3A = tpu.sem_alloc : memref<!tpu.dma_semaphore, #tpu.memory_space<semaphore_mem>>
      %dma_start3A = arith.constant 0 : i32
      %dma_start3A_23 = arith.constant 0 : i32
      %dma_start3A_24 = tpu.memref_slice %arg2[%arg1, %dma_start3A, %dma_start3A_23] : memref<16x160x128xi32, #tpu.memory_space<hbm>> -> memref<1x160x128xi32, #tpu.memory_space<hbm>>
      %dma_start3A_25 = tpu.memref_squeeze %dma_start3A_24 : memref<1x160x128xi32, #tpu.memory_space<hbm>> -> memref<160x128xi32, #tpu.memory_space<hbm>>
      %dma_start3A_26 = arith.constant 0 : i32
      %dma_start3A_27 = arith.constant 0 : i32
      %dma_start3A_28 = tpu.memref_slice %arg2[%arg1, %dma_start3A_26, %dma_start3A_27] : memref<16x160x128xi32, #tpu.memory_space<hbm>> -> memref<1x160x128xi32, #tpu.memory_space<hbm>>
      %dma_start3A_29 = tpu.memref_squeeze %dma_start3A_28 : memref<1x160x128xi32, #tpu.memory_space<hbm>> -> memref<160x128xi32, #tpu.memory_space<hbm>>
      tpu.enqueue_dma source(%dma_start3A_29 : memref<160x128xi32, #tpu.memory_space<hbm>>) target(%arg8 : memref<160x128xi32, #tpu.memory_space<vmem>>) target_semaphore(%run_scoped3A : memref<!tpu.dma_semaphore, #tpu.memory_space<semaphore_mem>>)
      %dma_wait3A = arith.constant 0 : i32
      %dma_wait3A_30 = arith.constant 0 : i32
      %dma_wait3A_31 = tpu.memref_slice %arg2[%arg1, %dma_wait3A, %dma_wait3A_30] : memref<16x160x128xi32, #tpu.memory_space<hbm>> -> memref<1x160x128xi32, #tpu.memory_space<hbm>>
      %dma_wait3A_32 = tpu.memref_squeeze %dma_wait3A_31 : memref<1x160x128xi32, #tpu.memory_space<hbm>> -> memref<160x128xi32, #tpu.memory_space<hbm>>
      %dma_wait3A_33 = arith.constant 0 : i32
      %dma_wait3A_34 = arith.constant 0 : i32
      %dma_wait3A_35 = tpu.memref_slice %arg2[%arg1, %dma_wait3A_33, %dma_wait3A_34] : memref<16x160x128xi32, #tpu.memory_space<hbm>> -> memref<1x160x128xi32, #tpu.memory_space<hbm>>
      %dma_wait3A_36 = tpu.memref_squeeze %dma_wait3A_35 : memref<1x160x128xi32, #tpu.memory_space<hbm>> -> memref<160x128xi32, #tpu.memory_space<hbm>>
      tpu.wait_dma2 semaphore(%run_scoped3A : memref<!tpu.dma_semaphore, #tpu.memory_space<semaphore_mem>>) src(%dma_wait3A_36 : memref<160x128xi32, #tpu.memory_space<hbm>>) dst(%arg8 : memref<160x128xi32, #tpu.memory_space<vmem>>)
      tpu.yield
    }) : () -> ()
    "tpu.region"() ({
      %run_scoped3A = tpu.sem_alloc : memref<!tpu.dma_semaphore, #tpu.memory_space<semaphore_mem>>
      %dma_start3A = arith.constant 0 : i32
      %dma_start3A_23 = arith.constant 0 : i32
      %dma_start3A_24 = tpu.memref_slice %arg3[%arg1, %dma_start3A, %dma_start3A_23] : memref<16x160x128xi32, #tpu.memory_space<hbm>> -> memref<1x160x128xi32, #tpu.memory_space<hbm>>
      %dma_start3A_25 = tpu.memref_squeeze %dma_start3A_24 : memref<1x160x128xi32, #tpu.memory_space<hbm>> -> memref<160x128xi32, #tpu.memory_space<hbm>>
      %dma_start3A_26 = arith.constant 0 : i32
      %dma_start3A_27 = arith.constant 0 : i32
      %dma_start3A_28 = tpu.memref_slice %arg3[%arg1, %dma_start3A_26, %dma_start3A_27] : memref<16x160x128xi32, #tpu.memory_space<hbm>> -> memref<1x160x128xi32, #tpu.memory_space<hbm>>
      %dma_start3A_29 = tpu.memref_squeeze %dma_start3A_28 : memref<1x160x128xi32, #tpu.memory_space<hbm>> -> memref<160x128xi32, #tpu.memory_space<hbm>>
      tpu.enqueue_dma source(%dma_start3A_29 : memref<160x128xi32, #tpu.memory_space<hbm>>) target(%arg9 : memref<160x128xi32, #tpu.memory_space<vmem>>) target_semaphore(%run_scoped3A : memref<!tpu.dma_semaphore, #tpu.memory_space<semaphore_mem>>)
      %dma_wait3A = arith.constant 0 : i32
      %dma_wait3A_30 = arith.constant 0 : i32
      %dma_wait3A_31 = tpu.memref_slice %arg3[%arg1, %dma_wait3A, %dma_wait3A_30] : memref<16x160x128xi32, #tpu.memory_space<hbm>> -> memref<1x160x128xi32, #tpu.memory_space<hbm>>
      %dma_wait3A_32 = tpu.memref_squeeze %dma_wait3A_31 : memref<1x160x128xi32, #tpu.memory_space<hbm>> -> memref<160x128xi32, #tpu.memory_space<hbm>>
      %dma_wait3A_33 = arith.constant 0 : i32
      %dma_wait3A_34 = arith.constant 0 : i32
      %dma_wait3A_35 = tpu.memref_slice %arg3[%arg1, %dma_wait3A_33, %dma_wait3A_34] : memref<16x160x128xi32, #tpu.memory_space<hbm>> -> memref<1x160x128xi32, #tpu.memory_space<hbm>>
      %dma_wait3A_36 = tpu.memref_squeeze %dma_wait3A_35 : memref<1x160x128xi32, #tpu.memory_space<hbm>> -> memref<160x128xi32, #tpu.memory_space<hbm>>
      tpu.wait_dma2 semaphore(%run_scoped3A : memref<!tpu.dma_semaphore, #tpu.memory_space<semaphore_mem>>) src(%dma_wait3A_36 : memref<160x128xi32, #tpu.memory_space<hbm>>) dst(%arg9 : memref<160x128xi32, #tpu.memory_space<vmem>>)
      tpu.yield
    }) : () -> ()
    "tpu.region"() ({
      %run_scoped3A = tpu.sem_alloc : memref<!tpu.dma_semaphore, #tpu.memory_space<semaphore_mem>>
      tpu.enqueue_dma source(%arg5 : memref<128x16xf32, #tpu.memory_space<hbm>>) target(%arg10 : memref<128x16xf32, #tpu.memory_space<vmem>>) target_semaphore(%run_scoped3A : memref<!tpu.dma_semaphore, #tpu.memory_space<semaphore_mem>>)
      tpu.wait_dma2 semaphore(%run_scoped3A : memref<!tpu.dma_semaphore, #tpu.memory_space<semaphore_mem>>) src(%arg5 : memref<128x16xf32, #tpu.memory_space<hbm>>) dst(%arg10 : memref<128x16xf32, #tpu.memory_space<vmem>>)
      tpu.yield
    }) : () -> ()
    %barrier3A = arith.constant 0 : index
    tpu.barrier barrier_id(%barrier3A)
    %scan3A = arith.constant 0 : i32
    %scan3A_1 = arith.constant 160 : i32
    %scan3A_2 = arith.addi %scan3A, %scan3A_1 : i32
    %scan3A_3 = arith.constant 1 : i32
    scf.for %scan3A_23 = %scan3A to %scan3A_2 step %scan3A_3  : i32 {
      %mul3A_24 = arith.constant 1 : i32
      %mul3A_25 = arith.muli %scan3A_23, %mul3A_24 : i32
      %add3A = arith.constant 0 : i32
      %add3A_26 = arith.addi %add3A, %mul3A_25 : i32
      "tpu.region"() ({
        %run_scoped3A = tpu.sem_alloc : memref<!tpu.dma_semaphore, #tpu.memory_space<semaphore_mem>>
        %dma_start3A = arith.constant 0 : i32
        %dma_start3A_27 = tpu.memref_slice %arg9[%add3A_26, %dma_start3A] : memref<160x128xi32, #tpu.memory_space<vmem>> -> memref<1x128xi32, #tpu.memory_space<vmem>>
        %dma_start3A_28 = tpu.memref_squeeze %dma_start3A_27 : memref<1x128xi32, #tpu.memory_space<vmem>> -> memref<128xi32, #tpu.memory_space<vmem>>
        %dma_start3A_29 = arith.constant 0 : i32
        %dma_start3A_30 = arith.constant 0 : i32
        %dma_start3A_31 = tpu.memref_slice %arg13[%dma_start3A_29, %dma_start3A_30] : memref<10240x16xf32, #tpu.memory_space<vmem_shared>> -> memref<10240x16xf32, #tpu.memory_space<vmem_shared>>
        tpu.enqueue_indirect_dma source(%arg10 : memref<128x16xf32, #tpu.memory_space<vmem>>) target(%dma_start3A_31 : memref<10240x16xf32, #tpu.memory_space<vmem_shared>>) offsets(%dma_start3A_28 : memref<128xi32, #tpu.memory_space<vmem>>) semaphore(%run_scoped3A : memref<!tpu.dma_semaphore, #tpu.memory_space<semaphore_mem>>) {add = true}
        %dma_wait3A = arith.constant 0 : i32
        %dma_wait3A_32 = tpu.memref_slice %arg9[%add3A_26, %dma_wait3A] : memref<160x128xi32, #tpu.memory_space<vmem>> -> memref<1x128xi32, #tpu.memory_space<vmem>>
        %dma_wait3A_33 = tpu.memref_squeeze %dma_wait3A_32 : memref<1x128xi32, #tpu.memory_space<vmem>> -> memref<128xi32, #tpu.memory_space<vmem>>
        %dma_wait3A_34 = arith.constant 0 : i32
        %dma_wait3A_35 = arith.constant 0 : i32
        %dma_wait3A_36 = tpu.memref_slice %arg13[%dma_wait3A_34, %dma_wait3A_35] : memref<10240x16xf32, #tpu.memory_space<vmem_shared>> -> memref<10240x16xf32, #tpu.memory_space<vmem_shared>>
        tpu.wait_indirect_dma semaphore(%run_scoped3A : memref<!tpu.dma_semaphore, #tpu.memory_space<semaphore_mem>>) src(%arg10 : memref<128x16xf32, #tpu.memory_space<vmem>>) dst(%dma_wait3A_36 : memref<10240x16xf32, #tpu.memory_space<vmem_shared>>)
        tpu.yield
      }) : () -> ()
    }
    %scan3A_4 = arith.constant 160 : i32
    %barrier3A_5 = arith.constant 0 : index
    tpu.barrier barrier_id(%barrier3A_5)
    "tpu.region"() ({
      %run_scoped3A = tpu.sem_alloc : memref<!tpu.dma_semaphore, #tpu.memory_space<semaphore_mem>>
      %dma_start3A = arith.constant 0 : i32
      %dma_start3A_23 = tpu.memref_slice %arg13[%mul3A_0, %dma_start3A] : memref<10240x16xf32, #tpu.memory_space<vmem_shared>> -> memref<640x16xf32, #tpu.memory_space<vmem_shared>>
      %dma_start3A_24 = arith.constant 0 : i32
      %dma_start3A_25 = tpu.memref_slice %arg13[%mul3A_0, %dma_start3A_24] : memref<10240x16xf32, #tpu.memory_space<vmem_shared>> -> memref<640x16xf32, #tpu.memory_space<vmem_shared>>
      tpu.enqueue_dma source(%dma_start3A_25 : memref<640x16xf32, #tpu.memory_space<vmem_shared>>) target(%arg11 : memref<640x16xf32, #tpu.memory_space<vmem>>) target_semaphore(%run_scoped3A : memref<!tpu.dma_semaphore, #tpu.memory_space<semaphore_mem>>)
      %dma_wait3A = arith.constant 0 : i32
      %dma_wait3A_26 = tpu.memref_slice %arg13[%mul3A_0, %dma_wait3A] : memref<10240x16xf32, #tpu.memory_space<vmem_shared>> -> memref<640x16xf32, #tpu.memory_space<vmem_shared>>
      %dma_wait3A_27 = arith.constant 0 : i32
      %dma_wait3A_28 = tpu.memref_slice %arg13[%mul3A_0, %dma_wait3A_27] : memref<10240x16xf32, #tpu.memory_space<vmem_shared>> -> memref<640x16xf32, #tpu.memory_space<vmem_shared>>
      tpu.wait_dma2 semaphore(%run_scoped3A : memref<!tpu.dma_semaphore, #tpu.memory_space<semaphore_mem>>) src(%dma_wait3A_28 : memref<640x16xf32, #tpu.memory_space<vmem_shared>>) dst(%arg11 : memref<640x16xf32, #tpu.memory_space<vmem>>)
      tpu.yield
    }) : () -> ()
    %scan3A_6 = arith.constant 0 : i32
    %scan3A_7 = arith.constant 640 : i32
    %scan3A_8 = arith.addi %scan3A_6, %scan3A_7 : i32
    %scan3A_9 = arith.constant 1 : i32
    scf.for %scan3A_23 = %scan3A_6 to %scan3A_8 step %scan3A_9  : i32 {
      %mul3A_24 = arith.constant 1 : i32
      %mul3A_25 = arith.muli %scan3A_23, %mul3A_24 : i32
      %add3A = arith.constant 0 : i32
      %add3A_26 = arith.addi %add3A, %mul3A_25 : i32
      %get3A = arith.index_cast %add3A_26 : i32 to index
      %get3A_27 = arith.constant 0 : index
      %get3A_28 = tpu.vector_load %arg11[%get3A, %get3A_27] {strides = array<i32>} : memref<640x16xf32, #tpu.memory_space<vmem>>, vector<1x16xf32>,
      %get3A_29 = vector.shape_cast %get3A_28 : vector<1x16xf32> to vector<16xf32>
      %gt3A = arith.constant 0.000000e+00 : f32
      %gt3A_30 = vector.broadcast %gt3A : f32 to vector<16xf32>
      %gt3A_31 = arith.cmpf ogt, %get3A_29, %gt3A_30 : vector<16xf32>
      %div3A = arith.constant 1.000000e+00 : f32
      %div3A_32 = vector.broadcast %div3A : f32 to vector<16xf32>
      %div3A_33 = arith.divf %div3A_32, %get3A_29 : vector<16xf32>
      %jit3A = arith.constant 0.000000e+00 : f32
      %broadcast_in_dim3A = vector.broadcast %jit3A : f32 to vector<16xf32>
      %select_n3A = arith.select %gt3A_31, %div3A_33, %broadcast_in_dim3A : vector<16xi1>, vector<16xf32>
      %swap3A = arith.index_cast %add3A_26 : i32 to index
      %swap3A_34 = arith.constant 0 : index
      %swap3A_35 = tpu.vector_load %arg12[%swap3A, %swap3A_34] {strides = array<i32>} : memref<640x16xf32, #tpu.memory_space<vmem>>, vector<1x16xf32>,
      %swap3A_36 = vector.shape_cast %swap3A_35 : vector<1x16xf32> to vector<16xf32>
      %swap3A_37 = vector.shape_cast %select_n3A : vector<16xf32> to vector<1x16xf32>
      tpu.vector_store %arg12[%swap3A, %swap3A_34], %swap3A_37 {strides = array<i32>} : memref<640x16xf32, #tpu.memory_space<vmem>>, vector<1x16xf32>,
    }
    %scan3A_10 = arith.constant 640 : i32
    "tpu.region"() ({
      %run_scoped3A = tpu.sem_alloc : memref<!tpu.dma_semaphore, #tpu.memory_space<semaphore_mem>>
      %dma_start3A = arith.constant 0 : i32
      %dma_start3A_23 = tpu.memref_slice %arg6[%arg0, %mul3A_0, %dma_start3A] : memref<2x10240x16xf32, #tpu.memory_space<hbm>> -> memref<1x640x16xf32, #tpu.memory_space<hbm>>
      %dma_start3A_24 = tpu.memref_squeeze %dma_start3A_23 : memref<1x640x16xf32, #tpu.memory_space<hbm>> -> memref<640x16xf32, #tpu.memory_space<hbm>>
      %dma_start3A_25 = arith.constant 0 : i32
      %dma_start3A_26 = tpu.memref_slice %arg6[%arg0, %mul3A_0, %dma_start3A_25] : memref<2x10240x16xf32, #tpu.memory_space<hbm>> -> memref<1x640x16xf32, #tpu.memory_space<hbm>>
      %dma_start3A_27 = tpu.memref_squeeze %dma_start3A_26 : memref<1x640x16xf32, #tpu.memory_space<hbm>> -> memref<640x16xf32, #tpu.memory_space<hbm>>
      tpu.enqueue_dma source(%arg12 : memref<640x16xf32, #tpu.memory_space<vmem>>) target(%dma_start3A_27 : memref<640x16xf32, #tpu.memory_space<hbm>>) target_semaphore(%run_scoped3A : memref<!tpu.dma_semaphore, #tpu.memory_space<semaphore_mem>>)
      %dma_wait3A = arith.constant 0 : i32
      %dma_wait3A_28 = tpu.memref_slice %arg6[%arg0, %mul3A_0, %dma_wait3A] : memref<2x10240x16xf32, #tpu.memory_space<hbm>> -> memref<1x640x16xf32, #tpu.memory_space<hbm>>
      %dma_wait3A_29 = tpu.memref_squeeze %dma_wait3A_28 : memref<1x640x16xf32, #tpu.memory_space<hbm>> -> memref<640x16xf32, #tpu.memory_space<hbm>>
      %dma_wait3A_30 = arith.constant 0 : i32
      %dma_wait3A_31 = tpu.memref_slice %arg6[%arg0, %mul3A_0, %dma_wait3A_30] : memref<2x10240x16xf32, #tpu.memory_space<hbm>> -> memref<1x640x16xf32, #tpu.memory_space<hbm>>
      %dma_wait3A_32 = tpu.memref_squeeze %dma_wait3A_31 : memref<1x640x16xf32, #tpu.memory_space<hbm>> -> memref<640x16xf32, #tpu.memory_space<hbm>>
      tpu.wait_dma2 semaphore(%run_scoped3A : memref<!tpu.dma_semaphore, #tpu.memory_space<semaphore_mem>>) src(%arg12 : memref<640x16xf32, #tpu.memory_space<vmem>>) dst(%dma_wait3A_32 : memref<640x16xf32, #tpu.memory_space<hbm>>)
      tpu.yield
    }) : () -> ()
    "tpu.region"() ({
      %run_scoped3A = tpu.sem_alloc : memref<!tpu.dma_semaphore, #tpu.memory_space<semaphore_mem>>
      %dma_start3A = arith.constant 0 : i32
      %dma_start3A_23 = tpu.memref_slice %arg13[%mul3A_0, %dma_start3A] : memref<10240x16xf32, #tpu.memory_space<vmem_shared>> -> memref<640x16xf32, #tpu.memory_space<vmem_shared>>
      tpu.enqueue_dma source(%arg4 : memref<640x16xf32, #tpu.memory_space<hbm>>) target(%dma_start3A_23 : memref<640x16xf32, #tpu.memory_space<vmem_shared>>) target_semaphore(%run_scoped3A : memref<!tpu.dma_semaphore, #tpu.memory_space<semaphore_mem>>)
      %dma_wait3A = arith.constant 0 : i32
      %dma_wait3A_24 = tpu.memref_slice %arg13[%mul3A_0, %dma_wait3A] : memref<10240x16xf32, #tpu.memory_space<vmem_shared>> -> memref<640x16xf32, #tpu.memory_space<vmem_shared>>
      tpu.wait_dma2 semaphore(%run_scoped3A : memref<!tpu.dma_semaphore, #tpu.memory_space<semaphore_mem>>) src(%arg4 : memref<640x16xf32, #tpu.memory_space<hbm>>) dst(%dma_wait3A_24 : memref<640x16xf32, #tpu.memory_space<vmem_shared>>)
      tpu.yield
    }) : () -> ()
    %barrier3A_11 = arith.constant 0 : index
    tpu.barrier barrier_id(%barrier3A_11)
    %scan3A_12 = arith.constant 0 : i32
    %scan3A_13 = arith.constant 160 : i32
    %scan3A_14 = arith.addi %scan3A_12, %scan3A_13 : i32
    %scan3A_15 = arith.constant 1 : i32
    scf.for %scan3A_23 = %scan3A_12 to %scan3A_14 step %scan3A_15  : i32 {
      %mul3A_24 = arith.constant 1 : i32
      %mul3A_25 = arith.muli %scan3A_23, %mul3A_24 : i32
      %add3A = arith.constant 0 : i32
      %add3A_26 = arith.addi %add3A, %mul3A_25 : i32
      "tpu.region"() ({
        %run_scoped3A = tpu.sem_alloc : memref<!tpu.dma_semaphore, #tpu.memory_space<semaphore_mem>>
        %dma_start3A = arith.constant 0 : i32
        %dma_start3A_27 = tpu.memref_slice %arg8[%add3A_26, %dma_start3A] : memref<160x128xi32, #tpu.memory_space<vmem>> -> memref<1x128xi32, #tpu.memory_space<vmem>>
        %dma_start3A_28 = tpu.memref_squeeze %dma_start3A_27 : memref<1x128xi32, #tpu.memory_space<vmem>> -> memref<128xi32, #tpu.memory_space<vmem>>
        %dma_start3A_29 = arith.constant 0 : i32
        %dma_start3A_30 = arith.constant 0 : i32
        %dma_start3A_31 = tpu.memref_slice %arg13[%dma_start3A_29, %dma_start3A_30] : memref<10240x16xf32, #tpu.memory_space<vmem_shared>> -> memref<10240x16xf32, #tpu.memory_space<vmem_shared>>
        tpu.enqueue_indirect_dma source(%arg10 : memref<128x16xf32, #tpu.memory_space<vmem>>) target(%dma_start3A_31 : memref<10240x16xf32, #tpu.memory_space<vmem_shared>>) offsets(%dma_start3A_28 : memref<128xi32, #tpu.memory_space<vmem>>) semaphore(%run_scoped3A : memref<!tpu.dma_semaphore, #tpu.memory_space<semaphore_mem>>) {add = true}
        %dma_wait3A = arith.constant 0 : i32
        %dma_wait3A_32 = tpu.memref_slice %arg8[%add3A_26, %dma_wait3A] : memref<160x128xi32, #tpu.memory_space<vmem>> -> memref<1x128xi32, #tpu.memory_space<vmem>>
        %dma_wait3A_33 = tpu.memref_squeeze %dma_wait3A_32 : memref<1x128xi32, #tpu.memory_space<vmem>> -> memref<128xi32, #tpu.memory_space<vmem>>
        %dma_wait3A_34 = arith.constant 0 : i32
        %dma_wait3A_35 = arith.constant 0 : i32
        %dma_wait3A_36 = tpu.memref_slice %arg13[%dma_wait3A_34, %dma_wait3A_35] : memref<10240x16xf32, #tpu.memory_space<vmem_shared>> -> memref<10240x16xf32, #tpu.memory_space<vmem_shared>>
        tpu.wait_indirect_dma semaphore(%run_scoped3A : memref<!tpu.dma_semaphore, #tpu.memory_space<semaphore_mem>>) src(%arg10 : memref<128x16xf32, #tpu.memory_space<vmem>>) dst(%dma_wait3A_36 : memref<10240x16xf32, #tpu.memory_space<vmem_shared>>)
        tpu.yield
      }) : () -> ()
    }
    %scan3A_16 = arith.constant 160 : i32
    %barrier3A_17 = arith.constant 0 : index
    tpu.barrier barrier_id(%barrier3A_17)
    "tpu.region"() ({
      %run_scoped3A = tpu.sem_alloc : memref<!tpu.dma_semaphore, #tpu.memory_space<semaphore_mem>>
      %dma_start3A = arith.constant 0 : i32
      %dma_start3A_23 = tpu.memref_slice %arg13[%mul3A_0, %dma_start3A] : memref<10240x16xf32, #tpu.memory_space<vmem_shared>> -> memref<640x16xf32, #tpu.memory_space<vmem_shared>>
      %dma_start3A_24 = arith.constant 0 : i32
      %dma_start3A_25 = tpu.memref_slice %arg13[%mul3A_0, %dma_start3A_24] : memref<10240x16xf32, #tpu.memory_space<vmem_shared>> -> memref<640x16xf32, #tpu.memory_space<vmem_shared>>
      tpu.enqueue_dma source(%dma_start3A_25 : memref<640x16xf32, #tpu.memory_space<vmem_shared>>) target(%arg11 : memref<640x16xf32, #tpu.memory_space<vmem>>) target_semaphore(%run_scoped3A : memref<!tpu.dma_semaphore, #tpu.memory_space<semaphore_mem>>)
      %dma_wait3A = arith.constant 0 : i32
      %dma_wait3A_26 = tpu.memref_slice %arg13[%mul3A_0, %dma_wait3A] : memref<10240x16xf32, #tpu.memory_space<vmem_shared>> -> memref<640x16xf32, #tpu.memory_space<vmem_shared>>
      %dma_wait3A_27 = arith.constant 0 : i32
      %dma_wait3A_28 = tpu.memref_slice %arg13[%mul3A_0, %dma_wait3A_27] : memref<10240x16xf32, #tpu.memory_space<vmem_shared>> -> memref<640x16xf32, #tpu.memory_space<vmem_shared>>
      tpu.wait_dma2 semaphore(%run_scoped3A : memref<!tpu.dma_semaphore, #tpu.memory_space<semaphore_mem>>) src(%dma_wait3A_28 : memref<640x16xf32, #tpu.memory_space<vmem_shared>>) dst(%arg11 : memref<640x16xf32, #tpu.memory_space<vmem>>)
      tpu.yield
    }) : () -> ()
    %scan3A_18 = arith.constant 0 : i32
    %scan3A_19 = arith.constant 640 : i32
    %scan3A_20 = arith.addi %scan3A_18, %scan3A_19 : i32
    %scan3A_21 = arith.constant 1 : i32
    scf.for %scan3A_23 = %scan3A_18 to %scan3A_20 step %scan3A_21  : i32 {
      %mul3A_24 = arith.constant 1 : i32
      %mul3A_25 = arith.muli %scan3A_23, %mul3A_24 : i32
      %add3A = arith.constant 0 : i32
      %add3A_26 = arith.addi %add3A, %mul3A_25 : i32
      %get3A = arith.index_cast %add3A_26 : i32 to index
      %get3A_27 = arith.constant 0 : index
      %get3A_28 = tpu.vector_load %arg11[%get3A, %get3A_27] {strides = array<i32>} : memref<640x16xf32, #tpu.memory_space<vmem>>, vector<1x16xf32>,
      %get3A_29 = vector.shape_cast %get3A_28 : vector<1x16xf32> to vector<16xf32>
      %gt3A = arith.constant 0.000000e+00 : f32
      %gt3A_30 = vector.broadcast %gt3A : f32 to vector<16xf32>
      %gt3A_31 = arith.cmpf ogt, %get3A_29, %gt3A_30 : vector<16xf32>
      %div3A = arith.constant 1.000000e+00 : f32
      %div3A_32 = vector.broadcast %div3A : f32 to vector<16xf32>
      %div3A_33 = arith.divf %div3A_32, %get3A_29 : vector<16xf32>
      %jit3A = arith.constant 0.000000e+00 : f32
      %broadcast_in_dim3A = vector.broadcast %jit3A : f32 to vector<16xf32>
      %select_n3A = arith.select %gt3A_31, %div3A_33, %broadcast_in_dim3A : vector<16xi1>, vector<16xf32>
      %swap3A = arith.index_cast %add3A_26 : i32 to index
      %swap3A_34 = arith.constant 0 : index
      %swap3A_35 = tpu.vector_load %arg12[%swap3A, %swap3A_34] {strides = array<i32>} : memref<640x16xf32, #tpu.memory_space<vmem>>, vector<1x16xf32>,
      %swap3A_36 = vector.shape_cast %swap3A_35 : vector<1x16xf32> to vector<16xf32>
      %swap3A_37 = vector.shape_cast %select_n3A : vector<16xf32> to vector<1x16xf32>
      tpu.vector_store %arg12[%swap3A, %swap3A_34], %swap3A_37 {strides = array<i32>} : memref<640x16xf32, #tpu.memory_space<vmem>>, vector<1x16xf32>,
    }
    %scan3A_22 = arith.constant 640 : i32
    "tpu.region"() ({
      %run_scoped3A = tpu.sem_alloc : memref<!tpu.dma_semaphore, #tpu.memory_space<semaphore_mem>>
      %dma_start3A = arith.constant 0 : i32
      %dma_start3A_23 = tpu.memref_slice %arg7[%arg0, %mul3A_0, %dma_start3A] : memref<2x10240x16xf32, #tpu.memory_space<hbm>> -> memref<1x640x16xf32, #tpu.memory_space<hbm>>
      %dma_start3A_24 = tpu.memref_squeeze %dma_start3A_23 : memref<1x640x16xf32, #tpu.memory_space<hbm>> -> memref<640x16xf32, #tpu.memory_space<hbm>>
      %dma_start3A_25 = arith.constant 0 : i32
      %dma_start3A_26 = tpu.memref_slice %arg7[%arg0, %mul3A_0, %dma_start3A_25] : memref<2x10240x16xf32, #tpu.memory_space<hbm>> -> memref<1x640x16xf32, #tpu.memory_space<hbm>>
      %dma_start3A_27 = tpu.memref_squeeze %dma_start3A_26 : memref<1x640x16xf32, #tpu.memory_space<hbm>> -> memref<640x16xf32, #tpu.memory_space<hbm>>
      tpu.enqueue_dma source(%arg12 : memref<640x16xf32, #tpu.memory_space<vmem>>) target(%dma_start3A_27 : memref<640x16xf32, #tpu.memory_space<hbm>>) target_semaphore(%run_scoped3A : memref<!tpu.dma_semaphore, #tpu.memory_space<semaphore_mem>>)
      %dma_wait3A = arith.constant 0 : i32
      %dma_wait3A_28 = tpu.memref_slice %arg7[%arg0, %mul3A_0, %dma_wait3A] : memref<2x10240x16xf32, #tpu.memory_space<hbm>> -> memref<1x640x16xf32, #tpu.memory_space<hbm>>
      %dma_wait3A_29 = tpu.memref_squeeze %dma_wait3A_28 : memref<1x640x16xf32, #tpu.memory_space<hbm>> -> memref<640x16xf32, #tpu.memory_space<hbm>>
      %dma_wait3A_30 = arith.constant 0 : i32
      %dma_wait3A_31 = tpu.memref_slice %arg7[%arg0, %mul3A_0, %dma_wait3A_30] : memref<2x10240x16xf32, #tpu.memory_space<hbm>> -> memref<1x640x16xf32, #tpu.memory_space<hbm>>
      %dma_wait3A_32 = tpu.memref_squeeze %dma_wait3A_31 : memref<1x640x16xf32, #tpu.memory_space<hbm>> -> memref<640x16xf32, #tpu.memory_space<hbm>>
      tpu.wait_dma2 semaphore(%run_scoped3A : memref<!tpu.dma_semaphore, #tpu.memory_space<semaphore_mem>>) src(%arg12 : memref<640x16xf32, #tpu.memory_space<vmem>>) dst(%dma_wait3A_32 : memref<640x16xf32, #tpu.memory_space<hbm>>)
      tpu.yield
    }) : () -> ()
    return
  }
}

#map = affine_map<(d0, d1) -> (0, 0, 0)>
#map1 = affine_map<(d0, d1) -> (0, 0)>
module attributes {stable_mosaic.version = 14 : i64} {
  func.func @_prop_body(%arg0: i32, %arg1: i32, %arg2: memref<4x10240x32xf32, #tpu.memory_space<hbm>>, %arg3: memref<16x160x128xi32, #tpu.memory_space<hbm>>, %arg4: memref<16x160x128xi32, #tpu.memory_space<hbm>>, %arg5: memref<640x32xf32, #tpu.memory_space<hbm>>, %arg6: memref<2x10240x16xf32, #tpu.memory_space<hbm>>, %arg7: memref<2x10240x16xf32, #tpu.memory_space<hbm>>, %arg8: memref<4x10240x32xf32, #tpu.memory_space<hbm>>, %arg9: memref<4x10240x32xf32, #tpu.memory_space<hbm>>, %arg10: memref<160x128xi32, #tpu.memory_space<vmem>>, %arg11: memref<160x128xi32, #tpu.memory_space<vmem>>, %arg12: memref<128x32xf32, #tpu.memory_space<vmem>>, %arg13: memref<128x32xf32, #tpu.memory_space<vmem>>, %arg14: memref<128x32xf32, #tpu.memory_space<vmem>>, %arg15: memref<128x32xf32, #tpu.memory_space<vmem>>, %arg16: memref<640x32xf32, #tpu.memory_space<vmem>>, %arg17: memref<640x16xf32, #tpu.memory_space<vmem>>, %arg18: memref<640x16xf32, #tpu.memory_space<vmem>>, %arg19: memref<!tpu.dma_semaphore, #tpu.memory_space<semaphore_mem>>, %arg20: memref<!tpu.dma_semaphore, #tpu.memory_space<semaphore_mem>>, %arg21: memref<!tpu.dma_semaphore, #tpu.memory_space<semaphore_mem>>, %arg22: memref<!tpu.dma_semaphore, #tpu.memory_space<semaphore_mem>>, %arg23: memref<!tpu.dma_semaphore, #tpu.memory_space<semaphore_mem>>, %arg24: memref<!tpu.dma_semaphore, #tpu.memory_space<semaphore_mem>>, %arg25: memref<!tpu.dma_semaphore, #tpu.memory_space<semaphore_mem>>, %arg26: memref<!tpu.dma_semaphore, #tpu.memory_space<semaphore_mem>>, %arg27: memref<10240x32xf32, #tpu.memory_space<vmem_shared>>) attributes {dimension_semantics = [#tpu.dimension_semantics<core_parallel>, #tpu.dimension_semantics<subcore_parallel>], iteration_bounds = array<i64: 2, 16>, scalar_prefetch = 0 : i64, scratch_operands = 18 : i64, tpu.core_type = #tpu.core_type<sc_vector_subcore>, window_params = [{transform_indices = #map}, {transform_indices = #map}, {transform_indices = #map}, {transform_indices = #map1}, {transform_indices = #map}, {transform_indices = #map}, {transform_indices = #map}, {transform_indices = #map}]} {
    %mul3A = arith.constant 640 : i32
    %mul3A_0 = arith.muli %arg1, %mul3A : i32
    "tpu.region"() ({
      %run_scoped3A = tpu.sem_alloc : memref<!tpu.dma_semaphore, #tpu.memory_space<semaphore_mem>>
      %dma_start3A_340 = arith.constant 0 : i32
      %dma_start3A_341 = arith.constant 0 : i32
      %dma_start3A_342 = tpu.memref_slice %arg3[%arg1, %dma_start3A_340, %dma_start3A_341] : memref<16x160x128xi32, #tpu.memory_space<hbm>> -> memref<1x160x128xi32, #tpu.memory_space<hbm>>
      %dma_start3A_343 = tpu.memref_squeeze %dma_start3A_342 : memref<1x160x128xi32, #tpu.memory_space<hbm>> -> memref<160x128xi32, #tpu.memory_space<hbm>>
      %dma_start3A_344 = arith.constant 0 : i32
      %dma_start3A_345 = arith.constant 0 : i32
      %dma_start3A_346 = tpu.memref_slice %arg3[%arg1, %dma_start3A_344, %dma_start3A_345] : memref<16x160x128xi32, #tpu.memory_space<hbm>> -> memref<1x160x128xi32, #tpu.memory_space<hbm>>
      %dma_start3A_347 = tpu.memref_squeeze %dma_start3A_346 : memref<1x160x128xi32, #tpu.memory_space<hbm>> -> memref<160x128xi32, #tpu.memory_space<hbm>>
      tpu.enqueue_dma source(%dma_start3A_347 : memref<160x128xi32, #tpu.memory_space<hbm>>) target(%arg10 : memref<160x128xi32, #tpu.memory_space<vmem>>) target_semaphore(%run_scoped3A : memref<!tpu.dma_semaphore, #tpu.memory_space<semaphore_mem>>)
      %dma_wait3A_348 = arith.constant 0 : i32
      %dma_wait3A_349 = arith.constant 0 : i32
      %dma_wait3A_350 = tpu.memref_slice %arg3[%arg1, %dma_wait3A_348, %dma_wait3A_349] : memref<16x160x128xi32, #tpu.memory_space<hbm>> -> memref<1x160x128xi32, #tpu.memory_space<hbm>>
      %dma_wait3A_351 = tpu.memref_squeeze %dma_wait3A_350 : memref<1x160x128xi32, #tpu.memory_space<hbm>> -> memref<160x128xi32, #tpu.memory_space<hbm>>
      %dma_wait3A_352 = arith.constant 0 : i32
      %dma_wait3A_353 = arith.constant 0 : i32
      %dma_wait3A_354 = tpu.memref_slice %arg3[%arg1, %dma_wait3A_352, %dma_wait3A_353] : memref<16x160x128xi32, #tpu.memory_space<hbm>> -> memref<1x160x128xi32, #tpu.memory_space<hbm>>
      %dma_wait3A_355 = tpu.memref_squeeze %dma_wait3A_354 : memref<1x160x128xi32, #tpu.memory_space<hbm>> -> memref<160x128xi32, #tpu.memory_space<hbm>>
      tpu.wait_dma2 semaphore(%run_scoped3A : memref<!tpu.dma_semaphore, #tpu.memory_space<semaphore_mem>>) src(%dma_wait3A_355 : memref<160x128xi32, #tpu.memory_space<hbm>>) dst(%arg10 : memref<160x128xi32, #tpu.memory_space<vmem>>)
      tpu.yield
    }) : () -> ()
    "tpu.region"() ({
      %run_scoped3A = tpu.sem_alloc : memref<!tpu.dma_semaphore, #tpu.memory_space<semaphore_mem>>
      %dma_start3A_340 = arith.constant 0 : i32
      %dma_start3A_341 = arith.constant 0 : i32
      %dma_start3A_342 = tpu.memref_slice %arg4[%arg1, %dma_start3A_340, %dma_start3A_341] : memref<16x160x128xi32, #tpu.memory_space<hbm>> -> memref<1x160x128xi32, #tpu.memory_space<hbm>>
      %dma_start3A_343 = tpu.memref_squeeze %dma_start3A_342 : memref<1x160x128xi32, #tpu.memory_space<hbm>> -> memref<160x128xi32, #tpu.memory_space<hbm>>
      %dma_start3A_344 = arith.constant 0 : i32
      %dma_start3A_345 = arith.constant 0 : i32
      %dma_start3A_346 = tpu.memref_slice %arg4[%arg1, %dma_start3A_344, %dma_start3A_345] : memref<16x160x128xi32, #tpu.memory_space<hbm>> -> memref<1x160x128xi32, #tpu.memory_space<hbm>>
      %dma_start3A_347 = tpu.memref_squeeze %dma_start3A_346 : memref<1x160x128xi32, #tpu.memory_space<hbm>> -> memref<160x128xi32, #tpu.memory_space<hbm>>
      tpu.enqueue_dma source(%dma_start3A_347 : memref<160x128xi32, #tpu.memory_space<hbm>>) target(%arg11 : memref<160x128xi32, #tpu.memory_space<vmem>>) target_semaphore(%run_scoped3A : memref<!tpu.dma_semaphore, #tpu.memory_space<semaphore_mem>>)
      %dma_wait3A_348 = arith.constant 0 : i32
      %dma_wait3A_349 = arith.constant 0 : i32
      %dma_wait3A_350 = tpu.memref_slice %arg4[%arg1, %dma_wait3A_348, %dma_wait3A_349] : memref<16x160x128xi32, #tpu.memory_space<hbm>> -> memref<1x160x128xi32, #tpu.memory_space<hbm>>
      %dma_wait3A_351 = tpu.memref_squeeze %dma_wait3A_350 : memref<1x160x128xi32, #tpu.memory_space<hbm>> -> memref<160x128xi32, #tpu.memory_space<hbm>>
      %dma_wait3A_352 = arith.constant 0 : i32
      %dma_wait3A_353 = arith.constant 0 : i32
      %dma_wait3A_354 = tpu.memref_slice %arg4[%arg1, %dma_wait3A_352, %dma_wait3A_353] : memref<16x160x128xi32, #tpu.memory_space<hbm>> -> memref<1x160x128xi32, #tpu.memory_space<hbm>>
      %dma_wait3A_355 = tpu.memref_squeeze %dma_wait3A_354 : memref<1x160x128xi32, #tpu.memory_space<hbm>> -> memref<160x128xi32, #tpu.memory_space<hbm>>
      tpu.wait_dma2 semaphore(%run_scoped3A : memref<!tpu.dma_semaphore, #tpu.memory_space<semaphore_mem>>) src(%dma_wait3A_355 : memref<160x128xi32, #tpu.memory_space<hbm>>) dst(%arg11 : memref<160x128xi32, #tpu.memory_space<vmem>>)
      tpu.yield
    }) : () -> ()
    "tpu.region"() ({
      %run_scoped3A = tpu.sem_alloc : memref<!tpu.dma_semaphore, #tpu.memory_space<semaphore_mem>>
      %dma_start3A_340 = arith.constant 0 : i32
      %dma_start3A_341 = tpu.memref_slice %arg6[%arg0, %mul3A_0, %dma_start3A_340] : memref<2x10240x16xf32, #tpu.memory_space<hbm>> -> memref<1x640x16xf32, #tpu.memory_space<hbm>>
      %dma_start3A_342 = tpu.memref_squeeze %dma_start3A_341 : memref<1x640x16xf32, #tpu.memory_space<hbm>> -> memref<640x16xf32, #tpu.memory_space<hbm>>
      %dma_start3A_343 = arith.constant 0 : i32
      %dma_start3A_344 = tpu.memref_slice %arg6[%arg0, %mul3A_0, %dma_start3A_343] : memref<2x10240x16xf32, #tpu.memory_space<hbm>> -> memref<1x640x16xf32, #tpu.memory_space<hbm>>
      %dma_start3A_345 = tpu.memref_squeeze %dma_start3A_344 : memref<1x640x16xf32, #tpu.memory_space<hbm>> -> memref<640x16xf32, #tpu.memory_space<hbm>>
      tpu.enqueue_dma source(%dma_start3A_345 : memref<640x16xf32, #tpu.memory_space<hbm>>) target(%arg17 : memref<640x16xf32, #tpu.memory_space<vmem>>) target_semaphore(%run_scoped3A : memref<!tpu.dma_semaphore, #tpu.memory_space<semaphore_mem>>)
      %dma_wait3A_346 = arith.constant 0 : i32
      %dma_wait3A_347 = tpu.memref_slice %arg6[%arg0, %mul3A_0, %dma_wait3A_346] : memref<2x10240x16xf32, #tpu.memory_space<hbm>> -> memref<1x640x16xf32, #tpu.memory_space<hbm>>
      %dma_wait3A_348 = tpu.memref_squeeze %dma_wait3A_347 : memref<1x640x16xf32, #tpu.memory_space<hbm>> -> memref<640x16xf32, #tpu.memory_space<hbm>>
      %dma_wait3A_349 = arith.constant 0 : i32
      %dma_wait3A_350 = tpu.memref_slice %arg6[%arg0, %mul3A_0, %dma_wait3A_349] : memref<2x10240x16xf32, #tpu.memory_space<hbm>> -> memref<1x640x16xf32, #tpu.memory_space<hbm>>
      %dma_wait3A_351 = tpu.memref_squeeze %dma_wait3A_350 : memref<1x640x16xf32, #tpu.memory_space<hbm>> -> memref<640x16xf32, #tpu.memory_space<hbm>>
      tpu.wait_dma2 semaphore(%run_scoped3A : memref<!tpu.dma_semaphore, #tpu.memory_space<semaphore_mem>>) src(%dma_wait3A_351 : memref<640x16xf32, #tpu.memory_space<hbm>>) dst(%arg17 : memref<640x16xf32, #tpu.memory_space<vmem>>)
      tpu.yield
    }) : () -> ()
    "tpu.region"() ({
      %run_scoped3A = tpu.sem_alloc : memref<!tpu.dma_semaphore, #tpu.memory_space<semaphore_mem>>
      %dma_start3A_340 = arith.constant 0 : i32
      %dma_start3A_341 = tpu.memref_slice %arg7[%arg0, %mul3A_0, %dma_start3A_340] : memref<2x10240x16xf32, #tpu.memory_space<hbm>> -> memref<1x640x16xf32, #tpu.memory_space<hbm>>
      %dma_start3A_342 = tpu.memref_squeeze %dma_start3A_341 : memref<1x640x16xf32, #tpu.memory_space<hbm>> -> memref<640x16xf32, #tpu.memory_space<hbm>>
      %dma_start3A_343 = arith.constant 0 : i32
      %dma_start3A_344 = tpu.memref_slice %arg7[%arg0, %mul3A_0, %dma_start3A_343] : memref<2x10240x16xf32, #tpu.memory_space<hbm>> -> memref<1x640x16xf32, #tpu.memory_space<hbm>>
      %dma_start3A_345 = tpu.memref_squeeze %dma_start3A_344 : memref<1x640x16xf32, #tpu.memory_space<hbm>> -> memref<640x16xf32, #tpu.memory_space<hbm>>
      tpu.enqueue_dma source(%dma_start3A_345 : memref<640x16xf32, #tpu.memory_space<hbm>>) target(%arg18 : memref<640x16xf32, #tpu.memory_space<vmem>>) target_semaphore(%run_scoped3A : memref<!tpu.dma_semaphore, #tpu.memory_space<semaphore_mem>>)
      %dma_wait3A_346 = arith.constant 0 : i32
      %dma_wait3A_347 = tpu.memref_slice %arg7[%arg0, %mul3A_0, %dma_wait3A_346] : memref<2x10240x16xf32, #tpu.memory_space<hbm>> -> memref<1x640x16xf32, #tpu.memory_space<hbm>>
      %dma_wait3A_348 = tpu.memref_squeeze %dma_wait3A_347 : memref<1x640x16xf32, #tpu.memory_space<hbm>> -> memref<640x16xf32, #tpu.memory_space<hbm>>
      %dma_wait3A_349 = arith.constant 0 : i32
      %dma_wait3A_350 = tpu.memref_slice %arg7[%arg0, %mul3A_0, %dma_wait3A_349] : memref<2x10240x16xf32, #tpu.memory_space<hbm>> -> memref<1x640x16xf32, #tpu.memory_space<hbm>>
      %dma_wait3A_351 = tpu.memref_squeeze %dma_wait3A_350 : memref<1x640x16xf32, #tpu.memory_space<hbm>> -> memref<640x16xf32, #tpu.memory_space<hbm>>
      tpu.wait_dma2 semaphore(%run_scoped3A : memref<!tpu.dma_semaphore, #tpu.memory_space<semaphore_mem>>) src(%dma_wait3A_351 : memref<640x16xf32, #tpu.memory_space<hbm>>) dst(%arg18 : memref<640x16xf32, #tpu.memory_space<vmem>>)
      tpu.yield
    }) : () -> ()
    %mul3A_1 = arith.constant 2 : i32
    %mul3A_2 = arith.muli %arg0, %mul3A_1 : i32
    %add3A = arith.constant 0 : i32
    %add3A_3 = arith.addi %mul3A_2, %add3A : i32
    "tpu.region"() ({
      %run_scoped3A = tpu.sem_alloc : memref<!tpu.dma_semaphore, #tpu.memory_space<semaphore_mem>>
      %dma_start3A_340 = arith.constant 0 : i32
      %dma_start3A_341 = tpu.memref_slice %arg27[%mul3A_0, %dma_start3A_340] : memref<10240x32xf32, #tpu.memory_space<vmem_shared>> -> memref<640x32xf32, #tpu.memory_space<vmem_shared>>
      tpu.enqueue_dma source(%arg5 : memref<640x32xf32, #tpu.memory_space<hbm>>) target(%dma_start3A_341 : memref<640x32xf32, #tpu.memory_space<vmem_shared>>) target_semaphore(%run_scoped3A : memref<!tpu.dma_semaphore, #tpu.memory_space<semaphore_mem>>)
      %dma_wait3A_342 = arith.constant 0 : i32
      %dma_wait3A_343 = tpu.memref_slice %arg27[%mul3A_0, %dma_wait3A_342] : memref<10240x32xf32, #tpu.memory_space<vmem_shared>> -> memref<640x32xf32, #tpu.memory_space<vmem_shared>>
      tpu.wait_dma2 semaphore(%run_scoped3A : memref<!tpu.dma_semaphore, #tpu.memory_space<semaphore_mem>>) src(%arg5 : memref<640x32xf32, #tpu.memory_space<hbm>>) dst(%dma_wait3A_343 : memref<640x32xf32, #tpu.memory_space<vmem_shared>>)
      tpu.yield
    }) : () -> ()
    %barrier3A = arith.constant 0 : index
    tpu.barrier barrier_id(%barrier3A)
    %dma_start3A = arith.constant 0 : i32
    %dma_start3A_4 = arith.constant 0 : i32
    %dma_start3A_5 = tpu.memref_slice %arg10[%dma_start3A, %dma_start3A_4] : memref<160x128xi32, #tpu.memory_space<vmem>> -> memref<1x128xi32, #tpu.memory_space<vmem>>
    %dma_start3A_6 = tpu.memref_squeeze %dma_start3A_5 : memref<1x128xi32, #tpu.memory_space<vmem>> -> memref<128xi32, #tpu.memory_space<vmem>>
    %dma_start3A_7 = arith.constant 0 : i32
    %dma_start3A_8 = arith.constant 0 : i32
    %dma_start3A_9 = tpu.memref_slice %arg2[%add3A_3, %dma_start3A_7, %dma_start3A_8] : memref<4x10240x32xf32, #tpu.memory_space<hbm>> -> memref<1x10240x32xf32, #tpu.memory_space<hbm>>
    %dma_start3A_10 = tpu.memref_squeeze %dma_start3A_9 : memref<1x10240x32xf32, #tpu.memory_space<hbm>> -> memref<10240x32xf32, #tpu.memory_space<hbm>>
    %dma_start3A_11 = arith.constant 0 : i32
    %dma_start3A_12 = arith.constant 0 : i32
    %dma_start3A_13 = tpu.memref_slice %dma_start3A_10[%dma_start3A_11, %dma_start3A_12] : memref<10240x32xf32, #tpu.memory_space<hbm>> -> memref<10240x32xf32, #tpu.memory_space<hbm>>
    tpu.enqueue_indirect_dma source(%dma_start3A_13 : memref<10240x32xf32, #tpu.memory_space<hbm>>) target(%arg12 : memref<128x32xf32, #tpu.memory_space<vmem>>) offsets(%dma_start3A_6 : memref<128xi32, #tpu.memory_space<vmem>>) semaphore(%arg19 : memref<!tpu.dma_semaphore, #tpu.memory_space<semaphore_mem>>)
    %dma_start3A_14 = arith.constant 1 : i32
    %dma_start3A_15 = arith.constant 0 : i32
    %dma_start3A_16 = tpu.memref_slice %arg10[%dma_start3A_14, %dma_start3A_15] : memref<160x128xi32, #tpu.memory_space<vmem>> -> memref<1x128xi32, #tpu.memory_space<vmem>>
    %dma_start3A_17 = tpu.memref_squeeze %dma_start3A_16 : memref<1x128xi32, #tpu.memory_space<vmem>> -> memref<128xi32, #tpu.memory_space<vmem>>
    %dma_start3A_18 = arith.constant 0 : i32
    %dma_start3A_19 = arith.constant 0 : i32
    %dma_start3A_20 = tpu.memref_slice %arg2[%add3A_3, %dma_start3A_18, %dma_start3A_19] : memref<4x10240x32xf32, #tpu.memory_space<hbm>> -> memref<1x10240x32xf32, #tpu.memory_space<hbm>>
    %dma_start3A_21 = tpu.memref_squeeze %dma_start3A_20 : memref<1x10240x32xf32, #tpu.memory_space<hbm>> -> memref<10240x32xf32, #tpu.memory_space<hbm>>
    %dma_start3A_22 = arith.constant 0 : i32
    %dma_start3A_23 = arith.constant 0 : i32
    %dma_start3A_24 = tpu.memref_slice %dma_start3A_21[%dma_start3A_22, %dma_start3A_23] : memref<10240x32xf32, #tpu.memory_space<hbm>> -> memref<10240x32xf32, #tpu.memory_space<hbm>>
    tpu.enqueue_indirect_dma source(%dma_start3A_24 : memref<10240x32xf32, #tpu.memory_space<hbm>>) target(%arg13 : memref<128x32xf32, #tpu.memory_space<vmem>>) offsets(%dma_start3A_17 : memref<128xi32, #tpu.memory_space<vmem>>) semaphore(%arg20 : memref<!tpu.dma_semaphore, #tpu.memory_space<semaphore_mem>>)
    %dma_start3A_25 = arith.constant 2 : i32
    %dma_start3A_26 = arith.constant 0 : i32
    %dma_start3A_27 = tpu.memref_slice %arg10[%dma_start3A_25, %dma_start3A_26] : memref<160x128xi32, #tpu.memory_space<vmem>> -> memref<1x128xi32, #tpu.memory_space<vmem>>
    %dma_start3A_28 = tpu.memref_squeeze %dma_start3A_27 : memref<1x128xi32, #tpu.memory_space<vmem>> -> memref<128xi32, #tpu.memory_space<vmem>>
    %dma_start3A_29 = arith.constant 0 : i32
    %dma_start3A_30 = arith.constant 0 : i32
    %dma_start3A_31 = tpu.memref_slice %arg2[%add3A_3, %dma_start3A_29, %dma_start3A_30] : memref<4x10240x32xf32, #tpu.memory_space<hbm>> -> memref<1x10240x32xf32, #tpu.memory_space<hbm>>
    %dma_start3A_32 = tpu.memref_squeeze %dma_start3A_31 : memref<1x10240x32xf32, #tpu.memory_space<hbm>> -> memref<10240x32xf32, #tpu.memory_space<hbm>>
    %dma_start3A_33 = arith.constant 0 : i32
    %dma_start3A_34 = arith.constant 0 : i32
    %dma_start3A_35 = tpu.memref_slice %dma_start3A_32[%dma_start3A_33, %dma_start3A_34] : memref<10240x32xf32, #tpu.memory_space<hbm>> -> memref<10240x32xf32, #tpu.memory_space<hbm>>
    tpu.enqueue_indirect_dma source(%dma_start3A_35 : memref<10240x32xf32, #tpu.memory_space<hbm>>) target(%arg14 : memref<128x32xf32, #tpu.memory_space<vmem>>) offsets(%dma_start3A_28 : memref<128xi32, #tpu.memory_space<vmem>>) semaphore(%arg21 : memref<!tpu.dma_semaphore, #tpu.memory_space<semaphore_mem>>)
    %dma_start3A_36 = arith.constant 3 : i32
    %dma_start3A_37 = arith.constant 0 : i32
    %dma_start3A_38 = tpu.memref_slice %arg10[%dma_start3A_36, %dma_start3A_37] : memref<160x128xi32, #tpu.memory_space<vmem>> -> memref<1x128xi32, #tpu.memory_space<vmem>>
    %dma_start3A_39 = tpu.memref_squeeze %dma_start3A_38 : memref<1x128xi32, #tpu.memory_space<vmem>> -> memref<128xi32, #tpu.memory_space<vmem>>
    %dma_start3A_40 = arith.constant 0 : i32
    %dma_start3A_41 = arith.constant 0 : i32
    %dma_start3A_42 = tpu.memref_slice %arg2[%add3A_3, %dma_start3A_40, %dma_start3A_41] : memref<4x10240x32xf32, #tpu.memory_space<hbm>> -> memref<1x10240x32xf32, #tpu.memory_space<hbm>>
    %dma_start3A_43 = tpu.memref_squeeze %dma_start3A_42 : memref<1x10240x32xf32, #tpu.memory_space<hbm>> -> memref<10240x32xf32, #tpu.memory_space<hbm>>
    %dma_start3A_44 = arith.constant 0 : i32
    %dma_start3A_45 = arith.constant 0 : i32
    %dma_start3A_46 = tpu.memref_slice %dma_start3A_43[%dma_start3A_44, %dma_start3A_45] : memref<10240x32xf32, #tpu.memory_space<hbm>> -> memref<10240x32xf32, #tpu.memory_space<hbm>>
    tpu.enqueue_indirect_dma source(%dma_start3A_46 : memref<10240x32xf32, #tpu.memory_space<hbm>>) target(%arg15 : memref<128x32xf32, #tpu.memory_space<vmem>>) offsets(%dma_start3A_39 : memref<128xi32, #tpu.memory_space<vmem>>) semaphore(%arg22 : memref<!tpu.dma_semaphore, #tpu.memory_space<semaphore_mem>>)
    %scan3A = arith.constant 0 : i32
    %scan3A_47 = arith.constant 40 : i32
    %scan3A_48 = arith.addi %scan3A, %scan3A_47 : i32
    %scan3A_49 = arith.constant 1 : i32
    scf.for %scan3A_340 = %scan3A to %scan3A_48 step %scan3A_49  : i32 {
      %mul3A_341 = arith.constant 1 : i32
      %mul3A_342 = arith.muli %scan3A_340, %mul3A_341 : i32
      %add3A_343 = arith.constant 0 : i32
      %add3A_344 = arith.addi %add3A_343, %mul3A_342 : i32
      %mul3A_345 = arith.constant 4 : i32
      %mul3A_346 = arith.muli %mul3A_345, %add3A_344 : i32
      %add3A_347 = arith.constant 0 : i32
      %add3A_348 = arith.addi %mul3A_346, %add3A_347 : i32
      %dma_wait3A_349 = arith.constant 0 : i32
      %dma_wait3A_350 = tpu.memref_slice %arg10[%add3A_348, %dma_wait3A_349] : memref<160x128xi32, #tpu.memory_space<vmem>> -> memref<1x128xi32, #tpu.memory_space<vmem>>
      %dma_wait3A_351 = tpu.memref_squeeze %dma_wait3A_350 : memref<1x128xi32, #tpu.memory_space<vmem>> -> memref<128xi32, #tpu.memory_space<vmem>>
      %dma_wait3A_352 = arith.constant 0 : i32
      %dma_wait3A_353 = arith.constant 0 : i32
      %dma_wait3A_354 = tpu.memref_slice %arg2[%add3A_3, %dma_wait3A_352, %dma_wait3A_353] : memref<4x10240x32xf32, #tpu.memory_space<hbm>> -> memref<1x10240x32xf32, #tpu.memory_space<hbm>>
      %dma_wait3A_355 = tpu.memref_squeeze %dma_wait3A_354 : memref<1x10240x32xf32, #tpu.memory_space<hbm>> -> memref<10240x32xf32, #tpu.memory_space<hbm>>
      %dma_wait3A_356 = arith.constant 0 : i32
      %dma_wait3A_357 = arith.constant 0 : i32
      %dma_wait3A_358 = tpu.memref_slice %dma_wait3A_355[%dma_wait3A_356, %dma_wait3A_357] : memref<10240x32xf32, #tpu.memory_space<hbm>> -> memref<10240x32xf32, #tpu.memory_space<hbm>>
      tpu.wait_indirect_dma semaphore(%arg19 : memref<!tpu.dma_semaphore, #tpu.memory_space<semaphore_mem>>) src(%dma_wait3A_358 : memref<10240x32xf32, #tpu.memory_space<hbm>>) dst(%arg12 : memref<128x32xf32, #tpu.memory_space<vmem>>)
      %add3A_359 = arith.constant 0 : i32
      %add3A_360 = arith.addi %mul3A_346, %add3A_359 : i32
      %dma_start3A_361 = arith.constant 0 : i32
      %dma_start3A_362 = tpu.memref_slice %arg11[%add3A_360, %dma_start3A_361] : memref<160x128xi32, #tpu.memory_space<vmem>> -> memref<1x128xi32, #tpu.memory_space<vmem>>
      %dma_start3A_363 = tpu.memref_squeeze %dma_start3A_362 : memref<1x128xi32, #tpu.memory_space<vmem>> -> memref<128xi32, #tpu.memory_space<vmem>>
      %dma_start3A_364 = arith.constant 0 : i32
      %dma_start3A_365 = arith.constant 0 : i32
      %dma_start3A_366 = tpu.memref_slice %arg27[%dma_start3A_364, %dma_start3A_365] : memref<10240x32xf32, #tpu.memory_space<vmem_shared>> -> memref<10240x32xf32, #tpu.memory_space<vmem_shared>>
      tpu.enqueue_indirect_dma source(%arg12 : memref<128x32xf32, #tpu.memory_space<vmem>>) target(%dma_start3A_366 : memref<10240x32xf32, #tpu.memory_space<vmem_shared>>) offsets(%dma_start3A_363 : memref<128xi32, #tpu.memory_space<vmem>>) semaphore(%arg23 : memref<!tpu.dma_semaphore, #tpu.memory_space<semaphore_mem>>) {add = true}
      %add3A_367 = arith.constant 1 : i32
      %add3A_368 = arith.addi %mul3A_346, %add3A_367 : i32
      %dma_wait3A_369 = arith.constant 0 : i32
      %dma_wait3A_370 = tpu.memref_slice %arg10[%add3A_368, %dma_wait3A_369] : memref<160x128xi32, #tpu.memory_space<vmem>> -> memref<1x128xi32, #tpu.memory_space<vmem>>
      %dma_wait3A_371 = tpu.memref_squeeze %dma_wait3A_370 : memref<1x128xi32, #tpu.memory_space<vmem>> -> memref<128xi32, #tpu.memory_space<vmem>>
      %dma_wait3A_372 = arith.constant 0 : i32
      %dma_wait3A_373 = arith.constant 0 : i32
      %dma_wait3A_374 = tpu.memref_slice %arg2[%add3A_3, %dma_wait3A_372, %dma_wait3A_373] : memref<4x10240x32xf32, #tpu.memory_space<hbm>> -> memref<1x10240x32xf32, #tpu.memory_space<hbm>>
      %dma_wait3A_375 = tpu.memref_squeeze %dma_wait3A_374 : memref<1x10240x32xf32, #tpu.memory_space<hbm>> -> memref<10240x32xf32, #tpu.memory_space<hbm>>
      %dma_wait3A_376 = arith.constant 0 : i32
      %dma_wait3A_377 = arith.constant 0 : i32
      %dma_wait3A_378 = tpu.memref_slice %dma_wait3A_375[%dma_wait3A_376, %dma_wait3A_377] : memref<10240x32xf32, #tpu.memory_space<hbm>> -> memref<10240x32xf32, #tpu.memory_space<hbm>>
      tpu.wait_indirect_dma semaphore(%arg20 : memref<!tpu.dma_semaphore, #tpu.memory_space<semaphore_mem>>) src(%dma_wait3A_378 : memref<10240x32xf32, #tpu.memory_space<hbm>>) dst(%arg13 : memref<128x32xf32, #tpu.memory_space<vmem>>)
      %add3A_379 = arith.constant 1 : i32
      %add3A_380 = arith.addi %mul3A_346, %add3A_379 : i32
      %dma_start3A_381 = arith.constant 0 : i32
      %dma_start3A_382 = tpu.memref_slice %arg11[%add3A_380, %dma_start3A_381] : memref<160x128xi32, #tpu.memory_space<vmem>> -> memref<1x128xi32, #tpu.memory_space<vmem>>
      %dma_start3A_383 = tpu.memref_squeeze %dma_start3A_382 : memref<1x128xi32, #tpu.memory_space<vmem>> -> memref<128xi32, #tpu.memory_space<vmem>>
      %dma_start3A_384 = arith.constant 0 : i32
      %dma_start3A_385 = arith.constant 0 : i32
      %dma_start3A_386 = tpu.memref_slice %arg27[%dma_start3A_384, %dma_start3A_385] : memref<10240x32xf32, #tpu.memory_space<vmem_shared>> -> memref<10240x32xf32, #tpu.memory_space<vmem_shared>>
      tpu.enqueue_indirect_dma source(%arg13 : memref<128x32xf32, #tpu.memory_space<vmem>>) target(%dma_start3A_386 : memref<10240x32xf32, #tpu.memory_space<vmem_shared>>) offsets(%dma_start3A_383 : memref<128xi32, #tpu.memory_space<vmem>>) semaphore(%arg24 : memref<!tpu.dma_semaphore, #tpu.memory_space<semaphore_mem>>) {add = true}
      %add3A_387 = arith.constant 2 : i32
      %add3A_388 = arith.addi %mul3A_346, %add3A_387 : i32
      %dma_wait3A_389 = arith.constant 0 : i32
      %dma_wait3A_390 = tpu.memref_slice %arg10[%add3A_388, %dma_wait3A_389] : memref<160x128xi32, #tpu.memory_space<vmem>> -> memref<1x128xi32, #tpu.memory_space<vmem>>
      %dma_wait3A_391 = tpu.memref_squeeze %dma_wait3A_390 : memref<1x128xi32, #tpu.memory_space<vmem>> -> memref<128xi32, #tpu.memory_space<vmem>>
      %dma_wait3A_392 = arith.constant 0 : i32
      %dma_wait3A_393 = arith.constant 0 : i32
      %dma_wait3A_394 = tpu.memref_slice %arg2[%add3A_3, %dma_wait3A_392, %dma_wait3A_393] : memref<4x10240x32xf32, #tpu.memory_space<hbm>> -> memref<1x10240x32xf32, #tpu.memory_space<hbm>>
      %dma_wait3A_395 = tpu.memref_squeeze %dma_wait3A_394 : memref<1x10240x32xf32, #tpu.memory_space<hbm>> -> memref<10240x32xf32, #tpu.memory_space<hbm>>
      %dma_wait3A_396 = arith.constant 0 : i32
      %dma_wait3A_397 = arith.constant 0 : i32
      %dma_wait3A_398 = tpu.memref_slice %dma_wait3A_395[%dma_wait3A_396, %dma_wait3A_397] : memref<10240x32xf32, #tpu.memory_space<hbm>> -> memref<10240x32xf32, #tpu.memory_space<hbm>>
      tpu.wait_indirect_dma semaphore(%arg21 : memref<!tpu.dma_semaphore, #tpu.memory_space<semaphore_mem>>) src(%dma_wait3A_398 : memref<10240x32xf32, #tpu.memory_space<hbm>>) dst(%arg14 : memref<128x32xf32, #tpu.memory_space<vmem>>)
      %add3A_399 = arith.constant 2 : i32
      %add3A_400 = arith.addi %mul3A_346, %add3A_399 : i32
      %dma_start3A_401 = arith.constant 0 : i32
      %dma_start3A_402 = tpu.memref_slice %arg11[%add3A_400, %dma_start3A_401] : memref<160x128xi32, #tpu.memory_space<vmem>> -> memref<1x128xi32, #tpu.memory_space<vmem>>
      %dma_start3A_403 = tpu.memref_squeeze %dma_start3A_402 : memref<1x128xi32, #tpu.memory_space<vmem>> -> memref<128xi32, #tpu.memory_space<vmem>>
      %dma_start3A_404 = arith.constant 0 : i32
      %dma_start3A_405 = arith.constant 0 : i32
      %dma_start3A_406 = tpu.memref_slice %arg27[%dma_start3A_404, %dma_start3A_405] : memref<10240x32xf32, #tpu.memory_space<vmem_shared>> -> memref<10240x32xf32, #tpu.memory_space<vmem_shared>>
      tpu.enqueue_indirect_dma source(%arg14 : memref<128x32xf32, #tpu.memory_space<vmem>>) target(%dma_start3A_406 : memref<10240x32xf32, #tpu.memory_space<vmem_shared>>) offsets(%dma_start3A_403 : memref<128xi32, #tpu.memory_space<vmem>>) semaphore(%arg25 : memref<!tpu.dma_semaphore, #tpu.memory_space<semaphore_mem>>) {add = true}
      %add3A_407 = arith.constant 3 : i32
      %add3A_408 = arith.addi %mul3A_346, %add3A_407 : i32
      %dma_wait3A_409 = arith.constant 0 : i32
      %dma_wait3A_410 = tpu.memref_slice %arg10[%add3A_408, %dma_wait3A_409] : memref<160x128xi32, #tpu.memory_space<vmem>> -> memref<1x128xi32, #tpu.memory_space<vmem>>
      %dma_wait3A_411 = tpu.memref_squeeze %dma_wait3A_410 : memref<1x128xi32, #tpu.memory_space<vmem>> -> memref<128xi32, #tpu.memory_space<vmem>>
      %dma_wait3A_412 = arith.constant 0 : i32
      %dma_wait3A_413 = arith.constant 0 : i32
      %dma_wait3A_414 = tpu.memref_slice %arg2[%add3A_3, %dma_wait3A_412, %dma_wait3A_413] : memref<4x10240x32xf32, #tpu.memory_space<hbm>> -> memref<1x10240x32xf32, #tpu.memory_space<hbm>>
      %dma_wait3A_415 = tpu.memref_squeeze %dma_wait3A_414 : memref<1x10240x32xf32, #tpu.memory_space<hbm>> -> memref<10240x32xf32, #tpu.memory_space<hbm>>
      %dma_wait3A_416 = arith.constant 0 : i32
      %dma_wait3A_417 = arith.constant 0 : i32
      %dma_wait3A_418 = tpu.memref_slice %dma_wait3A_415[%dma_wait3A_416, %dma_wait3A_417] : memref<10240x32xf32, #tpu.memory_space<hbm>> -> memref<10240x32xf32, #tpu.memory_space<hbm>>
      tpu.wait_indirect_dma semaphore(%arg22 : memref<!tpu.dma_semaphore, #tpu.memory_space<semaphore_mem>>) src(%dma_wait3A_418 : memref<10240x32xf32, #tpu.memory_space<hbm>>) dst(%arg15 : memref<128x32xf32, #tpu.memory_space<vmem>>)
      %add3A_419 = arith.constant 3 : i32
      %add3A_420 = arith.addi %mul3A_346, %add3A_419 : i32
      %dma_start3A_421 = arith.constant 0 : i32
      %dma_start3A_422 = tpu.memref_slice %arg11[%add3A_420, %dma_start3A_421] : memref<160x128xi32, #tpu.memory_space<vmem>> -> memref<1x128xi32, #tpu.memory_space<vmem>>
      %dma_start3A_423 = tpu.memref_squeeze %dma_start3A_422 : memref<1x128xi32, #tpu.memory_space<vmem>> -> memref<128xi32, #tpu.memory_space<vmem>>
      %dma_start3A_424 = arith.constant 0 : i32
      %dma_start3A_425 = arith.constant 0 : i32
      %dma_start3A_426 = tpu.memref_slice %arg27[%dma_start3A_424, %dma_start3A_425] : memref<10240x32xf32, #tpu.memory_space<vmem_shared>> -> memref<10240x32xf32, #tpu.memory_space<vmem_shared>>
      tpu.enqueue_indirect_dma source(%arg15 : memref<128x32xf32, #tpu.memory_space<vmem>>) target(%dma_start3A_426 : memref<10240x32xf32, #tpu.memory_space<vmem_shared>>) offsets(%dma_start3A_423 : memref<128xi32, #tpu.memory_space<vmem>>) semaphore(%arg26 : memref<!tpu.dma_semaphore, #tpu.memory_space<semaphore_mem>>) {add = true}
      %add3A_427 = arith.constant 4 : i32
      %add3A_428 = arith.addi %mul3A_346, %add3A_427 : i32
      %add3A_429 = arith.constant 0 : i32
      %add3A_430 = arith.addi %add3A_428, %add3A_429 : i32
      %lt3A = arith.constant 160 : i32
      %lt3A_431 = arith.cmpi slt, %add3A_430, %lt3A : i32
      %convert_element_type3A = arith.extui %lt3A_431 : i1 to i32
      %cond3A = arith.constant 0 : i32
      %cond3A_432 = arith.cmpi ne, %convert_element_type3A, %cond3A : i32
      scf.if %cond3A_432 {
        %add3A_460 = arith.constant 0 : i32
        %add3A_461 = arith.addi %mul3A_346, %add3A_460 : i32
        %dma_wait3A_462 = arith.constant 0 : i32
        %dma_wait3A_463 = tpu.memref_slice %arg11[%add3A_461, %dma_wait3A_462] : memref<160x128xi32, #tpu.memory_space<vmem>> -> memref<1x128xi32, #tpu.memory_space<vmem>>
        %dma_wait3A_464 = tpu.memref_squeeze %dma_wait3A_463 : memref<1x128xi32, #tpu.memory_space<vmem>> -> memref<128xi32, #tpu.memory_space<vmem>>
        %dma_wait3A_465 = arith.constant 0 : i32
        %dma_wait3A_466 = arith.constant 0 : i32
        %dma_wait3A_467 = tpu.memref_slice %arg27[%dma_wait3A_465, %dma_wait3A_466] : memref<10240x32xf32, #tpu.memory_space<vmem_shared>> -> memref<10240x32xf32, #tpu.memory_space<vmem_shared>>
        tpu.wait_indirect_dma semaphore(%arg23 : memref<!tpu.dma_semaphore, #tpu.memory_space<semaphore_mem>>) src(%arg12 : memref<128x32xf32, #tpu.memory_space<vmem>>) dst(%dma_wait3A_467 : memref<10240x32xf32, #tpu.memory_space<vmem_shared>>)
        %dma_start3A_468 = arith.constant 0 : i32
        %dma_start3A_469 = tpu.memref_slice %arg10[%add3A_430, %dma_start3A_468] : memref<160x128xi32, #tpu.memory_space<vmem>> -> memref<1x128xi32, #tpu.memory_space<vmem>>
        %dma_start3A_470 = tpu.memref_squeeze %dma_start3A_469 : memref<1x128xi32, #tpu.memory_space<vmem>> -> memref<128xi32, #tpu.memory_space<vmem>>
        %dma_start3A_471 = arith.constant 0 : i32
        %dma_start3A_472 = arith.constant 0 : i32
        %dma_start3A_473 = tpu.memref_slice %arg2[%add3A_3, %dma_start3A_471, %dma_start3A_472] : memref<4x10240x32xf32, #tpu.memory_space<hbm>> -> memref<1x10240x32xf32, #tpu.memory_space<hbm>>
        %dma_start3A_474 = tpu.memref_squeeze %dma_start3A_473 : memref<1x10240x32xf32, #tpu.memory_space<hbm>> -> memref<10240x32xf32, #tpu.memory_space<hbm>>
        %dma_start3A_475 = arith.constant 0 : i32
        %dma_start3A_476 = arith.constant 0 : i32
        %dma_start3A_477 = tpu.memref_slice %dma_start3A_474[%dma_start3A_475, %dma_start3A_476] : memref<10240x32xf32, #tpu.memory_space<hbm>> -> memref<10240x32xf32, #tpu.memory_space<hbm>>
        tpu.enqueue_indirect_dma source(%dma_start3A_477 : memref<10240x32xf32, #tpu.memory_space<hbm>>) target(%arg12 : memref<128x32xf32, #tpu.memory_space<vmem>>) offsets(%dma_start3A_470 : memref<128xi32, #tpu.memory_space<vmem>>) semaphore(%arg19 : memref<!tpu.dma_semaphore, #tpu.memory_space<semaphore_mem>>)
      } else {
      }
      %add3A_433 = arith.constant 4 : i32
      %add3A_434 = arith.addi %mul3A_346, %add3A_433 : i32
      %add3A_435 = arith.constant 1 : i32
      %add3A_436 = arith.addi %add3A_434, %add3A_435 : i32
      %lt3A_437 = arith.constant 160 : i32
      %lt3A_438 = arith.cmpi slt, %add3A_436, %lt3A_437 : i32
      %convert_element_type3A_439 = arith.extui %lt3A_438 : i1 to i32
      %cond3A_440 = arith.constant 0 : i32
      %cond3A_441 = arith.cmpi ne, %convert_element_type3A_439, %cond3A_440 : i32
      scf.if %cond3A_441 {
        %add3A_460 = arith.constant 1 : i32
        %add3A_461 = arith.addi %mul3A_346, %add3A_460 : i32
        %dma_wait3A_462 = arith.constant 0 : i32
        %dma_wait3A_463 = tpu.memref_slice %arg11[%add3A_461, %dma_wait3A_462] : memref<160x128xi32, #tpu.memory_space<vmem>> -> memref<1x128xi32, #tpu.memory_space<vmem>>
        %dma_wait3A_464 = tpu.memref_squeeze %dma_wait3A_463 : memref<1x128xi32, #tpu.memory_space<vmem>> -> memref<128xi32, #tpu.memory_space<vmem>>
        %dma_wait3A_465 = arith.constant 0 : i32
        %dma_wait3A_466 = arith.constant 0 : i32
        %dma_wait3A_467 = tpu.memref_slice %arg27[%dma_wait3A_465, %dma_wait3A_466] : memref<10240x32xf32, #tpu.memory_space<vmem_shared>> -> memref<10240x32xf32, #tpu.memory_space<vmem_shared>>
        tpu.wait_indirect_dma semaphore(%arg24 : memref<!tpu.dma_semaphore, #tpu.memory_space<semaphore_mem>>) src(%arg13 : memref<128x32xf32, #tpu.memory_space<vmem>>) dst(%dma_wait3A_467 : memref<10240x32xf32, #tpu.memory_space<vmem_shared>>)
        %dma_start3A_468 = arith.constant 0 : i32
        %dma_start3A_469 = tpu.memref_slice %arg10[%add3A_436, %dma_start3A_468] : memref<160x128xi32, #tpu.memory_space<vmem>> -> memref<1x128xi32, #tpu.memory_space<vmem>>
        %dma_start3A_470 = tpu.memref_squeeze %dma_start3A_469 : memref<1x128xi32, #tpu.memory_space<vmem>> -> memref<128xi32, #tpu.memory_space<vmem>>
        %dma_start3A_471 = arith.constant 0 : i32
        %dma_start3A_472 = arith.constant 0 : i32
        %dma_start3A_473 = tpu.memref_slice %arg2[%add3A_3, %dma_start3A_471, %dma_start3A_472] : memref<4x10240x32xf32, #tpu.memory_space<hbm>> -> memref<1x10240x32xf32, #tpu.memory_space<hbm>>
        %dma_start3A_474 = tpu.memref_squeeze %dma_start3A_473 : memref<1x10240x32xf32, #tpu.memory_space<hbm>> -> memref<10240x32xf32, #tpu.memory_space<hbm>>
        %dma_start3A_475 = arith.constant 0 : i32
        %dma_start3A_476 = arith.constant 0 : i32
        %dma_start3A_477 = tpu.memref_slice %dma_start3A_474[%dma_start3A_475, %dma_start3A_476] : memref<10240x32xf32, #tpu.memory_space<hbm>> -> memref<10240x32xf32, #tpu.memory_space<hbm>>
        tpu.enqueue_indirect_dma source(%dma_start3A_477 : memref<10240x32xf32, #tpu.memory_space<hbm>>) target(%arg13 : memref<128x32xf32, #tpu.memory_space<vmem>>) offsets(%dma_start3A_470 : memref<128xi32, #tpu.memory_space<vmem>>) semaphore(%arg20 : memref<!tpu.dma_semaphore, #tpu.memory_space<semaphore_mem>>)
      } else {
      }
      %add3A_442 = arith.constant 4 : i32
      %add3A_443 = arith.addi %mul3A_346, %add3A_442 : i32
      %add3A_444 = arith.constant 2 : i32
      %add3A_445 = arith.addi %add3A_443, %add3A_444 : i32
      %lt3A_446 = arith.constant 160 : i32
      %lt3A_447 = arith.cmpi slt, %add3A_445, %lt3A_446 : i32
      %convert_element_type3A_448 = arith.extui %lt3A_447 : i1 to i32
      %cond3A_449 = arith.constant 0 : i32
      %cond3A_450 = arith.cmpi ne, %convert_element_type3A_448, %cond3A_449 : i32
      scf.if %cond3A_450 {
        %add3A_460 = arith.constant 2 : i32
        %add3A_461 = arith.addi %mul3A_346, %add3A_460 : i32
        %dma_wait3A_462 = arith.constant 0 : i32
        %dma_wait3A_463 = tpu.memref_slice %arg11[%add3A_461, %dma_wait3A_462] : memref<160x128xi32, #tpu.memory_space<vmem>> -> memref<1x128xi32, #tpu.memory_space<vmem>>
        %dma_wait3A_464 = tpu.memref_squeeze %dma_wait3A_463 : memref<1x128xi32, #tpu.memory_space<vmem>> -> memref<128xi32, #tpu.memory_space<vmem>>
        %dma_wait3A_465 = arith.constant 0 : i32
        %dma_wait3A_466 = arith.constant 0 : i32
        %dma_wait3A_467 = tpu.memref_slice %arg27[%dma_wait3A_465, %dma_wait3A_466] : memref<10240x32xf32, #tpu.memory_space<vmem_shared>> -> memref<10240x32xf32, #tpu.memory_space<vmem_shared>>
        tpu.wait_indirect_dma semaphore(%arg25 : memref<!tpu.dma_semaphore, #tpu.memory_space<semaphore_mem>>) src(%arg14 : memref<128x32xf32, #tpu.memory_space<vmem>>) dst(%dma_wait3A_467 : memref<10240x32xf32, #tpu.memory_space<vmem_shared>>)
        %dma_start3A_468 = arith.constant 0 : i32
        %dma_start3A_469 = tpu.memref_slice %arg10[%add3A_445, %dma_start3A_468] : memref<160x128xi32, #tpu.memory_space<vmem>> -> memref<1x128xi32, #tpu.memory_space<vmem>>
        %dma_start3A_470 = tpu.memref_squeeze %dma_start3A_469 : memref<1x128xi32, #tpu.memory_space<vmem>> -> memref<128xi32, #tpu.memory_space<vmem>>
        %dma_start3A_471 = arith.constant 0 : i32
        %dma_start3A_472 = arith.constant 0 : i32
        %dma_start3A_473 = tpu.memref_slice %arg2[%add3A_3, %dma_start3A_471, %dma_start3A_472] : memref<4x10240x32xf32, #tpu.memory_space<hbm>> -> memref<1x10240x32xf32, #tpu.memory_space<hbm>>
        %dma_start3A_474 = tpu.memref_squeeze %dma_start3A_473 : memref<1x10240x32xf32, #tpu.memory_space<hbm>> -> memref<10240x32xf32, #tpu.memory_space<hbm>>
        %dma_start3A_475 = arith.constant 0 : i32
        %dma_start3A_476 = arith.constant 0 : i32
        %dma_start3A_477 = tpu.memref_slice %dma_start3A_474[%dma_start3A_475, %dma_start3A_476] : memref<10240x32xf32, #tpu.memory_space<hbm>> -> memref<10240x32xf32, #tpu.memory_space<hbm>>
        tpu.enqueue_indirect_dma source(%dma_start3A_477 : memref<10240x32xf32, #tpu.memory_space<hbm>>) target(%arg14 : memref<128x32xf32, #tpu.memory_space<vmem>>) offsets(%dma_start3A_470 : memref<128xi32, #tpu.memory_space<vmem>>) semaphore(%arg21 : memref<!tpu.dma_semaphore, #tpu.memory_space<semaphore_mem>>)
      } else {
      }
      %add3A_451 = arith.constant 4 : i32
      %add3A_452 = arith.addi %mul3A_346, %add3A_451 : i32
      %add3A_453 = arith.constant 3 : i32
      %add3A_454 = arith.addi %add3A_452, %add3A_453 : i32
      %lt3A_455 = arith.constant 160 : i32
      %lt3A_456 = arith.cmpi slt, %add3A_454, %lt3A_455 : i32
      %convert_element_type3A_457 = arith.extui %lt3A_456 : i1 to i32
      %cond3A_458 = arith.constant 0 : i32
      %cond3A_459 = arith.cmpi ne, %convert_element_type3A_457, %cond3A_458 : i32
      scf.if %cond3A_459 {
        %add3A_460 = arith.constant 3 : i32
        %add3A_461 = arith.addi %mul3A_346, %add3A_460 : i32
        %dma_wait3A_462 = arith.constant 0 : i32
        %dma_wait3A_463 = tpu.memref_slice %arg11[%add3A_461, %dma_wait3A_462] : memref<160x128xi32, #tpu.memory_space<vmem>> -> memref<1x128xi32, #tpu.memory_space<vmem>>
        %dma_wait3A_464 = tpu.memref_squeeze %dma_wait3A_463 : memref<1x128xi32, #tpu.memory_space<vmem>> -> memref<128xi32, #tpu.memory_space<vmem>>
        %dma_wait3A_465 = arith.constant 0 : i32
        %dma_wait3A_466 = arith.constant 0 : i32
        %dma_wait3A_467 = tpu.memref_slice %arg27[%dma_wait3A_465, %dma_wait3A_466] : memref<10240x32xf32, #tpu.memory_space<vmem_shared>> -> memref<10240x32xf32, #tpu.memory_space<vmem_shared>>
        tpu.wait_indirect_dma semaphore(%arg26 : memref<!tpu.dma_semaphore, #tpu.memory_space<semaphore_mem>>) src(%arg15 : memref<128x32xf32, #tpu.memory_space<vmem>>) dst(%dma_wait3A_467 : memref<10240x32xf32, #tpu.memory_space<vmem_shared>>)
        %dma_start3A_468 = arith.constant 0 : i32
        %dma_start3A_469 = tpu.memref_slice %arg10[%add3A_454, %dma_start3A_468] : memref<160x128xi32, #tpu.memory_space<vmem>> -> memref<1x128xi32, #tpu.memory_space<vmem>>
        %dma_start3A_470 = tpu.memref_squeeze %dma_start3A_469 : memref<1x128xi32, #tpu.memory_space<vmem>> -> memref<128xi32, #tpu.memory_space<vmem>>
        %dma_start3A_471 = arith.constant 0 : i32
        %dma_start3A_472 = arith.constant 0 : i32
        %dma_start3A_473 = tpu.memref_slice %arg2[%add3A_3, %dma_start3A_471, %dma_start3A_472] : memref<4x10240x32xf32, #tpu.memory_space<hbm>> -> memref<1x10240x32xf32, #tpu.memory_space<hbm>>
        %dma_start3A_474 = tpu.memref_squeeze %dma_start3A_473 : memref<1x10240x32xf32, #tpu.memory_space<hbm>> -> memref<10240x32xf32, #tpu.memory_space<hbm>>
        %dma_start3A_475 = arith.constant 0 : i32
        %dma_start3A_476 = arith.constant 0 : i32
        %dma_start3A_477 = tpu.memref_slice %dma_start3A_474[%dma_start3A_475, %dma_start3A_476] : memref<10240x32xf32, #tpu.memory_space<hbm>> -> memref<10240x32xf32, #tpu.memory_space<hbm>>
        tpu.enqueue_indirect_dma source(%dma_start3A_477 : memref<10240x32xf32, #tpu.memory_space<hbm>>) target(%arg15 : memref<128x32xf32, #tpu.memory_space<vmem>>) offsets(%dma_start3A_470 : memref<128xi32, #tpu.memory_space<vmem>>) semaphore(%arg22 : memref<!tpu.dma_semaphore, #tpu.memory_space<semaphore_mem>>)
      } else {
      }
    }
    %scan3A_50 = arith.constant 40 : i32
    %dma_wait3A = arith.constant 156 : i32
    %dma_wait3A_51 = arith.constant 0 : i32
    %dma_wait3A_52 = tpu.memref_slice %arg11[%dma_wait3A, %dma_wait3A_51] : memref<160x128xi32, #tpu.memory_space<vmem>> -> memref<1x128xi32, #tpu.memory_space<vmem>>
    %dma_wait3A_53 = tpu.memref_squeeze %dma_wait3A_52 : memref<1x128xi32, #tpu.memory_space<vmem>> -> memref<128xi32, #tpu.memory_space<vmem>>
    %dma_wait3A_54 = arith.constant 0 : i32
    %dma_wait3A_55 = arith.constant 0 : i32
    %dma_wait3A_56 = tpu.memref_slice %arg27[%dma_wait3A_54, %dma_wait3A_55] : memref<10240x32xf32, #tpu.memory_space<vmem_shared>> -> memref<10240x32xf32, #tpu.memory_space<vmem_shared>>
    tpu.wait_indirect_dma semaphore(%arg23 : memref<!tpu.dma_semaphore, #tpu.memory_space<semaphore_mem>>) src(%arg12 : memref<128x32xf32, #tpu.memory_space<vmem>>) dst(%dma_wait3A_56 : memref<10240x32xf32, #tpu.memory_space<vmem_shared>>)
    %dma_wait3A_57 = arith.constant 157 : i32
    %dma_wait3A_58 = arith.constant 0 : i32
    %dma_wait3A_59 = tpu.memref_slice %arg11[%dma_wait3A_57, %dma_wait3A_58] : memref<160x128xi32, #tpu.memory_space<vmem>> -> memref<1x128xi32, #tpu.memory_space<vmem>>
    %dma_wait3A_60 = tpu.memref_squeeze %dma_wait3A_59 : memref<1x128xi32, #tpu.memory_space<vmem>> -> memref<128xi32, #tpu.memory_space<vmem>>
    %dma_wait3A_61 = arith.constant 0 : i32
    %dma_wait3A_62 = arith.constant 0 : i32
    %dma_wait3A_63 = tpu.memref_slice %arg27[%dma_wait3A_61, %dma_wait3A_62] : memref<10240x32xf32, #tpu.memory_space<vmem_shared>> -> memref<10240x32xf32, #tpu.memory_space<vmem_shared>>
    tpu.wait_indirect_dma semaphore(%arg24 : memref<!tpu.dma_semaphore, #tpu.memory_space<semaphore_mem>>) src(%arg13 : memref<128x32xf32, #tpu.memory_space<vmem>>) dst(%dma_wait3A_63 : memref<10240x32xf32, #tpu.memory_space<vmem_shared>>)
    %dma_wait3A_64 = arith.constant 158 : i32
    %dma_wait3A_65 = arith.constant 0 : i32
    %dma_wait3A_66 = tpu.memref_slice %arg11[%dma_wait3A_64, %dma_wait3A_65] : memref<160x128xi32, #tpu.memory_space<vmem>> -> memref<1x128xi32, #tpu.memory_space<vmem>>
    %dma_wait3A_67 = tpu.memref_squeeze %dma_wait3A_66 : memref<1x128xi32, #tpu.memory_space<vmem>> -> memref<128xi32, #tpu.memory_space<vmem>>
    %dma_wait3A_68 = arith.constant 0 : i32
    %dma_wait3A_69 = arith.constant 0 : i32
    %dma_wait3A_70 = tpu.memref_slice %arg27[%dma_wait3A_68, %dma_wait3A_69] : memref<10240x32xf32, #tpu.memory_space<vmem_shared>> -> memref<10240x32xf32, #tpu.memory_space<vmem_shared>>
    tpu.wait_indirect_dma semaphore(%arg25 : memref<!tpu.dma_semaphore, #tpu.memory_space<semaphore_mem>>) src(%arg14 : memref<128x32xf32, #tpu.memory_space<vmem>>) dst(%dma_wait3A_70 : memref<10240x32xf32, #tpu.memory_space<vmem_shared>>)
    %dma_wait3A_71 = arith.constant 159 : i32
    %dma_wait3A_72 = arith.constant 0 : i32
    %dma_wait3A_73 = tpu.memref_slice %arg11[%dma_wait3A_71, %dma_wait3A_72] : memref<160x128xi32, #tpu.memory_space<vmem>> -> memref<1x128xi32, #tpu.memory_space<vmem>>
    %dma_wait3A_74 = tpu.memref_squeeze %dma_wait3A_73 : memref<1x128xi32, #tpu.memory_space<vmem>> -> memref<128xi32, #tpu.memory_space<vmem>>
    %dma_wait3A_75 = arith.constant 0 : i32
    %dma_wait3A_76 = arith.constant 0 : i32
    %dma_wait3A_77 = tpu.memref_slice %arg27[%dma_wait3A_75, %dma_wait3A_76] : memref<10240x32xf32, #tpu.memory_space<vmem_shared>> -> memref<10240x32xf32, #tpu.memory_space<vmem_shared>>
    tpu.wait_indirect_dma semaphore(%arg26 : memref<!tpu.dma_semaphore, #tpu.memory_space<semaphore_mem>>) src(%arg15 : memref<128x32xf32, #tpu.memory_space<vmem>>) dst(%dma_wait3A_77 : memref<10240x32xf32, #tpu.memory_space<vmem_shared>>)
    %barrier3A_78 = arith.constant 0 : index
    tpu.barrier barrier_id(%barrier3A_78)
    "tpu.region"() ({
      %run_scoped3A = tpu.sem_alloc : memref<!tpu.dma_semaphore, #tpu.memory_space<semaphore_mem>>
      %dma_start3A_340 = arith.constant 0 : i32
      %dma_start3A_341 = tpu.memref_slice %arg27[%mul3A_0, %dma_start3A_340] : memref<10240x32xf32, #tpu.memory_space<vmem_shared>> -> memref<640x32xf32, #tpu.memory_space<vmem_shared>>
      %dma_start3A_342 = arith.constant 0 : i32
      %dma_start3A_343 = tpu.memref_slice %arg27[%mul3A_0, %dma_start3A_342] : memref<10240x32xf32, #tpu.memory_space<vmem_shared>> -> memref<640x32xf32, #tpu.memory_space<vmem_shared>>
      tpu.enqueue_dma source(%dma_start3A_343 : memref<640x32xf32, #tpu.memory_space<vmem_shared>>) target(%arg16 : memref<640x32xf32, #tpu.memory_space<vmem>>) target_semaphore(%run_scoped3A : memref<!tpu.dma_semaphore, #tpu.memory_space<semaphore_mem>>)
      %dma_wait3A_344 = arith.constant 0 : i32
      %dma_wait3A_345 = tpu.memref_slice %arg27[%mul3A_0, %dma_wait3A_344] : memref<10240x32xf32, #tpu.memory_space<vmem_shared>> -> memref<640x32xf32, #tpu.memory_space<vmem_shared>>
      %dma_wait3A_346 = arith.constant 0 : i32
      %dma_wait3A_347 = tpu.memref_slice %arg27[%mul3A_0, %dma_wait3A_346] : memref<10240x32xf32, #tpu.memory_space<vmem_shared>> -> memref<640x32xf32, #tpu.memory_space<vmem_shared>>
      tpu.wait_dma2 semaphore(%run_scoped3A : memref<!tpu.dma_semaphore, #tpu.memory_space<semaphore_mem>>) src(%dma_wait3A_347 : memref<640x32xf32, #tpu.memory_space<vmem_shared>>) dst(%arg16 : memref<640x32xf32, #tpu.memory_space<vmem>>)
      tpu.yield
    }) : () -> ()
    %scan3A_79 = arith.constant 0 : i32
    %scan3A_80 = arith.constant 640 : i32
    %scan3A_81 = arith.addi %scan3A_79, %scan3A_80 : i32
    %scan3A_82 = arith.constant 1 : i32
    scf.for %scan3A_340 = %scan3A_79 to %scan3A_81 step %scan3A_82  : i32 {
      %mul3A_341 = arith.constant 1 : i32
      %mul3A_342 = arith.muli %scan3A_340, %mul3A_341 : i32
      %add3A_343 = arith.constant 0 : i32
      %add3A_344 = arith.addi %add3A_343, %mul3A_342 : i32
      %get3A = arith.index_cast %add3A_344 : i32 to index
      %get3A_345 = arith.constant 0 : index
      %get3A_346 = tpu.vector_load %arg17[%get3A, %get3A_345] {strides = array<i32>} : memref<640x16xf32, #tpu.memory_space<vmem>>, vector<1x16xf32>,
      %get3A_347 = vector.shape_cast %get3A_346 : vector<1x16xf32> to vector<16xf32>
      %get3A_348 = arith.index_cast %add3A_344 : i32 to index
      %get3A_349 = arith.constant 0 : index
      %get3A_350 = tpu.vector_load %arg16[%get3A_348, %get3A_349] {strides = array<i32>} : memref<640x32xf32, #tpu.memory_space<vmem>>, vector<1x16xf32>,
      %get3A_351 = vector.shape_cast %get3A_350 : vector<1x16xf32> to vector<16xf32>
      %mul3A_352 = arith.mulf %get3A_351, %get3A_347 : vector<16xf32>
      %swap3A = arith.index_cast %add3A_344 : i32 to index
      %swap3A_353 = arith.constant 0 : index
      %swap3A_354 = tpu.vector_load %arg16[%swap3A, %swap3A_353] {strides = array<i32>} : memref<640x32xf32, #tpu.memory_space<vmem>>, vector<1x16xf32>,
      %swap3A_355 = vector.shape_cast %swap3A_354 : vector<1x16xf32> to vector<16xf32>
      %swap3A_356 = vector.shape_cast %mul3A_352 : vector<16xf32> to vector<1x16xf32>
      tpu.vector_store %arg16[%swap3A, %swap3A_353], %swap3A_356 {strides = array<i32>} : memref<640x32xf32, #tpu.memory_space<vmem>>, vector<1x16xf32>,
      %get3A_357 = arith.index_cast %add3A_344 : i32 to index
      %get3A_358 = arith.constant 16 : index
      %get3A_359 = tpu.vector_load %arg16[%get3A_357, %get3A_358] {strides = array<i32>} : memref<640x32xf32, #tpu.memory_space<vmem>>, vector<1x16xf32>,
      %get3A_360 = vector.shape_cast %get3A_359 : vector<1x16xf32> to vector<16xf32>
      %mul3A_361 = arith.mulf %get3A_360, %get3A_347 : vector<16xf32>
      %swap3A_362 = arith.index_cast %add3A_344 : i32 to index
      %swap3A_363 = arith.constant 16 : index
      %swap3A_364 = tpu.vector_load %arg16[%swap3A_362, %swap3A_363] {strides = array<i32>} : memref<640x32xf32, #tpu.memory_space<vmem>>, vector<1x16xf32>,
      %swap3A_365 = vector.shape_cast %swap3A_364 : vector<1x16xf32> to vector<16xf32>
      %swap3A_366 = vector.shape_cast %mul3A_361 : vector<16xf32> to vector<1x16xf32>
      tpu.vector_store %arg16[%swap3A_362, %swap3A_363], %swap3A_366 {strides = array<i32>} : memref<640x32xf32, #tpu.memory_space<vmem>>, vector<1x16xf32>,
    }
    %scan3A_83 = arith.constant 640 : i32
    "tpu.region"() ({
      %run_scoped3A = tpu.sem_alloc : memref<!tpu.dma_semaphore, #tpu.memory_space<semaphore_mem>>
      %dma_start3A_340 = arith.constant 0 : i32
      %dma_start3A_341 = tpu.memref_slice %arg9[%add3A_3, %mul3A_0, %dma_start3A_340] : memref<4x10240x32xf32, #tpu.memory_space<hbm>> -> memref<1x640x32xf32, #tpu.memory_space<hbm>>
      %dma_start3A_342 = tpu.memref_squeeze %dma_start3A_341 : memref<1x640x32xf32, #tpu.memory_space<hbm>> -> memref<640x32xf32, #tpu.memory_space<hbm>>
      %dma_start3A_343 = arith.constant 0 : i32
      %dma_start3A_344 = tpu.memref_slice %arg9[%add3A_3, %mul3A_0, %dma_start3A_343] : memref<4x10240x32xf32, #tpu.memory_space<hbm>> -> memref<1x640x32xf32, #tpu.memory_space<hbm>>
      %dma_start3A_345 = tpu.memref_squeeze %dma_start3A_344 : memref<1x640x32xf32, #tpu.memory_space<hbm>> -> memref<640x32xf32, #tpu.memory_space<hbm>>
      tpu.enqueue_dma source(%arg16 : memref<640x32xf32, #tpu.memory_space<vmem>>) target(%dma_start3A_345 : memref<640x32xf32, #tpu.memory_space<hbm>>) target_semaphore(%run_scoped3A : memref<!tpu.dma_semaphore, #tpu.memory_space<semaphore_mem>>)
      %dma_wait3A_346 = arith.constant 0 : i32
      %dma_wait3A_347 = tpu.memref_slice %arg9[%add3A_3, %mul3A_0, %dma_wait3A_346] : memref<4x10240x32xf32, #tpu.memory_space<hbm>> -> memref<1x640x32xf32, #tpu.memory_space<hbm>>
      %dma_wait3A_348 = tpu.memref_squeeze %dma_wait3A_347 : memref<1x640x32xf32, #tpu.memory_space<hbm>> -> memref<640x32xf32, #tpu.memory_space<hbm>>
      %dma_wait3A_349 = arith.constant 0 : i32
      %dma_wait3A_350 = tpu.memref_slice %arg9[%add3A_3, %mul3A_0, %dma_wait3A_349] : memref<4x10240x32xf32, #tpu.memory_space<hbm>> -> memref<1x640x32xf32, #tpu.memory_space<hbm>>
      %dma_wait3A_351 = tpu.memref_squeeze %dma_wait3A_350 : memref<1x640x32xf32, #tpu.memory_space<hbm>> -> memref<640x32xf32, #tpu.memory_space<hbm>>
      tpu.wait_dma2 semaphore(%run_scoped3A : memref<!tpu.dma_semaphore, #tpu.memory_space<semaphore_mem>>) src(%arg16 : memref<640x32xf32, #tpu.memory_space<vmem>>) dst(%dma_wait3A_351 : memref<640x32xf32, #tpu.memory_space<hbm>>)
      tpu.yield
    }) : () -> ()
    "tpu.region"() ({
      %run_scoped3A = tpu.sem_alloc : memref<!tpu.dma_semaphore, #tpu.memory_space<semaphore_mem>>
      %dma_start3A_340 = arith.constant 0 : i32
      %dma_start3A_341 = tpu.memref_slice %arg27[%mul3A_0, %dma_start3A_340] : memref<10240x32xf32, #tpu.memory_space<vmem_shared>> -> memref<640x32xf32, #tpu.memory_space<vmem_shared>>
      tpu.enqueue_dma source(%arg5 : memref<640x32xf32, #tpu.memory_space<hbm>>) target(%dma_start3A_341 : memref<640x32xf32, #tpu.memory_space<vmem_shared>>) target_semaphore(%run_scoped3A : memref<!tpu.dma_semaphore, #tpu.memory_space<semaphore_mem>>)
      %dma_wait3A_342 = arith.constant 0 : i32
      %dma_wait3A_343 = tpu.memref_slice %arg27[%mul3A_0, %dma_wait3A_342] : memref<10240x32xf32, #tpu.memory_space<vmem_shared>> -> memref<640x32xf32, #tpu.memory_space<vmem_shared>>
      tpu.wait_dma2 semaphore(%run_scoped3A : memref<!tpu.dma_semaphore, #tpu.memory_space<semaphore_mem>>) src(%arg5 : memref<640x32xf32, #tpu.memory_space<hbm>>) dst(%dma_wait3A_343 : memref<640x32xf32, #tpu.memory_space<vmem_shared>>)
      tpu.yield
    }) : () -> ()
    %barrier3A_84 = arith.constant 0 : index
    tpu.barrier barrier_id(%barrier3A_84)
    %dma_start3A_85 = arith.constant 0 : i32
    %dma_start3A_86 = arith.constant 0 : i32
    %dma_start3A_87 = tpu.memref_slice %arg11[%dma_start3A_85, %dma_start3A_86] : memref<160x128xi32, #tpu.memory_space<vmem>> -> memref<1x128xi32, #tpu.memory_space<vmem>>
    %dma_start3A_88 = tpu.memref_squeeze %dma_start3A_87 : memref<1x128xi32, #tpu.memory_space<vmem>> -> memref<128xi32, #tpu.memory_space<vmem>>
    %dma_start3A_89 = arith.constant 0 : i32
    %dma_start3A_90 = arith.constant 0 : i32
    %dma_start3A_91 = tpu.memref_slice %arg9[%add3A_3, %dma_start3A_89, %dma_start3A_90] : memref<4x10240x32xf32, #tpu.memory_space<hbm>> -> memref<1x10240x32xf32, #tpu.memory_space<hbm>>
    %dma_start3A_92 = tpu.memref_squeeze %dma_start3A_91 : memref<1x10240x32xf32, #tpu.memory_space<hbm>> -> memref<10240x32xf32, #tpu.memory_space<hbm>>
    %dma_start3A_93 = arith.constant 0 : i32
    %dma_start3A_94 = arith.constant 0 : i32
    %dma_start3A_95 = tpu.memref_slice %dma_start3A_92[%dma_start3A_93, %dma_start3A_94] : memref<10240x32xf32, #tpu.memory_space<hbm>> -> memref<10240x32xf32, #tpu.memory_space<hbm>>
    tpu.enqueue_indirect_dma source(%dma_start3A_95 : memref<10240x32xf32, #tpu.memory_space<hbm>>) target(%arg12 : memref<128x32xf32, #tpu.memory_space<vmem>>) offsets(%dma_start3A_88 : memref<128xi32, #tpu.memory_space<vmem>>) semaphore(%arg19 : memref<!tpu.dma_semaphore, #tpu.memory_space<semaphore_mem>>)
    %dma_start3A_96 = arith.constant 1 : i32
    %dma_start3A_97 = arith.constant 0 : i32
    %dma_start3A_98 = tpu.memref_slice %arg11[%dma_start3A_96, %dma_start3A_97] : memref<160x128xi32, #tpu.memory_space<vmem>> -> memref<1x128xi32, #tpu.memory_space<vmem>>
    %dma_start3A_99 = tpu.memref_squeeze %dma_start3A_98 : memref<1x128xi32, #tpu.memory_space<vmem>> -> memref<128xi32, #tpu.memory_space<vmem>>
    %dma_start3A_100 = arith.constant 0 : i32
    %dma_start3A_101 = arith.constant 0 : i32
    %dma_start3A_102 = tpu.memref_slice %arg9[%add3A_3, %dma_start3A_100, %dma_start3A_101] : memref<4x10240x32xf32, #tpu.memory_space<hbm>> -> memref<1x10240x32xf32, #tpu.memory_space<hbm>>
    %dma_start3A_103 = tpu.memref_squeeze %dma_start3A_102 : memref<1x10240x32xf32, #tpu.memory_space<hbm>> -> memref<10240x32xf32, #tpu.memory_space<hbm>>
    %dma_start3A_104 = arith.constant 0 : i32
    %dma_start3A_105 = arith.constant 0 : i32
    %dma_start3A_106 = tpu.memref_slice %dma_start3A_103[%dma_start3A_104, %dma_start3A_105] : memref<10240x32xf32, #tpu.memory_space<hbm>> -> memref<10240x32xf32, #tpu.memory_space<hbm>>
    tpu.enqueue_indirect_dma source(%dma_start3A_106 : memref<10240x32xf32, #tpu.memory_space<hbm>>) target(%arg13 : memref<128x32xf32, #tpu.memory_space<vmem>>) offsets(%dma_start3A_99 : memref<128xi32, #tpu.memory_space<vmem>>) semaphore(%arg20 : memref<!tpu.dma_semaphore, #tpu.memory_space<semaphore_mem>>)
    %dma_start3A_107 = arith.constant 2 : i32
    %dma_start3A_108 = arith.constant 0 : i32
    %dma_start3A_109 = tpu.memref_slice %arg11[%dma_start3A_107, %dma_start3A_108] : memref<160x128xi32, #tpu.memory_space<vmem>> -> memref<1x128xi32, #tpu.memory_space<vmem>>
    %dma_start3A_110 = tpu.memref_squeeze %dma_start3A_109 : memref<1x128xi32, #tpu.memory_space<vmem>> -> memref<128xi32, #tpu.memory_space<vmem>>
    %dma_start3A_111 = arith.constant 0 : i32
    %dma_start3A_112 = arith.constant 0 : i32
    %dma_start3A_113 = tpu.memref_slice %arg9[%add3A_3, %dma_start3A_111, %dma_start3A_112] : memref<4x10240x32xf32, #tpu.memory_space<hbm>> -> memref<1x10240x32xf32, #tpu.memory_space<hbm>>
    %dma_start3A_114 = tpu.memref_squeeze %dma_start3A_113 : memref<1x10240x32xf32, #tpu.memory_space<hbm>> -> memref<10240x32xf32, #tpu.memory_space<hbm>>
    %dma_start3A_115 = arith.constant 0 : i32
    %dma_start3A_116 = arith.constant 0 : i32
    %dma_start3A_117 = tpu.memref_slice %dma_start3A_114[%dma_start3A_115, %dma_start3A_116] : memref<10240x32xf32, #tpu.memory_space<hbm>> -> memref<10240x32xf32, #tpu.memory_space<hbm>>
    tpu.enqueue_indirect_dma source(%dma_start3A_117 : memref<10240x32xf32, #tpu.memory_space<hbm>>) target(%arg14 : memref<128x32xf32, #tpu.memory_space<vmem>>) offsets(%dma_start3A_110 : memref<128xi32, #tpu.memory_space<vmem>>) semaphore(%arg21 : memref<!tpu.dma_semaphore, #tpu.memory_space<semaphore_mem>>)
    %dma_start3A_118 = arith.constant 3 : i32
    %dma_start3A_119 = arith.constant 0 : i32
    %dma_start3A_120 = tpu.memref_slice %arg11[%dma_start3A_118, %dma_start3A_119] : memref<160x128xi32, #tpu.memory_space<vmem>> -> memref<1x128xi32, #tpu.memory_space<vmem>>
    %dma_start3A_121 = tpu.memref_squeeze %dma_start3A_120 : memref<1x128xi32, #tpu.memory_space<vmem>> -> memref<128xi32, #tpu.memory_space<vmem>>
    %dma_start3A_122 = arith.constant 0 : i32
    %dma_start3A_123 = arith.constant 0 : i32
    %dma_start3A_124 = tpu.memref_slice %arg9[%add3A_3, %dma_start3A_122, %dma_start3A_123] : memref<4x10240x32xf32, #tpu.memory_space<hbm>> -> memref<1x10240x32xf32, #tpu.memory_space<hbm>>
    %dma_start3A_125 = tpu.memref_squeeze %dma_start3A_124 : memref<1x10240x32xf32, #tpu.memory_space<hbm>> -> memref<10240x32xf32, #tpu.memory_space<hbm>>
    %dma_start3A_126 = arith.constant 0 : i32
    %dma_start3A_127 = arith.constant 0 : i32
    %dma_start3A_128 = tpu.memref_slice %dma_start3A_125[%dma_start3A_126, %dma_start3A_127] : memref<10240x32xf32, #tpu.memory_space<hbm>> -> memref<10240x32xf32, #tpu.memory_space<hbm>>
    tpu.enqueue_indirect_dma source(%dma_start3A_128 : memref<10240x32xf32, #tpu.memory_space<hbm>>) target(%arg15 : memref<128x32xf32, #tpu.memory_space<vmem>>) offsets(%dma_start3A_121 : memref<128xi32, #tpu.memory_space<vmem>>) semaphore(%arg22 : memref<!tpu.dma_semaphore, #tpu.memory_space<semaphore_mem>>)
    %scan3A_129 = arith.constant 0 : i32
    %scan3A_130 = arith.constant 40 : i32
    %scan3A_131 = arith.addi %scan3A_129, %scan3A_130 : i32
    %scan3A_132 = arith.constant 1 : i32
    scf.for %scan3A_340 = %scan3A_129 to %scan3A_131 step %scan3A_132  : i32 {
      %mul3A_341 = arith.constant 1 : i32
      %mul3A_342 = arith.muli %scan3A_340, %mul3A_341 : i32
      %add3A_343 = arith.constant 0 : i32
      %add3A_344 = arith.addi %add3A_343, %mul3A_342 : i32
      %mul3A_345 = arith.constant 4 : i32
      %mul3A_346 = arith.muli %mul3A_345, %add3A_344 : i32
      %add3A_347 = arith.constant 0 : i32
      %add3A_348 = arith.addi %mul3A_346, %add3A_347 : i32
      %dma_wait3A_349 = arith.constant 0 : i32
      %dma_wait3A_350 = tpu.memref_slice %arg11[%add3A_348, %dma_wait3A_349] : memref<160x128xi32, #tpu.memory_space<vmem>> -> memref<1x128xi32, #tpu.memory_space<vmem>>
      %dma_wait3A_351 = tpu.memref_squeeze %dma_wait3A_350 : memref<1x128xi32, #tpu.memory_space<vmem>> -> memref<128xi32, #tpu.memory_space<vmem>>
      %dma_wait3A_352 = arith.constant 0 : i32
      %dma_wait3A_353 = arith.constant 0 : i32
      %dma_wait3A_354 = tpu.memref_slice %arg9[%add3A_3, %dma_wait3A_352, %dma_wait3A_353] : memref<4x10240x32xf32, #tpu.memory_space<hbm>> -> memref<1x10240x32xf32, #tpu.memory_space<hbm>>
      %dma_wait3A_355 = tpu.memref_squeeze %dma_wait3A_354 : memref<1x10240x32xf32, #tpu.memory_space<hbm>> -> memref<10240x32xf32, #tpu.memory_space<hbm>>
      %dma_wait3A_356 = arith.constant 0 : i32
      %dma_wait3A_357 = arith.constant 0 : i32
      %dma_wait3A_358 = tpu.memref_slice %dma_wait3A_355[%dma_wait3A_356, %dma_wait3A_357] : memref<10240x32xf32, #tpu.memory_space<hbm>> -> memref<10240x32xf32, #tpu.memory_space<hbm>>
      tpu.wait_indirect_dma semaphore(%arg19 : memref<!tpu.dma_semaphore, #tpu.memory_space<semaphore_mem>>) src(%dma_wait3A_358 : memref<10240x32xf32, #tpu.memory_space<hbm>>) dst(%arg12 : memref<128x32xf32, #tpu.memory_space<vmem>>)
      %add3A_359 = arith.constant 0 : i32
      %add3A_360 = arith.addi %mul3A_346, %add3A_359 : i32
      %dma_start3A_361 = arith.constant 0 : i32
      %dma_start3A_362 = tpu.memref_slice %arg10[%add3A_360, %dma_start3A_361] : memref<160x128xi32, #tpu.memory_space<vmem>> -> memref<1x128xi32, #tpu.memory_space<vmem>>
      %dma_start3A_363 = tpu.memref_squeeze %dma_start3A_362 : memref<1x128xi32, #tpu.memory_space<vmem>> -> memref<128xi32, #tpu.memory_space<vmem>>
      %dma_start3A_364 = arith.constant 0 : i32
      %dma_start3A_365 = arith.constant 0 : i32
      %dma_start3A_366 = tpu.memref_slice %arg27[%dma_start3A_364, %dma_start3A_365] : memref<10240x32xf32, #tpu.memory_space<vmem_shared>> -> memref<10240x32xf32, #tpu.memory_space<vmem_shared>>
      tpu.enqueue_indirect_dma source(%arg12 : memref<128x32xf32, #tpu.memory_space<vmem>>) target(%dma_start3A_366 : memref<10240x32xf32, #tpu.memory_space<vmem_shared>>) offsets(%dma_start3A_363 : memref<128xi32, #tpu.memory_space<vmem>>) semaphore(%arg23 : memref<!tpu.dma_semaphore, #tpu.memory_space<semaphore_mem>>) {add = true}
      %add3A_367 = arith.constant 1 : i32
      %add3A_368 = arith.addi %mul3A_346, %add3A_367 : i32
      %dma_wait3A_369 = arith.constant 0 : i32
      %dma_wait3A_370 = tpu.memref_slice %arg11[%add3A_368, %dma_wait3A_369] : memref<160x128xi32, #tpu.memory_space<vmem>> -> memref<1x128xi32, #tpu.memory_space<vmem>>
      %dma_wait3A_371 = tpu.memref_squeeze %dma_wait3A_370 : memref<1x128xi32, #tpu.memory_space<vmem>> -> memref<128xi32, #tpu.memory_space<vmem>>
      %dma_wait3A_372 = arith.constant 0 : i32
      %dma_wait3A_373 = arith.constant 0 : i32
      %dma_wait3A_374 = tpu.memref_slice %arg9[%add3A_3, %dma_wait3A_372, %dma_wait3A_373] : memref<4x10240x32xf32, #tpu.memory_space<hbm>> -> memref<1x10240x32xf32, #tpu.memory_space<hbm>>
      %dma_wait3A_375 = tpu.memref_squeeze %dma_wait3A_374 : memref<1x10240x32xf32, #tpu.memory_space<hbm>> -> memref<10240x32xf32, #tpu.memory_space<hbm>>
      %dma_wait3A_376 = arith.constant 0 : i32
      %dma_wait3A_377 = arith.constant 0 : i32
      %dma_wait3A_378 = tpu.memref_slice %dma_wait3A_375[%dma_wait3A_376, %dma_wait3A_377] : memref<10240x32xf32, #tpu.memory_space<hbm>> -> memref<10240x32xf32, #tpu.memory_space<hbm>>
      tpu.wait_indirect_dma semaphore(%arg20 : memref<!tpu.dma_semaphore, #tpu.memory_space<semaphore_mem>>) src(%dma_wait3A_378 : memref<10240x32xf32, #tpu.memory_space<hbm>>) dst(%arg13 : memref<128x32xf32, #tpu.memory_space<vmem>>)
      %add3A_379 = arith.constant 1 : i32
      %add3A_380 = arith.addi %mul3A_346, %add3A_379 : i32
      %dma_start3A_381 = arith.constant 0 : i32
      %dma_start3A_382 = tpu.memref_slice %arg10[%add3A_380, %dma_start3A_381] : memref<160x128xi32, #tpu.memory_space<vmem>> -> memref<1x128xi32, #tpu.memory_space<vmem>>
      %dma_start3A_383 = tpu.memref_squeeze %dma_start3A_382 : memref<1x128xi32, #tpu.memory_space<vmem>> -> memref<128xi32, #tpu.memory_space<vmem>>
      %dma_start3A_384 = arith.constant 0 : i32
      %dma_start3A_385 = arith.constant 0 : i32
      %dma_start3A_386 = tpu.memref_slice %arg27[%dma_start3A_384, %dma_start3A_385] : memref<10240x32xf32, #tpu.memory_space<vmem_shared>> -> memref<10240x32xf32, #tpu.memory_space<vmem_shared>>
      tpu.enqueue_indirect_dma source(%arg13 : memref<128x32xf32, #tpu.memory_space<vmem>>) target(%dma_start3A_386 : memref<10240x32xf32, #tpu.memory_space<vmem_shared>>) offsets(%dma_start3A_383 : memref<128xi32, #tpu.memory_space<vmem>>) semaphore(%arg24 : memref<!tpu.dma_semaphore, #tpu.memory_space<semaphore_mem>>) {add = true}
      %add3A_387 = arith.constant 2 : i32
      %add3A_388 = arith.addi %mul3A_346, %add3A_387 : i32
      %dma_wait3A_389 = arith.constant 0 : i32
      %dma_wait3A_390 = tpu.memref_slice %arg11[%add3A_388, %dma_wait3A_389] : memref<160x128xi32, #tpu.memory_space<vmem>> -> memref<1x128xi32, #tpu.memory_space<vmem>>
      %dma_wait3A_391 = tpu.memref_squeeze %dma_wait3A_390 : memref<1x128xi32, #tpu.memory_space<vmem>> -> memref<128xi32, #tpu.memory_space<vmem>>
      %dma_wait3A_392 = arith.constant 0 : i32
      %dma_wait3A_393 = arith.constant 0 : i32
      %dma_wait3A_394 = tpu.memref_slice %arg9[%add3A_3, %dma_wait3A_392, %dma_wait3A_393] : memref<4x10240x32xf32, #tpu.memory_space<hbm>> -> memref<1x10240x32xf32, #tpu.memory_space<hbm>>
      %dma_wait3A_395 = tpu.memref_squeeze %dma_wait3A_394 : memref<1x10240x32xf32, #tpu.memory_space<hbm>> -> memref<10240x32xf32, #tpu.memory_space<hbm>>
      %dma_wait3A_396 = arith.constant 0 : i32
      %dma_wait3A_397 = arith.constant 0 : i32
      %dma_wait3A_398 = tpu.memref_slice %dma_wait3A_395[%dma_wait3A_396, %dma_wait3A_397] : memref<10240x32xf32, #tpu.memory_space<hbm>> -> memref<10240x32xf32, #tpu.memory_space<hbm>>
      tpu.wait_indirect_dma semaphore(%arg21 : memref<!tpu.dma_semaphore, #tpu.memory_space<semaphore_mem>>) src(%dma_wait3A_398 : memref<10240x32xf32, #tpu.memory_space<hbm>>) dst(%arg14 : memref<128x32xf32, #tpu.memory_space<vmem>>)
      %add3A_399 = arith.constant 2 : i32
      %add3A_400 = arith.addi %mul3A_346, %add3A_399 : i32
      %dma_start3A_401 = arith.constant 0 : i32
      %dma_start3A_402 = tpu.memref_slice %arg10[%add3A_400, %dma_start3A_401] : memref<160x128xi32, #tpu.memory_space<vmem>> -> memref<1x128xi32, #tpu.memory_space<vmem>>
      %dma_start3A_403 = tpu.memref_squeeze %dma_start3A_402 : memref<1x128xi32, #tpu.memory_space<vmem>> -> memref<128xi32, #tpu.memory_space<vmem>>
      %dma_start3A_404 = arith.constant 0 : i32
      %dma_start3A_405 = arith.constant 0 : i32
      %dma_start3A_406 = tpu.memref_slice %arg27[%dma_start3A_404, %dma_start3A_405] : memref<10240x32xf32, #tpu.memory_space<vmem_shared>> -> memref<10240x32xf32, #tpu.memory_space<vmem_shared>>
      tpu.enqueue_indirect_dma source(%arg14 : memref<128x32xf32, #tpu.memory_space<vmem>>) target(%dma_start3A_406 : memref<10240x32xf32, #tpu.memory_space<vmem_shared>>) offsets(%dma_start3A_403 : memref<128xi32, #tpu.memory_space<vmem>>) semaphore(%arg25 : memref<!tpu.dma_semaphore, #tpu.memory_space<semaphore_mem>>) {add = true}
      %add3A_407 = arith.constant 3 : i32
      %add3A_408 = arith.addi %mul3A_346, %add3A_407 : i32
      %dma_wait3A_409 = arith.constant 0 : i32
      %dma_wait3A_410 = tpu.memref_slice %arg11[%add3A_408, %dma_wait3A_409] : memref<160x128xi32, #tpu.memory_space<vmem>> -> memref<1x128xi32, #tpu.memory_space<vmem>>
      %dma_wait3A_411 = tpu.memref_squeeze %dma_wait3A_410 : memref<1x128xi32, #tpu.memory_space<vmem>> -> memref<128xi32, #tpu.memory_space<vmem>>
      %dma_wait3A_412 = arith.constant 0 : i32
      %dma_wait3A_413 = arith.constant 0 : i32
      %dma_wait3A_414 = tpu.memref_slice %arg9[%add3A_3, %dma_wait3A_412, %dma_wait3A_413] : memref<4x10240x32xf32, #tpu.memory_space<hbm>> -> memref<1x10240x32xf32, #tpu.memory_space<hbm>>
      %dma_wait3A_415 = tpu.memref_squeeze %dma_wait3A_414 : memref<1x10240x32xf32, #tpu.memory_space<hbm>> -> memref<10240x32xf32, #tpu.memory_space<hbm>>
      %dma_wait3A_416 = arith.constant 0 : i32
      %dma_wait3A_417 = arith.constant 0 : i32
      %dma_wait3A_418 = tpu.memref_slice %dma_wait3A_415[%dma_wait3A_416, %dma_wait3A_417] : memref<10240x32xf32, #tpu.memory_space<hbm>> -> memref<10240x32xf32, #tpu.memory_space<hbm>>
      tpu.wait_indirect_dma semaphore(%arg22 : memref<!tpu.dma_semaphore, #tpu.memory_space<semaphore_mem>>) src(%dma_wait3A_418 : memref<10240x32xf32, #tpu.memory_space<hbm>>) dst(%arg15 : memref<128x32xf32, #tpu.memory_space<vmem>>)
      %add3A_419 = arith.constant 3 : i32
      %add3A_420 = arith.addi %mul3A_346, %add3A_419 : i32
      %dma_start3A_421 = arith.constant 0 : i32
      %dma_start3A_422 = tpu.memref_slice %arg10[%add3A_420, %dma_start3A_421] : memref<160x128xi32, #tpu.memory_space<vmem>> -> memref<1x128xi32, #tpu.memory_space<vmem>>
      %dma_start3A_423 = tpu.memref_squeeze %dma_start3A_422 : memref<1x128xi32, #tpu.memory_space<vmem>> -> memref<128xi32, #tpu.memory_space<vmem>>
      %dma_start3A_424 = arith.constant 0 : i32
      %dma_start3A_425 = arith.constant 0 : i32
      %dma_start3A_426 = tpu.memref_slice %arg27[%dma_start3A_424, %dma_start3A_425] : memref<10240x32xf32, #tpu.memory_space<vmem_shared>> -> memref<10240x32xf32, #tpu.memory_space<vmem_shared>>
      tpu.enqueue_indirect_dma source(%arg15 : memref<128x32xf32, #tpu.memory_space<vmem>>) target(%dma_start3A_426 : memref<10240x32xf32, #tpu.memory_space<vmem_shared>>) offsets(%dma_start3A_423 : memref<128xi32, #tpu.memory_space<vmem>>) semaphore(%arg26 : memref<!tpu.dma_semaphore, #tpu.memory_space<semaphore_mem>>) {add = true}
      %add3A_427 = arith.constant 4 : i32
      %add3A_428 = arith.addi %mul3A_346, %add3A_427 : i32
      %add3A_429 = arith.constant 0 : i32
      %add3A_430 = arith.addi %add3A_428, %add3A_429 : i32
      %lt3A = arith.constant 160 : i32
      %lt3A_431 = arith.cmpi slt, %add3A_430, %lt3A : i32
      %convert_element_type3A = arith.extui %lt3A_431 : i1 to i32
      %cond3A = arith.constant 0 : i32
      %cond3A_432 = arith.cmpi ne, %convert_element_type3A, %cond3A : i32
      scf.if %cond3A_432 {
        %add3A_460 = arith.constant 0 : i32
        %add3A_461 = arith.addi %mul3A_346, %add3A_460 : i32
        %dma_wait3A_462 = arith.constant 0 : i32
        %dma_wait3A_463 = tpu.memref_slice %arg10[%add3A_461, %dma_wait3A_462] : memref<160x128xi32, #tpu.memory_space<vmem>> -> memref<1x128xi32, #tpu.memory_space<vmem>>
        %dma_wait3A_464 = tpu.memref_squeeze %dma_wait3A_463 : memref<1x128xi32, #tpu.memory_space<vmem>> -> memref<128xi32, #tpu.memory_space<vmem>>
        %dma_wait3A_465 = arith.constant 0 : i32
        %dma_wait3A_466 = arith.constant 0 : i32
        %dma_wait3A_467 = tpu.memref_slice %arg27[%dma_wait3A_465, %dma_wait3A_466] : memref<10240x32xf32, #tpu.memory_space<vmem_shared>> -> memref<10240x32xf32, #tpu.memory_space<vmem_shared>>
        tpu.wait_indirect_dma semaphore(%arg23 : memref<!tpu.dma_semaphore, #tpu.memory_space<semaphore_mem>>) src(%arg12 : memref<128x32xf32, #tpu.memory_space<vmem>>) dst(%dma_wait3A_467 : memref<10240x32xf32, #tpu.memory_space<vmem_shared>>)
        %dma_start3A_468 = arith.constant 0 : i32
        %dma_start3A_469 = tpu.memref_slice %arg11[%add3A_430, %dma_start3A_468] : memref<160x128xi32, #tpu.memory_space<vmem>> -> memref<1x128xi32, #tpu.memory_space<vmem>>
        %dma_start3A_470 = tpu.memref_squeeze %dma_start3A_469 : memref<1x128xi32, #tpu.memory_space<vmem>> -> memref<128xi32, #tpu.memory_space<vmem>>
        %dma_start3A_471 = arith.constant 0 : i32
        %dma_start3A_472 = arith.constant 0 : i32
        %dma_start3A_473 = tpu.memref_slice %arg9[%add3A_3, %dma_start3A_471, %dma_start3A_472] : memref<4x10240x32xf32, #tpu.memory_space<hbm>> -> memref<1x10240x32xf32, #tpu.memory_space<hbm>>
        %dma_start3A_474 = tpu.memref_squeeze %dma_start3A_473 : memref<1x10240x32xf32, #tpu.memory_space<hbm>> -> memref<10240x32xf32, #tpu.memory_space<hbm>>
        %dma_start3A_475 = arith.constant 0 : i32
        %dma_start3A_476 = arith.constant 0 : i32
        %dma_start3A_477 = tpu.memref_slice %dma_start3A_474[%dma_start3A_475, %dma_start3A_476] : memref<10240x32xf32, #tpu.memory_space<hbm>> -> memref<10240x32xf32, #tpu.memory_space<hbm>>
        tpu.enqueue_indirect_dma source(%dma_start3A_477 : memref<10240x32xf32, #tpu.memory_space<hbm>>) target(%arg12 : memref<128x32xf32, #tpu.memory_space<vmem>>) offsets(%dma_start3A_470 : memref<128xi32, #tpu.memory_space<vmem>>) semaphore(%arg19 : memref<!tpu.dma_semaphore, #tpu.memory_space<semaphore_mem>>)
      } else {
      }
      %add3A_433 = arith.constant 4 : i32
      %add3A_434 = arith.addi %mul3A_346, %add3A_433 : i32
      %add3A_435 = arith.constant 1 : i32
      %add3A_436 = arith.addi %add3A_434, %add3A_435 : i32
      %lt3A_437 = arith.constant 160 : i32
      %lt3A_438 = arith.cmpi slt, %add3A_436, %lt3A_437 : i32
      %convert_element_type3A_439 = arith.extui %lt3A_438 : i1 to i32
      %cond3A_440 = arith.constant 0 : i32
      %cond3A_441 = arith.cmpi ne, %convert_element_type3A_439, %cond3A_440 : i32
      scf.if %cond3A_441 {
        %add3A_460 = arith.constant 1 : i32
        %add3A_461 = arith.addi %mul3A_346, %add3A_460 : i32
        %dma_wait3A_462 = arith.constant 0 : i32
        %dma_wait3A_463 = tpu.memref_slice %arg10[%add3A_461, %dma_wait3A_462] : memref<160x128xi32, #tpu.memory_space<vmem>> -> memref<1x128xi32, #tpu.memory_space<vmem>>
        %dma_wait3A_464 = tpu.memref_squeeze %dma_wait3A_463 : memref<1x128xi32, #tpu.memory_space<vmem>> -> memref<128xi32, #tpu.memory_space<vmem>>
        %dma_wait3A_465 = arith.constant 0 : i32
        %dma_wait3A_466 = arith.constant 0 : i32
        %dma_wait3A_467 = tpu.memref_slice %arg27[%dma_wait3A_465, %dma_wait3A_466] : memref<10240x32xf32, #tpu.memory_space<vmem_shared>> -> memref<10240x32xf32, #tpu.memory_space<vmem_shared>>
        tpu.wait_indirect_dma semaphore(%arg24 : memref<!tpu.dma_semaphore, #tpu.memory_space<semaphore_mem>>) src(%arg13 : memref<128x32xf32, #tpu.memory_space<vmem>>) dst(%dma_wait3A_467 : memref<10240x32xf32, #tpu.memory_space<vmem_shared>>)
        %dma_start3A_468 = arith.constant 0 : i32
        %dma_start3A_469 = tpu.memref_slice %arg11[%add3A_436, %dma_start3A_468] : memref<160x128xi32, #tpu.memory_space<vmem>> -> memref<1x128xi32, #tpu.memory_space<vmem>>
        %dma_start3A_470 = tpu.memref_squeeze %dma_start3A_469 : memref<1x128xi32, #tpu.memory_space<vmem>> -> memref<128xi32, #tpu.memory_space<vmem>>
        %dma_start3A_471 = arith.constant 0 : i32
        %dma_start3A_472 = arith.constant 0 : i32
        %dma_start3A_473 = tpu.memref_slice %arg9[%add3A_3, %dma_start3A_471, %dma_start3A_472] : memref<4x10240x32xf32, #tpu.memory_space<hbm>> -> memref<1x10240x32xf32, #tpu.memory_space<hbm>>
        %dma_start3A_474 = tpu.memref_squeeze %dma_start3A_473 : memref<1x10240x32xf32, #tpu.memory_space<hbm>> -> memref<10240x32xf32, #tpu.memory_space<hbm>>
        %dma_start3A_475 = arith.constant 0 : i32
        %dma_start3A_476 = arith.constant 0 : i32
        %dma_start3A_477 = tpu.memref_slice %dma_start3A_474[%dma_start3A_475, %dma_start3A_476] : memref<10240x32xf32, #tpu.memory_space<hbm>> -> memref<10240x32xf32, #tpu.memory_space<hbm>>
        tpu.enqueue_indirect_dma source(%dma_start3A_477 : memref<10240x32xf32, #tpu.memory_space<hbm>>) target(%arg13 : memref<128x32xf32, #tpu.memory_space<vmem>>) offsets(%dma_start3A_470 : memref<128xi32, #tpu.memory_space<vmem>>) semaphore(%arg20 : memref<!tpu.dma_semaphore, #tpu.memory_space<semaphore_mem>>)
      } else {
      }
      %add3A_442 = arith.constant 4 : i32
      %add3A_443 = arith.addi %mul3A_346, %add3A_442 : i32
      %add3A_444 = arith.constant 2 : i32
      %add3A_445 = arith.addi %add3A_443, %add3A_444 : i32
      %lt3A_446 = arith.constant 160 : i32
      %lt3A_447 = arith.cmpi slt, %add3A_445, %lt3A_446 : i32
      %convert_element_type3A_448 = arith.extui %lt3A_447 : i1 to i32
      %cond3A_449 = arith.constant 0 : i32
      %cond3A_450 = arith.cmpi ne, %convert_element_type3A_448, %cond3A_449 : i32
      scf.if %cond3A_450 {
        %add3A_460 = arith.constant 2 : i32
        %add3A_461 = arith.addi %mul3A_346, %add3A_460 : i32
        %dma_wait3A_462 = arith.constant 0 : i32
        %dma_wait3A_463 = tpu.memref_slice %arg10[%add3A_461, %dma_wait3A_462] : memref<160x128xi32, #tpu.memory_space<vmem>> -> memref<1x128xi32, #tpu.memory_space<vmem>>
        %dma_wait3A_464 = tpu.memref_squeeze %dma_wait3A_463 : memref<1x128xi32, #tpu.memory_space<vmem>> -> memref<128xi32, #tpu.memory_space<vmem>>
        %dma_wait3A_465 = arith.constant 0 : i32
        %dma_wait3A_466 = arith.constant 0 : i32
        %dma_wait3A_467 = tpu.memref_slice %arg27[%dma_wait3A_465, %dma_wait3A_466] : memref<10240x32xf32, #tpu.memory_space<vmem_shared>> -> memref<10240x32xf32, #tpu.memory_space<vmem_shared>>
        tpu.wait_indirect_dma semaphore(%arg25 : memref<!tpu.dma_semaphore, #tpu.memory_space<semaphore_mem>>) src(%arg14 : memref<128x32xf32, #tpu.memory_space<vmem>>) dst(%dma_wait3A_467 : memref<10240x32xf32, #tpu.memory_space<vmem_shared>>)
        %dma_start3A_468 = arith.constant 0 : i32
        %dma_start3A_469 = tpu.memref_slice %arg11[%add3A_445, %dma_start3A_468] : memref<160x128xi32, #tpu.memory_space<vmem>> -> memref<1x128xi32, #tpu.memory_space<vmem>>
        %dma_start3A_470 = tpu.memref_squeeze %dma_start3A_469 : memref<1x128xi32, #tpu.memory_space<vmem>> -> memref<128xi32, #tpu.memory_space<vmem>>
        %dma_start3A_471 = arith.constant 0 : i32
        %dma_start3A_472 = arith.constant 0 : i32
        %dma_start3A_473 = tpu.memref_slice %arg9[%add3A_3, %dma_start3A_471, %dma_start3A_472] : memref<4x10240x32xf32, #tpu.memory_space<hbm>> -> memref<1x10240x32xf32, #tpu.memory_space<hbm>>
        %dma_start3A_474 = tpu.memref_squeeze %dma_start3A_473 : memref<1x10240x32xf32, #tpu.memory_space<hbm>> -> memref<10240x32xf32, #tpu.memory_space<hbm>>
        %dma_start3A_475 = arith.constant 0 : i32
        %dma_start3A_476 = arith.constant 0 : i32
        %dma_start3A_477 = tpu.memref_slice %dma_start3A_474[%dma_start3A_475, %dma_start3A_476] : memref<10240x32xf32, #tpu.memory_space<hbm>> -> memref<10240x32xf32, #tpu.memory_space<hbm>>
        tpu.enqueue_indirect_dma source(%dma_start3A_477 : memref<10240x32xf32, #tpu.memory_space<hbm>>) target(%arg14 : memref<128x32xf32, #tpu.memory_space<vmem>>) offsets(%dma_start3A_470 : memref<128xi32, #tpu.memory_space<vmem>>) semaphore(%arg21 : memref<!tpu.dma_semaphore, #tpu.memory_space<semaphore_mem>>)
      } else {
      }
      %add3A_451 = arith.constant 4 : i32
      %add3A_452 = arith.addi %mul3A_346, %add3A_451 : i32
      %add3A_453 = arith.constant 3 : i32
      %add3A_454 = arith.addi %add3A_452, %add3A_453 : i32
      %lt3A_455 = arith.constant 160 : i32
      %lt3A_456 = arith.cmpi slt, %add3A_454, %lt3A_455 : i32
      %convert_element_type3A_457 = arith.extui %lt3A_456 : i1 to i32
      %cond3A_458 = arith.constant 0 : i32
      %cond3A_459 = arith.cmpi ne, %convert_element_type3A_457, %cond3A_458 : i32
      scf.if %cond3A_459 {
        %add3A_460 = arith.constant 3 : i32
        %add3A_461 = arith.addi %mul3A_346, %add3A_460 : i32
        %dma_wait3A_462 = arith.constant 0 : i32
        %dma_wait3A_463 = tpu.memref_slice %arg10[%add3A_461, %dma_wait3A_462] : memref<160x128xi32, #tpu.memory_space<vmem>> -> memref<1x128xi32, #tpu.memory_space<vmem>>
        %dma_wait3A_464 = tpu.memref_squeeze %dma_wait3A_463 : memref<1x128xi32, #tpu.memory_space<vmem>> -> memref<128xi32, #tpu.memory_space<vmem>>
        %dma_wait3A_465 = arith.constant 0 : i32
        %dma_wait3A_466 = arith.constant 0 : i32
        %dma_wait3A_467 = tpu.memref_slice %arg27[%dma_wait3A_465, %dma_wait3A_466] : memref<10240x32xf32, #tpu.memory_space<vmem_shared>> -> memref<10240x32xf32, #tpu.memory_space<vmem_shared>>
        tpu.wait_indirect_dma semaphore(%arg26 : memref<!tpu.dma_semaphore, #tpu.memory_space<semaphore_mem>>) src(%arg15 : memref<128x32xf32, #tpu.memory_space<vmem>>) dst(%dma_wait3A_467 : memref<10240x32xf32, #tpu.memory_space<vmem_shared>>)
        %dma_start3A_468 = arith.constant 0 : i32
        %dma_start3A_469 = tpu.memref_slice %arg11[%add3A_454, %dma_start3A_468] : memref<160x128xi32, #tpu.memory_space<vmem>> -> memref<1x128xi32, #tpu.memory_space<vmem>>
        %dma_start3A_470 = tpu.memref_squeeze %dma_start3A_469 : memref<1x128xi32, #tpu.memory_space<vmem>> -> memref<128xi32, #tpu.memory_space<vmem>>
        %dma_start3A_471 = arith.constant 0 : i32
        %dma_start3A_472 = arith.constant 0 : i32
        %dma_start3A_473 = tpu.memref_slice %arg9[%add3A_3, %dma_start3A_471, %dma_start3A_472] : memref<4x10240x32xf32, #tpu.memory_space<hbm>> -> memref<1x10240x32xf32, #tpu.memory_space<hbm>>
        %dma_start3A_474 = tpu.memref_squeeze %dma_start3A_473 : memref<1x10240x32xf32, #tpu.memory_space<hbm>> -> memref<10240x32xf32, #tpu.memory_space<hbm>>
        %dma_start3A_475 = arith.constant 0 : i32
        %dma_start3A_476 = arith.constant 0 : i32
        %dma_start3A_477 = tpu.memref_slice %dma_start3A_474[%dma_start3A_475, %dma_start3A_476] : memref<10240x32xf32, #tpu.memory_space<hbm>> -> memref<10240x32xf32, #tpu.memory_space<hbm>>
        tpu.enqueue_indirect_dma source(%dma_start3A_477 : memref<10240x32xf32, #tpu.memory_space<hbm>>) target(%arg15 : memref<128x32xf32, #tpu.memory_space<vmem>>) offsets(%dma_start3A_470 : memref<128xi32, #tpu.memory_space<vmem>>) semaphore(%arg22 : memref<!tpu.dma_semaphore, #tpu.memory_space<semaphore_mem>>)
      } else {
      }
    }
    %scan3A_133 = arith.constant 40 : i32
    %dma_wait3A_134 = arith.constant 156 : i32
    %dma_wait3A_135 = arith.constant 0 : i32
    %dma_wait3A_136 = tpu.memref_slice %arg10[%dma_wait3A_134, %dma_wait3A_135] : memref<160x128xi32, #tpu.memory_space<vmem>> -> memref<1x128xi32, #tpu.memory_space<vmem>>
    %dma_wait3A_137 = tpu.memref_squeeze %dma_wait3A_136 : memref<1x128xi32, #tpu.memory_space<vmem>> -> memref<128xi32, #tpu.memory_space<vmem>>
    %dma_wait3A_138 = arith.constant 0 : i32
    %dma_wait3A_139 = arith.constant 0 : i32
    %dma_wait3A_140 = tpu.memref_slice %arg27[%dma_wait3A_138, %dma_wait3A_139] : memref<10240x32xf32, #tpu.memory_space<vmem_shared>> -> memref<10240x32xf32, #tpu.memory_space<vmem_shared>>
    tpu.wait_indirect_dma semaphore(%arg23 : memref<!tpu.dma_semaphore, #tpu.memory_space<semaphore_mem>>) src(%arg12 : memref<128x32xf32, #tpu.memory_space<vmem>>) dst(%dma_wait3A_140 : memref<10240x32xf32, #tpu.memory_space<vmem_shared>>)
    %dma_wait3A_141 = arith.constant 157 : i32
    %dma_wait3A_142 = arith.constant 0 : i32
    %dma_wait3A_143 = tpu.memref_slice %arg10[%dma_wait3A_141, %dma_wait3A_142] : memref<160x128xi32, #tpu.memory_space<vmem>> -> memref<1x128xi32, #tpu.memory_space<vmem>>
    %dma_wait3A_144 = tpu.memref_squeeze %dma_wait3A_143 : memref<1x128xi32, #tpu.memory_space<vmem>> -> memref<128xi32, #tpu.memory_space<vmem>>
    %dma_wait3A_145 = arith.constant 0 : i32
    %dma_wait3A_146 = arith.constant 0 : i32
    %dma_wait3A_147 = tpu.memref_slice %arg27[%dma_wait3A_145, %dma_wait3A_146] : memref<10240x32xf32, #tpu.memory_space<vmem_shared>> -> memref<10240x32xf32, #tpu.memory_space<vmem_shared>>
    tpu.wait_indirect_dma semaphore(%arg24 : memref<!tpu.dma_semaphore, #tpu.memory_space<semaphore_mem>>) src(%arg13 : memref<128x32xf32, #tpu.memory_space<vmem>>) dst(%dma_wait3A_147 : memref<10240x32xf32, #tpu.memory_space<vmem_shared>>)
    %dma_wait3A_148 = arith.constant 158 : i32
    %dma_wait3A_149 = arith.constant 0 : i32
    %dma_wait3A_150 = tpu.memref_slice %arg10[%dma_wait3A_148, %dma_wait3A_149] : memref<160x128xi32, #tpu.memory_space<vmem>> -> memref<1x128xi32, #tpu.memory_space<vmem>>
    %dma_wait3A_151 = tpu.memref_squeeze %dma_wait3A_150 : memref<1x128xi32, #tpu.memory_space<vmem>> -> memref<128xi32, #tpu.memory_space<vmem>>
    %dma_wait3A_152 = arith.constant 0 : i32
    %dma_wait3A_153 = arith.constant 0 : i32
    %dma_wait3A_154 = tpu.memref_slice %arg27[%dma_wait3A_152, %dma_wait3A_153] : memref<10240x32xf32, #tpu.memory_space<vmem_shared>> -> memref<10240x32xf32, #tpu.memory_space<vmem_shared>>
    tpu.wait_indirect_dma semaphore(%arg25 : memref<!tpu.dma_semaphore, #tpu.memory_space<semaphore_mem>>) src(%arg14 : memref<128x32xf32, #tpu.memory_space<vmem>>) dst(%dma_wait3A_154 : memref<10240x32xf32, #tpu.memory_space<vmem_shared>>)
    %dma_wait3A_155 = arith.constant 159 : i32
    %dma_wait3A_156 = arith.constant 0 : i32
    %dma_wait3A_157 = tpu.memref_slice %arg10[%dma_wait3A_155, %dma_wait3A_156] : memref<160x128xi32, #tpu.memory_space<vmem>> -> memref<1x128xi32, #tpu.memory_space<vmem>>
    %dma_wait3A_158 = tpu.memref_squeeze %dma_wait3A_157 : memref<1x128xi32, #tpu.memory_space<vmem>> -> memref<128xi32, #tpu.memory_space<vmem>>
    %dma_wait3A_159 = arith.constant 0 : i32
    %dma_wait3A_160 = arith.constant 0 : i32
    %dma_wait3A_161 = tpu.memref_slice %arg27[%dma_wait3A_159, %dma_wait3A_160] : memref<10240x32xf32, #tpu.memory_space<vmem_shared>> -> memref<10240x32xf32, #tpu.memory_space<vmem_shared>>
    tpu.wait_indirect_dma semaphore(%arg26 : memref<!tpu.dma_semaphore, #tpu.memory_space<semaphore_mem>>) src(%arg15 : memref<128x32xf32, #tpu.memory_space<vmem>>) dst(%dma_wait3A_161 : memref<10240x32xf32, #tpu.memory_space<vmem_shared>>)
    %barrier3A_162 = arith.constant 0 : index
    tpu.barrier barrier_id(%barrier3A_162)
    "tpu.region"() ({
      %run_scoped3A = tpu.sem_alloc : memref<!tpu.dma_semaphore, #tpu.memory_space<semaphore_mem>>
      %dma_start3A_340 = arith.constant 0 : i32
      %dma_start3A_341 = tpu.memref_slice %arg27[%mul3A_0, %dma_start3A_340] : memref<10240x32xf32, #tpu.memory_space<vmem_shared>> -> memref<640x32xf32, #tpu.memory_space<vmem_shared>>
      %dma_start3A_342 = arith.constant 0 : i32
      %dma_start3A_343 = tpu.memref_slice %arg27[%mul3A_0, %dma_start3A_342] : memref<10240x32xf32, #tpu.memory_space<vmem_shared>> -> memref<640x32xf32, #tpu.memory_space<vmem_shared>>
      tpu.enqueue_dma source(%dma_start3A_343 : memref<640x32xf32, #tpu.memory_space<vmem_shared>>) target(%arg16 : memref<640x32xf32, #tpu.memory_space<vmem>>) target_semaphore(%run_scoped3A : memref<!tpu.dma_semaphore, #tpu.memory_space<semaphore_mem>>)
      %dma_wait3A_344 = arith.constant 0 : i32
      %dma_wait3A_345 = tpu.memref_slice %arg27[%mul3A_0, %dma_wait3A_344] : memref<10240x32xf32, #tpu.memory_space<vmem_shared>> -> memref<640x32xf32, #tpu.memory_space<vmem_shared>>
      %dma_wait3A_346 = arith.constant 0 : i32
      %dma_wait3A_347 = tpu.memref_slice %arg27[%mul3A_0, %dma_wait3A_346] : memref<10240x32xf32, #tpu.memory_space<vmem_shared>> -> memref<640x32xf32, #tpu.memory_space<vmem_shared>>
      tpu.wait_dma2 semaphore(%run_scoped3A : memref<!tpu.dma_semaphore, #tpu.memory_space<semaphore_mem>>) src(%dma_wait3A_347 : memref<640x32xf32, #tpu.memory_space<vmem_shared>>) dst(%arg16 : memref<640x32xf32, #tpu.memory_space<vmem>>)
      tpu.yield
    }) : () -> ()
    %scan3A_163 = arith.constant 0 : i32
    %scan3A_164 = arith.constant 640 : i32
    %scan3A_165 = arith.addi %scan3A_163, %scan3A_164 : i32
    %scan3A_166 = arith.constant 1 : i32
    scf.for %scan3A_340 = %scan3A_163 to %scan3A_165 step %scan3A_166  : i32 {
      %mul3A_341 = arith.constant 1 : i32
      %mul3A_342 = arith.muli %scan3A_340, %mul3A_341 : i32
      %add3A_343 = arith.constant 0 : i32
      %add3A_344 = arith.addi %add3A_343, %mul3A_342 : i32
      %get3A = arith.index_cast %add3A_344 : i32 to index
      %get3A_345 = arith.constant 0 : index
      %get3A_346 = tpu.vector_load %arg18[%get3A, %get3A_345] {strides = array<i32>} : memref<640x16xf32, #tpu.memory_space<vmem>>, vector<1x16xf32>,
      %get3A_347 = vector.shape_cast %get3A_346 : vector<1x16xf32> to vector<16xf32>
      %get3A_348 = arith.index_cast %add3A_344 : i32 to index
      %get3A_349 = arith.constant 0 : index
      %get3A_350 = tpu.vector_load %arg16[%get3A_348, %get3A_349] {strides = array<i32>} : memref<640x32xf32, #tpu.memory_space<vmem>>, vector<1x16xf32>,
      %get3A_351 = vector.shape_cast %get3A_350 : vector<1x16xf32> to vector<16xf32>
      %mul3A_352 = arith.mulf %get3A_351, %get3A_347 : vector<16xf32>
      %swap3A = arith.index_cast %add3A_344 : i32 to index
      %swap3A_353 = arith.constant 0 : index
      %swap3A_354 = tpu.vector_load %arg16[%swap3A, %swap3A_353] {strides = array<i32>} : memref<640x32xf32, #tpu.memory_space<vmem>>, vector<1x16xf32>,
      %swap3A_355 = vector.shape_cast %swap3A_354 : vector<1x16xf32> to vector<16xf32>
      %swap3A_356 = vector.shape_cast %mul3A_352 : vector<16xf32> to vector<1x16xf32>
      tpu.vector_store %arg16[%swap3A, %swap3A_353], %swap3A_356 {strides = array<i32>} : memref<640x32xf32, #tpu.memory_space<vmem>>, vector<1x16xf32>,
      %get3A_357 = arith.index_cast %add3A_344 : i32 to index
      %get3A_358 = arith.constant 16 : index
      %get3A_359 = tpu.vector_load %arg16[%get3A_357, %get3A_358] {strides = array<i32>} : memref<640x32xf32, #tpu.memory_space<vmem>>, vector<1x16xf32>,
      %get3A_360 = vector.shape_cast %get3A_359 : vector<1x16xf32> to vector<16xf32>
      %mul3A_361 = arith.mulf %get3A_360, %get3A_347 : vector<16xf32>
      %swap3A_362 = arith.index_cast %add3A_344 : i32 to index
      %swap3A_363 = arith.constant 16 : index
      %swap3A_364 = tpu.vector_load %arg16[%swap3A_362, %swap3A_363] {strides = array<i32>} : memref<640x32xf32, #tpu.memory_space<vmem>>, vector<1x16xf32>,
      %swap3A_365 = vector.shape_cast %swap3A_364 : vector<1x16xf32> to vector<16xf32>
      %swap3A_366 = vector.shape_cast %mul3A_361 : vector<16xf32> to vector<1x16xf32>
      tpu.vector_store %arg16[%swap3A_362, %swap3A_363], %swap3A_366 {strides = array<i32>} : memref<640x32xf32, #tpu.memory_space<vmem>>, vector<1x16xf32>,
    }
    %scan3A_167 = arith.constant 640 : i32
    "tpu.region"() ({
      %run_scoped3A = tpu.sem_alloc : memref<!tpu.dma_semaphore, #tpu.memory_space<semaphore_mem>>
      %dma_start3A_340 = arith.constant 0 : i32
      %dma_start3A_341 = tpu.memref_slice %arg8[%add3A_3, %mul3A_0, %dma_start3A_340] : memref<4x10240x32xf32, #tpu.memory_space<hbm>> -> memref<1x640x32xf32, #tpu.memory_space<hbm>>
      %dma_start3A_342 = tpu.memref_squeeze %dma_start3A_341 : memref<1x640x32xf32, #tpu.memory_space<hbm>> -> memref<640x32xf32, #tpu.memory_space<hbm>>
      %dma_start3A_343 = arith.constant 0 : i32
      %dma_start3A_344 = tpu.memref_slice %arg8[%add3A_3, %mul3A_0, %dma_start3A_343] : memref<4x10240x32xf32, #tpu.memory_space<hbm>> -> memref<1x640x32xf32, #tpu.memory_space<hbm>>
      %dma_start3A_345 = tpu.memref_squeeze %dma_start3A_344 : memref<1x640x32xf32, #tpu.memory_space<hbm>> -> memref<640x32xf32, #tpu.memory_space<hbm>>
      tpu.enqueue_dma source(%arg16 : memref<640x32xf32, #tpu.memory_space<vmem>>) target(%dma_start3A_345 : memref<640x32xf32, #tpu.memory_space<hbm>>) target_semaphore(%run_scoped3A : memref<!tpu.dma_semaphore, #tpu.memory_space<semaphore_mem>>)
      %dma_wait3A_346 = arith.constant 0 : i32
      %dma_wait3A_347 = tpu.memref_slice %arg8[%add3A_3, %mul3A_0, %dma_wait3A_346] : memref<4x10240x32xf32, #tpu.memory_space<hbm>> -> memref<1x640x32xf32, #tpu.memory_space<hbm>>
      %dma_wait3A_348 = tpu.memref_squeeze %dma_wait3A_347 : memref<1x640x32xf32, #tpu.memory_space<hbm>> -> memref<640x32xf32, #tpu.memory_space<hbm>>
      %dma_wait3A_349 = arith.constant 0 : i32
      %dma_wait3A_350 = tpu.memref_slice %arg8[%add3A_3, %mul3A_0, %dma_wait3A_349] : memref<4x10240x32xf32, #tpu.memory_space<hbm>> -> memref<1x640x32xf32, #tpu.memory_space<hbm>>
      %dma_wait3A_351 = tpu.memref_squeeze %dma_wait3A_350 : memref<1x640x32xf32, #tpu.memory_space<hbm>> -> memref<640x32xf32, #tpu.memory_space<hbm>>
      tpu.wait_dma2 semaphore(%run_scoped3A : memref<!tpu.dma_semaphore, #tpu.memory_space<semaphore_mem>>) src(%arg16 : memref<640x32xf32, #tpu.memory_space<vmem>>) dst(%dma_wait3A_351 : memref<640x32xf32, #tpu.memory_space<hbm>>)
      tpu.yield
    }) : () -> ()
    %mul3A_168 = arith.constant 2 : i32
    %mul3A_169 = arith.muli %arg0, %mul3A_168 : i32
    %add3A_170 = arith.constant 1 : i32
    %add3A_171 = arith.addi %mul3A_169, %add3A_170 : i32
    "tpu.region"() ({
      %run_scoped3A = tpu.sem_alloc : memref<!tpu.dma_semaphore, #tpu.memory_space<semaphore_mem>>
      %dma_start3A_340 = arith.constant 0 : i32
      %dma_start3A_341 = tpu.memref_slice %arg27[%mul3A_0, %dma_start3A_340] : memref<10240x32xf32, #tpu.memory_space<vmem_shared>> -> memref<640x32xf32, #tpu.memory_space<vmem_shared>>
      tpu.enqueue_dma source(%arg5 : memref<640x32xf32, #tpu.memory_space<hbm>>) target(%dma_start3A_341 : memref<640x32xf32, #tpu.memory_space<vmem_shared>>) target_semaphore(%run_scoped3A : memref<!tpu.dma_semaphore, #tpu.memory_space<semaphore_mem>>)
      %dma_wait3A_342 = arith.constant 0 : i32
      %dma_wait3A_343 = tpu.memref_slice %arg27[%mul3A_0, %dma_wait3A_342] : memref<10240x32xf32, #tpu.memory_space<vmem_shared>> -> memref<640x32xf32, #tpu.memory_space<vmem_shared>>
      tpu.wait_dma2 semaphore(%run_scoped3A : memref<!tpu.dma_semaphore, #tpu.memory_space<semaphore_mem>>) src(%arg5 : memref<640x32xf32, #tpu.memory_space<hbm>>) dst(%dma_wait3A_343 : memref<640x32xf32, #tpu.memory_space<vmem_shared>>)
      tpu.yield
    }) : () -> ()
    %barrier3A_172 = arith.constant 0 : index
    tpu.barrier barrier_id(%barrier3A_172)
    %dma_start3A_173 = arith.constant 0 : i32
    %dma_start3A_174 = arith.constant 0 : i32
    %dma_start3A_175 = tpu.memref_slice %arg10[%dma_start3A_173, %dma_start3A_174] : memref<160x128xi32, #tpu.memory_space<vmem>> -> memref<1x128xi32, #tpu.memory_space<vmem>>
    %dma_start3A_176 = tpu.memref_squeeze %dma_start3A_175 : memref<1x128xi32, #tpu.memory_space<vmem>> -> memref<128xi32, #tpu.memory_space<vmem>>
    %dma_start3A_177 = arith.constant 0 : i32
    %dma_start3A_178 = arith.constant 0 : i32
    %dma_start3A_179 = tpu.memref_slice %arg2[%add3A_171, %dma_start3A_177, %dma_start3A_178] : memref<4x10240x32xf32, #tpu.memory_space<hbm>> -> memref<1x10240x32xf32, #tpu.memory_space<hbm>>
    %dma_start3A_180 = tpu.memref_squeeze %dma_start3A_179 : memref<1x10240x32xf32, #tpu.memory_space<hbm>> -> memref<10240x32xf32, #tpu.memory_space<hbm>>
    %dma_start3A_181 = arith.constant 0 : i32
    %dma_start3A_182 = arith.constant 0 : i32
    %dma_start3A_183 = tpu.memref_slice %dma_start3A_180[%dma_start3A_181, %dma_start3A_182] : memref<10240x32xf32, #tpu.memory_space<hbm>> -> memref<10240x32xf32, #tpu.memory_space<hbm>>
    tpu.enqueue_indirect_dma source(%dma_start3A_183 : memref<10240x32xf32, #tpu.memory_space<hbm>>) target(%arg12 : memref<128x32xf32, #tpu.memory_space<vmem>>) offsets(%dma_start3A_176 : memref<128xi32, #tpu.memory_space<vmem>>) semaphore(%arg19 : memref<!tpu.dma_semaphore, #tpu.memory_space<semaphore_mem>>)
    %dma_start3A_184 = arith.constant 1 : i32
    %dma_start3A_185 = arith.constant 0 : i32
    %dma_start3A_186 = tpu.memref_slice %arg10[%dma_start3A_184, %dma_start3A_185] : memref<160x128xi32, #tpu.memory_space<vmem>> -> memref<1x128xi32, #tpu.memory_space<vmem>>
    %dma_start3A_187 = tpu.memref_squeeze %dma_start3A_186 : memref<1x128xi32, #tpu.memory_space<vmem>> -> memref<128xi32, #tpu.memory_space<vmem>>
    %dma_start3A_188 = arith.constant 0 : i32
    %dma_start3A_189 = arith.constant 0 : i32
    %dma_start3A_190 = tpu.memref_slice %arg2[%add3A_171, %dma_start3A_188, %dma_start3A_189] : memref<4x10240x32xf32, #tpu.memory_space<hbm>> -> memref<1x10240x32xf32, #tpu.memory_space<hbm>>
    %dma_start3A_191 = tpu.memref_squeeze %dma_start3A_190 : memref<1x10240x32xf32, #tpu.memory_space<hbm>> -> memref<10240x32xf32, #tpu.memory_space<hbm>>
    %dma_start3A_192 = arith.constant 0 : i32
    %dma_start3A_193 = arith.constant 0 : i32
    %dma_start3A_194 = tpu.memref_slice %dma_start3A_191[%dma_start3A_192, %dma_start3A_193] : memref<10240x32xf32, #tpu.memory_space<hbm>> -> memref<10240x32xf32, #tpu.memory_space<hbm>>
    tpu.enqueue_indirect_dma source(%dma_start3A_194 : memref<10240x32xf32, #tpu.memory_space<hbm>>) target(%arg13 : memref<128x32xf32, #tpu.memory_space<vmem>>) offsets(%dma_start3A_187 : memref<128xi32, #tpu.memory_space<vmem>>) semaphore(%arg20 : memref<!tpu.dma_semaphore, #tpu.memory_space<semaphore_mem>>)
    %dma_start3A_195 = arith.constant 2 : i32
    %dma_start3A_196 = arith.constant 0 : i32
    %dma_start3A_197 = tpu.memref_slice %arg10[%dma_start3A_195, %dma_start3A_196] : memref<160x128xi32, #tpu.memory_space<vmem>> -> memref<1x128xi32, #tpu.memory_space<vmem>>
    %dma_start3A_198 = tpu.memref_squeeze %dma_start3A_197 : memref<1x128xi32, #tpu.memory_space<vmem>> -> memref<128xi32, #tpu.memory_space<vmem>>
    %dma_start3A_199 = arith.constant 0 : i32
    %dma_start3A_200 = arith.constant 0 : i32
    %dma_start3A_201 = tpu.memref_slice %arg2[%add3A_171, %dma_start3A_199, %dma_start3A_200] : memref<4x10240x32xf32, #tpu.memory_space<hbm>> -> memref<1x10240x32xf32, #tpu.memory_space<hbm>>
    %dma_start3A_202 = tpu.memref_squeeze %dma_start3A_201 : memref<1x10240x32xf32, #tpu.memory_space<hbm>> -> memref<10240x32xf32, #tpu.memory_space<hbm>>
    %dma_start3A_203 = arith.constant 0 : i32
    %dma_start3A_204 = arith.constant 0 : i32
    %dma_start3A_205 = tpu.memref_slice %dma_start3A_202[%dma_start3A_203, %dma_start3A_204] : memref<10240x32xf32, #tpu.memory_space<hbm>> -> memref<10240x32xf32, #tpu.memory_space<hbm>>
    tpu.enqueue_indirect_dma source(%dma_start3A_205 : memref<10240x32xf32, #tpu.memory_space<hbm>>) target(%arg14 : memref<128x32xf32, #tpu.memory_space<vmem>>) offsets(%dma_start3A_198 : memref<128xi32, #tpu.memory_space<vmem>>) semaphore(%arg21 : memref<!tpu.dma_semaphore, #tpu.memory_space<semaphore_mem>>)
    %dma_start3A_206 = arith.constant 3 : i32
    %dma_start3A_207 = arith.constant 0 : i32
    %dma_start3A_208 = tpu.memref_slice %arg10[%dma_start3A_206, %dma_start3A_207] : memref<160x128xi32, #tpu.memory_space<vmem>> -> memref<1x128xi32, #tpu.memory_space<vmem>>
    %dma_start3A_209 = tpu.memref_squeeze %dma_start3A_208 : memref<1x128xi32, #tpu.memory_space<vmem>> -> memref<128xi32, #tpu.memory_space<vmem>>
    %dma_start3A_210 = arith.constant 0 : i32
    %dma_start3A_211 = arith.constant 0 : i32
    %dma_start3A_212 = tpu.memref_slice %arg2[%add3A_171, %dma_start3A_210, %dma_start3A_211] : memref<4x10240x32xf32, #tpu.memory_space<hbm>> -> memref<1x10240x32xf32, #tpu.memory_space<hbm>>
    %dma_start3A_213 = tpu.memref_squeeze %dma_start3A_212 : memref<1x10240x32xf32, #tpu.memory_space<hbm>> -> memref<10240x32xf32, #tpu.memory_space<hbm>>
    %dma_start3A_214 = arith.constant 0 : i32
    %dma_start3A_215 = arith.constant 0 : i32
    %dma_start3A_216 = tpu.memref_slice %dma_start3A_213[%dma_start3A_214, %dma_start3A_215] : memref<10240x32xf32, #tpu.memory_space<hbm>> -> memref<10240x32xf32, #tpu.memory_space<hbm>>
    tpu.enqueue_indirect_dma source(%dma_start3A_216 : memref<10240x32xf32, #tpu.memory_space<hbm>>) target(%arg15 : memref<128x32xf32, #tpu.memory_space<vmem>>) offsets(%dma_start3A_209 : memref<128xi32, #tpu.memory_space<vmem>>) semaphore(%arg22 : memref<!tpu.dma_semaphore, #tpu.memory_space<semaphore_mem>>)
    %scan3A_217 = arith.constant 0 : i32
    %scan3A_218 = arith.constant 40 : i32
    %scan3A_219 = arith.addi %scan3A_217, %scan3A_218 : i32
    %scan3A_220 = arith.constant 1 : i32
    scf.for %scan3A_340 = %scan3A_217 to %scan3A_219 step %scan3A_220  : i32 {
      %mul3A_341 = arith.constant 1 : i32
      %mul3A_342 = arith.muli %scan3A_340, %mul3A_341 : i32
      %add3A_343 = arith.constant 0 : i32
      %add3A_344 = arith.addi %add3A_343, %mul3A_342 : i32
      %mul3A_345 = arith.constant 4 : i32
      %mul3A_346 = arith.muli %mul3A_345, %add3A_344 : i32
      %add3A_347 = arith.constant 0 : i32
      %add3A_348 = arith.addi %mul3A_346, %add3A_347 : i32
      %dma_wait3A_349 = arith.constant 0 : i32
      %dma_wait3A_350 = tpu.memref_slice %arg10[%add3A_348, %dma_wait3A_349] : memref<160x128xi32, #tpu.memory_space<vmem>> -> memref<1x128xi32, #tpu.memory_space<vmem>>
      %dma_wait3A_351 = tpu.memref_squeeze %dma_wait3A_350 : memref<1x128xi32, #tpu.memory_space<vmem>> -> memref<128xi32, #tpu.memory_space<vmem>>
      %dma_wait3A_352 = arith.constant 0 : i32
      %dma_wait3A_353 = arith.constant 0 : i32
      %dma_wait3A_354 = tpu.memref_slice %arg2[%add3A_171, %dma_wait3A_352, %dma_wait3A_353] : memref<4x10240x32xf32, #tpu.memory_space<hbm>> -> memref<1x10240x32xf32, #tpu.memory_space<hbm>>
      %dma_wait3A_355 = tpu.memref_squeeze %dma_wait3A_354 : memref<1x10240x32xf32, #tpu.memory_space<hbm>> -> memref<10240x32xf32, #tpu.memory_space<hbm>>
      %dma_wait3A_356 = arith.constant 0 : i32
      %dma_wait3A_357 = arith.constant 0 : i32
      %dma_wait3A_358 = tpu.memref_slice %dma_wait3A_355[%dma_wait3A_356, %dma_wait3A_357] : memref<10240x32xf32, #tpu.memory_space<hbm>> -> memref<10240x32xf32, #tpu.memory_space<hbm>>
      tpu.wait_indirect_dma semaphore(%arg19 : memref<!tpu.dma_semaphore, #tpu.memory_space<semaphore_mem>>) src(%dma_wait3A_358 : memref<10240x32xf32, #tpu.memory_space<hbm>>) dst(%arg12 : memref<128x32xf32, #tpu.memory_space<vmem>>)
      %add3A_359 = arith.constant 0 : i32
      %add3A_360 = arith.addi %mul3A_346, %add3A_359 : i32
      %dma_start3A_361 = arith.constant 0 : i32
      %dma_start3A_362 = tpu.memref_slice %arg11[%add3A_360, %dma_start3A_361] : memref<160x128xi32, #tpu.memory_space<vmem>> -> memref<1x128xi32, #tpu.memory_space<vmem>>
      %dma_start3A_363 = tpu.memref_squeeze %dma_start3A_362 : memref<1x128xi32, #tpu.memory_space<vmem>> -> memref<128xi32, #tpu.memory_space<vmem>>
      %dma_start3A_364 = arith.constant 0 : i32
      %dma_start3A_365 = arith.constant 0 : i32
      %dma_start3A_366 = tpu.memref_slice %arg27[%dma_start3A_364, %dma_start3A_365] : memref<10240x32xf32, #tpu.memory_space<vmem_shared>> -> memref<10240x32xf32, #tpu.memory_space<vmem_shared>>
      tpu.enqueue_indirect_dma source(%arg12 : memref<128x32xf32, #tpu.memory_space<vmem>>) target(%dma_start3A_366 : memref<10240x32xf32, #tpu.memory_space<vmem_shared>>) offsets(%dma_start3A_363 : memref<128xi32, #tpu.memory_space<vmem>>) semaphore(%arg23 : memref<!tpu.dma_semaphore, #tpu.memory_space<semaphore_mem>>) {add = true}
      %add3A_367 = arith.constant 1 : i32
      %add3A_368 = arith.addi %mul3A_346, %add3A_367 : i32
      %dma_wait3A_369 = arith.constant 0 : i32
      %dma_wait3A_370 = tpu.memref_slice %arg10[%add3A_368, %dma_wait3A_369] : memref<160x128xi32, #tpu.memory_space<vmem>> -> memref<1x128xi32, #tpu.memory_space<vmem>>
      %dma_wait3A_371 = tpu.memref_squeeze %dma_wait3A_370 : memref<1x128xi32, #tpu.memory_space<vmem>> -> memref<128xi32, #tpu.memory_space<vmem>>
      %dma_wait3A_372 = arith.constant 0 : i32
      %dma_wait3A_373 = arith.constant 0 : i32
      %dma_wait3A_374 = tpu.memref_slice %arg2[%add3A_171, %dma_wait3A_372, %dma_wait3A_373] : memref<4x10240x32xf32, #tpu.memory_space<hbm>> -> memref<1x10240x32xf32, #tpu.memory_space<hbm>>
      %dma_wait3A_375 = tpu.memref_squeeze %dma_wait3A_374 : memref<1x10240x32xf32, #tpu.memory_space<hbm>> -> memref<10240x32xf32, #tpu.memory_space<hbm>>
      %dma_wait3A_376 = arith.constant 0 : i32
      %dma_wait3A_377 = arith.constant 0 : i32
      %dma_wait3A_378 = tpu.memref_slice %dma_wait3A_375[%dma_wait3A_376, %dma_wait3A_377] : memref<10240x32xf32, #tpu.memory_space<hbm>> -> memref<10240x32xf32, #tpu.memory_space<hbm>>
      tpu.wait_indirect_dma semaphore(%arg20 : memref<!tpu.dma_semaphore, #tpu.memory_space<semaphore_mem>>) src(%dma_wait3A_378 : memref<10240x32xf32, #tpu.memory_space<hbm>>) dst(%arg13 : memref<128x32xf32, #tpu.memory_space<vmem>>)
      %add3A_379 = arith.constant 1 : i32
      %add3A_380 = arith.addi %mul3A_346, %add3A_379 : i32
      %dma_start3A_381 = arith.constant 0 : i32
      %dma_start3A_382 = tpu.memref_slice %arg11[%add3A_380, %dma_start3A_381] : memref<160x128xi32, #tpu.memory_space<vmem>> -> memref<1x128xi32, #tpu.memory_space<vmem>>
      %dma_start3A_383 = tpu.memref_squeeze %dma_start3A_382 : memref<1x128xi32, #tpu.memory_space<vmem>> -> memref<128xi32, #tpu.memory_space<vmem>>
      %dma_start3A_384 = arith.constant 0 : i32
      %dma_start3A_385 = arith.constant 0 : i32
      %dma_start3A_386 = tpu.memref_slice %arg27[%dma_start3A_384, %dma_start3A_385] : memref<10240x32xf32, #tpu.memory_space<vmem_shared>> -> memref<10240x32xf32, #tpu.memory_space<vmem_shared>>
      tpu.enqueue_indirect_dma source(%arg13 : memref<128x32xf32, #tpu.memory_space<vmem>>) target(%dma_start3A_386 : memref<10240x32xf32, #tpu.memory_space<vmem_shared>>) offsets(%dma_start3A_383 : memref<128xi32, #tpu.memory_space<vmem>>) semaphore(%arg24 : memref<!tpu.dma_semaphore, #tpu.memory_space<semaphore_mem>>) {add = true}
      %add3A_387 = arith.constant 2 : i32
      %add3A_388 = arith.addi %mul3A_346, %add3A_387 : i32
      %dma_wait3A_389 = arith.constant 0 : i32
      %dma_wait3A_390 = tpu.memref_slice %arg10[%add3A_388, %dma_wait3A_389] : memref<160x128xi32, #tpu.memory_space<vmem>> -> memref<1x128xi32, #tpu.memory_space<vmem>>
      %dma_wait3A_391 = tpu.memref_squeeze %dma_wait3A_390 : memref<1x128xi32, #tpu.memory_space<vmem>> -> memref<128xi32, #tpu.memory_space<vmem>>
      %dma_wait3A_392 = arith.constant 0 : i32
      %dma_wait3A_393 = arith.constant 0 : i32
      %dma_wait3A_394 = tpu.memref_slice %arg2[%add3A_171, %dma_wait3A_392, %dma_wait3A_393] : memref<4x10240x32xf32, #tpu.memory_space<hbm>> -> memref<1x10240x32xf32, #tpu.memory_space<hbm>>
      %dma_wait3A_395 = tpu.memref_squeeze %dma_wait3A_394 : memref<1x10240x32xf32, #tpu.memory_space<hbm>> -> memref<10240x32xf32, #tpu.memory_space<hbm>>
      %dma_wait3A_396 = arith.constant 0 : i32
      %dma_wait3A_397 = arith.constant 0 : i32
      %dma_wait3A_398 = tpu.memref_slice %dma_wait3A_395[%dma_wait3A_396, %dma_wait3A_397] : memref<10240x32xf32, #tpu.memory_space<hbm>> -> memref<10240x32xf32, #tpu.memory_space<hbm>>
      tpu.wait_indirect_dma semaphore(%arg21 : memref<!tpu.dma_semaphore, #tpu.memory_space<semaphore_mem>>) src(%dma_wait3A_398 : memref<10240x32xf32, #tpu.memory_space<hbm>>) dst(%arg14 : memref<128x32xf32, #tpu.memory_space<vmem>>)
      %add3A_399 = arith.constant 2 : i32
      %add3A_400 = arith.addi %mul3A_346, %add3A_399 : i32
      %dma_start3A_401 = arith.constant 0 : i32
      %dma_start3A_402 = tpu.memref_slice %arg11[%add3A_400, %dma_start3A_401] : memref<160x128xi32, #tpu.memory_space<vmem>> -> memref<1x128xi32, #tpu.memory_space<vmem>>
      %dma_start3A_403 = tpu.memref_squeeze %dma_start3A_402 : memref<1x128xi32, #tpu.memory_space<vmem>> -> memref<128xi32, #tpu.memory_space<vmem>>
      %dma_start3A_404 = arith.constant 0 : i32
      %dma_start3A_405 = arith.constant 0 : i32
      %dma_start3A_406 = tpu.memref_slice %arg27[%dma_start3A_404, %dma_start3A_405] : memref<10240x32xf32, #tpu.memory_space<vmem_shared>> -> memref<10240x32xf32, #tpu.memory_space<vmem_shared>>
      tpu.enqueue_indirect_dma source(%arg14 : memref<128x32xf32, #tpu.memory_space<vmem>>) target(%dma_start3A_406 : memref<10240x32xf32, #tpu.memory_space<vmem_shared>>) offsets(%dma_start3A_403 : memref<128xi32, #tpu.memory_space<vmem>>) semaphore(%arg25 : memref<!tpu.dma_semaphore, #tpu.memory_space<semaphore_mem>>) {add = true}
      %add3A_407 = arith.constant 3 : i32
      %add3A_408 = arith.addi %mul3A_346, %add3A_407 : i32
      %dma_wait3A_409 = arith.constant 0 : i32
      %dma_wait3A_410 = tpu.memref_slice %arg10[%add3A_408, %dma_wait3A_409] : memref<160x128xi32, #tpu.memory_space<vmem>> -> memref<1x128xi32, #tpu.memory_space<vmem>>
      %dma_wait3A_411 = tpu.memref_squeeze %dma_wait3A_410 : memref<1x128xi32, #tpu.memory_space<vmem>> -> memref<128xi32, #tpu.memory_space<vmem>>
      %dma_wait3A_412 = arith.constant 0 : i32
      %dma_wait3A_413 = arith.constant 0 : i32
      %dma_wait3A_414 = tpu.memref_slice %arg2[%add3A_171, %dma_wait3A_412, %dma_wait3A_413] : memref<4x10240x32xf32, #tpu.memory_space<hbm>> -> memref<1x10240x32xf32, #tpu.memory_space<hbm>>
      %dma_wait3A_415 = tpu.memref_squeeze %dma_wait3A_414 : memref<1x10240x32xf32, #tpu.memory_space<hbm>> -> memref<10240x32xf32, #tpu.memory_space<hbm>>
      %dma_wait3A_416 = arith.constant 0 : i32
      %dma_wait3A_417 = arith.constant 0 : i32
      %dma_wait3A_418 = tpu.memref_slice %dma_wait3A_415[%dma_wait3A_416, %dma_wait3A_417] : memref<10240x32xf32, #tpu.memory_space<hbm>> -> memref<10240x32xf32, #tpu.memory_space<hbm>>
      tpu.wait_indirect_dma semaphore(%arg22 : memref<!tpu.dma_semaphore, #tpu.memory_space<semaphore_mem>>) src(%dma_wait3A_418 : memref<10240x32xf32, #tpu.memory_space<hbm>>) dst(%arg15 : memref<128x32xf32, #tpu.memory_space<vmem>>)
      %add3A_419 = arith.constant 3 : i32
      %add3A_420 = arith.addi %mul3A_346, %add3A_419 : i32
      %dma_start3A_421 = arith.constant 0 : i32
      %dma_start3A_422 = tpu.memref_slice %arg11[%add3A_420, %dma_start3A_421] : memref<160x128xi32, #tpu.memory_space<vmem>> -> memref<1x128xi32, #tpu.memory_space<vmem>>
      %dma_start3A_423 = tpu.memref_squeeze %dma_start3A_422 : memref<1x128xi32, #tpu.memory_space<vmem>> -> memref<128xi32, #tpu.memory_space<vmem>>
      %dma_start3A_424 = arith.constant 0 : i32
      %dma_start3A_425 = arith.constant 0 : i32
      %dma_start3A_426 = tpu.memref_slice %arg27[%dma_start3A_424, %dma_start3A_425] : memref<10240x32xf32, #tpu.memory_space<vmem_shared>> -> memref<10240x32xf32, #tpu.memory_space<vmem_shared>>
      tpu.enqueue_indirect_dma source(%arg15 : memref<128x32xf32, #tpu.memory_space<vmem>>) target(%dma_start3A_426 : memref<10240x32xf32, #tpu.memory_space<vmem_shared>>) offsets(%dma_start3A_423 : memref<128xi32, #tpu.memory_space<vmem>>) semaphore(%arg26 : memref<!tpu.dma_semaphore, #tpu.memory_space<semaphore_mem>>) {add = true}
      %add3A_427 = arith.constant 4 : i32
      %add3A_428 = arith.addi %mul3A_346, %add3A_427 : i32
      %add3A_429 = arith.constant 0 : i32
      %add3A_430 = arith.addi %add3A_428, %add3A_429 : i32
      %lt3A = arith.constant 160 : i32
      %lt3A_431 = arith.cmpi slt, %add3A_430, %lt3A : i32
      %convert_element_type3A = arith.extui %lt3A_431 : i1 to i32
      %cond3A = arith.constant 0 : i32
      %cond3A_432 = arith.cmpi ne, %convert_element_type3A, %cond3A : i32
      scf.if %cond3A_432 {
        %add3A_460 = arith.constant 0 : i32
        %add3A_461 = arith.addi %mul3A_346, %add3A_460 : i32
        %dma_wait3A_462 = arith.constant 0 : i32
        %dma_wait3A_463 = tpu.memref_slice %arg11[%add3A_461, %dma_wait3A_462] : memref<160x128xi32, #tpu.memory_space<vmem>> -> memref<1x128xi32, #tpu.memory_space<vmem>>
        %dma_wait3A_464 = tpu.memref_squeeze %dma_wait3A_463 : memref<1x128xi32, #tpu.memory_space<vmem>> -> memref<128xi32, #tpu.memory_space<vmem>>
        %dma_wait3A_465 = arith.constant 0 : i32
        %dma_wait3A_466 = arith.constant 0 : i32
        %dma_wait3A_467 = tpu.memref_slice %arg27[%dma_wait3A_465, %dma_wait3A_466] : memref<10240x32xf32, #tpu.memory_space<vmem_shared>> -> memref<10240x32xf32, #tpu.memory_space<vmem_shared>>
        tpu.wait_indirect_dma semaphore(%arg23 : memref<!tpu.dma_semaphore, #tpu.memory_space<semaphore_mem>>) src(%arg12 : memref<128x32xf32, #tpu.memory_space<vmem>>) dst(%dma_wait3A_467 : memref<10240x32xf32, #tpu.memory_space<vmem_shared>>)
        %dma_start3A_468 = arith.constant 0 : i32
        %dma_start3A_469 = tpu.memref_slice %arg10[%add3A_430, %dma_start3A_468] : memref<160x128xi32, #tpu.memory_space<vmem>> -> memref<1x128xi32, #tpu.memory_space<vmem>>
        %dma_start3A_470 = tpu.memref_squeeze %dma_start3A_469 : memref<1x128xi32, #tpu.memory_space<vmem>> -> memref<128xi32, #tpu.memory_space<vmem>>
        %dma_start3A_471 = arith.constant 0 : i32
        %dma_start3A_472 = arith.constant 0 : i32
        %dma_start3A_473 = tpu.memref_slice %arg2[%add3A_171, %dma_start3A_471, %dma_start3A_472] : memref<4x10240x32xf32, #tpu.memory_space<hbm>> -> memref<1x10240x32xf32, #tpu.memory_space<hbm>>
        %dma_start3A_474 = tpu.memref_squeeze %dma_start3A_473 : memref<1x10240x32xf32, #tpu.memory_space<hbm>> -> memref<10240x32xf32, #tpu.memory_space<hbm>>
        %dma_start3A_475 = arith.constant 0 : i32
        %dma_start3A_476 = arith.constant 0 : i32
        %dma_start3A_477 = tpu.memref_slice %dma_start3A_474[%dma_start3A_475, %dma_start3A_476] : memref<10240x32xf32, #tpu.memory_space<hbm>> -> memref<10240x32xf32, #tpu.memory_space<hbm>>
        tpu.enqueue_indirect_dma source(%dma_start3A_477 : memref<10240x32xf32, #tpu.memory_space<hbm>>) target(%arg12 : memref<128x32xf32, #tpu.memory_space<vmem>>) offsets(%dma_start3A_470 : memref<128xi32, #tpu.memory_space<vmem>>) semaphore(%arg19 : memref<!tpu.dma_semaphore, #tpu.memory_space<semaphore_mem>>)
      } else {
      }
      %add3A_433 = arith.constant 4 : i32
      %add3A_434 = arith.addi %mul3A_346, %add3A_433 : i32
      %add3A_435 = arith.constant 1 : i32
      %add3A_436 = arith.addi %add3A_434, %add3A_435 : i32
      %lt3A_437 = arith.constant 160 : i32
      %lt3A_438 = arith.cmpi slt, %add3A_436, %lt3A_437 : i32
      %convert_element_type3A_439 = arith.extui %lt3A_438 : i1 to i32
      %cond3A_440 = arith.constant 0 : i32
      %cond3A_441 = arith.cmpi ne, %convert_element_type3A_439, %cond3A_440 : i32
      scf.if %cond3A_441 {
        %add3A_460 = arith.constant 1 : i32
        %add3A_461 = arith.addi %mul3A_346, %add3A_460 : i32
        %dma_wait3A_462 = arith.constant 0 : i32
        %dma_wait3A_463 = tpu.memref_slice %arg11[%add3A_461, %dma_wait3A_462] : memref<160x128xi32, #tpu.memory_space<vmem>> -> memref<1x128xi32, #tpu.memory_space<vmem>>
        %dma_wait3A_464 = tpu.memref_squeeze %dma_wait3A_463 : memref<1x128xi32, #tpu.memory_space<vmem>> -> memref<128xi32, #tpu.memory_space<vmem>>
        %dma_wait3A_465 = arith.constant 0 : i32
        %dma_wait3A_466 = arith.constant 0 : i32
        %dma_wait3A_467 = tpu.memref_slice %arg27[%dma_wait3A_465, %dma_wait3A_466] : memref<10240x32xf32, #tpu.memory_space<vmem_shared>> -> memref<10240x32xf32, #tpu.memory_space<vmem_shared>>
        tpu.wait_indirect_dma semaphore(%arg24 : memref<!tpu.dma_semaphore, #tpu.memory_space<semaphore_mem>>) src(%arg13 : memref<128x32xf32, #tpu.memory_space<vmem>>) dst(%dma_wait3A_467 : memref<10240x32xf32, #tpu.memory_space<vmem_shared>>)
        %dma_start3A_468 = arith.constant 0 : i32
        %dma_start3A_469 = tpu.memref_slice %arg10[%add3A_436, %dma_start3A_468] : memref<160x128xi32, #tpu.memory_space<vmem>> -> memref<1x128xi32, #tpu.memory_space<vmem>>
        %dma_start3A_470 = tpu.memref_squeeze %dma_start3A_469 : memref<1x128xi32, #tpu.memory_space<vmem>> -> memref<128xi32, #tpu.memory_space<vmem>>
        %dma_start3A_471 = arith.constant 0 : i32
        %dma_start3A_472 = arith.constant 0 : i32
        %dma_start3A_473 = tpu.memref_slice %arg2[%add3A_171, %dma_start3A_471, %dma_start3A_472] : memref<4x10240x32xf32, #tpu.memory_space<hbm>> -> memref<1x10240x32xf32, #tpu.memory_space<hbm>>
        %dma_start3A_474 = tpu.memref_squeeze %dma_start3A_473 : memref<1x10240x32xf32, #tpu.memory_space<hbm>> -> memref<10240x32xf32, #tpu.memory_space<hbm>>
        %dma_start3A_475 = arith.constant 0 : i32
        %dma_start3A_476 = arith.constant 0 : i32
        %dma_start3A_477 = tpu.memref_slice %dma_start3A_474[%dma_start3A_475, %dma_start3A_476] : memref<10240x32xf32, #tpu.memory_space<hbm>> -> memref<10240x32xf32, #tpu.memory_space<hbm>>
        tpu.enqueue_indirect_dma source(%dma_start3A_477 : memref<10240x32xf32, #tpu.memory_space<hbm>>) target(%arg13 : memref<128x32xf32, #tpu.memory_space<vmem>>) offsets(%dma_start3A_470 : memref<128xi32, #tpu.memory_space<vmem>>) semaphore(%arg20 : memref<!tpu.dma_semaphore, #tpu.memory_space<semaphore_mem>>)
      } else {
      }
      %add3A_442 = arith.constant 4 : i32
      %add3A_443 = arith.addi %mul3A_346, %add3A_442 : i32
      %add3A_444 = arith.constant 2 : i32
      %add3A_445 = arith.addi %add3A_443, %add3A_444 : i32
      %lt3A_446 = arith.constant 160 : i32
      %lt3A_447 = arith.cmpi slt, %add3A_445, %lt3A_446 : i32
      %convert_element_type3A_448 = arith.extui %lt3A_447 : i1 to i32
      %cond3A_449 = arith.constant 0 : i32
      %cond3A_450 = arith.cmpi ne, %convert_element_type3A_448, %cond3A_449 : i32
      scf.if %cond3A_450 {
        %add3A_460 = arith.constant 2 : i32
        %add3A_461 = arith.addi %mul3A_346, %add3A_460 : i32
        %dma_wait3A_462 = arith.constant 0 : i32
        %dma_wait3A_463 = tpu.memref_slice %arg11[%add3A_461, %dma_wait3A_462] : memref<160x128xi32, #tpu.memory_space<vmem>> -> memref<1x128xi32, #tpu.memory_space<vmem>>
        %dma_wait3A_464 = tpu.memref_squeeze %dma_wait3A_463 : memref<1x128xi32, #tpu.memory_space<vmem>> -> memref<128xi32, #tpu.memory_space<vmem>>
        %dma_wait3A_465 = arith.constant 0 : i32
        %dma_wait3A_466 = arith.constant 0 : i32
        %dma_wait3A_467 = tpu.memref_slice %arg27[%dma_wait3A_465, %dma_wait3A_466] : memref<10240x32xf32, #tpu.memory_space<vmem_shared>> -> memref<10240x32xf32, #tpu.memory_space<vmem_shared>>
        tpu.wait_indirect_dma semaphore(%arg25 : memref<!tpu.dma_semaphore, #tpu.memory_space<semaphore_mem>>) src(%arg14 : memref<128x32xf32, #tpu.memory_space<vmem>>) dst(%dma_wait3A_467 : memref<10240x32xf32, #tpu.memory_space<vmem_shared>>)
        %dma_start3A_468 = arith.constant 0 : i32
        %dma_start3A_469 = tpu.memref_slice %arg10[%add3A_445, %dma_start3A_468] : memref<160x128xi32, #tpu.memory_space<vmem>> -> memref<1x128xi32, #tpu.memory_space<vmem>>
        %dma_start3A_470 = tpu.memref_squeeze %dma_start3A_469 : memref<1x128xi32, #tpu.memory_space<vmem>> -> memref<128xi32, #tpu.memory_space<vmem>>
        %dma_start3A_471 = arith.constant 0 : i32
        %dma_start3A_472 = arith.constant 0 : i32
        %dma_start3A_473 = tpu.memref_slice %arg2[%add3A_171, %dma_start3A_471, %dma_start3A_472] : memref<4x10240x32xf32, #tpu.memory_space<hbm>> -> memref<1x10240x32xf32, #tpu.memory_space<hbm>>
        %dma_start3A_474 = tpu.memref_squeeze %dma_start3A_473 : memref<1x10240x32xf32, #tpu.memory_space<hbm>> -> memref<10240x32xf32, #tpu.memory_space<hbm>>
        %dma_start3A_475 = arith.constant 0 : i32
        %dma_start3A_476 = arith.constant 0 : i32
        %dma_start3A_477 = tpu.memref_slice %dma_start3A_474[%dma_start3A_475, %dma_start3A_476] : memref<10240x32xf32, #tpu.memory_space<hbm>> -> memref<10240x32xf32, #tpu.memory_space<hbm>>
        tpu.enqueue_indirect_dma source(%dma_start3A_477 : memref<10240x32xf32, #tpu.memory_space<hbm>>) target(%arg14 : memref<128x32xf32, #tpu.memory_space<vmem>>) offsets(%dma_start3A_470 : memref<128xi32, #tpu.memory_space<vmem>>) semaphore(%arg21 : memref<!tpu.dma_semaphore, #tpu.memory_space<semaphore_mem>>)
      } else {
      }
      %add3A_451 = arith.constant 4 : i32
      %add3A_452 = arith.addi %mul3A_346, %add3A_451 : i32
      %add3A_453 = arith.constant 3 : i32
      %add3A_454 = arith.addi %add3A_452, %add3A_453 : i32
      %lt3A_455 = arith.constant 160 : i32
      %lt3A_456 = arith.cmpi slt, %add3A_454, %lt3A_455 : i32
      %convert_element_type3A_457 = arith.extui %lt3A_456 : i1 to i32
      %cond3A_458 = arith.constant 0 : i32
      %cond3A_459 = arith.cmpi ne, %convert_element_type3A_457, %cond3A_458 : i32
      scf.if %cond3A_459 {
        %add3A_460 = arith.constant 3 : i32
        %add3A_461 = arith.addi %mul3A_346, %add3A_460 : i32
        %dma_wait3A_462 = arith.constant 0 : i32
        %dma_wait3A_463 = tpu.memref_slice %arg11[%add3A_461, %dma_wait3A_462] : memref<160x128xi32, #tpu.memory_space<vmem>> -> memref<1x128xi32, #tpu.memory_space<vmem>>
        %dma_wait3A_464 = tpu.memref_squeeze %dma_wait3A_463 : memref<1x128xi32, #tpu.memory_space<vmem>> -> memref<128xi32, #tpu.memory_space<vmem>>
        %dma_wait3A_465 = arith.constant 0 : i32
        %dma_wait3A_466 = arith.constant 0 : i32
        %dma_wait3A_467 = tpu.memref_slice %arg27[%dma_wait3A_465, %dma_wait3A_466] : memref<10240x32xf32, #tpu.memory_space<vmem_shared>> -> memref<10240x32xf32, #tpu.memory_space<vmem_shared>>
        tpu.wait_indirect_dma semaphore(%arg26 : memref<!tpu.dma_semaphore, #tpu.memory_space<semaphore_mem>>) src(%arg15 : memref<128x32xf32, #tpu.memory_space<vmem>>) dst(%dma_wait3A_467 : memref<10240x32xf32, #tpu.memory_space<vmem_shared>>)
        %dma_start3A_468 = arith.constant 0 : i32
        %dma_start3A_469 = tpu.memref_slice %arg10[%add3A_454, %dma_start3A_468] : memref<160x128xi32, #tpu.memory_space<vmem>> -> memref<1x128xi32, #tpu.memory_space<vmem>>
        %dma_start3A_470 = tpu.memref_squeeze %dma_start3A_469 : memref<1x128xi32, #tpu.memory_space<vmem>> -> memref<128xi32, #tpu.memory_space<vmem>>
        %dma_start3A_471 = arith.constant 0 : i32
        %dma_start3A_472 = arith.constant 0 : i32
        %dma_start3A_473 = tpu.memref_slice %arg2[%add3A_171, %dma_start3A_471, %dma_start3A_472] : memref<4x10240x32xf32, #tpu.memory_space<hbm>> -> memref<1x10240x32xf32, #tpu.memory_space<hbm>>
        %dma_start3A_474 = tpu.memref_squeeze %dma_start3A_473 : memref<1x10240x32xf32, #tpu.memory_space<hbm>> -> memref<10240x32xf32, #tpu.memory_space<hbm>>
        %dma_start3A_475 = arith.constant 0 : i32
        %dma_start3A_476 = arith.constant 0 : i32
        %dma_start3A_477 = tpu.memref_slice %dma_start3A_474[%dma_start3A_475, %dma_start3A_476] : memref<10240x32xf32, #tpu.memory_space<hbm>> -> memref<10240x32xf32, #tpu.memory_space<hbm>>
        tpu.enqueue_indirect_dma source(%dma_start3A_477 : memref<10240x32xf32, #tpu.memory_space<hbm>>) target(%arg15 : memref<128x32xf32, #tpu.memory_space<vmem>>) offsets(%dma_start3A_470 : memref<128xi32, #tpu.memory_space<vmem>>) semaphore(%arg22 : memref<!tpu.dma_semaphore, #tpu.memory_space<semaphore_mem>>)
      } else {
      }
    }
    %scan3A_221 = arith.constant 40 : i32
    %dma_wait3A_222 = arith.constant 156 : i32
    %dma_wait3A_223 = arith.constant 0 : i32
    %dma_wait3A_224 = tpu.memref_slice %arg11[%dma_wait3A_222, %dma_wait3A_223] : memref<160x128xi32, #tpu.memory_space<vmem>> -> memref<1x128xi32, #tpu.memory_space<vmem>>
    %dma_wait3A_225 = tpu.memref_squeeze %dma_wait3A_224 : memref<1x128xi32, #tpu.memory_space<vmem>> -> memref<128xi32, #tpu.memory_space<vmem>>
    %dma_wait3A_226 = arith.constant 0 : i32
    %dma_wait3A_227 = arith.constant 0 : i32
    %dma_wait3A_228 = tpu.memref_slice %arg27[%dma_wait3A_226, %dma_wait3A_227] : memref<10240x32xf32, #tpu.memory_space<vmem_shared>> -> memref<10240x32xf32, #tpu.memory_space<vmem_shared>>
    tpu.wait_indirect_dma semaphore(%arg23 : memref<!tpu.dma_semaphore, #tpu.memory_space<semaphore_mem>>) src(%arg12 : memref<128x32xf32, #tpu.memory_space<vmem>>) dst(%dma_wait3A_228 : memref<10240x32xf32, #tpu.memory_space<vmem_shared>>)
    %dma_wait3A_229 = arith.constant 157 : i32
    %dma_wait3A_230 = arith.constant 0 : i32
    %dma_wait3A_231 = tpu.memref_slice %arg11[%dma_wait3A_229, %dma_wait3A_230] : memref<160x128xi32, #tpu.memory_space<vmem>> -> memref<1x128xi32, #tpu.memory_space<vmem>>
    %dma_wait3A_232 = tpu.memref_squeeze %dma_wait3A_231 : memref<1x128xi32, #tpu.memory_space<vmem>> -> memref<128xi32, #tpu.memory_space<vmem>>
    %dma_wait3A_233 = arith.constant 0 : i32
    %dma_wait3A_234 = arith.constant 0 : i32
    %dma_wait3A_235 = tpu.memref_slice %arg27[%dma_wait3A_233, %dma_wait3A_234] : memref<10240x32xf32, #tpu.memory_space<vmem_shared>> -> memref<10240x32xf32, #tpu.memory_space<vmem_shared>>
    tpu.wait_indirect_dma semaphore(%arg24 : memref<!tpu.dma_semaphore, #tpu.memory_space<semaphore_mem>>) src(%arg13 : memref<128x32xf32, #tpu.memory_space<vmem>>) dst(%dma_wait3A_235 : memref<10240x32xf32, #tpu.memory_space<vmem_shared>>)
    %dma_wait3A_236 = arith.constant 158 : i32
    %dma_wait3A_237 = arith.constant 0 : i32
    %dma_wait3A_238 = tpu.memref_slice %arg11[%dma_wait3A_236, %dma_wait3A_237] : memref<160x128xi32, #tpu.memory_space<vmem>> -> memref<1x128xi32, #tpu.memory_space<vmem>>
    %dma_wait3A_239 = tpu.memref_squeeze %dma_wait3A_238 : memref<1x128xi32, #tpu.memory_space<vmem>> -> memref<128xi32, #tpu.memory_space<vmem>>
    %dma_wait3A_240 = arith.constant 0 : i32
    %dma_wait3A_241 = arith.constant 0 : i32
    %dma_wait3A_242 = tpu.memref_slice %arg27[%dma_wait3A_240, %dma_wait3A_241] : memref<10240x32xf32, #tpu.memory_space<vmem_shared>> -> memref<10240x32xf32, #tpu.memory_space<vmem_shared>>
    tpu.wait_indirect_dma semaphore(%arg25 : memref<!tpu.dma_semaphore, #tpu.memory_space<semaphore_mem>>) src(%arg14 : memref<128x32xf32, #tpu.memory_space<vmem>>) dst(%dma_wait3A_242 : memref<10240x32xf32, #tpu.memory_space<vmem_shared>>)
    %dma_wait3A_243 = arith.constant 159 : i32
    %dma_wait3A_244 = arith.constant 0 : i32
    %dma_wait3A_245 = tpu.memref_slice %arg11[%dma_wait3A_243, %dma_wait3A_244] : memref<160x128xi32, #tpu.memory_space<vmem>> -> memref<1x128xi32, #tpu.memory_space<vmem>>
    %dma_wait3A_246 = tpu.memref_squeeze %dma_wait3A_245 : memref<1x128xi32, #tpu.memory_space<vmem>> -> memref<128xi32, #tpu.memory_space<vmem>>
    %dma_wait3A_247 = arith.constant 0 : i32
    %dma_wait3A_248 = arith.constant 0 : i32
    %dma_wait3A_249 = tpu.memref_slice %arg27[%dma_wait3A_247, %dma_wait3A_248] : memref<10240x32xf32, #tpu.memory_space<vmem_shared>> -> memref<10240x32xf32, #tpu.memory_space<vmem_shared>>
    tpu.wait_indirect_dma semaphore(%arg26 : memref<!tpu.dma_semaphore, #tpu.memory_space<semaphore_mem>>) src(%arg15 : memref<128x32xf32, #tpu.memory_space<vmem>>) dst(%dma_wait3A_249 : memref<10240x32xf32, #tpu.memory_space<vmem_shared>>)
    %barrier3A_250 = arith.constant 0 : index
    tpu.barrier barrier_id(%barrier3A_250)
    "tpu.region"() ({
      %run_scoped3A = tpu.sem_alloc : memref<!tpu.dma_semaphore, #tpu.memory_space<semaphore_mem>>
      %dma_start3A_340 = arith.constant 0 : i32
      %dma_start3A_341 = tpu.memref_slice %arg27[%mul3A_0, %dma_start3A_340] : memref<10240x32xf32, #tpu.memory_space<vmem_shared>> -> memref<640x32xf32, #tpu.memory_space<vmem_shared>>
      %dma_start3A_342 = arith.constant 0 : i32
      %dma_start3A_343 = tpu.memref_slice %arg27[%mul3A_0, %dma_start3A_342] : memref<10240x32xf32, #tpu.memory_space<vmem_shared>> -> memref<640x32xf32, #tpu.memory_space<vmem_shared>>
      tpu.enqueue_dma source(%dma_start3A_343 : memref<640x32xf32, #tpu.memory_space<vmem_shared>>) target(%arg16 : memref<640x32xf32, #tpu.memory_space<vmem>>) target_semaphore(%run_scoped3A : memref<!tpu.dma_semaphore, #tpu.memory_space<semaphore_mem>>)
      %dma_wait3A_344 = arith.constant 0 : i32
      %dma_wait3A_345 = tpu.memref_slice %arg27[%mul3A_0, %dma_wait3A_344] : memref<10240x32xf32, #tpu.memory_space<vmem_shared>> -> memref<640x32xf32, #tpu.memory_space<vmem_shared>>
      %dma_wait3A_346 = arith.constant 0 : i32
      %dma_wait3A_347 = tpu.memref_slice %arg27[%mul3A_0, %dma_wait3A_346] : memref<10240x32xf32, #tpu.memory_space<vmem_shared>> -> memref<640x32xf32, #tpu.memory_space<vmem_shared>>
      tpu.wait_dma2 semaphore(%run_scoped3A : memref<!tpu.dma_semaphore, #tpu.memory_space<semaphore_mem>>) src(%dma_wait3A_347 : memref<640x32xf32, #tpu.memory_space<vmem_shared>>) dst(%arg16 : memref<640x32xf32, #tpu.memory_space<vmem>>)
      tpu.yield
    }) : () -> ()
    %scan3A_251 = arith.constant 0 : i32
    %scan3A_252 = arith.constant 640 : i32
    %scan3A_253 = arith.addi %scan3A_251, %scan3A_252 : i32
    %scan3A_254 = arith.constant 1 : i32
    scf.for %scan3A_340 = %scan3A_251 to %scan3A_253 step %scan3A_254  : i32 {
      %mul3A_341 = arith.constant 1 : i32
      %mul3A_342 = arith.muli %scan3A_340, %mul3A_341 : i32
      %add3A_343 = arith.constant 0 : i32
      %add3A_344 = arith.addi %add3A_343, %mul3A_342 : i32
      %get3A = arith.index_cast %add3A_344 : i32 to index
      %get3A_345 = arith.constant 0 : index
      %get3A_346 = tpu.vector_load %arg17[%get3A, %get3A_345] {strides = array<i32>} : memref<640x16xf32, #tpu.memory_space<vmem>>, vector<1x16xf32>,
      %get3A_347 = vector.shape_cast %get3A_346 : vector<1x16xf32> to vector<16xf32>
      %get3A_348 = arith.index_cast %add3A_344 : i32 to index
      %get3A_349 = arith.constant 0 : index
      %get3A_350 = tpu.vector_load %arg16[%get3A_348, %get3A_349] {strides = array<i32>} : memref<640x32xf32, #tpu.memory_space<vmem>>, vector<1x16xf32>,
      %get3A_351 = vector.shape_cast %get3A_350 : vector<1x16xf32> to vector<16xf32>
      %mul3A_352 = arith.mulf %get3A_351, %get3A_347 : vector<16xf32>
      %swap3A = arith.index_cast %add3A_344 : i32 to index
      %swap3A_353 = arith.constant 0 : index
      %swap3A_354 = tpu.vector_load %arg16[%swap3A, %swap3A_353] {strides = array<i32>} : memref<640x32xf32, #tpu.memory_space<vmem>>, vector<1x16xf32>,
      %swap3A_355 = vector.shape_cast %swap3A_354 : vector<1x16xf32> to vector<16xf32>
      %swap3A_356 = vector.shape_cast %mul3A_352 : vector<16xf32> to vector<1x16xf32>
      tpu.vector_store %arg16[%swap3A, %swap3A_353], %swap3A_356 {strides = array<i32>} : memref<640x32xf32, #tpu.memory_space<vmem>>, vector<1x16xf32>,
      %get3A_357 = arith.index_cast %add3A_344 : i32 to index
      %get3A_358 = arith.constant 16 : index
      %get3A_359 = tpu.vector_load %arg16[%get3A_357, %get3A_358] {strides = array<i32>} : memref<640x32xf32, #tpu.memory_space<vmem>>, vector<1x16xf32>,
      %get3A_360 = vector.shape_cast %get3A_359 : vector<1x16xf32> to vector<16xf32>
      %mul3A_361 = arith.mulf %get3A_360, %get3A_347 : vector<16xf32>
      %swap3A_362 = arith.index_cast %add3A_344 : i32 to index
      %swap3A_363 = arith.constant 16 : index
      %swap3A_364 = tpu.vector_load %arg16[%swap3A_362, %swap3A_363] {strides = array<i32>} : memref<640x32xf32, #tpu.memory_space<vmem>>, vector<1x16xf32>,
      %swap3A_365 = vector.shape_cast %swap3A_364 : vector<1x16xf32> to vector<16xf32>
      %swap3A_366 = vector.shape_cast %mul3A_361 : vector<16xf32> to vector<1x16xf32>
      tpu.vector_store %arg16[%swap3A_362, %swap3A_363], %swap3A_366 {strides = array<i32>} : memref<640x32xf32, #tpu.memory_space<vmem>>, vector<1x16xf32>,
    }
    %scan3A_255 = arith.constant 640 : i32
    "tpu.region"() ({
      %run_scoped3A = tpu.sem_alloc : memref<!tpu.dma_semaphore, #tpu.memory_space<semaphore_mem>>
      %dma_start3A_340 = arith.constant 0 : i32
      %dma_start3A_341 = tpu.memref_slice %arg9[%add3A_171, %mul3A_0, %dma_start3A_340] : memref<4x10240x32xf32, #tpu.memory_space<hbm>> -> memref<1x640x32xf32, #tpu.memory_space<hbm>>
      %dma_start3A_342 = tpu.memref_squeeze %dma_start3A_341 : memref<1x640x32xf32, #tpu.memory_space<hbm>> -> memref<640x32xf32, #tpu.memory_space<hbm>>
      %dma_start3A_343 = arith.constant 0 : i32
      %dma_start3A_344 = tpu.memref_slice %arg9[%add3A_171, %mul3A_0, %dma_start3A_343] : memref<4x10240x32xf32, #tpu.memory_space<hbm>> -> memref<1x640x32xf32, #tpu.memory_space<hbm>>
      %dma_start3A_345 = tpu.memref_squeeze %dma_start3A_344 : memref<1x640x32xf32, #tpu.memory_space<hbm>> -> memref<640x32xf32, #tpu.memory_space<hbm>>
      tpu.enqueue_dma source(%arg16 : memref<640x32xf32, #tpu.memory_space<vmem>>) target(%dma_start3A_345 : memref<640x32xf32, #tpu.memory_space<hbm>>) target_semaphore(%run_scoped3A : memref<!tpu.dma_semaphore, #tpu.memory_space<semaphore_mem>>)
      %dma_wait3A_346 = arith.constant 0 : i32
      %dma_wait3A_347 = tpu.memref_slice %arg9[%add3A_171, %mul3A_0, %dma_wait3A_346] : memref<4x10240x32xf32, #tpu.memory_space<hbm>> -> memref<1x640x32xf32, #tpu.memory_space<hbm>>
      %dma_wait3A_348 = tpu.memref_squeeze %dma_wait3A_347 : memref<1x640x32xf32, #tpu.memory_space<hbm>> -> memref<640x32xf32, #tpu.memory_space<hbm>>
      %dma_wait3A_349 = arith.constant 0 : i32
      %dma_wait3A_350 = tpu.memref_slice %arg9[%add3A_171, %mul3A_0, %dma_wait3A_349] : memref<4x10240x32xf32, #tpu.memory_space<hbm>> -> memref<1x640x32xf32, #tpu.memory_space<hbm>>
      %dma_wait3A_351 = tpu.memref_squeeze %dma_wait3A_350 : memref<1x640x32xf32, #tpu.memory_space<hbm>> -> memref<640x32xf32, #tpu.memory_space<hbm>>
      tpu.wait_dma2 semaphore(%run_scoped3A : memref<!tpu.dma_semaphore, #tpu.memory_space<semaphore_mem>>) src(%arg16 : memref<640x32xf32, #tpu.memory_space<vmem>>) dst(%dma_wait3A_351 : memref<640x32xf32, #tpu.memory_space<hbm>>)
      tpu.yield
    }) : () -> ()
    "tpu.region"() ({
      %run_scoped3A = tpu.sem_alloc : memref<!tpu.dma_semaphore, #tpu.memory_space<semaphore_mem>>
      %dma_start3A_340 = arith.constant 0 : i32
      %dma_start3A_341 = tpu.memref_slice %arg27[%mul3A_0, %dma_start3A_340] : memref<10240x32xf32, #tpu.memory_space<vmem_shared>> -> memref<640x32xf32, #tpu.memory_space<vmem_shared>>
      tpu.enqueue_dma source(%arg5 : memref<640x32xf32, #tpu.memory_space<hbm>>) target(%dma_start3A_341 : memref<640x32xf32, #tpu.memory_space<vmem_shared>>) target_semaphore(%run_scoped3A : memref<!tpu.dma_semaphore, #tpu.memory_space<semaphore_mem>>)
      %dma_wait3A_342 = arith.constant 0 : i32
      %dma_wait3A_343 = tpu.memref_slice %arg27[%mul3A_0, %dma_wait3A_342] : memref<10240x32xf32, #tpu.memory_space<vmem_shared>> -> memref<640x32xf32, #tpu.memory_space<vmem_shared>>
      tpu.wait_dma2 semaphore(%run_scoped3A : memref<!tpu.dma_semaphore, #tpu.memory_space<semaphore_mem>>) src(%arg5 : memref<640x32xf32, #tpu.memory_space<hbm>>) dst(%dma_wait3A_343 : memref<640x32xf32, #tpu.memory_space<vmem_shared>>)
      tpu.yield
    }) : () -> ()
    %barrier3A_256 = arith.constant 0 : index
    tpu.barrier barrier_id(%barrier3A_256)
    %dma_start3A_257 = arith.constant 0 : i32
    %dma_start3A_258 = arith.constant 0 : i32
    %dma_start3A_259 = tpu.memref_slice %arg11[%dma_start3A_257, %dma_start3A_258] : memref<160x128xi32, #tpu.memory_space<vmem>> -> memref<1x128xi32, #tpu.memory_space<vmem>>
    %dma_start3A_260 = tpu.memref_squeeze %dma_start3A_259 : memref<1x128xi32, #tpu.memory_space<vmem>> -> memref<128xi32, #tpu.memory_space<vmem>>
    %dma_start3A_261 = arith.constant 0 : i32
    %dma_start3A_262 = arith.constant 0 : i32
    %dma_start3A_263 = tpu.memref_slice %arg9[%add3A_171, %dma_start3A_261, %dma_start3A_262] : memref<4x10240x32xf32, #tpu.memory_space<hbm>> -> memref<1x10240x32xf32, #tpu.memory_space<hbm>>
    %dma_start3A_264 = tpu.memref_squeeze %dma_start3A_263 : memref<1x10240x32xf32, #tpu.memory_space<hbm>> -> memref<10240x32xf32, #tpu.memory_space<hbm>>
    %dma_start3A_265 = arith.constant 0 : i32
    %dma_start3A_266 = arith.constant 0 : i32
    %dma_start3A_267 = tpu.memref_slice %dma_start3A_264[%dma_start3A_265, %dma_start3A_266] : memref<10240x32xf32, #tpu.memory_space<hbm>> -> memref<10240x32xf32, #tpu.memory_space<hbm>>
    tpu.enqueue_indirect_dma source(%dma_start3A_267 : memref<10240x32xf32, #tpu.memory_space<hbm>>) target(%arg12 : memref<128x32xf32, #tpu.memory_space<vmem>>) offsets(%dma_start3A_260 : memref<128xi32, #tpu.memory_space<vmem>>) semaphore(%arg19 : memref<!tpu.dma_semaphore, #tpu.memory_space<semaphore_mem>>)
    %dma_start3A_268 = arith.constant 1 : i32
    %dma_start3A_269 = arith.constant 0 : i32
    %dma_start3A_270 = tpu.memref_slice %arg11[%dma_start3A_268, %dma_start3A_269] : memref<160x128xi32, #tpu.memory_space<vmem>> -> memref<1x128xi32, #tpu.memory_space<vmem>>
    %dma_start3A_271 = tpu.memref_squeeze %dma_start3A_270 : memref<1x128xi32, #tpu.memory_space<vmem>> -> memref<128xi32, #tpu.memory_space<vmem>>
    %dma_start3A_272 = arith.constant 0 : i32
    %dma_start3A_273 = arith.constant 0 : i32
    %dma_start3A_274 = tpu.memref_slice %arg9[%add3A_171, %dma_start3A_272, %dma_start3A_273] : memref<4x10240x32xf32, #tpu.memory_space<hbm>> -> memref<1x10240x32xf32, #tpu.memory_space<hbm>>
    %dma_start3A_275 = tpu.memref_squeeze %dma_start3A_274 : memref<1x10240x32xf32, #tpu.memory_space<hbm>> -> memref<10240x32xf32, #tpu.memory_space<hbm>>
    %dma_start3A_276 = arith.constant 0 : i32
    %dma_start3A_277 = arith.constant 0 : i32
    %dma_start3A_278 = tpu.memref_slice %dma_start3A_275[%dma_start3A_276, %dma_start3A_277] : memref<10240x32xf32, #tpu.memory_space<hbm>> -> memref<10240x32xf32, #tpu.memory_space<hbm>>
    tpu.enqueue_indirect_dma source(%dma_start3A_278 : memref<10240x32xf32, #tpu.memory_space<hbm>>) target(%arg13 : memref<128x32xf32, #tpu.memory_space<vmem>>) offsets(%dma_start3A_271 : memref<128xi32, #tpu.memory_space<vmem>>) semaphore(%arg20 : memref<!tpu.dma_semaphore, #tpu.memory_space<semaphore_mem>>)
    %dma_start3A_279 = arith.constant 2 : i32
    %dma_start3A_280 = arith.constant 0 : i32
    %dma_start3A_281 = tpu.memref_slice %arg11[%dma_start3A_279, %dma_start3A_280] : memref<160x128xi32, #tpu.memory_space<vmem>> -> memref<1x128xi32, #tpu.memory_space<vmem>>
    %dma_start3A_282 = tpu.memref_squeeze %dma_start3A_281 : memref<1x128xi32, #tpu.memory_space<vmem>> -> memref<128xi32, #tpu.memory_space<vmem>>
    %dma_start3A_283 = arith.constant 0 : i32
    %dma_start3A_284 = arith.constant 0 : i32
    %dma_start3A_285 = tpu.memref_slice %arg9[%add3A_171, %dma_start3A_283, %dma_start3A_284] : memref<4x10240x32xf32, #tpu.memory_space<hbm>> -> memref<1x10240x32xf32, #tpu.memory_space<hbm>>
    %dma_start3A_286 = tpu.memref_squeeze %dma_start3A_285 : memref<1x10240x32xf32, #tpu.memory_space<hbm>> -> memref<10240x32xf32, #tpu.memory_space<hbm>>
    %dma_start3A_287 = arith.constant 0 : i32
    %dma_start3A_288 = arith.constant 0 : i32
    %dma_start3A_289 = tpu.memref_slice %dma_start3A_286[%dma_start3A_287, %dma_start3A_288] : memref<10240x32xf32, #tpu.memory_space<hbm>> -> memref<10240x32xf32, #tpu.memory_space<hbm>>
    tpu.enqueue_indirect_dma source(%dma_start3A_289 : memref<10240x32xf32, #tpu.memory_space<hbm>>) target(%arg14 : memref<128x32xf32, #tpu.memory_space<vmem>>) offsets(%dma_start3A_282 : memref<128xi32, #tpu.memory_space<vmem>>) semaphore(%arg21 : memref<!tpu.dma_semaphore, #tpu.memory_space<semaphore_mem>>)
    %dma_start3A_290 = arith.constant 3 : i32
    %dma_start3A_291 = arith.constant 0 : i32
    %dma_start3A_292 = tpu.memref_slice %arg11[%dma_start3A_290, %dma_start3A_291] : memref<160x128xi32, #tpu.memory_space<vmem>> -> memref<1x128xi32, #tpu.memory_space<vmem>>
    %dma_start3A_293 = tpu.memref_squeeze %dma_start3A_292 : memref<1x128xi32, #tpu.memory_space<vmem>> -> memref<128xi32, #tpu.memory_space<vmem>>
    %dma_start3A_294 = arith.constant 0 : i32
    %dma_start3A_295 = arith.constant 0 : i32
    %dma_start3A_296 = tpu.memref_slice %arg9[%add3A_171, %dma_start3A_294, %dma_start3A_295] : memref<4x10240x32xf32, #tpu.memory_space<hbm>> -> memref<1x10240x32xf32, #tpu.memory_space<hbm>>
    %dma_start3A_297 = tpu.memref_squeeze %dma_start3A_296 : memref<1x10240x32xf32, #tpu.memory_space<hbm>> -> memref<10240x32xf32, #tpu.memory_space<hbm>>
    %dma_start3A_298 = arith.constant 0 : i32
    %dma_start3A_299 = arith.constant 0 : i32
    %dma_start3A_300 = tpu.memref_slice %dma_start3A_297[%dma_start3A_298, %dma_start3A_299] : memref<10240x32xf32, #tpu.memory_space<hbm>> -> memref<10240x32xf32, #tpu.memory_space<hbm>>
    tpu.enqueue_indirect_dma source(%dma_start3A_300 : memref<10240x32xf32, #tpu.memory_space<hbm>>) target(%arg15 : memref<128x32xf32, #tpu.memory_space<vmem>>) offsets(%dma_start3A_293 : memref<128xi32, #tpu.memory_space<vmem>>) semaphore(%arg22 : memref<!tpu.dma_semaphore, #tpu.memory_space<semaphore_mem>>)
    %scan3A_301 = arith.constant 0 : i32
    %scan3A_302 = arith.constant 40 : i32
    %scan3A_303 = arith.addi %scan3A_301, %scan3A_302 : i32
    %scan3A_304 = arith.constant 1 : i32
    scf.for %scan3A_340 = %scan3A_301 to %scan3A_303 step %scan3A_304  : i32 {
      %mul3A_341 = arith.constant 1 : i32
      %mul3A_342 = arith.muli %scan3A_340, %mul3A_341 : i32
      %add3A_343 = arith.constant 0 : i32
      %add3A_344 = arith.addi %add3A_343, %mul3A_342 : i32
      %mul3A_345 = arith.constant 4 : i32
      %mul3A_346 = arith.muli %mul3A_345, %add3A_344 : i32
      %add3A_347 = arith.constant 0 : i32
      %add3A_348 = arith.addi %mul3A_346, %add3A_347 : i32
      %dma_wait3A_349 = arith.constant 0 : i32
      %dma_wait3A_350 = tpu.memref_slice %arg11[%add3A_348, %dma_wait3A_349] : memref<160x128xi32, #tpu.memory_space<vmem>> -> memref<1x128xi32, #tpu.memory_space<vmem>>
      %dma_wait3A_351 = tpu.memref_squeeze %dma_wait3A_350 : memref<1x128xi32, #tpu.memory_space<vmem>> -> memref<128xi32, #tpu.memory_space<vmem>>
      %dma_wait3A_352 = arith.constant 0 : i32
      %dma_wait3A_353 = arith.constant 0 : i32
      %dma_wait3A_354 = tpu.memref_slice %arg9[%add3A_171, %dma_wait3A_352, %dma_wait3A_353] : memref<4x10240x32xf32, #tpu.memory_space<hbm>> -> memref<1x10240x32xf32, #tpu.memory_space<hbm>>
      %dma_wait3A_355 = tpu.memref_squeeze %dma_wait3A_354 : memref<1x10240x32xf32, #tpu.memory_space<hbm>> -> memref<10240x32xf32, #tpu.memory_space<hbm>>
      %dma_wait3A_356 = arith.constant 0 : i32
      %dma_wait3A_357 = arith.constant 0 : i32
      %dma_wait3A_358 = tpu.memref_slice %dma_wait3A_355[%dma_wait3A_356, %dma_wait3A_357] : memref<10240x32xf32, #tpu.memory_space<hbm>> -> memref<10240x32xf32, #tpu.memory_space<hbm>>
      tpu.wait_indirect_dma semaphore(%arg19 : memref<!tpu.dma_semaphore, #tpu.memory_space<semaphore_mem>>) src(%dma_wait3A_358 : memref<10240x32xf32, #tpu.memory_space<hbm>>) dst(%arg12 : memref<128x32xf32, #tpu.memory_space<vmem>>)
      %add3A_359 = arith.constant 0 : i32
      %add3A_360 = arith.addi %mul3A_346, %add3A_359 : i32
      %dma_start3A_361 = arith.constant 0 : i32
      %dma_start3A_362 = tpu.memref_slice %arg10[%add3A_360, %dma_start3A_361] : memref<160x128xi32, #tpu.memory_space<vmem>> -> memref<1x128xi32, #tpu.memory_space<vmem>>
      %dma_start3A_363 = tpu.memref_squeeze %dma_start3A_362 : memref<1x128xi32, #tpu.memory_space<vmem>> -> memref<128xi32, #tpu.memory_space<vmem>>
      %dma_start3A_364 = arith.constant 0 : i32
      %dma_start3A_365 = arith.constant 0 : i32
      %dma_start3A_366 = tpu.memref_slice %arg27[%dma_start3A_364, %dma_start3A_365] : memref<10240x32xf32, #tpu.memory_space<vmem_shared>> -> memref<10240x32xf32, #tpu.memory_space<vmem_shared>>
      tpu.enqueue_indirect_dma source(%arg12 : memref<128x32xf32, #tpu.memory_space<vmem>>) target(%dma_start3A_366 : memref<10240x32xf32, #tpu.memory_space<vmem_shared>>) offsets(%dma_start3A_363 : memref<128xi32, #tpu.memory_space<vmem>>) semaphore(%arg23 : memref<!tpu.dma_semaphore, #tpu.memory_space<semaphore_mem>>) {add = true}
      %add3A_367 = arith.constant 1 : i32
      %add3A_368 = arith.addi %mul3A_346, %add3A_367 : i32
      %dma_wait3A_369 = arith.constant 0 : i32
      %dma_wait3A_370 = tpu.memref_slice %arg11[%add3A_368, %dma_wait3A_369] : memref<160x128xi32, #tpu.memory_space<vmem>> -> memref<1x128xi32, #tpu.memory_space<vmem>>
      %dma_wait3A_371 = tpu.memref_squeeze %dma_wait3A_370 : memref<1x128xi32, #tpu.memory_space<vmem>> -> memref<128xi32, #tpu.memory_space<vmem>>
      %dma_wait3A_372 = arith.constant 0 : i32
      %dma_wait3A_373 = arith.constant 0 : i32
      %dma_wait3A_374 = tpu.memref_slice %arg9[%add3A_171, %dma_wait3A_372, %dma_wait3A_373] : memref<4x10240x32xf32, #tpu.memory_space<hbm>> -> memref<1x10240x32xf32, #tpu.memory_space<hbm>>
      %dma_wait3A_375 = tpu.memref_squeeze %dma_wait3A_374 : memref<1x10240x32xf32, #tpu.memory_space<hbm>> -> memref<10240x32xf32, #tpu.memory_space<hbm>>
      %dma_wait3A_376 = arith.constant 0 : i32
      %dma_wait3A_377 = arith.constant 0 : i32
      %dma_wait3A_378 = tpu.memref_slice %dma_wait3A_375[%dma_wait3A_376, %dma_wait3A_377] : memref<10240x32xf32, #tpu.memory_space<hbm>> -> memref<10240x32xf32, #tpu.memory_space<hbm>>
      tpu.wait_indirect_dma semaphore(%arg20 : memref<!tpu.dma_semaphore, #tpu.memory_space<semaphore_mem>>) src(%dma_wait3A_378 : memref<10240x32xf32, #tpu.memory_space<hbm>>) dst(%arg13 : memref<128x32xf32, #tpu.memory_space<vmem>>)
      %add3A_379 = arith.constant 1 : i32
      %add3A_380 = arith.addi %mul3A_346, %add3A_379 : i32
      %dma_start3A_381 = arith.constant 0 : i32
      %dma_start3A_382 = tpu.memref_slice %arg10[%add3A_380, %dma_start3A_381] : memref<160x128xi32, #tpu.memory_space<vmem>> -> memref<1x128xi32, #tpu.memory_space<vmem>>
      %dma_start3A_383 = tpu.memref_squeeze %dma_start3A_382 : memref<1x128xi32, #tpu.memory_space<vmem>> -> memref<128xi32, #tpu.memory_space<vmem>>
      %dma_start3A_384 = arith.constant 0 : i32
      %dma_start3A_385 = arith.constant 0 : i32
      %dma_start3A_386 = tpu.memref_slice %arg27[%dma_start3A_384, %dma_start3A_385] : memref<10240x32xf32, #tpu.memory_space<vmem_shared>> -> memref<10240x32xf32, #tpu.memory_space<vmem_shared>>
      tpu.enqueue_indirect_dma source(%arg13 : memref<128x32xf32, #tpu.memory_space<vmem>>) target(%dma_start3A_386 : memref<10240x32xf32, #tpu.memory_space<vmem_shared>>) offsets(%dma_start3A_383 : memref<128xi32, #tpu.memory_space<vmem>>) semaphore(%arg24 : memref<!tpu.dma_semaphore, #tpu.memory_space<semaphore_mem>>) {add = true}
      %add3A_387 = arith.constant 2 : i32
      %add3A_388 = arith.addi %mul3A_346, %add3A_387 : i32
      %dma_wait3A_389 = arith.constant 0 : i32
      %dma_wait3A_390 = tpu.memref_slice %arg11[%add3A_388, %dma_wait3A_389] : memref<160x128xi32, #tpu.memory_space<vmem>> -> memref<1x128xi32, #tpu.memory_space<vmem>>
      %dma_wait3A_391 = tpu.memref_squeeze %dma_wait3A_390 : memref<1x128xi32, #tpu.memory_space<vmem>> -> memref<128xi32, #tpu.memory_space<vmem>>
      %dma_wait3A_392 = arith.constant 0 : i32
      %dma_wait3A_393 = arith.constant 0 : i32
      %dma_wait3A_394 = tpu.memref_slice %arg9[%add3A_171, %dma_wait3A_392, %dma_wait3A_393] : memref<4x10240x32xf32, #tpu.memory_space<hbm>> -> memref<1x10240x32xf32, #tpu.memory_space<hbm>>
      %dma_wait3A_395 = tpu.memref_squeeze %dma_wait3A_394 : memref<1x10240x32xf32, #tpu.memory_space<hbm>> -> memref<10240x32xf32, #tpu.memory_space<hbm>>
      %dma_wait3A_396 = arith.constant 0 : i32
      %dma_wait3A_397 = arith.constant 0 : i32
      %dma_wait3A_398 = tpu.memref_slice %dma_wait3A_395[%dma_wait3A_396, %dma_wait3A_397] : memref<10240x32xf32, #tpu.memory_space<hbm>> -> memref<10240x32xf32, #tpu.memory_space<hbm>>
      tpu.wait_indirect_dma semaphore(%arg21 : memref<!tpu.dma_semaphore, #tpu.memory_space<semaphore_mem>>) src(%dma_wait3A_398 : memref<10240x32xf32, #tpu.memory_space<hbm>>) dst(%arg14 : memref<128x32xf32, #tpu.memory_space<vmem>>)
      %add3A_399 = arith.constant 2 : i32
      %add3A_400 = arith.addi %mul3A_346, %add3A_399 : i32
      %dma_start3A_401 = arith.constant 0 : i32
      %dma_start3A_402 = tpu.memref_slice %arg10[%add3A_400, %dma_start3A_401] : memref<160x128xi32, #tpu.memory_space<vmem>> -> memref<1x128xi32, #tpu.memory_space<vmem>>
      %dma_start3A_403 = tpu.memref_squeeze %dma_start3A_402 : memref<1x128xi32, #tpu.memory_space<vmem>> -> memref<128xi32, #tpu.memory_space<vmem>>
      %dma_start3A_404 = arith.constant 0 : i32
      %dma_start3A_405 = arith.constant 0 : i32
      %dma_start3A_406 = tpu.memref_slice %arg27[%dma_start3A_404, %dma_start3A_405] : memref<10240x32xf32, #tpu.memory_space<vmem_shared>> -> memref<10240x32xf32, #tpu.memory_space<vmem_shared>>
      tpu.enqueue_indirect_dma source(%arg14 : memref<128x32xf32, #tpu.memory_space<vmem>>) target(%dma_start3A_406 : memref<10240x32xf32, #tpu.memory_space<vmem_shared>>) offsets(%dma_start3A_403 : memref<128xi32, #tpu.memory_space<vmem>>) semaphore(%arg25 : memref<!tpu.dma_semaphore, #tpu.memory_space<semaphore_mem>>) {add = true}
      %add3A_407 = arith.constant 3 : i32
      %add3A_408 = arith.addi %mul3A_346, %add3A_407 : i32
      %dma_wait3A_409 = arith.constant 0 : i32
      %dma_wait3A_410 = tpu.memref_slice %arg11[%add3A_408, %dma_wait3A_409] : memref<160x128xi32, #tpu.memory_space<vmem>> -> memref<1x128xi32, #tpu.memory_space<vmem>>
      %dma_wait3A_411 = tpu.memref_squeeze %dma_wait3A_410 : memref<1x128xi32, #tpu.memory_space<vmem>> -> memref<128xi32, #tpu.memory_space<vmem>>
      %dma_wait3A_412 = arith.constant 0 : i32
      %dma_wait3A_413 = arith.constant 0 : i32
      %dma_wait3A_414 = tpu.memref_slice %arg9[%add3A_171, %dma_wait3A_412, %dma_wait3A_413] : memref<4x10240x32xf32, #tpu.memory_space<hbm>> -> memref<1x10240x32xf32, #tpu.memory_space<hbm>>
      %dma_wait3A_415 = tpu.memref_squeeze %dma_wait3A_414 : memref<1x10240x32xf32, #tpu.memory_space<hbm>> -> memref<10240x32xf32, #tpu.memory_space<hbm>>
      %dma_wait3A_416 = arith.constant 0 : i32
      %dma_wait3A_417 = arith.constant 0 : i32
      %dma_wait3A_418 = tpu.memref_slice %dma_wait3A_415[%dma_wait3A_416, %dma_wait3A_417] : memref<10240x32xf32, #tpu.memory_space<hbm>> -> memref<10240x32xf32, #tpu.memory_space<hbm>>
      tpu.wait_indirect_dma semaphore(%arg22 : memref<!tpu.dma_semaphore, #tpu.memory_space<semaphore_mem>>) src(%dma_wait3A_418 : memref<10240x32xf32, #tpu.memory_space<hbm>>) dst(%arg15 : memref<128x32xf32, #tpu.memory_space<vmem>>)
      %add3A_419 = arith.constant 3 : i32
      %add3A_420 = arith.addi %mul3A_346, %add3A_419 : i32
      %dma_start3A_421 = arith.constant 0 : i32
      %dma_start3A_422 = tpu.memref_slice %arg10[%add3A_420, %dma_start3A_421] : memref<160x128xi32, #tpu.memory_space<vmem>> -> memref<1x128xi32, #tpu.memory_space<vmem>>
      %dma_start3A_423 = tpu.memref_squeeze %dma_start3A_422 : memref<1x128xi32, #tpu.memory_space<vmem>> -> memref<128xi32, #tpu.memory_space<vmem>>
      %dma_start3A_424 = arith.constant 0 : i32
      %dma_start3A_425 = arith.constant 0 : i32
      %dma_start3A_426 = tpu.memref_slice %arg27[%dma_start3A_424, %dma_start3A_425] : memref<10240x32xf32, #tpu.memory_space<vmem_shared>> -> memref<10240x32xf32, #tpu.memory_space<vmem_shared>>
      tpu.enqueue_indirect_dma source(%arg15 : memref<128x32xf32, #tpu.memory_space<vmem>>) target(%dma_start3A_426 : memref<10240x32xf32, #tpu.memory_space<vmem_shared>>) offsets(%dma_start3A_423 : memref<128xi32, #tpu.memory_space<vmem>>) semaphore(%arg26 : memref<!tpu.dma_semaphore, #tpu.memory_space<semaphore_mem>>) {add = true}
      %add3A_427 = arith.constant 4 : i32
      %add3A_428 = arith.addi %mul3A_346, %add3A_427 : i32
      %add3A_429 = arith.constant 0 : i32
      %add3A_430 = arith.addi %add3A_428, %add3A_429 : i32
      %lt3A = arith.constant 160 : i32
      %lt3A_431 = arith.cmpi slt, %add3A_430, %lt3A : i32
      %convert_element_type3A = arith.extui %lt3A_431 : i1 to i32
      %cond3A = arith.constant 0 : i32
      %cond3A_432 = arith.cmpi ne, %convert_element_type3A, %cond3A : i32
      scf.if %cond3A_432 {
        %add3A_460 = arith.constant 0 : i32
        %add3A_461 = arith.addi %mul3A_346, %add3A_460 : i32
        %dma_wait3A_462 = arith.constant 0 : i32
        %dma_wait3A_463 = tpu.memref_slice %arg10[%add3A_461, %dma_wait3A_462] : memref<160x128xi32, #tpu.memory_space<vmem>> -> memref<1x128xi32, #tpu.memory_space<vmem>>
        %dma_wait3A_464 = tpu.memref_squeeze %dma_wait3A_463 : memref<1x128xi32, #tpu.memory_space<vmem>> -> memref<128xi32, #tpu.memory_space<vmem>>
        %dma_wait3A_465 = arith.constant 0 : i32
        %dma_wait3A_466 = arith.constant 0 : i32
        %dma_wait3A_467 = tpu.memref_slice %arg27[%dma_wait3A_465, %dma_wait3A_466] : memref<10240x32xf32, #tpu.memory_space<vmem_shared>> -> memref<10240x32xf32, #tpu.memory_space<vmem_shared>>
        tpu.wait_indirect_dma semaphore(%arg23 : memref<!tpu.dma_semaphore, #tpu.memory_space<semaphore_mem>>) src(%arg12 : memref<128x32xf32, #tpu.memory_space<vmem>>) dst(%dma_wait3A_467 : memref<10240x32xf32, #tpu.memory_space<vmem_shared>>)
        %dma_start3A_468 = arith.constant 0 : i32
        %dma_start3A_469 = tpu.memref_slice %arg11[%add3A_430, %dma_start3A_468] : memref<160x128xi32, #tpu.memory_space<vmem>> -> memref<1x128xi32, #tpu.memory_space<vmem>>
        %dma_start3A_470 = tpu.memref_squeeze %dma_start3A_469 : memref<1x128xi32, #tpu.memory_space<vmem>> -> memref<128xi32, #tpu.memory_space<vmem>>
        %dma_start3A_471 = arith.constant 0 : i32
        %dma_start3A_472 = arith.constant 0 : i32
        %dma_start3A_473 = tpu.memref_slice %arg9[%add3A_171, %dma_start3A_471, %dma_start3A_472] : memref<4x10240x32xf32, #tpu.memory_space<hbm>> -> memref<1x10240x32xf32, #tpu.memory_space<hbm>>
        %dma_start3A_474 = tpu.memref_squeeze %dma_start3A_473 : memref<1x10240x32xf32, #tpu.memory_space<hbm>> -> memref<10240x32xf32, #tpu.memory_space<hbm>>
        %dma_start3A_475 = arith.constant 0 : i32
        %dma_start3A_476 = arith.constant 0 : i32
        %dma_start3A_477 = tpu.memref_slice %dma_start3A_474[%dma_start3A_475, %dma_start3A_476] : memref<10240x32xf32, #tpu.memory_space<hbm>> -> memref<10240x32xf32, #tpu.memory_space<hbm>>
        tpu.enqueue_indirect_dma source(%dma_start3A_477 : memref<10240x32xf32, #tpu.memory_space<hbm>>) target(%arg12 : memref<128x32xf32, #tpu.memory_space<vmem>>) offsets(%dma_start3A_470 : memref<128xi32, #tpu.memory_space<vmem>>) semaphore(%arg19 : memref<!tpu.dma_semaphore, #tpu.memory_space<semaphore_mem>>)
      } else {
      }
      %add3A_433 = arith.constant 4 : i32
      %add3A_434 = arith.addi %mul3A_346, %add3A_433 : i32
      %add3A_435 = arith.constant 1 : i32
      %add3A_436 = arith.addi %add3A_434, %add3A_435 : i32
      %lt3A_437 = arith.constant 160 : i32
      %lt3A_438 = arith.cmpi slt, %add3A_436, %lt3A_437 : i32
      %convert_element_type3A_439 = arith.extui %lt3A_438 : i1 to i32
      %cond3A_440 = arith.constant 0 : i32
      %cond3A_441 = arith.cmpi ne, %convert_element_type3A_439, %cond3A_440 : i32
      scf.if %cond3A_441 {
        %add3A_460 = arith.constant 1 : i32
        %add3A_461 = arith.addi %mul3A_346, %add3A_460 : i32
        %dma_wait3A_462 = arith.constant 0 : i32
        %dma_wait3A_463 = tpu.memref_slice %arg10[%add3A_461, %dma_wait3A_462] : memref<160x128xi32, #tpu.memory_space<vmem>> -> memref<1x128xi32, #tpu.memory_space<vmem>>
        %dma_wait3A_464 = tpu.memref_squeeze %dma_wait3A_463 : memref<1x128xi32, #tpu.memory_space<vmem>> -> memref<128xi32, #tpu.memory_space<vmem>>
        %dma_wait3A_465 = arith.constant 0 : i32
        %dma_wait3A_466 = arith.constant 0 : i32
        %dma_wait3A_467 = tpu.memref_slice %arg27[%dma_wait3A_465, %dma_wait3A_466] : memref<10240x32xf32, #tpu.memory_space<vmem_shared>> -> memref<10240x32xf32, #tpu.memory_space<vmem_shared>>
        tpu.wait_indirect_dma semaphore(%arg24 : memref<!tpu.dma_semaphore, #tpu.memory_space<semaphore_mem>>) src(%arg13 : memref<128x32xf32, #tpu.memory_space<vmem>>) dst(%dma_wait3A_467 : memref<10240x32xf32, #tpu.memory_space<vmem_shared>>)
        %dma_start3A_468 = arith.constant 0 : i32
        %dma_start3A_469 = tpu.memref_slice %arg11[%add3A_436, %dma_start3A_468] : memref<160x128xi32, #tpu.memory_space<vmem>> -> memref<1x128xi32, #tpu.memory_space<vmem>>
        %dma_start3A_470 = tpu.memref_squeeze %dma_start3A_469 : memref<1x128xi32, #tpu.memory_space<vmem>> -> memref<128xi32, #tpu.memory_space<vmem>>
        %dma_start3A_471 = arith.constant 0 : i32
        %dma_start3A_472 = arith.constant 0 : i32
        %dma_start3A_473 = tpu.memref_slice %arg9[%add3A_171, %dma_start3A_471, %dma_start3A_472] : memref<4x10240x32xf32, #tpu.memory_space<hbm>> -> memref<1x10240x32xf32, #tpu.memory_space<hbm>>
        %dma_start3A_474 = tpu.memref_squeeze %dma_start3A_473 : memref<1x10240x32xf32, #tpu.memory_space<hbm>> -> memref<10240x32xf32, #tpu.memory_space<hbm>>
        %dma_start3A_475 = arith.constant 0 : i32
        %dma_start3A_476 = arith.constant 0 : i32
        %dma_start3A_477 = tpu.memref_slice %dma_start3A_474[%dma_start3A_475, %dma_start3A_476] : memref<10240x32xf32, #tpu.memory_space<hbm>> -> memref<10240x32xf32, #tpu.memory_space<hbm>>
        tpu.enqueue_indirect_dma source(%dma_start3A_477 : memref<10240x32xf32, #tpu.memory_space<hbm>>) target(%arg13 : memref<128x32xf32, #tpu.memory_space<vmem>>) offsets(%dma_start3A_470 : memref<128xi32, #tpu.memory_space<vmem>>) semaphore(%arg20 : memref<!tpu.dma_semaphore, #tpu.memory_space<semaphore_mem>>)
      } else {
      }
      %add3A_442 = arith.constant 4 : i32
      %add3A_443 = arith.addi %mul3A_346, %add3A_442 : i32
      %add3A_444 = arith.constant 2 : i32
      %add3A_445 = arith.addi %add3A_443, %add3A_444 : i32
      %lt3A_446 = arith.constant 160 : i32
      %lt3A_447 = arith.cmpi slt, %add3A_445, %lt3A_446 : i32
      %convert_element_type3A_448 = arith.extui %lt3A_447 : i1 to i32
      %cond3A_449 = arith.constant 0 : i32
      %cond3A_450 = arith.cmpi ne, %convert_element_type3A_448, %cond3A_449 : i32
      scf.if %cond3A_450 {
        %add3A_460 = arith.constant 2 : i32
        %add3A_461 = arith.addi %mul3A_346, %add3A_460 : i32
        %dma_wait3A_462 = arith.constant 0 : i32
        %dma_wait3A_463 = tpu.memref_slice %arg10[%add3A_461, %dma_wait3A_462] : memref<160x128xi32, #tpu.memory_space<vmem>> -> memref<1x128xi32, #tpu.memory_space<vmem>>
        %dma_wait3A_464 = tpu.memref_squeeze %dma_wait3A_463 : memref<1x128xi32, #tpu.memory_space<vmem>> -> memref<128xi32, #tpu.memory_space<vmem>>
        %dma_wait3A_465 = arith.constant 0 : i32
        %dma_wait3A_466 = arith.constant 0 : i32
        %dma_wait3A_467 = tpu.memref_slice %arg27[%dma_wait3A_465, %dma_wait3A_466] : memref<10240x32xf32, #tpu.memory_space<vmem_shared>> -> memref<10240x32xf32, #tpu.memory_space<vmem_shared>>
        tpu.wait_indirect_dma semaphore(%arg25 : memref<!tpu.dma_semaphore, #tpu.memory_space<semaphore_mem>>) src(%arg14 : memref<128x32xf32, #tpu.memory_space<vmem>>) dst(%dma_wait3A_467 : memref<10240x32xf32, #tpu.memory_space<vmem_shared>>)
        %dma_start3A_468 = arith.constant 0 : i32
        %dma_start3A_469 = tpu.memref_slice %arg11[%add3A_445, %dma_start3A_468] : memref<160x128xi32, #tpu.memory_space<vmem>> -> memref<1x128xi32, #tpu.memory_space<vmem>>
        %dma_start3A_470 = tpu.memref_squeeze %dma_start3A_469 : memref<1x128xi32, #tpu.memory_space<vmem>> -> memref<128xi32, #tpu.memory_space<vmem>>
        %dma_start3A_471 = arith.constant 0 : i32
        %dma_start3A_472 = arith.constant 0 : i32
        %dma_start3A_473 = tpu.memref_slice %arg9[%add3A_171, %dma_start3A_471, %dma_start3A_472] : memref<4x10240x32xf32, #tpu.memory_space<hbm>> -> memref<1x10240x32xf32, #tpu.memory_space<hbm>>
        %dma_start3A_474 = tpu.memref_squeeze %dma_start3A_473 : memref<1x10240x32xf32, #tpu.memory_space<hbm>> -> memref<10240x32xf32, #tpu.memory_space<hbm>>
        %dma_start3A_475 = arith.constant 0 : i32
        %dma_start3A_476 = arith.constant 0 : i32
        %dma_start3A_477 = tpu.memref_slice %dma_start3A_474[%dma_start3A_475, %dma_start3A_476] : memref<10240x32xf32, #tpu.memory_space<hbm>> -> memref<10240x32xf32, #tpu.memory_space<hbm>>
        tpu.enqueue_indirect_dma source(%dma_start3A_477 : memref<10240x32xf32, #tpu.memory_space<hbm>>) target(%arg14 : memref<128x32xf32, #tpu.memory_space<vmem>>) offsets(%dma_start3A_470 : memref<128xi32, #tpu.memory_space<vmem>>) semaphore(%arg21 : memref<!tpu.dma_semaphore, #tpu.memory_space<semaphore_mem>>)
      } else {
      }
      %add3A_451 = arith.constant 4 : i32
      %add3A_452 = arith.addi %mul3A_346, %add3A_451 : i32
      %add3A_453 = arith.constant 3 : i32
      %add3A_454 = arith.addi %add3A_452, %add3A_453 : i32
      %lt3A_455 = arith.constant 160 : i32
      %lt3A_456 = arith.cmpi slt, %add3A_454, %lt3A_455 : i32
      %convert_element_type3A_457 = arith.extui %lt3A_456 : i1 to i32
      %cond3A_458 = arith.constant 0 : i32
      %cond3A_459 = arith.cmpi ne, %convert_element_type3A_457, %cond3A_458 : i32
      scf.if %cond3A_459 {
        %add3A_460 = arith.constant 3 : i32
        %add3A_461 = arith.addi %mul3A_346, %add3A_460 : i32
        %dma_wait3A_462 = arith.constant 0 : i32
        %dma_wait3A_463 = tpu.memref_slice %arg10[%add3A_461, %dma_wait3A_462] : memref<160x128xi32, #tpu.memory_space<vmem>> -> memref<1x128xi32, #tpu.memory_space<vmem>>
        %dma_wait3A_464 = tpu.memref_squeeze %dma_wait3A_463 : memref<1x128xi32, #tpu.memory_space<vmem>> -> memref<128xi32, #tpu.memory_space<vmem>>
        %dma_wait3A_465 = arith.constant 0 : i32
        %dma_wait3A_466 = arith.constant 0 : i32
        %dma_wait3A_467 = tpu.memref_slice %arg27[%dma_wait3A_465, %dma_wait3A_466] : memref<10240x32xf32, #tpu.memory_space<vmem_shared>> -> memref<10240x32xf32, #tpu.memory_space<vmem_shared>>
        tpu.wait_indirect_dma semaphore(%arg26 : memref<!tpu.dma_semaphore, #tpu.memory_space<semaphore_mem>>) src(%arg15 : memref<128x32xf32, #tpu.memory_space<vmem>>) dst(%dma_wait3A_467 : memref<10240x32xf32, #tpu.memory_space<vmem_shared>>)
        %dma_start3A_468 = arith.constant 0 : i32
        %dma_start3A_469 = tpu.memref_slice %arg11[%add3A_454, %dma_start3A_468] : memref<160x128xi32, #tpu.memory_space<vmem>> -> memref<1x128xi32, #tpu.memory_space<vmem>>
        %dma_start3A_470 = tpu.memref_squeeze %dma_start3A_469 : memref<1x128xi32, #tpu.memory_space<vmem>> -> memref<128xi32, #tpu.memory_space<vmem>>
        %dma_start3A_471 = arith.constant 0 : i32
        %dma_start3A_472 = arith.constant 0 : i32
        %dma_start3A_473 = tpu.memref_slice %arg9[%add3A_171, %dma_start3A_471, %dma_start3A_472] : memref<4x10240x32xf32, #tpu.memory_space<hbm>> -> memref<1x10240x32xf32, #tpu.memory_space<hbm>>
        %dma_start3A_474 = tpu.memref_squeeze %dma_start3A_473 : memref<1x10240x32xf32, #tpu.memory_space<hbm>> -> memref<10240x32xf32, #tpu.memory_space<hbm>>
        %dma_start3A_475 = arith.constant 0 : i32
        %dma_start3A_476 = arith.constant 0 : i32
        %dma_start3A_477 = tpu.memref_slice %dma_start3A_474[%dma_start3A_475, %dma_start3A_476] : memref<10240x32xf32, #tpu.memory_space<hbm>> -> memref<10240x32xf32, #tpu.memory_space<hbm>>
        tpu.enqueue_indirect_dma source(%dma_start3A_477 : memref<10240x32xf32, #tpu.memory_space<hbm>>) target(%arg15 : memref<128x32xf32, #tpu.memory_space<vmem>>) offsets(%dma_start3A_470 : memref<128xi32, #tpu.memory_space<vmem>>) semaphore(%arg22 : memref<!tpu.dma_semaphore, #tpu.memory_space<semaphore_mem>>)
      } else {
      }
    }
    %scan3A_305 = arith.constant 40 : i32
    %dma_wait3A_306 = arith.constant 156 : i32
    %dma_wait3A_307 = arith.constant 0 : i32
    %dma_wait3A_308 = tpu.memref_slice %arg10[%dma_wait3A_306, %dma_wait3A_307] : memref<160x128xi32, #tpu.memory_space<vmem>> -> memref<1x128xi32, #tpu.memory_space<vmem>>
    %dma_wait3A_309 = tpu.memref_squeeze %dma_wait3A_308 : memref<1x128xi32, #tpu.memory_space<vmem>> -> memref<128xi32, #tpu.memory_space<vmem>>
    %dma_wait3A_310 = arith.constant 0 : i32
    %dma_wait3A_311 = arith.constant 0 : i32
    %dma_wait3A_312 = tpu.memref_slice %arg27[%dma_wait3A_310, %dma_wait3A_311] : memref<10240x32xf32, #tpu.memory_space<vmem_shared>> -> memref<10240x32xf32, #tpu.memory_space<vmem_shared>>
    tpu.wait_indirect_dma semaphore(%arg23 : memref<!tpu.dma_semaphore, #tpu.memory_space<semaphore_mem>>) src(%arg12 : memref<128x32xf32, #tpu.memory_space<vmem>>) dst(%dma_wait3A_312 : memref<10240x32xf32, #tpu.memory_space<vmem_shared>>)
    %dma_wait3A_313 = arith.constant 157 : i32
    %dma_wait3A_314 = arith.constant 0 : i32
    %dma_wait3A_315 = tpu.memref_slice %arg10[%dma_wait3A_313, %dma_wait3A_314] : memref<160x128xi32, #tpu.memory_space<vmem>> -> memref<1x128xi32, #tpu.memory_space<vmem>>
    %dma_wait3A_316 = tpu.memref_squeeze %dma_wait3A_315 : memref<1x128xi32, #tpu.memory_space<vmem>> -> memref<128xi32, #tpu.memory_space<vmem>>
    %dma_wait3A_317 = arith.constant 0 : i32
    %dma_wait3A_318 = arith.constant 0 : i32
    %dma_wait3A_319 = tpu.memref_slice %arg27[%dma_wait3A_317, %dma_wait3A_318] : memref<10240x32xf32, #tpu.memory_space<vmem_shared>> -> memref<10240x32xf32, #tpu.memory_space<vmem_shared>>
    tpu.wait_indirect_dma semaphore(%arg24 : memref<!tpu.dma_semaphore, #tpu.memory_space<semaphore_mem>>) src(%arg13 : memref<128x32xf32, #tpu.memory_space<vmem>>) dst(%dma_wait3A_319 : memref<10240x32xf32, #tpu.memory_space<vmem_shared>>)
    %dma_wait3A_320 = arith.constant 158 : i32
    %dma_wait3A_321 = arith.constant 0 : i32
    %dma_wait3A_322 = tpu.memref_slice %arg10[%dma_wait3A_320, %dma_wait3A_321] : memref<160x128xi32, #tpu.memory_space<vmem>> -> memref<1x128xi32, #tpu.memory_space<vmem>>
    %dma_wait3A_323 = tpu.memref_squeeze %dma_wait3A_322 : memref<1x128xi32, #tpu.memory_space<vmem>> -> memref<128xi32, #tpu.memory_space<vmem>>
    %dma_wait3A_324 = arith.constant 0 : i32
    %dma_wait3A_325 = arith.constant 0 : i32
    %dma_wait3A_326 = tpu.memref_slice %arg27[%dma_wait3A_324, %dma_wait3A_325] : memref<10240x32xf32, #tpu.memory_space<vmem_shared>> -> memref<10240x32xf32, #tpu.memory_space<vmem_shared>>
    tpu.wait_indirect_dma semaphore(%arg25 : memref<!tpu.dma_semaphore, #tpu.memory_space<semaphore_mem>>) src(%arg14 : memref<128x32xf32, #tpu.memory_space<vmem>>) dst(%dma_wait3A_326 : memref<10240x32xf32, #tpu.memory_space<vmem_shared>>)
    %dma_wait3A_327 = arith.constant 159 : i32
    %dma_wait3A_328 = arith.constant 0 : i32
    %dma_wait3A_329 = tpu.memref_slice %arg10[%dma_wait3A_327, %dma_wait3A_328] : memref<160x128xi32, #tpu.memory_space<vmem>> -> memref<1x128xi32, #tpu.memory_space<vmem>>
    %dma_wait3A_330 = tpu.memref_squeeze %dma_wait3A_329 : memref<1x128xi32, #tpu.memory_space<vmem>> -> memref<128xi32, #tpu.memory_space<vmem>>
    %dma_wait3A_331 = arith.constant 0 : i32
    %dma_wait3A_332 = arith.constant 0 : i32
    %dma_wait3A_333 = tpu.memref_slice %arg27[%dma_wait3A_331, %dma_wait3A_332] : memref<10240x32xf32, #tpu.memory_space<vmem_shared>> -> memref<10240x32xf32, #tpu.memory_space<vmem_shared>>
    tpu.wait_indirect_dma semaphore(%arg26 : memref<!tpu.dma_semaphore, #tpu.memory_space<semaphore_mem>>) src(%arg15 : memref<128x32xf32, #tpu.memory_space<vmem>>) dst(%dma_wait3A_333 : memref<10240x32xf32, #tpu.memory_space<vmem_shared>>)
    %barrier3A_334 = arith.constant 0 : index
    tpu.barrier barrier_id(%barrier3A_334)
    "tpu.region"() ({
      %run_scoped3A = tpu.sem_alloc : memref<!tpu.dma_semaphore, #tpu.memory_space<semaphore_mem>>
      %dma_start3A_340 = arith.constant 0 : i32
      %dma_start3A_341 = tpu.memref_slice %arg27[%mul3A_0, %dma_start3A_340] : memref<10240x32xf32, #tpu.memory_space<vmem_shared>> -> memref<640x32xf32, #tpu.memory_space<vmem_shared>>
      %dma_start3A_342 = arith.constant 0 : i32
      %dma_start3A_343 = tpu.memref_slice %arg27[%mul3A_0, %dma_start3A_342] : memref<10240x32xf32, #tpu.memory_space<vmem_shared>> -> memref<640x32xf32, #tpu.memory_space<vmem_shared>>
      tpu.enqueue_dma source(%dma_start3A_343 : memref<640x32xf32, #tpu.memory_space<vmem_shared>>) target(%arg16 : memref<640x32xf32, #tpu.memory_space<vmem>>) target_semaphore(%run_scoped3A : memref<!tpu.dma_semaphore, #tpu.memory_space<semaphore_mem>>)
      %dma_wait3A_344 = arith.constant 0 : i32
      %dma_wait3A_345 = tpu.memref_slice %arg27[%mul3A_0, %dma_wait3A_344] : memref<10240x32xf32, #tpu.memory_space<vmem_shared>> -> memref<640x32xf32, #tpu.memory_space<vmem_shared>>
      %dma_wait3A_346 = arith.constant 0 : i32
      %dma_wait3A_347 = tpu.memref_slice %arg27[%mul3A_0, %dma_wait3A_346] : memref<10240x32xf32, #tpu.memory_space<vmem_shared>> -> memref<640x32xf32, #tpu.memory_space<vmem_shared>>
      tpu.wait_dma2 semaphore(%run_scoped3A : memref<!tpu.dma_semaphore, #tpu.memory_space<semaphore_mem>>) src(%dma_wait3A_347 : memref<640x32xf32, #tpu.memory_space<vmem_shared>>) dst(%arg16 : memref<640x32xf32, #tpu.memory_space<vmem>>)
      tpu.yield
    }) : () -> ()
    %scan3A_335 = arith.constant 0 : i32
    %scan3A_336 = arith.constant 640 : i32
    %scan3A_337 = arith.addi %scan3A_335, %scan3A_336 : i32
    %scan3A_338 = arith.constant 1 : i32
    scf.for %scan3A_340 = %scan3A_335 to %scan3A_337 step %scan3A_338  : i32 {
      %mul3A_341 = arith.constant 1 : i32
      %mul3A_342 = arith.muli %scan3A_340, %mul3A_341 : i32
      %add3A_343 = arith.constant 0 : i32
      %add3A_344 = arith.addi %add3A_343, %mul3A_342 : i32
      %get3A = arith.index_cast %add3A_344 : i32 to index
      %get3A_345 = arith.constant 0 : index
      %get3A_346 = tpu.vector_load %arg18[%get3A, %get3A_345] {strides = array<i32>} : memref<640x16xf32, #tpu.memory_space<vmem>>, vector<1x16xf32>,
      %get3A_347 = vector.shape_cast %get3A_346 : vector<1x16xf32> to vector<16xf32>
      %get3A_348 = arith.index_cast %add3A_344 : i32 to index
      %get3A_349 = arith.constant 0 : index
      %get3A_350 = tpu.vector_load %arg16[%get3A_348, %get3A_349] {strides = array<i32>} : memref<640x32xf32, #tpu.memory_space<vmem>>, vector<1x16xf32>,
      %get3A_351 = vector.shape_cast %get3A_350 : vector<1x16xf32> to vector<16xf32>
      %mul3A_352 = arith.mulf %get3A_351, %get3A_347 : vector<16xf32>
      %swap3A = arith.index_cast %add3A_344 : i32 to index
      %swap3A_353 = arith.constant 0 : index
      %swap3A_354 = tpu.vector_load %arg16[%swap3A, %swap3A_353] {strides = array<i32>} : memref<640x32xf32, #tpu.memory_space<vmem>>, vector<1x16xf32>,
      %swap3A_355 = vector.shape_cast %swap3A_354 : vector<1x16xf32> to vector<16xf32>
      %swap3A_356 = vector.shape_cast %mul3A_352 : vector<16xf32> to vector<1x16xf32>
      tpu.vector_store %arg16[%swap3A, %swap3A_353], %swap3A_356 {strides = array<i32>} : memref<640x32xf32, #tpu.memory_space<vmem>>, vector<1x16xf32>,
      %get3A_357 = arith.index_cast %add3A_344 : i32 to index
      %get3A_358 = arith.constant 16 : index
      %get3A_359 = tpu.vector_load %arg16[%get3A_357, %get3A_358] {strides = array<i32>} : memref<640x32xf32, #tpu.memory_space<vmem>>, vector<1x16xf32>,
      %get3A_360 = vector.shape_cast %get3A_359 : vector<1x16xf32> to vector<16xf32>
      %mul3A_361 = arith.mulf %get3A_360, %get3A_347 : vector<16xf32>
      %swap3A_362 = arith.index_cast %add3A_344 : i32 to index
      %swap3A_363 = arith.constant 16 : index
      %swap3A_364 = tpu.vector_load %arg16[%swap3A_362, %swap3A_363] {strides = array<i32>} : memref<640x32xf32, #tpu.memory_space<vmem>>, vector<1x16xf32>,
      %swap3A_365 = vector.shape_cast %swap3A_364 : vector<1x16xf32> to vector<16xf32>
      %swap3A_366 = vector.shape_cast %mul3A_361 : vector<16xf32> to vector<1x16xf32>
      tpu.vector_store %arg16[%swap3A_362, %swap3A_363], %swap3A_366 {strides = array<i32>} : memref<640x32xf32, #tpu.memory_space<vmem>>, vector<1x16xf32>,
    }
    %scan3A_339 = arith.constant 640 : i32
    "tpu.region"() ({
      %run_scoped3A = tpu.sem_alloc : memref<!tpu.dma_semaphore, #tpu.memory_space<semaphore_mem>>
      %dma_start3A_340 = arith.constant 0 : i32
      %dma_start3A_341 = tpu.memref_slice %arg8[%add3A_171, %mul3A_0, %dma_start3A_340] : memref<4x10240x32xf32, #tpu.memory_space<hbm>> -> memref<1x640x32xf32, #tpu.memory_space<hbm>>
      %dma_start3A_342 = tpu.memref_squeeze %dma_start3A_341 : memref<1x640x32xf32, #tpu.memory_space<hbm>> -> memref<640x32xf32, #tpu.memory_space<hbm>>
      %dma_start3A_343 = arith.constant 0 : i32
      %dma_start3A_344 = tpu.memref_slice %arg8[%add3A_171, %mul3A_0, %dma_start3A_343] : memref<4x10240x32xf32, #tpu.memory_space<hbm>> -> memref<1x640x32xf32, #tpu.memory_space<hbm>>
      %dma_start3A_345 = tpu.memref_squeeze %dma_start3A_344 : memref<1x640x32xf32, #tpu.memory_space<hbm>> -> memref<640x32xf32, #tpu.memory_space<hbm>>
      tpu.enqueue_dma source(%arg16 : memref<640x32xf32, #tpu.memory_space<vmem>>) target(%dma_start3A_345 : memref<640x32xf32, #tpu.memory_space<hbm>>) target_semaphore(%run_scoped3A : memref<!tpu.dma_semaphore, #tpu.memory_space<semaphore_mem>>)
      %dma_wait3A_346 = arith.constant 0 : i32
      %dma_wait3A_347 = tpu.memref_slice %arg8[%add3A_171, %mul3A_0, %dma_wait3A_346] : memref<4x10240x32xf32, #tpu.memory_space<hbm>> -> memref<1x640x32xf32, #tpu.memory_space<hbm>>
      %dma_wait3A_348 = tpu.memref_squeeze %dma_wait3A_347 : memref<1x640x32xf32, #tpu.memory_space<hbm>> -> memref<640x32xf32, #tpu.memory_space<hbm>>
      %dma_wait3A_349 = arith.constant 0 : i32
      %dma_wait3A_350 = tpu.memref_slice %arg8[%add3A_171, %mul3A_0, %dma_wait3A_349] : memref<4x10240x32xf32, #tpu.memory_space<hbm>> -> memref<1x640x32xf32, #tpu.memory_space<hbm>>
      %dma_wait3A_351 = tpu.memref_squeeze %dma_wait3A_350 : memref<1x640x32xf32, #tpu.memory_space<hbm>> -> memref<640x32xf32, #tpu.memory_space<hbm>>
      tpu.wait_dma2 semaphore(%run_scoped3A : memref<!tpu.dma_semaphore, #tpu.memory_space<semaphore_mem>>) src(%arg16 : memref<640x32xf32, #tpu.memory_space<vmem>>) dst(%dma_wait3A_351 : memref<640x32xf32, #tpu.memory_space<hbm>>)
      tpu.yield
    }) : () -> ()
    return
  }
}

#map = affine_map<(d0, d1) -> (0, 0, 0)>
#map1 = affine_map<(d0, d1) -> (0, 0)>
module attributes {stable_mosaic.version = 14 : i64} {
  func.func @_prop_body(%arg0: i32, %arg1: i32, %arg2: memref<4x10240x32xf32, #tpu.memory_space<hbm>>, %arg3: memref<16x160x128xi32, #tpu.memory_space<hbm>>, %arg4: memref<16x160x128xi32, #tpu.memory_space<hbm>>, %arg5: memref<640x32xf32, #tpu.memory_space<hbm>>, %arg6: memref<2x10240x16xf32, #tpu.memory_space<hbm>>, %arg7: memref<2x10240x16xf32, #tpu.memory_space<hbm>>, %arg8: memref<4x10240x32xf32, #tpu.memory_space<hbm>>, %arg9: memref<4x10240x32xf32, #tpu.memory_space<hbm>>, %arg10: memref<160x128xi32, #tpu.memory_space<vmem>>, %arg11: memref<160x128xi32, #tpu.memory_space<vmem>>, %arg12: memref<128x32xf32, #tpu.memory_space<vmem>>, %arg13: memref<128x32xf32, #tpu.memory_space<vmem>>, %arg14: memref<128x32xf32, #tpu.memory_space<vmem>>, %arg15: memref<128x32xf32, #tpu.memory_space<vmem>>, %arg16: memref<640x32xf32, #tpu.memory_space<vmem>>, %arg17: memref<640x16xf32, #tpu.memory_space<vmem>>, %arg18: memref<640x16xf32, #tpu.memory_space<vmem>>, %arg19: memref<!tpu.dma_semaphore, #tpu.memory_space<semaphore_mem>>, %arg20: memref<!tpu.dma_semaphore, #tpu.memory_space<semaphore_mem>>, %arg21: memref<!tpu.dma_semaphore, #tpu.memory_space<semaphore_mem>>, %arg22: memref<!tpu.dma_semaphore, #tpu.memory_space<semaphore_mem>>, %arg23: memref<!tpu.dma_semaphore, #tpu.memory_space<semaphore_mem>>, %arg24: memref<!tpu.dma_semaphore, #tpu.memory_space<semaphore_mem>>, %arg25: memref<!tpu.dma_semaphore, #tpu.memory_space<semaphore_mem>>, %arg26: memref<!tpu.dma_semaphore, #tpu.memory_space<semaphore_mem>>, %arg27: memref<10240x32xf32, #tpu.memory_space<vmem_shared>>) attributes {dimension_semantics = [#tpu.dimension_semantics<core_parallel>, #tpu.dimension_semantics<subcore_parallel>], iteration_bounds = array<i64: 2, 16>, scalar_prefetch = 0 : i64, scratch_operands = 18 : i64, tpu.core_type = #tpu.core_type<sc_vector_subcore>, window_params = [{transform_indices = #map}, {transform_indices = #map}, {transform_indices = #map}, {transform_indices = #map1}, {transform_indices = #map}, {transform_indices = #map}, {transform_indices = #map}, {transform_indices = #map}]} {
    %mul3A = arith.constant 640 : i32
    %mul3A_0 = arith.muli %arg1, %mul3A : i32
    "tpu.region"() ({
      %run_scoped3A = tpu.sem_alloc : memref<!tpu.dma_semaphore, #tpu.memory_space<semaphore_mem>>
      %dma_start3A_340 = arith.constant 0 : i32
      %dma_start3A_341 = arith.constant 0 : i32
      %dma_start3A_342 = tpu.memref_slice %arg3[%arg1, %dma_start3A_340, %dma_start3A_341] : memref<16x160x128xi32, #tpu.memory_space<hbm>> -> memref<1x160x128xi32, #tpu.memory_space<hbm>>
      %dma_start3A_343 = tpu.memref_squeeze %dma_start3A_342 : memref<1x160x128xi32, #tpu.memory_space<hbm>> -> memref<160x128xi32, #tpu.memory_space<hbm>>
      %dma_start3A_344 = arith.constant 0 : i32
      %dma_start3A_345 = arith.constant 0 : i32
      %dma_start3A_346 = tpu.memref_slice %arg3[%arg1, %dma_start3A_344, %dma_start3A_345] : memref<16x160x128xi32, #tpu.memory_space<hbm>> -> memref<1x160x128xi32, #tpu.memory_space<hbm>>
      %dma_start3A_347 = tpu.memref_squeeze %dma_start3A_346 : memref<1x160x128xi32, #tpu.memory_space<hbm>> -> memref<160x128xi32, #tpu.memory_space<hbm>>
      tpu.enqueue_dma source(%dma_start3A_347 : memref<160x128xi32, #tpu.memory_space<hbm>>) target(%arg10 : memref<160x128xi32, #tpu.memory_space<vmem>>) target_semaphore(%run_scoped3A : memref<!tpu.dma_semaphore, #tpu.memory_space<semaphore_mem>>)
      %dma_wait3A_348 = arith.constant 0 : i32
      %dma_wait3A_349 = arith.constant 0 : i32
      %dma_wait3A_350 = tpu.memref_slice %arg3[%arg1, %dma_wait3A_348, %dma_wait3A_349] : memref<16x160x128xi32, #tpu.memory_space<hbm>> -> memref<1x160x128xi32, #tpu.memory_space<hbm>>
      %dma_wait3A_351 = tpu.memref_squeeze %dma_wait3A_350 : memref<1x160x128xi32, #tpu.memory_space<hbm>> -> memref<160x128xi32, #tpu.memory_space<hbm>>
      %dma_wait3A_352 = arith.constant 0 : i32
      %dma_wait3A_353 = arith.constant 0 : i32
      %dma_wait3A_354 = tpu.memref_slice %arg3[%arg1, %dma_wait3A_352, %dma_wait3A_353] : memref<16x160x128xi32, #tpu.memory_space<hbm>> -> memref<1x160x128xi32, #tpu.memory_space<hbm>>
      %dma_wait3A_355 = tpu.memref_squeeze %dma_wait3A_354 : memref<1x160x128xi32, #tpu.memory_space<hbm>> -> memref<160x128xi32, #tpu.memory_space<hbm>>
      tpu.wait_dma2 semaphore(%run_scoped3A : memref<!tpu.dma_semaphore, #tpu.memory_space<semaphore_mem>>) src(%dma_wait3A_355 : memref<160x128xi32, #tpu.memory_space<hbm>>) dst(%arg10 : memref<160x128xi32, #tpu.memory_space<vmem>>)
      tpu.yield
    }) : () -> ()
    "tpu.region"() ({
      %run_scoped3A = tpu.sem_alloc : memref<!tpu.dma_semaphore, #tpu.memory_space<semaphore_mem>>
      %dma_start3A_340 = arith.constant 0 : i32
      %dma_start3A_341 = arith.constant 0 : i32
      %dma_start3A_342 = tpu.memref_slice %arg4[%arg1, %dma_start3A_340, %dma_start3A_341] : memref<16x160x128xi32, #tpu.memory_space<hbm>> -> memref<1x160x128xi32, #tpu.memory_space<hbm>>
      %dma_start3A_343 = tpu.memref_squeeze %dma_start3A_342 : memref<1x160x128xi32, #tpu.memory_space<hbm>> -> memref<160x128xi32, #tpu.memory_space<hbm>>
      %dma_start3A_344 = arith.constant 0 : i32
      %dma_start3A_345 = arith.constant 0 : i32
      %dma_start3A_346 = tpu.memref_slice %arg4[%arg1, %dma_start3A_344, %dma_start3A_345] : memref<16x160x128xi32, #tpu.memory_space<hbm>> -> memref<1x160x128xi32, #tpu.memory_space<hbm>>
      %dma_start3A_347 = tpu.memref_squeeze %dma_start3A_346 : memref<1x160x128xi32, #tpu.memory_space<hbm>> -> memref<160x128xi32, #tpu.memory_space<hbm>>
      tpu.enqueue_dma source(%dma_start3A_347 : memref<160x128xi32, #tpu.memory_space<hbm>>) target(%arg11 : memref<160x128xi32, #tpu.memory_space<vmem>>) target_semaphore(%run_scoped3A : memref<!tpu.dma_semaphore, #tpu.memory_space<semaphore_mem>>)
      %dma_wait3A_348 = arith.constant 0 : i32
      %dma_wait3A_349 = arith.constant 0 : i32
      %dma_wait3A_350 = tpu.memref_slice %arg4[%arg1, %dma_wait3A_348, %dma_wait3A_349] : memref<16x160x128xi32, #tpu.memory_space<hbm>> -> memref<1x160x128xi32, #tpu.memory_space<hbm>>
      %dma_wait3A_351 = tpu.memref_squeeze %dma_wait3A_350 : memref<1x160x128xi32, #tpu.memory_space<hbm>> -> memref<160x128xi32, #tpu.memory_space<hbm>>
      %dma_wait3A_352 = arith.constant 0 : i32
      %dma_wait3A_353 = arith.constant 0 : i32
      %dma_wait3A_354 = tpu.memref_slice %arg4[%arg1, %dma_wait3A_352, %dma_wait3A_353] : memref<16x160x128xi32, #tpu.memory_space<hbm>> -> memref<1x160x128xi32, #tpu.memory_space<hbm>>
      %dma_wait3A_355 = tpu.memref_squeeze %dma_wait3A_354 : memref<1x160x128xi32, #tpu.memory_space<hbm>> -> memref<160x128xi32, #tpu.memory_space<hbm>>
      tpu.wait_dma2 semaphore(%run_scoped3A : memref<!tpu.dma_semaphore, #tpu.memory_space<semaphore_mem>>) src(%dma_wait3A_355 : memref<160x128xi32, #tpu.memory_space<hbm>>) dst(%arg11 : memref<160x128xi32, #tpu.memory_space<vmem>>)
      tpu.yield
    }) : () -> ()
    "tpu.region"() ({
      %run_scoped3A = tpu.sem_alloc : memref<!tpu.dma_semaphore, #tpu.memory_space<semaphore_mem>>
      %dma_start3A_340 = arith.constant 0 : i32
      %dma_start3A_341 = tpu.memref_slice %arg6[%arg0, %mul3A_0, %dma_start3A_340] : memref<2x10240x16xf32, #tpu.memory_space<hbm>> -> memref<1x640x16xf32, #tpu.memory_space<hbm>>
      %dma_start3A_342 = tpu.memref_squeeze %dma_start3A_341 : memref<1x640x16xf32, #tpu.memory_space<hbm>> -> memref<640x16xf32, #tpu.memory_space<hbm>>
      %dma_start3A_343 = arith.constant 0 : i32
      %dma_start3A_344 = tpu.memref_slice %arg6[%arg0, %mul3A_0, %dma_start3A_343] : memref<2x10240x16xf32, #tpu.memory_space<hbm>> -> memref<1x640x16xf32, #tpu.memory_space<hbm>>
      %dma_start3A_345 = tpu.memref_squeeze %dma_start3A_344 : memref<1x640x16xf32, #tpu.memory_space<hbm>> -> memref<640x16xf32, #tpu.memory_space<hbm>>
      tpu.enqueue_dma source(%dma_start3A_345 : memref<640x16xf32, #tpu.memory_space<hbm>>) target(%arg17 : memref<640x16xf32, #tpu.memory_space<vmem>>) target_semaphore(%run_scoped3A : memref<!tpu.dma_semaphore, #tpu.memory_space<semaphore_mem>>)
      %dma_wait3A_346 = arith.constant 0 : i32
      %dma_wait3A_347 = tpu.memref_slice %arg6[%arg0, %mul3A_0, %dma_wait3A_346] : memref<2x10240x16xf32, #tpu.memory_space<hbm>> -> memref<1x640x16xf32, #tpu.memory_space<hbm>>
      %dma_wait3A_348 = tpu.memref_squeeze %dma_wait3A_347 : memref<1x640x16xf32, #tpu.memory_space<hbm>> -> memref<640x16xf32, #tpu.memory_space<hbm>>
      %dma_wait3A_349 = arith.constant 0 : i32
      %dma_wait3A_350 = tpu.memref_slice %arg6[%arg0, %mul3A_0, %dma_wait3A_349] : memref<2x10240x16xf32, #tpu.memory_space<hbm>> -> memref<1x640x16xf32, #tpu.memory_space<hbm>>
      %dma_wait3A_351 = tpu.memref_squeeze %dma_wait3A_350 : memref<1x640x16xf32, #tpu.memory_space<hbm>> -> memref<640x16xf32, #tpu.memory_space<hbm>>
      tpu.wait_dma2 semaphore(%run_scoped3A : memref<!tpu.dma_semaphore, #tpu.memory_space<semaphore_mem>>) src(%dma_wait3A_351 : memref<640x16xf32, #tpu.memory_space<hbm>>) dst(%arg17 : memref<640x16xf32, #tpu.memory_space<vmem>>)
      tpu.yield
    }) : () -> ()
    "tpu.region"() ({
      %run_scoped3A = tpu.sem_alloc : memref<!tpu.dma_semaphore, #tpu.memory_space<semaphore_mem>>
      %dma_start3A_340 = arith.constant 0 : i32
      %dma_start3A_341 = tpu.memref_slice %arg7[%arg0, %mul3A_0, %dma_start3A_340] : memref<2x10240x16xf32, #tpu.memory_space<hbm>> -> memref<1x640x16xf32, #tpu.memory_space<hbm>>
      %dma_start3A_342 = tpu.memref_squeeze %dma_start3A_341 : memref<1x640x16xf32, #tpu.memory_space<hbm>> -> memref<640x16xf32, #tpu.memory_space<hbm>>
      %dma_start3A_343 = arith.constant 0 : i32
      %dma_start3A_344 = tpu.memref_slice %arg7[%arg0, %mul3A_0, %dma_start3A_343] : memref<2x10240x16xf32, #tpu.memory_space<hbm>> -> memref<1x640x16xf32, #tpu.memory_space<hbm>>
      %dma_start3A_345 = tpu.memref_squeeze %dma_start3A_344 : memref<1x640x16xf32, #tpu.memory_space<hbm>> -> memref<640x16xf32, #tpu.memory_space<hbm>>
      tpu.enqueue_dma source(%dma_start3A_345 : memref<640x16xf32, #tpu.memory_space<hbm>>) target(%arg18 : memref<640x16xf32, #tpu.memory_space<vmem>>) target_semaphore(%run_scoped3A : memref<!tpu.dma_semaphore, #tpu.memory_space<semaphore_mem>>)
      %dma_wait3A_346 = arith.constant 0 : i32
      %dma_wait3A_347 = tpu.memref_slice %arg7[%arg0, %mul3A_0, %dma_wait3A_346] : memref<2x10240x16xf32, #tpu.memory_space<hbm>> -> memref<1x640x16xf32, #tpu.memory_space<hbm>>
      %dma_wait3A_348 = tpu.memref_squeeze %dma_wait3A_347 : memref<1x640x16xf32, #tpu.memory_space<hbm>> -> memref<640x16xf32, #tpu.memory_space<hbm>>
      %dma_wait3A_349 = arith.constant 0 : i32
      %dma_wait3A_350 = tpu.memref_slice %arg7[%arg0, %mul3A_0, %dma_wait3A_349] : memref<2x10240x16xf32, #tpu.memory_space<hbm>> -> memref<1x640x16xf32, #tpu.memory_space<hbm>>
      %dma_wait3A_351 = tpu.memref_squeeze %dma_wait3A_350 : memref<1x640x16xf32, #tpu.memory_space<hbm>> -> memref<640x16xf32, #tpu.memory_space<hbm>>
      tpu.wait_dma2 semaphore(%run_scoped3A : memref<!tpu.dma_semaphore, #tpu.memory_space<semaphore_mem>>) src(%dma_wait3A_351 : memref<640x16xf32, #tpu.memory_space<hbm>>) dst(%arg18 : memref<640x16xf32, #tpu.memory_space<vmem>>)
      tpu.yield
    }) : () -> ()
    %mul3A_1 = arith.constant 2 : i32
    %mul3A_2 = arith.muli %arg0, %mul3A_1 : i32
    %add3A = arith.constant 0 : i32
    %add3A_3 = arith.addi %mul3A_2, %add3A : i32
    "tpu.region"() ({
      %run_scoped3A = tpu.sem_alloc : memref<!tpu.dma_semaphore, #tpu.memory_space<semaphore_mem>>
      %dma_start3A_340 = arith.constant 0 : i32
      %dma_start3A_341 = tpu.memref_slice %arg27[%mul3A_0, %dma_start3A_340] : memref<10240x32xf32, #tpu.memory_space<vmem_shared>> -> memref<640x32xf32, #tpu.memory_space<vmem_shared>>
      tpu.enqueue_dma source(%arg5 : memref<640x32xf32, #tpu.memory_space<hbm>>) target(%dma_start3A_341 : memref<640x32xf32, #tpu.memory_space<vmem_shared>>) target_semaphore(%run_scoped3A : memref<!tpu.dma_semaphore, #tpu.memory_space<semaphore_mem>>)
      %dma_wait3A_342 = arith.constant 0 : i32
      %dma_wait3A_343 = tpu.memref_slice %arg27[%mul3A_0, %dma_wait3A_342] : memref<10240x32xf32, #tpu.memory_space<vmem_shared>> -> memref<640x32xf32, #tpu.memory_space<vmem_shared>>
      tpu.wait_dma2 semaphore(%run_scoped3A : memref<!tpu.dma_semaphore, #tpu.memory_space<semaphore_mem>>) src(%arg5 : memref<640x32xf32, #tpu.memory_space<hbm>>) dst(%dma_wait3A_343 : memref<640x32xf32, #tpu.memory_space<vmem_shared>>)
      tpu.yield
    }) : () -> ()
    %barrier3A = arith.constant 0 : index
    tpu.barrier barrier_id(%barrier3A)
    %dma_start3A = arith.constant 0 : i32
    %dma_start3A_4 = arith.constant 0 : i32
    %dma_start3A_5 = tpu.memref_slice %arg10[%dma_start3A, %dma_start3A_4] : memref<160x128xi32, #tpu.memory_space<vmem>> -> memref<1x128xi32, #tpu.memory_space<vmem>>
    %dma_start3A_6 = tpu.memref_squeeze %dma_start3A_5 : memref<1x128xi32, #tpu.memory_space<vmem>> -> memref<128xi32, #tpu.memory_space<vmem>>
    %dma_start3A_7 = arith.constant 0 : i32
    %dma_start3A_8 = arith.constant 0 : i32
    %dma_start3A_9 = tpu.memref_slice %arg2[%add3A_3, %dma_start3A_7, %dma_start3A_8] : memref<4x10240x32xf32, #tpu.memory_space<hbm>> -> memref<1x10240x32xf32, #tpu.memory_space<hbm>>
    %dma_start3A_10 = tpu.memref_squeeze %dma_start3A_9 : memref<1x10240x32xf32, #tpu.memory_space<hbm>> -> memref<10240x32xf32, #tpu.memory_space<hbm>>
    %dma_start3A_11 = arith.constant 0 : i32
    %dma_start3A_12 = arith.constant 0 : i32
    %dma_start3A_13 = tpu.memref_slice %dma_start3A_10[%dma_start3A_11, %dma_start3A_12] : memref<10240x32xf32, #tpu.memory_space<hbm>> -> memref<10240x32xf32, #tpu.memory_space<hbm>>
    tpu.enqueue_indirect_dma source(%dma_start3A_13 : memref<10240x32xf32, #tpu.memory_space<hbm>>) target(%arg12 : memref<128x32xf32, #tpu.memory_space<vmem>>) offsets(%dma_start3A_6 : memref<128xi32, #tpu.memory_space<vmem>>) semaphore(%arg19 : memref<!tpu.dma_semaphore, #tpu.memory_space<semaphore_mem>>)
    %dma_start3A_14 = arith.constant 1 : i32
    %dma_start3A_15 = arith.constant 0 : i32
    %dma_start3A_16 = tpu.memref_slice %arg10[%dma_start3A_14, %dma_start3A_15] : memref<160x128xi32, #tpu.memory_space<vmem>> -> memref<1x128xi32, #tpu.memory_space<vmem>>
    %dma_start3A_17 = tpu.memref_squeeze %dma_start3A_16 : memref<1x128xi32, #tpu.memory_space<vmem>> -> memref<128xi32, #tpu.memory_space<vmem>>
    %dma_start3A_18 = arith.constant 0 : i32
    %dma_start3A_19 = arith.constant 0 : i32
    %dma_start3A_20 = tpu.memref_slice %arg2[%add3A_3, %dma_start3A_18, %dma_start3A_19] : memref<4x10240x32xf32, #tpu.memory_space<hbm>> -> memref<1x10240x32xf32, #tpu.memory_space<hbm>>
    %dma_start3A_21 = tpu.memref_squeeze %dma_start3A_20 : memref<1x10240x32xf32, #tpu.memory_space<hbm>> -> memref<10240x32xf32, #tpu.memory_space<hbm>>
    %dma_start3A_22 = arith.constant 0 : i32
    %dma_start3A_23 = arith.constant 0 : i32
    %dma_start3A_24 = tpu.memref_slice %dma_start3A_21[%dma_start3A_22, %dma_start3A_23] : memref<10240x32xf32, #tpu.memory_space<hbm>> -> memref<10240x32xf32, #tpu.memory_space<hbm>>
    tpu.enqueue_indirect_dma source(%dma_start3A_24 : memref<10240x32xf32, #tpu.memory_space<hbm>>) target(%arg13 : memref<128x32xf32, #tpu.memory_space<vmem>>) offsets(%dma_start3A_17 : memref<128xi32, #tpu.memory_space<vmem>>) semaphore(%arg20 : memref<!tpu.dma_semaphore, #tpu.memory_space<semaphore_mem>>)
    %dma_start3A_25 = arith.constant 2 : i32
    %dma_start3A_26 = arith.constant 0 : i32
    %dma_start3A_27 = tpu.memref_slice %arg10[%dma_start3A_25, %dma_start3A_26] : memref<160x128xi32, #tpu.memory_space<vmem>> -> memref<1x128xi32, #tpu.memory_space<vmem>>
    %dma_start3A_28 = tpu.memref_squeeze %dma_start3A_27 : memref<1x128xi32, #tpu.memory_space<vmem>> -> memref<128xi32, #tpu.memory_space<vmem>>
    %dma_start3A_29 = arith.constant 0 : i32
    %dma_start3A_30 = arith.constant 0 : i32
    %dma_start3A_31 = tpu.memref_slice %arg2[%add3A_3, %dma_start3A_29, %dma_start3A_30] : memref<4x10240x32xf32, #tpu.memory_space<hbm>> -> memref<1x10240x32xf32, #tpu.memory_space<hbm>>
    %dma_start3A_32 = tpu.memref_squeeze %dma_start3A_31 : memref<1x10240x32xf32, #tpu.memory_space<hbm>> -> memref<10240x32xf32, #tpu.memory_space<hbm>>
    %dma_start3A_33 = arith.constant 0 : i32
    %dma_start3A_34 = arith.constant 0 : i32
    %dma_start3A_35 = tpu.memref_slice %dma_start3A_32[%dma_start3A_33, %dma_start3A_34] : memref<10240x32xf32, #tpu.memory_space<hbm>> -> memref<10240x32xf32, #tpu.memory_space<hbm>>
    tpu.enqueue_indirect_dma source(%dma_start3A_35 : memref<10240x32xf32, #tpu.memory_space<hbm>>) target(%arg14 : memref<128x32xf32, #tpu.memory_space<vmem>>) offsets(%dma_start3A_28 : memref<128xi32, #tpu.memory_space<vmem>>) semaphore(%arg21 : memref<!tpu.dma_semaphore, #tpu.memory_space<semaphore_mem>>)
    %dma_start3A_36 = arith.constant 3 : i32
    %dma_start3A_37 = arith.constant 0 : i32
    %dma_start3A_38 = tpu.memref_slice %arg10[%dma_start3A_36, %dma_start3A_37] : memref<160x128xi32, #tpu.memory_space<vmem>> -> memref<1x128xi32, #tpu.memory_space<vmem>>
    %dma_start3A_39 = tpu.memref_squeeze %dma_start3A_38 : memref<1x128xi32, #tpu.memory_space<vmem>> -> memref<128xi32, #tpu.memory_space<vmem>>
    %dma_start3A_40 = arith.constant 0 : i32
    %dma_start3A_41 = arith.constant 0 : i32
    %dma_start3A_42 = tpu.memref_slice %arg2[%add3A_3, %dma_start3A_40, %dma_start3A_41] : memref<4x10240x32xf32, #tpu.memory_space<hbm>> -> memref<1x10240x32xf32, #tpu.memory_space<hbm>>
    %dma_start3A_43 = tpu.memref_squeeze %dma_start3A_42 : memref<1x10240x32xf32, #tpu.memory_space<hbm>> -> memref<10240x32xf32, #tpu.memory_space<hbm>>
    %dma_start3A_44 = arith.constant 0 : i32
    %dma_start3A_45 = arith.constant 0 : i32
    %dma_start3A_46 = tpu.memref_slice %dma_start3A_43[%dma_start3A_44, %dma_start3A_45] : memref<10240x32xf32, #tpu.memory_space<hbm>> -> memref<10240x32xf32, #tpu.memory_space<hbm>>
    tpu.enqueue_indirect_dma source(%dma_start3A_46 : memref<10240x32xf32, #tpu.memory_space<hbm>>) target(%arg15 : memref<128x32xf32, #tpu.memory_space<vmem>>) offsets(%dma_start3A_39 : memref<128xi32, #tpu.memory_space<vmem>>) semaphore(%arg22 : memref<!tpu.dma_semaphore, #tpu.memory_space<semaphore_mem>>)
    %scan3A = arith.constant 0 : i32
    %scan3A_47 = arith.constant 40 : i32
    %scan3A_48 = arith.addi %scan3A, %scan3A_47 : i32
    %scan3A_49 = arith.constant 1 : i32
    scf.for %scan3A_340 = %scan3A to %scan3A_48 step %scan3A_49  : i32 {
      %mul3A_341 = arith.constant 1 : i32
      %mul3A_342 = arith.muli %scan3A_340, %mul3A_341 : i32
      %add3A_343 = arith.constant 0 : i32
      %add3A_344 = arith.addi %add3A_343, %mul3A_342 : i32
      %mul3A_345 = arith.constant 4 : i32
      %mul3A_346 = arith.muli %mul3A_345, %add3A_344 : i32
      %add3A_347 = arith.constant 0 : i32
      %add3A_348 = arith.addi %mul3A_346, %add3A_347 : i32
      %dma_wait3A_349 = arith.constant 0 : i32
      %dma_wait3A_350 = tpu.memref_slice %arg10[%add3A_348, %dma_wait3A_349] : memref<160x128xi32, #tpu.memory_space<vmem>> -> memref<1x128xi32, #tpu.memory_space<vmem>>
      %dma_wait3A_351 = tpu.memref_squeeze %dma_wait3A_350 : memref<1x128xi32, #tpu.memory_space<vmem>> -> memref<128xi32, #tpu.memory_space<vmem>>
      %dma_wait3A_352 = arith.constant 0 : i32
      %dma_wait3A_353 = arith.constant 0 : i32
      %dma_wait3A_354 = tpu.memref_slice %arg2[%add3A_3, %dma_wait3A_352, %dma_wait3A_353] : memref<4x10240x32xf32, #tpu.memory_space<hbm>> -> memref<1x10240x32xf32, #tpu.memory_space<hbm>>
      %dma_wait3A_355 = tpu.memref_squeeze %dma_wait3A_354 : memref<1x10240x32xf32, #tpu.memory_space<hbm>> -> memref<10240x32xf32, #tpu.memory_space<hbm>>
      %dma_wait3A_356 = arith.constant 0 : i32
      %dma_wait3A_357 = arith.constant 0 : i32
      %dma_wait3A_358 = tpu.memref_slice %dma_wait3A_355[%dma_wait3A_356, %dma_wait3A_357] : memref<10240x32xf32, #tpu.memory_space<hbm>> -> memref<10240x32xf32, #tpu.memory_space<hbm>>
      tpu.wait_indirect_dma semaphore(%arg19 : memref<!tpu.dma_semaphore, #tpu.memory_space<semaphore_mem>>) src(%dma_wait3A_358 : memref<10240x32xf32, #tpu.memory_space<hbm>>) dst(%arg12 : memref<128x32xf32, #tpu.memory_space<vmem>>)
      %add3A_359 = arith.constant 0 : i32
      %add3A_360 = arith.addi %mul3A_346, %add3A_359 : i32
      %dma_start3A_361 = arith.constant 0 : i32
      %dma_start3A_362 = tpu.memref_slice %arg11[%add3A_360, %dma_start3A_361] : memref<160x128xi32, #tpu.memory_space<vmem>> -> memref<1x128xi32, #tpu.memory_space<vmem>>
      %dma_start3A_363 = tpu.memref_squeeze %dma_start3A_362 : memref<1x128xi32, #tpu.memory_space<vmem>> -> memref<128xi32, #tpu.memory_space<vmem>>
      %dma_start3A_364 = arith.constant 0 : i32
      %dma_start3A_365 = arith.constant 0 : i32
      %dma_start3A_366 = tpu.memref_slice %arg27[%dma_start3A_364, %dma_start3A_365] : memref<10240x32xf32, #tpu.memory_space<vmem_shared>> -> memref<10240x32xf32, #tpu.memory_space<vmem_shared>>
      tpu.enqueue_indirect_dma source(%arg12 : memref<128x32xf32, #tpu.memory_space<vmem>>) target(%dma_start3A_366 : memref<10240x32xf32, #tpu.memory_space<vmem_shared>>) offsets(%dma_start3A_363 : memref<128xi32, #tpu.memory_space<vmem>>) semaphore(%arg23 : memref<!tpu.dma_semaphore, #tpu.memory_space<semaphore_mem>>) {add = true}
      %add3A_367 = arith.constant 1 : i32
      %add3A_368 = arith.addi %mul3A_346, %add3A_367 : i32
      %dma_wait3A_369 = arith.constant 0 : i32
      %dma_wait3A_370 = tpu.memref_slice %arg10[%add3A_368, %dma_wait3A_369] : memref<160x128xi32, #tpu.memory_space<vmem>> -> memref<1x128xi32, #tpu.memory_space<vmem>>
      %dma_wait3A_371 = tpu.memref_squeeze %dma_wait3A_370 : memref<1x128xi32, #tpu.memory_space<vmem>> -> memref<128xi32, #tpu.memory_space<vmem>>
      %dma_wait3A_372 = arith.constant 0 : i32
      %dma_wait3A_373 = arith.constant 0 : i32
      %dma_wait3A_374 = tpu.memref_slice %arg2[%add3A_3, %dma_wait3A_372, %dma_wait3A_373] : memref<4x10240x32xf32, #tpu.memory_space<hbm>> -> memref<1x10240x32xf32, #tpu.memory_space<hbm>>
      %dma_wait3A_375 = tpu.memref_squeeze %dma_wait3A_374 : memref<1x10240x32xf32, #tpu.memory_space<hbm>> -> memref<10240x32xf32, #tpu.memory_space<hbm>>
      %dma_wait3A_376 = arith.constant 0 : i32
      %dma_wait3A_377 = arith.constant 0 : i32
      %dma_wait3A_378 = tpu.memref_slice %dma_wait3A_375[%dma_wait3A_376, %dma_wait3A_377] : memref<10240x32xf32, #tpu.memory_space<hbm>> -> memref<10240x32xf32, #tpu.memory_space<hbm>>
      tpu.wait_indirect_dma semaphore(%arg20 : memref<!tpu.dma_semaphore, #tpu.memory_space<semaphore_mem>>) src(%dma_wait3A_378 : memref<10240x32xf32, #tpu.memory_space<hbm>>) dst(%arg13 : memref<128x32xf32, #tpu.memory_space<vmem>>)
      %add3A_379 = arith.constant 1 : i32
      %add3A_380 = arith.addi %mul3A_346, %add3A_379 : i32
      %dma_start3A_381 = arith.constant 0 : i32
      %dma_start3A_382 = tpu.memref_slice %arg11[%add3A_380, %dma_start3A_381] : memref<160x128xi32, #tpu.memory_space<vmem>> -> memref<1x128xi32, #tpu.memory_space<vmem>>
      %dma_start3A_383 = tpu.memref_squeeze %dma_start3A_382 : memref<1x128xi32, #tpu.memory_space<vmem>> -> memref<128xi32, #tpu.memory_space<vmem>>
      %dma_start3A_384 = arith.constant 0 : i32
      %dma_start3A_385 = arith.constant 0 : i32
      %dma_start3A_386 = tpu.memref_slice %arg27[%dma_start3A_384, %dma_start3A_385] : memref<10240x32xf32, #tpu.memory_space<vmem_shared>> -> memref<10240x32xf32, #tpu.memory_space<vmem_shared>>
      tpu.enqueue_indirect_dma source(%arg13 : memref<128x32xf32, #tpu.memory_space<vmem>>) target(%dma_start3A_386 : memref<10240x32xf32, #tpu.memory_space<vmem_shared>>) offsets(%dma_start3A_383 : memref<128xi32, #tpu.memory_space<vmem>>) semaphore(%arg24 : memref<!tpu.dma_semaphore, #tpu.memory_space<semaphore_mem>>) {add = true}
      %add3A_387 = arith.constant 2 : i32
      %add3A_388 = arith.addi %mul3A_346, %add3A_387 : i32
      %dma_wait3A_389 = arith.constant 0 : i32
      %dma_wait3A_390 = tpu.memref_slice %arg10[%add3A_388, %dma_wait3A_389] : memref<160x128xi32, #tpu.memory_space<vmem>> -> memref<1x128xi32, #tpu.memory_space<vmem>>
      %dma_wait3A_391 = tpu.memref_squeeze %dma_wait3A_390 : memref<1x128xi32, #tpu.memory_space<vmem>> -> memref<128xi32, #tpu.memory_space<vmem>>
      %dma_wait3A_392 = arith.constant 0 : i32
      %dma_wait3A_393 = arith.constant 0 : i32
      %dma_wait3A_394 = tpu.memref_slice %arg2[%add3A_3, %dma_wait3A_392, %dma_wait3A_393] : memref<4x10240x32xf32, #tpu.memory_space<hbm>> -> memref<1x10240x32xf32, #tpu.memory_space<hbm>>
      %dma_wait3A_395 = tpu.memref_squeeze %dma_wait3A_394 : memref<1x10240x32xf32, #tpu.memory_space<hbm>> -> memref<10240x32xf32, #tpu.memory_space<hbm>>
      %dma_wait3A_396 = arith.constant 0 : i32
      %dma_wait3A_397 = arith.constant 0 : i32
      %dma_wait3A_398 = tpu.memref_slice %dma_wait3A_395[%dma_wait3A_396, %dma_wait3A_397] : memref<10240x32xf32, #tpu.memory_space<hbm>> -> memref<10240x32xf32, #tpu.memory_space<hbm>>
      tpu.wait_indirect_dma semaphore(%arg21 : memref<!tpu.dma_semaphore, #tpu.memory_space<semaphore_mem>>) src(%dma_wait3A_398 : memref<10240x32xf32, #tpu.memory_space<hbm>>) dst(%arg14 : memref<128x32xf32, #tpu.memory_space<vmem>>)
      %add3A_399 = arith.constant 2 : i32
      %add3A_400 = arith.addi %mul3A_346, %add3A_399 : i32
      %dma_start3A_401 = arith.constant 0 : i32
      %dma_start3A_402 = tpu.memref_slice %arg11[%add3A_400, %dma_start3A_401] : memref<160x128xi32, #tpu.memory_space<vmem>> -> memref<1x128xi32, #tpu.memory_space<vmem>>
      %dma_start3A_403 = tpu.memref_squeeze %dma_start3A_402 : memref<1x128xi32, #tpu.memory_space<vmem>> -> memref<128xi32, #tpu.memory_space<vmem>>
      %dma_start3A_404 = arith.constant 0 : i32
      %dma_start3A_405 = arith.constant 0 : i32
      %dma_start3A_406 = tpu.memref_slice %arg27[%dma_start3A_404, %dma_start3A_405] : memref<10240x32xf32, #tpu.memory_space<vmem_shared>> -> memref<10240x32xf32, #tpu.memory_space<vmem_shared>>
      tpu.enqueue_indirect_dma source(%arg14 : memref<128x32xf32, #tpu.memory_space<vmem>>) target(%dma_start3A_406 : memref<10240x32xf32, #tpu.memory_space<vmem_shared>>) offsets(%dma_start3A_403 : memref<128xi32, #tpu.memory_space<vmem>>) semaphore(%arg25 : memref<!tpu.dma_semaphore, #tpu.memory_space<semaphore_mem>>) {add = true}
      %add3A_407 = arith.constant 3 : i32
      %add3A_408 = arith.addi %mul3A_346, %add3A_407 : i32
      %dma_wait3A_409 = arith.constant 0 : i32
      %dma_wait3A_410 = tpu.memref_slice %arg10[%add3A_408, %dma_wait3A_409] : memref<160x128xi32, #tpu.memory_space<vmem>> -> memref<1x128xi32, #tpu.memory_space<vmem>>
      %dma_wait3A_411 = tpu.memref_squeeze %dma_wait3A_410 : memref<1x128xi32, #tpu.memory_space<vmem>> -> memref<128xi32, #tpu.memory_space<vmem>>
      %dma_wait3A_412 = arith.constant 0 : i32
      %dma_wait3A_413 = arith.constant 0 : i32
      %dma_wait3A_414 = tpu.memref_slice %arg2[%add3A_3, %dma_wait3A_412, %dma_wait3A_413] : memref<4x10240x32xf32, #tpu.memory_space<hbm>> -> memref<1x10240x32xf32, #tpu.memory_space<hbm>>
      %dma_wait3A_415 = tpu.memref_squeeze %dma_wait3A_414 : memref<1x10240x32xf32, #tpu.memory_space<hbm>> -> memref<10240x32xf32, #tpu.memory_space<hbm>>
      %dma_wait3A_416 = arith.constant 0 : i32
      %dma_wait3A_417 = arith.constant 0 : i32
      %dma_wait3A_418 = tpu.memref_slice %dma_wait3A_415[%dma_wait3A_416, %dma_wait3A_417] : memref<10240x32xf32, #tpu.memory_space<hbm>> -> memref<10240x32xf32, #tpu.memory_space<hbm>>
      tpu.wait_indirect_dma semaphore(%arg22 : memref<!tpu.dma_semaphore, #tpu.memory_space<semaphore_mem>>) src(%dma_wait3A_418 : memref<10240x32xf32, #tpu.memory_space<hbm>>) dst(%arg15 : memref<128x32xf32, #tpu.memory_space<vmem>>)
      %add3A_419 = arith.constant 3 : i32
      %add3A_420 = arith.addi %mul3A_346, %add3A_419 : i32
      %dma_start3A_421 = arith.constant 0 : i32
      %dma_start3A_422 = tpu.memref_slice %arg11[%add3A_420, %dma_start3A_421] : memref<160x128xi32, #tpu.memory_space<vmem>> -> memref<1x128xi32, #tpu.memory_space<vmem>>
      %dma_start3A_423 = tpu.memref_squeeze %dma_start3A_422 : memref<1x128xi32, #tpu.memory_space<vmem>> -> memref<128xi32, #tpu.memory_space<vmem>>
      %dma_start3A_424 = arith.constant 0 : i32
      %dma_start3A_425 = arith.constant 0 : i32
      %dma_start3A_426 = tpu.memref_slice %arg27[%dma_start3A_424, %dma_start3A_425] : memref<10240x32xf32, #tpu.memory_space<vmem_shared>> -> memref<10240x32xf32, #tpu.memory_space<vmem_shared>>
      tpu.enqueue_indirect_dma source(%arg15 : memref<128x32xf32, #tpu.memory_space<vmem>>) target(%dma_start3A_426 : memref<10240x32xf32, #tpu.memory_space<vmem_shared>>) offsets(%dma_start3A_423 : memref<128xi32, #tpu.memory_space<vmem>>) semaphore(%arg26 : memref<!tpu.dma_semaphore, #tpu.memory_space<semaphore_mem>>) {add = true}
      %add3A_427 = arith.constant 4 : i32
      %add3A_428 = arith.addi %mul3A_346, %add3A_427 : i32
      %add3A_429 = arith.constant 0 : i32
      %add3A_430 = arith.addi %add3A_428, %add3A_429 : i32
      %lt3A = arith.constant 160 : i32
      %lt3A_431 = arith.cmpi slt, %add3A_430, %lt3A : i32
      %convert_element_type3A = arith.extui %lt3A_431 : i1 to i32
      %cond3A = arith.constant 0 : i32
      %cond3A_432 = arith.cmpi ne, %convert_element_type3A, %cond3A : i32
      scf.if %cond3A_432 {
        %add3A_460 = arith.constant 0 : i32
        %add3A_461 = arith.addi %mul3A_346, %add3A_460 : i32
        %dma_wait3A_462 = arith.constant 0 : i32
        %dma_wait3A_463 = tpu.memref_slice %arg11[%add3A_461, %dma_wait3A_462] : memref<160x128xi32, #tpu.memory_space<vmem>> -> memref<1x128xi32, #tpu.memory_space<vmem>>
        %dma_wait3A_464 = tpu.memref_squeeze %dma_wait3A_463 : memref<1x128xi32, #tpu.memory_space<vmem>> -> memref<128xi32, #tpu.memory_space<vmem>>
        %dma_wait3A_465 = arith.constant 0 : i32
        %dma_wait3A_466 = arith.constant 0 : i32
        %dma_wait3A_467 = tpu.memref_slice %arg27[%dma_wait3A_465, %dma_wait3A_466] : memref<10240x32xf32, #tpu.memory_space<vmem_shared>> -> memref<10240x32xf32, #tpu.memory_space<vmem_shared>>
        tpu.wait_indirect_dma semaphore(%arg23 : memref<!tpu.dma_semaphore, #tpu.memory_space<semaphore_mem>>) src(%arg12 : memref<128x32xf32, #tpu.memory_space<vmem>>) dst(%dma_wait3A_467 : memref<10240x32xf32, #tpu.memory_space<vmem_shared>>)
        %dma_start3A_468 = arith.constant 0 : i32
        %dma_start3A_469 = tpu.memref_slice %arg10[%add3A_430, %dma_start3A_468] : memref<160x128xi32, #tpu.memory_space<vmem>> -> memref<1x128xi32, #tpu.memory_space<vmem>>
        %dma_start3A_470 = tpu.memref_squeeze %dma_start3A_469 : memref<1x128xi32, #tpu.memory_space<vmem>> -> memref<128xi32, #tpu.memory_space<vmem>>
        %dma_start3A_471 = arith.constant 0 : i32
        %dma_start3A_472 = arith.constant 0 : i32
        %dma_start3A_473 = tpu.memref_slice %arg2[%add3A_3, %dma_start3A_471, %dma_start3A_472] : memref<4x10240x32xf32, #tpu.memory_space<hbm>> -> memref<1x10240x32xf32, #tpu.memory_space<hbm>>
        %dma_start3A_474 = tpu.memref_squeeze %dma_start3A_473 : memref<1x10240x32xf32, #tpu.memory_space<hbm>> -> memref<10240x32xf32, #tpu.memory_space<hbm>>
        %dma_start3A_475 = arith.constant 0 : i32
        %dma_start3A_476 = arith.constant 0 : i32
        %dma_start3A_477 = tpu.memref_slice %dma_start3A_474[%dma_start3A_475, %dma_start3A_476] : memref<10240x32xf32, #tpu.memory_space<hbm>> -> memref<10240x32xf32, #tpu.memory_space<hbm>>
        tpu.enqueue_indirect_dma source(%dma_start3A_477 : memref<10240x32xf32, #tpu.memory_space<hbm>>) target(%arg12 : memref<128x32xf32, #tpu.memory_space<vmem>>) offsets(%dma_start3A_470 : memref<128xi32, #tpu.memory_space<vmem>>) semaphore(%arg19 : memref<!tpu.dma_semaphore, #tpu.memory_space<semaphore_mem>>)
      } else {
      }
      %add3A_433 = arith.constant 4 : i32
      %add3A_434 = arith.addi %mul3A_346, %add3A_433 : i32
      %add3A_435 = arith.constant 1 : i32
      %add3A_436 = arith.addi %add3A_434, %add3A_435 : i32
      %lt3A_437 = arith.constant 160 : i32
      %lt3A_438 = arith.cmpi slt, %add3A_436, %lt3A_437 : i32
      %convert_element_type3A_439 = arith.extui %lt3A_438 : i1 to i32
      %cond3A_440 = arith.constant 0 : i32
      %cond3A_441 = arith.cmpi ne, %convert_element_type3A_439, %cond3A_440 : i32
      scf.if %cond3A_441 {
        %add3A_460 = arith.constant 1 : i32
        %add3A_461 = arith.addi %mul3A_346, %add3A_460 : i32
        %dma_wait3A_462 = arith.constant 0 : i32
        %dma_wait3A_463 = tpu.memref_slice %arg11[%add3A_461, %dma_wait3A_462] : memref<160x128xi32, #tpu.memory_space<vmem>> -> memref<1x128xi32, #tpu.memory_space<vmem>>
        %dma_wait3A_464 = tpu.memref_squeeze %dma_wait3A_463 : memref<1x128xi32, #tpu.memory_space<vmem>> -> memref<128xi32, #tpu.memory_space<vmem>>
        %dma_wait3A_465 = arith.constant 0 : i32
        %dma_wait3A_466 = arith.constant 0 : i32
        %dma_wait3A_467 = tpu.memref_slice %arg27[%dma_wait3A_465, %dma_wait3A_466] : memref<10240x32xf32, #tpu.memory_space<vmem_shared>> -> memref<10240x32xf32, #tpu.memory_space<vmem_shared>>
        tpu.wait_indirect_dma semaphore(%arg24 : memref<!tpu.dma_semaphore, #tpu.memory_space<semaphore_mem>>) src(%arg13 : memref<128x32xf32, #tpu.memory_space<vmem>>) dst(%dma_wait3A_467 : memref<10240x32xf32, #tpu.memory_space<vmem_shared>>)
        %dma_start3A_468 = arith.constant 0 : i32
        %dma_start3A_469 = tpu.memref_slice %arg10[%add3A_436, %dma_start3A_468] : memref<160x128xi32, #tpu.memory_space<vmem>> -> memref<1x128xi32, #tpu.memory_space<vmem>>
        %dma_start3A_470 = tpu.memref_squeeze %dma_start3A_469 : memref<1x128xi32, #tpu.memory_space<vmem>> -> memref<128xi32, #tpu.memory_space<vmem>>
        %dma_start3A_471 = arith.constant 0 : i32
        %dma_start3A_472 = arith.constant 0 : i32
        %dma_start3A_473 = tpu.memref_slice %arg2[%add3A_3, %dma_start3A_471, %dma_start3A_472] : memref<4x10240x32xf32, #tpu.memory_space<hbm>> -> memref<1x10240x32xf32, #tpu.memory_space<hbm>>
        %dma_start3A_474 = tpu.memref_squeeze %dma_start3A_473 : memref<1x10240x32xf32, #tpu.memory_space<hbm>> -> memref<10240x32xf32, #tpu.memory_space<hbm>>
        %dma_start3A_475 = arith.constant 0 : i32
        %dma_start3A_476 = arith.constant 0 : i32
        %dma_start3A_477 = tpu.memref_slice %dma_start3A_474[%dma_start3A_475, %dma_start3A_476] : memref<10240x32xf32, #tpu.memory_space<hbm>> -> memref<10240x32xf32, #tpu.memory_space<hbm>>
        tpu.enqueue_indirect_dma source(%dma_start3A_477 : memref<10240x32xf32, #tpu.memory_space<hbm>>) target(%arg13 : memref<128x32xf32, #tpu.memory_space<vmem>>) offsets(%dma_start3A_470 : memref<128xi32, #tpu.memory_space<vmem>>) semaphore(%arg20 : memref<!tpu.dma_semaphore, #tpu.memory_space<semaphore_mem>>)
      } else {
      }
      %add3A_442 = arith.constant 4 : i32
      %add3A_443 = arith.addi %mul3A_346, %add3A_442 : i32
      %add3A_444 = arith.constant 2 : i32
      %add3A_445 = arith.addi %add3A_443, %add3A_444 : i32
      %lt3A_446 = arith.constant 160 : i32
      %lt3A_447 = arith.cmpi slt, %add3A_445, %lt3A_446 : i32
      %convert_element_type3A_448 = arith.extui %lt3A_447 : i1 to i32
      %cond3A_449 = arith.constant 0 : i32
      %cond3A_450 = arith.cmpi ne, %convert_element_type3A_448, %cond3A_449 : i32
      scf.if %cond3A_450 {
        %add3A_460 = arith.constant 2 : i32
        %add3A_461 = arith.addi %mul3A_346, %add3A_460 : i32
        %dma_wait3A_462 = arith.constant 0 : i32
        %dma_wait3A_463 = tpu.memref_slice %arg11[%add3A_461, %dma_wait3A_462] : memref<160x128xi32, #tpu.memory_space<vmem>> -> memref<1x128xi32, #tpu.memory_space<vmem>>
        %dma_wait3A_464 = tpu.memref_squeeze %dma_wait3A_463 : memref<1x128xi32, #tpu.memory_space<vmem>> -> memref<128xi32, #tpu.memory_space<vmem>>
        %dma_wait3A_465 = arith.constant 0 : i32
        %dma_wait3A_466 = arith.constant 0 : i32
        %dma_wait3A_467 = tpu.memref_slice %arg27[%dma_wait3A_465, %dma_wait3A_466] : memref<10240x32xf32, #tpu.memory_space<vmem_shared>> -> memref<10240x32xf32, #tpu.memory_space<vmem_shared>>
        tpu.wait_indirect_dma semaphore(%arg25 : memref<!tpu.dma_semaphore, #tpu.memory_space<semaphore_mem>>) src(%arg14 : memref<128x32xf32, #tpu.memory_space<vmem>>) dst(%dma_wait3A_467 : memref<10240x32xf32, #tpu.memory_space<vmem_shared>>)
        %dma_start3A_468 = arith.constant 0 : i32
        %dma_start3A_469 = tpu.memref_slice %arg10[%add3A_445, %dma_start3A_468] : memref<160x128xi32, #tpu.memory_space<vmem>> -> memref<1x128xi32, #tpu.memory_space<vmem>>
        %dma_start3A_470 = tpu.memref_squeeze %dma_start3A_469 : memref<1x128xi32, #tpu.memory_space<vmem>> -> memref<128xi32, #tpu.memory_space<vmem>>
        %dma_start3A_471 = arith.constant 0 : i32
        %dma_start3A_472 = arith.constant 0 : i32
        %dma_start3A_473 = tpu.memref_slice %arg2[%add3A_3, %dma_start3A_471, %dma_start3A_472] : memref<4x10240x32xf32, #tpu.memory_space<hbm>> -> memref<1x10240x32xf32, #tpu.memory_space<hbm>>
        %dma_start3A_474 = tpu.memref_squeeze %dma_start3A_473 : memref<1x10240x32xf32, #tpu.memory_space<hbm>> -> memref<10240x32xf32, #tpu.memory_space<hbm>>
        %dma_start3A_475 = arith.constant 0 : i32
        %dma_start3A_476 = arith.constant 0 : i32
        %dma_start3A_477 = tpu.memref_slice %dma_start3A_474[%dma_start3A_475, %dma_start3A_476] : memref<10240x32xf32, #tpu.memory_space<hbm>> -> memref<10240x32xf32, #tpu.memory_space<hbm>>
        tpu.enqueue_indirect_dma source(%dma_start3A_477 : memref<10240x32xf32, #tpu.memory_space<hbm>>) target(%arg14 : memref<128x32xf32, #tpu.memory_space<vmem>>) offsets(%dma_start3A_470 : memref<128xi32, #tpu.memory_space<vmem>>) semaphore(%arg21 : memref<!tpu.dma_semaphore, #tpu.memory_space<semaphore_mem>>)
      } else {
      }
      %add3A_451 = arith.constant 4 : i32
      %add3A_452 = arith.addi %mul3A_346, %add3A_451 : i32
      %add3A_453 = arith.constant 3 : i32
      %add3A_454 = arith.addi %add3A_452, %add3A_453 : i32
      %lt3A_455 = arith.constant 160 : i32
      %lt3A_456 = arith.cmpi slt, %add3A_454, %lt3A_455 : i32
      %convert_element_type3A_457 = arith.extui %lt3A_456 : i1 to i32
      %cond3A_458 = arith.constant 0 : i32
      %cond3A_459 = arith.cmpi ne, %convert_element_type3A_457, %cond3A_458 : i32
      scf.if %cond3A_459 {
        %add3A_460 = arith.constant 3 : i32
        %add3A_461 = arith.addi %mul3A_346, %add3A_460 : i32
        %dma_wait3A_462 = arith.constant 0 : i32
        %dma_wait3A_463 = tpu.memref_slice %arg11[%add3A_461, %dma_wait3A_462] : memref<160x128xi32, #tpu.memory_space<vmem>> -> memref<1x128xi32, #tpu.memory_space<vmem>>
        %dma_wait3A_464 = tpu.memref_squeeze %dma_wait3A_463 : memref<1x128xi32, #tpu.memory_space<vmem>> -> memref<128xi32, #tpu.memory_space<vmem>>
        %dma_wait3A_465 = arith.constant 0 : i32
        %dma_wait3A_466 = arith.constant 0 : i32
        %dma_wait3A_467 = tpu.memref_slice %arg27[%dma_wait3A_465, %dma_wait3A_466] : memref<10240x32xf32, #tpu.memory_space<vmem_shared>> -> memref<10240x32xf32, #tpu.memory_space<vmem_shared>>
        tpu.wait_indirect_dma semaphore(%arg26 : memref<!tpu.dma_semaphore, #tpu.memory_space<semaphore_mem>>) src(%arg15 : memref<128x32xf32, #tpu.memory_space<vmem>>) dst(%dma_wait3A_467 : memref<10240x32xf32, #tpu.memory_space<vmem_shared>>)
        %dma_start3A_468 = arith.constant 0 : i32
        %dma_start3A_469 = tpu.memref_slice %arg10[%add3A_454, %dma_start3A_468] : memref<160x128xi32, #tpu.memory_space<vmem>> -> memref<1x128xi32, #tpu.memory_space<vmem>>
        %dma_start3A_470 = tpu.memref_squeeze %dma_start3A_469 : memref<1x128xi32, #tpu.memory_space<vmem>> -> memref<128xi32, #tpu.memory_space<vmem>>
        %dma_start3A_471 = arith.constant 0 : i32
        %dma_start3A_472 = arith.constant 0 : i32
        %dma_start3A_473 = tpu.memref_slice %arg2[%add3A_3, %dma_start3A_471, %dma_start3A_472] : memref<4x10240x32xf32, #tpu.memory_space<hbm>> -> memref<1x10240x32xf32, #tpu.memory_space<hbm>>
        %dma_start3A_474 = tpu.memref_squeeze %dma_start3A_473 : memref<1x10240x32xf32, #tpu.memory_space<hbm>> -> memref<10240x32xf32, #tpu.memory_space<hbm>>
        %dma_start3A_475 = arith.constant 0 : i32
        %dma_start3A_476 = arith.constant 0 : i32
        %dma_start3A_477 = tpu.memref_slice %dma_start3A_474[%dma_start3A_475, %dma_start3A_476] : memref<10240x32xf32, #tpu.memory_space<hbm>> -> memref<10240x32xf32, #tpu.memory_space<hbm>>
        tpu.enqueue_indirect_dma source(%dma_start3A_477 : memref<10240x32xf32, #tpu.memory_space<hbm>>) target(%arg15 : memref<128x32xf32, #tpu.memory_space<vmem>>) offsets(%dma_start3A_470 : memref<128xi32, #tpu.memory_space<vmem>>) semaphore(%arg22 : memref<!tpu.dma_semaphore, #tpu.memory_space<semaphore_mem>>)
      } else {
      }
    }
    %scan3A_50 = arith.constant 40 : i32
    %dma_wait3A = arith.constant 156 : i32
    %dma_wait3A_51 = arith.constant 0 : i32
    %dma_wait3A_52 = tpu.memref_slice %arg11[%dma_wait3A, %dma_wait3A_51] : memref<160x128xi32, #tpu.memory_space<vmem>> -> memref<1x128xi32, #tpu.memory_space<vmem>>
    %dma_wait3A_53 = tpu.memref_squeeze %dma_wait3A_52 : memref<1x128xi32, #tpu.memory_space<vmem>> -> memref<128xi32, #tpu.memory_space<vmem>>
    %dma_wait3A_54 = arith.constant 0 : i32
    %dma_wait3A_55 = arith.constant 0 : i32
    %dma_wait3A_56 = tpu.memref_slice %arg27[%dma_wait3A_54, %dma_wait3A_55] : memref<10240x32xf32, #tpu.memory_space<vmem_shared>> -> memref<10240x32xf32, #tpu.memory_space<vmem_shared>>
    tpu.wait_indirect_dma semaphore(%arg23 : memref<!tpu.dma_semaphore, #tpu.memory_space<semaphore_mem>>) src(%arg12 : memref<128x32xf32, #tpu.memory_space<vmem>>) dst(%dma_wait3A_56 : memref<10240x32xf32, #tpu.memory_space<vmem_shared>>)
    %dma_wait3A_57 = arith.constant 157 : i32
    %dma_wait3A_58 = arith.constant 0 : i32
    %dma_wait3A_59 = tpu.memref_slice %arg11[%dma_wait3A_57, %dma_wait3A_58] : memref<160x128xi32, #tpu.memory_space<vmem>> -> memref<1x128xi32, #tpu.memory_space<vmem>>
    %dma_wait3A_60 = tpu.memref_squeeze %dma_wait3A_59 : memref<1x128xi32, #tpu.memory_space<vmem>> -> memref<128xi32, #tpu.memory_space<vmem>>
    %dma_wait3A_61 = arith.constant 0 : i32
    %dma_wait3A_62 = arith.constant 0 : i32
    %dma_wait3A_63 = tpu.memref_slice %arg27[%dma_wait3A_61, %dma_wait3A_62] : memref<10240x32xf32, #tpu.memory_space<vmem_shared>> -> memref<10240x32xf32, #tpu.memory_space<vmem_shared>>
    tpu.wait_indirect_dma semaphore(%arg24 : memref<!tpu.dma_semaphore, #tpu.memory_space<semaphore_mem>>) src(%arg13 : memref<128x32xf32, #tpu.memory_space<vmem>>) dst(%dma_wait3A_63 : memref<10240x32xf32, #tpu.memory_space<vmem_shared>>)
    %dma_wait3A_64 = arith.constant 158 : i32
    %dma_wait3A_65 = arith.constant 0 : i32
    %dma_wait3A_66 = tpu.memref_slice %arg11[%dma_wait3A_64, %dma_wait3A_65] : memref<160x128xi32, #tpu.memory_space<vmem>> -> memref<1x128xi32, #tpu.memory_space<vmem>>
    %dma_wait3A_67 = tpu.memref_squeeze %dma_wait3A_66 : memref<1x128xi32, #tpu.memory_space<vmem>> -> memref<128xi32, #tpu.memory_space<vmem>>
    %dma_wait3A_68 = arith.constant 0 : i32
    %dma_wait3A_69 = arith.constant 0 : i32
    %dma_wait3A_70 = tpu.memref_slice %arg27[%dma_wait3A_68, %dma_wait3A_69] : memref<10240x32xf32, #tpu.memory_space<vmem_shared>> -> memref<10240x32xf32, #tpu.memory_space<vmem_shared>>
    tpu.wait_indirect_dma semaphore(%arg25 : memref<!tpu.dma_semaphore, #tpu.memory_space<semaphore_mem>>) src(%arg14 : memref<128x32xf32, #tpu.memory_space<vmem>>) dst(%dma_wait3A_70 : memref<10240x32xf32, #tpu.memory_space<vmem_shared>>)
    %dma_wait3A_71 = arith.constant 159 : i32
    %dma_wait3A_72 = arith.constant 0 : i32
    %dma_wait3A_73 = tpu.memref_slice %arg11[%dma_wait3A_71, %dma_wait3A_72] : memref<160x128xi32, #tpu.memory_space<vmem>> -> memref<1x128xi32, #tpu.memory_space<vmem>>
    %dma_wait3A_74 = tpu.memref_squeeze %dma_wait3A_73 : memref<1x128xi32, #tpu.memory_space<vmem>> -> memref<128xi32, #tpu.memory_space<vmem>>
    %dma_wait3A_75 = arith.constant 0 : i32
    %dma_wait3A_76 = arith.constant 0 : i32
    %dma_wait3A_77 = tpu.memref_slice %arg27[%dma_wait3A_75, %dma_wait3A_76] : memref<10240x32xf32, #tpu.memory_space<vmem_shared>> -> memref<10240x32xf32, #tpu.memory_space<vmem_shared>>
    tpu.wait_indirect_dma semaphore(%arg26 : memref<!tpu.dma_semaphore, #tpu.memory_space<semaphore_mem>>) src(%arg15 : memref<128x32xf32, #tpu.memory_space<vmem>>) dst(%dma_wait3A_77 : memref<10240x32xf32, #tpu.memory_space<vmem_shared>>)
    %barrier3A_78 = arith.constant 0 : index
    tpu.barrier barrier_id(%barrier3A_78)
    "tpu.region"() ({
      %run_scoped3A = tpu.sem_alloc : memref<!tpu.dma_semaphore, #tpu.memory_space<semaphore_mem>>
      %dma_start3A_340 = arith.constant 0 : i32
      %dma_start3A_341 = tpu.memref_slice %arg27[%mul3A_0, %dma_start3A_340] : memref<10240x32xf32, #tpu.memory_space<vmem_shared>> -> memref<640x32xf32, #tpu.memory_space<vmem_shared>>
      %dma_start3A_342 = arith.constant 0 : i32
      %dma_start3A_343 = tpu.memref_slice %arg27[%mul3A_0, %dma_start3A_342] : memref<10240x32xf32, #tpu.memory_space<vmem_shared>> -> memref<640x32xf32, #tpu.memory_space<vmem_shared>>
      tpu.enqueue_dma source(%dma_start3A_343 : memref<640x32xf32, #tpu.memory_space<vmem_shared>>) target(%arg16 : memref<640x32xf32, #tpu.memory_space<vmem>>) target_semaphore(%run_scoped3A : memref<!tpu.dma_semaphore, #tpu.memory_space<semaphore_mem>>)
      %dma_wait3A_344 = arith.constant 0 : i32
      %dma_wait3A_345 = tpu.memref_slice %arg27[%mul3A_0, %dma_wait3A_344] : memref<10240x32xf32, #tpu.memory_space<vmem_shared>> -> memref<640x32xf32, #tpu.memory_space<vmem_shared>>
      %dma_wait3A_346 = arith.constant 0 : i32
      %dma_wait3A_347 = tpu.memref_slice %arg27[%mul3A_0, %dma_wait3A_346] : memref<10240x32xf32, #tpu.memory_space<vmem_shared>> -> memref<640x32xf32, #tpu.memory_space<vmem_shared>>
      tpu.wait_dma2 semaphore(%run_scoped3A : memref<!tpu.dma_semaphore, #tpu.memory_space<semaphore_mem>>) src(%dma_wait3A_347 : memref<640x32xf32, #tpu.memory_space<vmem_shared>>) dst(%arg16 : memref<640x32xf32, #tpu.memory_space<vmem>>)
      tpu.yield
    }) : () -> ()
    %scan3A_79 = arith.constant 0 : i32
    %scan3A_80 = arith.constant 640 : i32
    %scan3A_81 = arith.addi %scan3A_79, %scan3A_80 : i32
    %scan3A_82 = arith.constant 1 : i32
    scf.for %scan3A_340 = %scan3A_79 to %scan3A_81 step %scan3A_82  : i32 {
      %mul3A_341 = arith.constant 1 : i32
      %mul3A_342 = arith.muli %scan3A_340, %mul3A_341 : i32
      %add3A_343 = arith.constant 0 : i32
      %add3A_344 = arith.addi %add3A_343, %mul3A_342 : i32
      %get3A = arith.index_cast %add3A_344 : i32 to index
      %get3A_345 = arith.constant 0 : index
      %get3A_346 = tpu.vector_load %arg17[%get3A, %get3A_345] {strides = array<i32>} : memref<640x16xf32, #tpu.memory_space<vmem>>, vector<1x16xf32>,
      %get3A_347 = vector.shape_cast %get3A_346 : vector<1x16xf32> to vector<16xf32>
      %get3A_348 = arith.index_cast %add3A_344 : i32 to index
      %get3A_349 = arith.constant 0 : index
      %get3A_350 = tpu.vector_load %arg16[%get3A_348, %get3A_349] {strides = array<i32>} : memref<640x32xf32, #tpu.memory_space<vmem>>, vector<1x16xf32>,
      %get3A_351 = vector.shape_cast %get3A_350 : vector<1x16xf32> to vector<16xf32>
      %mul3A_352 = arith.mulf %get3A_351, %get3A_347 : vector<16xf32>
      %swap3A = arith.index_cast %add3A_344 : i32 to index
      %swap3A_353 = arith.constant 0 : index
      %swap3A_354 = tpu.vector_load %arg16[%swap3A, %swap3A_353] {strides = array<i32>} : memref<640x32xf32, #tpu.memory_space<vmem>>, vector<1x16xf32>,
      %swap3A_355 = vector.shape_cast %swap3A_354 : vector<1x16xf32> to vector<16xf32>
      %swap3A_356 = vector.shape_cast %mul3A_352 : vector<16xf32> to vector<1x16xf32>
      tpu.vector_store %arg16[%swap3A, %swap3A_353], %swap3A_356 {strides = array<i32>} : memref<640x32xf32, #tpu.memory_space<vmem>>, vector<1x16xf32>,
      %get3A_357 = arith.index_cast %add3A_344 : i32 to index
      %get3A_358 = arith.constant 16 : index
      %get3A_359 = tpu.vector_load %arg16[%get3A_357, %get3A_358] {strides = array<i32>} : memref<640x32xf32, #tpu.memory_space<vmem>>, vector<1x16xf32>,
      %get3A_360 = vector.shape_cast %get3A_359 : vector<1x16xf32> to vector<16xf32>
      %mul3A_361 = arith.mulf %get3A_360, %get3A_347 : vector<16xf32>
      %swap3A_362 = arith.index_cast %add3A_344 : i32 to index
      %swap3A_363 = arith.constant 16 : index
      %swap3A_364 = tpu.vector_load %arg16[%swap3A_362, %swap3A_363] {strides = array<i32>} : memref<640x32xf32, #tpu.memory_space<vmem>>, vector<1x16xf32>,
      %swap3A_365 = vector.shape_cast %swap3A_364 : vector<1x16xf32> to vector<16xf32>
      %swap3A_366 = vector.shape_cast %mul3A_361 : vector<16xf32> to vector<1x16xf32>
      tpu.vector_store %arg16[%swap3A_362, %swap3A_363], %swap3A_366 {strides = array<i32>} : memref<640x32xf32, #tpu.memory_space<vmem>>, vector<1x16xf32>,
    }
    %scan3A_83 = arith.constant 640 : i32
    "tpu.region"() ({
      %run_scoped3A = tpu.sem_alloc : memref<!tpu.dma_semaphore, #tpu.memory_space<semaphore_mem>>
      %dma_start3A_340 = arith.constant 0 : i32
      %dma_start3A_341 = tpu.memref_slice %arg9[%add3A_3, %mul3A_0, %dma_start3A_340] : memref<4x10240x32xf32, #tpu.memory_space<hbm>> -> memref<1x640x32xf32, #tpu.memory_space<hbm>>
      %dma_start3A_342 = tpu.memref_squeeze %dma_start3A_341 : memref<1x640x32xf32, #tpu.memory_space<hbm>> -> memref<640x32xf32, #tpu.memory_space<hbm>>
      %dma_start3A_343 = arith.constant 0 : i32
      %dma_start3A_344 = tpu.memref_slice %arg9[%add3A_3, %mul3A_0, %dma_start3A_343] : memref<4x10240x32xf32, #tpu.memory_space<hbm>> -> memref<1x640x32xf32, #tpu.memory_space<hbm>>
      %dma_start3A_345 = tpu.memref_squeeze %dma_start3A_344 : memref<1x640x32xf32, #tpu.memory_space<hbm>> -> memref<640x32xf32, #tpu.memory_space<hbm>>
      tpu.enqueue_dma source(%arg16 : memref<640x32xf32, #tpu.memory_space<vmem>>) target(%dma_start3A_345 : memref<640x32xf32, #tpu.memory_space<hbm>>) target_semaphore(%run_scoped3A : memref<!tpu.dma_semaphore, #tpu.memory_space<semaphore_mem>>)
      %dma_wait3A_346 = arith.constant 0 : i32
      %dma_wait3A_347 = tpu.memref_slice %arg9[%add3A_3, %mul3A_0, %dma_wait3A_346] : memref<4x10240x32xf32, #tpu.memory_space<hbm>> -> memref<1x640x32xf32, #tpu.memory_space<hbm>>
      %dma_wait3A_348 = tpu.memref_squeeze %dma_wait3A_347 : memref<1x640x32xf32, #tpu.memory_space<hbm>> -> memref<640x32xf32, #tpu.memory_space<hbm>>
      %dma_wait3A_349 = arith.constant 0 : i32
      %dma_wait3A_350 = tpu.memref_slice %arg9[%add3A_3, %mul3A_0, %dma_wait3A_349] : memref<4x10240x32xf32, #tpu.memory_space<hbm>> -> memref<1x640x32xf32, #tpu.memory_space<hbm>>
      %dma_wait3A_351 = tpu.memref_squeeze %dma_wait3A_350 : memref<1x640x32xf32, #tpu.memory_space<hbm>> -> memref<640x32xf32, #tpu.memory_space<hbm>>
      tpu.wait_dma2 semaphore(%run_scoped3A : memref<!tpu.dma_semaphore, #tpu.memory_space<semaphore_mem>>) src(%arg16 : memref<640x32xf32, #tpu.memory_space<vmem>>) dst(%dma_wait3A_351 : memref<640x32xf32, #tpu.memory_space<hbm>>)
      tpu.yield
    }) : () -> ()
    "tpu.region"() ({
      %run_scoped3A = tpu.sem_alloc : memref<!tpu.dma_semaphore, #tpu.memory_space<semaphore_mem>>
      %dma_start3A_340 = arith.constant 0 : i32
      %dma_start3A_341 = tpu.memref_slice %arg27[%mul3A_0, %dma_start3A_340] : memref<10240x32xf32, #tpu.memory_space<vmem_shared>> -> memref<640x32xf32, #tpu.memory_space<vmem_shared>>
      tpu.enqueue_dma source(%arg5 : memref<640x32xf32, #tpu.memory_space<hbm>>) target(%dma_start3A_341 : memref<640x32xf32, #tpu.memory_space<vmem_shared>>) target_semaphore(%run_scoped3A : memref<!tpu.dma_semaphore, #tpu.memory_space<semaphore_mem>>)
      %dma_wait3A_342 = arith.constant 0 : i32
      %dma_wait3A_343 = tpu.memref_slice %arg27[%mul3A_0, %dma_wait3A_342] : memref<10240x32xf32, #tpu.memory_space<vmem_shared>> -> memref<640x32xf32, #tpu.memory_space<vmem_shared>>
      tpu.wait_dma2 semaphore(%run_scoped3A : memref<!tpu.dma_semaphore, #tpu.memory_space<semaphore_mem>>) src(%arg5 : memref<640x32xf32, #tpu.memory_space<hbm>>) dst(%dma_wait3A_343 : memref<640x32xf32, #tpu.memory_space<vmem_shared>>)
      tpu.yield
    }) : () -> ()
    %barrier3A_84 = arith.constant 0 : index
    tpu.barrier barrier_id(%barrier3A_84)
    %dma_start3A_85 = arith.constant 0 : i32
    %dma_start3A_86 = arith.constant 0 : i32
    %dma_start3A_87 = tpu.memref_slice %arg11[%dma_start3A_85, %dma_start3A_86] : memref<160x128xi32, #tpu.memory_space<vmem>> -> memref<1x128xi32, #tpu.memory_space<vmem>>
    %dma_start3A_88 = tpu.memref_squeeze %dma_start3A_87 : memref<1x128xi32, #tpu.memory_space<vmem>> -> memref<128xi32, #tpu.memory_space<vmem>>
    %dma_start3A_89 = arith.constant 0 : i32
    %dma_start3A_90 = arith.constant 0 : i32
    %dma_start3A_91 = tpu.memref_slice %arg9[%add3A_3, %dma_start3A_89, %dma_start3A_90] : memref<4x10240x32xf32, #tpu.memory_space<hbm>> -> memref<1x10240x32xf32, #tpu.memory_space<hbm>>
    %dma_start3A_92 = tpu.memref_squeeze %dma_start3A_91 : memref<1x10240x32xf32, #tpu.memory_space<hbm>> -> memref<10240x32xf32, #tpu.memory_space<hbm>>
    %dma_start3A_93 = arith.constant 0 : i32
    %dma_start3A_94 = arith.constant 0 : i32
    %dma_start3A_95 = tpu.memref_slice %dma_start3A_92[%dma_start3A_93, %dma_start3A_94] : memref<10240x32xf32, #tpu.memory_space<hbm>> -> memref<10240x32xf32, #tpu.memory_space<hbm>>
    tpu.enqueue_indirect_dma source(%dma_start3A_95 : memref<10240x32xf32, #tpu.memory_space<hbm>>) target(%arg12 : memref<128x32xf32, #tpu.memory_space<vmem>>) offsets(%dma_start3A_88 : memref<128xi32, #tpu.memory_space<vmem>>) semaphore(%arg19 : memref<!tpu.dma_semaphore, #tpu.memory_space<semaphore_mem>>)
    %dma_start3A_96 = arith.constant 1 : i32
    %dma_start3A_97 = arith.constant 0 : i32
    %dma_start3A_98 = tpu.memref_slice %arg11[%dma_start3A_96, %dma_start3A_97] : memref<160x128xi32, #tpu.memory_space<vmem>> -> memref<1x128xi32, #tpu.memory_space<vmem>>
    %dma_start3A_99 = tpu.memref_squeeze %dma_start3A_98 : memref<1x128xi32, #tpu.memory_space<vmem>> -> memref<128xi32, #tpu.memory_space<vmem>>
    %dma_start3A_100 = arith.constant 0 : i32
    %dma_start3A_101 = arith.constant 0 : i32
    %dma_start3A_102 = tpu.memref_slice %arg9[%add3A_3, %dma_start3A_100, %dma_start3A_101] : memref<4x10240x32xf32, #tpu.memory_space<hbm>> -> memref<1x10240x32xf32, #tpu.memory_space<hbm>>
    %dma_start3A_103 = tpu.memref_squeeze %dma_start3A_102 : memref<1x10240x32xf32, #tpu.memory_space<hbm>> -> memref<10240x32xf32, #tpu.memory_space<hbm>>
    %dma_start3A_104 = arith.constant 0 : i32
    %dma_start3A_105 = arith.constant 0 : i32
    %dma_start3A_106 = tpu.memref_slice %dma_start3A_103[%dma_start3A_104, %dma_start3A_105] : memref<10240x32xf32, #tpu.memory_space<hbm>> -> memref<10240x32xf32, #tpu.memory_space<hbm>>
    tpu.enqueue_indirect_dma source(%dma_start3A_106 : memref<10240x32xf32, #tpu.memory_space<hbm>>) target(%arg13 : memref<128x32xf32, #tpu.memory_space<vmem>>) offsets(%dma_start3A_99 : memref<128xi32, #tpu.memory_space<vmem>>) semaphore(%arg20 : memref<!tpu.dma_semaphore, #tpu.memory_space<semaphore_mem>>)
    %dma_start3A_107 = arith.constant 2 : i32
    %dma_start3A_108 = arith.constant 0 : i32
    %dma_start3A_109 = tpu.memref_slice %arg11[%dma_start3A_107, %dma_start3A_108] : memref<160x128xi32, #tpu.memory_space<vmem>> -> memref<1x128xi32, #tpu.memory_space<vmem>>
    %dma_start3A_110 = tpu.memref_squeeze %dma_start3A_109 : memref<1x128xi32, #tpu.memory_space<vmem>> -> memref<128xi32, #tpu.memory_space<vmem>>
    %dma_start3A_111 = arith.constant 0 : i32
    %dma_start3A_112 = arith.constant 0 : i32
    %dma_start3A_113 = tpu.memref_slice %arg9[%add3A_3, %dma_start3A_111, %dma_start3A_112] : memref<4x10240x32xf32, #tpu.memory_space<hbm>> -> memref<1x10240x32xf32, #tpu.memory_space<hbm>>
    %dma_start3A_114 = tpu.memref_squeeze %dma_start3A_113 : memref<1x10240x32xf32, #tpu.memory_space<hbm>> -> memref<10240x32xf32, #tpu.memory_space<hbm>>
    %dma_start3A_115 = arith.constant 0 : i32
    %dma_start3A_116 = arith.constant 0 : i32
    %dma_start3A_117 = tpu.memref_slice %dma_start3A_114[%dma_start3A_115, %dma_start3A_116] : memref<10240x32xf32, #tpu.memory_space<hbm>> -> memref<10240x32xf32, #tpu.memory_space<hbm>>
    tpu.enqueue_indirect_dma source(%dma_start3A_117 : memref<10240x32xf32, #tpu.memory_space<hbm>>) target(%arg14 : memref<128x32xf32, #tpu.memory_space<vmem>>) offsets(%dma_start3A_110 : memref<128xi32, #tpu.memory_space<vmem>>) semaphore(%arg21 : memref<!tpu.dma_semaphore, #tpu.memory_space<semaphore_mem>>)
    %dma_start3A_118 = arith.constant 3 : i32
    %dma_start3A_119 = arith.constant 0 : i32
    %dma_start3A_120 = tpu.memref_slice %arg11[%dma_start3A_118, %dma_start3A_119] : memref<160x128xi32, #tpu.memory_space<vmem>> -> memref<1x128xi32, #tpu.memory_space<vmem>>
    %dma_start3A_121 = tpu.memref_squeeze %dma_start3A_120 : memref<1x128xi32, #tpu.memory_space<vmem>> -> memref<128xi32, #tpu.memory_space<vmem>>
    %dma_start3A_122 = arith.constant 0 : i32
    %dma_start3A_123 = arith.constant 0 : i32
    %dma_start3A_124 = tpu.memref_slice %arg9[%add3A_3, %dma_start3A_122, %dma_start3A_123] : memref<4x10240x32xf32, #tpu.memory_space<hbm>> -> memref<1x10240x32xf32, #tpu.memory_space<hbm>>
    %dma_start3A_125 = tpu.memref_squeeze %dma_start3A_124 : memref<1x10240x32xf32, #tpu.memory_space<hbm>> -> memref<10240x32xf32, #tpu.memory_space<hbm>>
    %dma_start3A_126 = arith.constant 0 : i32
    %dma_start3A_127 = arith.constant 0 : i32
    %dma_start3A_128 = tpu.memref_slice %dma_start3A_125[%dma_start3A_126, %dma_start3A_127] : memref<10240x32xf32, #tpu.memory_space<hbm>> -> memref<10240x32xf32, #tpu.memory_space<hbm>>
    tpu.enqueue_indirect_dma source(%dma_start3A_128 : memref<10240x32xf32, #tpu.memory_space<hbm>>) target(%arg15 : memref<128x32xf32, #tpu.memory_space<vmem>>) offsets(%dma_start3A_121 : memref<128xi32, #tpu.memory_space<vmem>>) semaphore(%arg22 : memref<!tpu.dma_semaphore, #tpu.memory_space<semaphore_mem>>)
    %scan3A_129 = arith.constant 0 : i32
    %scan3A_130 = arith.constant 40 : i32
    %scan3A_131 = arith.addi %scan3A_129, %scan3A_130 : i32
    %scan3A_132 = arith.constant 1 : i32
    scf.for %scan3A_340 = %scan3A_129 to %scan3A_131 step %scan3A_132  : i32 {
      %mul3A_341 = arith.constant 1 : i32
      %mul3A_342 = arith.muli %scan3A_340, %mul3A_341 : i32
      %add3A_343 = arith.constant 0 : i32
      %add3A_344 = arith.addi %add3A_343, %mul3A_342 : i32
      %mul3A_345 = arith.constant 4 : i32
      %mul3A_346 = arith.muli %mul3A_345, %add3A_344 : i32
      %add3A_347 = arith.constant 0 : i32
      %add3A_348 = arith.addi %mul3A_346, %add3A_347 : i32
      %dma_wait3A_349 = arith.constant 0 : i32
      %dma_wait3A_350 = tpu.memref_slice %arg11[%add3A_348, %dma_wait3A_349] : memref<160x128xi32, #tpu.memory_space<vmem>> -> memref<1x128xi32, #tpu.memory_space<vmem>>
      %dma_wait3A_351 = tpu.memref_squeeze %dma_wait3A_350 : memref<1x128xi32, #tpu.memory_space<vmem>> -> memref<128xi32, #tpu.memory_space<vmem>>
      %dma_wait3A_352 = arith.constant 0 : i32
      %dma_wait3A_353 = arith.constant 0 : i32
      %dma_wait3A_354 = tpu.memref_slice %arg9[%add3A_3, %dma_wait3A_352, %dma_wait3A_353] : memref<4x10240x32xf32, #tpu.memory_space<hbm>> -> memref<1x10240x32xf32, #tpu.memory_space<hbm>>
      %dma_wait3A_355 = tpu.memref_squeeze %dma_wait3A_354 : memref<1x10240x32xf32, #tpu.memory_space<hbm>> -> memref<10240x32xf32, #tpu.memory_space<hbm>>
      %dma_wait3A_356 = arith.constant 0 : i32
      %dma_wait3A_357 = arith.constant 0 : i32
      %dma_wait3A_358 = tpu.memref_slice %dma_wait3A_355[%dma_wait3A_356, %dma_wait3A_357] : memref<10240x32xf32, #tpu.memory_space<hbm>> -> memref<10240x32xf32, #tpu.memory_space<hbm>>
      tpu.wait_indirect_dma semaphore(%arg19 : memref<!tpu.dma_semaphore, #tpu.memory_space<semaphore_mem>>) src(%dma_wait3A_358 : memref<10240x32xf32, #tpu.memory_space<hbm>>) dst(%arg12 : memref<128x32xf32, #tpu.memory_space<vmem>>)
      %add3A_359 = arith.constant 0 : i32
      %add3A_360 = arith.addi %mul3A_346, %add3A_359 : i32
      %dma_start3A_361 = arith.constant 0 : i32
      %dma_start3A_362 = tpu.memref_slice %arg10[%add3A_360, %dma_start3A_361] : memref<160x128xi32, #tpu.memory_space<vmem>> -> memref<1x128xi32, #tpu.memory_space<vmem>>
      %dma_start3A_363 = tpu.memref_squeeze %dma_start3A_362 : memref<1x128xi32, #tpu.memory_space<vmem>> -> memref<128xi32, #tpu.memory_space<vmem>>
      %dma_start3A_364 = arith.constant 0 : i32
      %dma_start3A_365 = arith.constant 0 : i32
      %dma_start3A_366 = tpu.memref_slice %arg27[%dma_start3A_364, %dma_start3A_365] : memref<10240x32xf32, #tpu.memory_space<vmem_shared>> -> memref<10240x32xf32, #tpu.memory_space<vmem_shared>>
      tpu.enqueue_indirect_dma source(%arg12 : memref<128x32xf32, #tpu.memory_space<vmem>>) target(%dma_start3A_366 : memref<10240x32xf32, #tpu.memory_space<vmem_shared>>) offsets(%dma_start3A_363 : memref<128xi32, #tpu.memory_space<vmem>>) semaphore(%arg23 : memref<!tpu.dma_semaphore, #tpu.memory_space<semaphore_mem>>) {add = true}
      %add3A_367 = arith.constant 1 : i32
      %add3A_368 = arith.addi %mul3A_346, %add3A_367 : i32
      %dma_wait3A_369 = arith.constant 0 : i32
      %dma_wait3A_370 = tpu.memref_slice %arg11[%add3A_368, %dma_wait3A_369] : memref<160x128xi32, #tpu.memory_space<vmem>> -> memref<1x128xi32, #tpu.memory_space<vmem>>
      %dma_wait3A_371 = tpu.memref_squeeze %dma_wait3A_370 : memref<1x128xi32, #tpu.memory_space<vmem>> -> memref<128xi32, #tpu.memory_space<vmem>>
      %dma_wait3A_372 = arith.constant 0 : i32
      %dma_wait3A_373 = arith.constant 0 : i32
      %dma_wait3A_374 = tpu.memref_slice %arg9[%add3A_3, %dma_wait3A_372, %dma_wait3A_373] : memref<4x10240x32xf32, #tpu.memory_space<hbm>> -> memref<1x10240x32xf32, #tpu.memory_space<hbm>>
      %dma_wait3A_375 = tpu.memref_squeeze %dma_wait3A_374 : memref<1x10240x32xf32, #tpu.memory_space<hbm>> -> memref<10240x32xf32, #tpu.memory_space<hbm>>
      %dma_wait3A_376 = arith.constant 0 : i32
      %dma_wait3A_377 = arith.constant 0 : i32
      %dma_wait3A_378 = tpu.memref_slice %dma_wait3A_375[%dma_wait3A_376, %dma_wait3A_377] : memref<10240x32xf32, #tpu.memory_space<hbm>> -> memref<10240x32xf32, #tpu.memory_space<hbm>>
      tpu.wait_indirect_dma semaphore(%arg20 : memref<!tpu.dma_semaphore, #tpu.memory_space<semaphore_mem>>) src(%dma_wait3A_378 : memref<10240x32xf32, #tpu.memory_space<hbm>>) dst(%arg13 : memref<128x32xf32, #tpu.memory_space<vmem>>)
      %add3A_379 = arith.constant 1 : i32
      %add3A_380 = arith.addi %mul3A_346, %add3A_379 : i32
      %dma_start3A_381 = arith.constant 0 : i32
      %dma_start3A_382 = tpu.memref_slice %arg10[%add3A_380, %dma_start3A_381] : memref<160x128xi32, #tpu.memory_space<vmem>> -> memref<1x128xi32, #tpu.memory_space<vmem>>
      %dma_start3A_383 = tpu.memref_squeeze %dma_start3A_382 : memref<1x128xi32, #tpu.memory_space<vmem>> -> memref<128xi32, #tpu.memory_space<vmem>>
      %dma_start3A_384 = arith.constant 0 : i32
      %dma_start3A_385 = arith.constant 0 : i32
      %dma_start3A_386 = tpu.memref_slice %arg27[%dma_start3A_384, %dma_start3A_385] : memref<10240x32xf32, #tpu.memory_space<vmem_shared>> -> memref<10240x32xf32, #tpu.memory_space<vmem_shared>>
      tpu.enqueue_indirect_dma source(%arg13 : memref<128x32xf32, #tpu.memory_space<vmem>>) target(%dma_start3A_386 : memref<10240x32xf32, #tpu.memory_space<vmem_shared>>) offsets(%dma_start3A_383 : memref<128xi32, #tpu.memory_space<vmem>>) semaphore(%arg24 : memref<!tpu.dma_semaphore, #tpu.memory_space<semaphore_mem>>) {add = true}
      %add3A_387 = arith.constant 2 : i32
      %add3A_388 = arith.addi %mul3A_346, %add3A_387 : i32
      %dma_wait3A_389 = arith.constant 0 : i32
      %dma_wait3A_390 = tpu.memref_slice %arg11[%add3A_388, %dma_wait3A_389] : memref<160x128xi32, #tpu.memory_space<vmem>> -> memref<1x128xi32, #tpu.memory_space<vmem>>
      %dma_wait3A_391 = tpu.memref_squeeze %dma_wait3A_390 : memref<1x128xi32, #tpu.memory_space<vmem>> -> memref<128xi32, #tpu.memory_space<vmem>>
      %dma_wait3A_392 = arith.constant 0 : i32
      %dma_wait3A_393 = arith.constant 0 : i32
      %dma_wait3A_394 = tpu.memref_slice %arg9[%add3A_3, %dma_wait3A_392, %dma_wait3A_393] : memref<4x10240x32xf32, #tpu.memory_space<hbm>> -> memref<1x10240x32xf32, #tpu.memory_space<hbm>>
      %dma_wait3A_395 = tpu.memref_squeeze %dma_wait3A_394 : memref<1x10240x32xf32, #tpu.memory_space<hbm>> -> memref<10240x32xf32, #tpu.memory_space<hbm>>
      %dma_wait3A_396 = arith.constant 0 : i32
      %dma_wait3A_397 = arith.constant 0 : i32
      %dma_wait3A_398 = tpu.memref_slice %dma_wait3A_395[%dma_wait3A_396, %dma_wait3A_397] : memref<10240x32xf32, #tpu.memory_space<hbm>> -> memref<10240x32xf32, #tpu.memory_space<hbm>>
      tpu.wait_indirect_dma semaphore(%arg21 : memref<!tpu.dma_semaphore, #tpu.memory_space<semaphore_mem>>) src(%dma_wait3A_398 : memref<10240x32xf32, #tpu.memory_space<hbm>>) dst(%arg14 : memref<128x32xf32, #tpu.memory_space<vmem>>)
      %add3A_399 = arith.constant 2 : i32
      %add3A_400 = arith.addi %mul3A_346, %add3A_399 : i32
      %dma_start3A_401 = arith.constant 0 : i32
      %dma_start3A_402 = tpu.memref_slice %arg10[%add3A_400, %dma_start3A_401] : memref<160x128xi32, #tpu.memory_space<vmem>> -> memref<1x128xi32, #tpu.memory_space<vmem>>
      %dma_start3A_403 = tpu.memref_squeeze %dma_start3A_402 : memref<1x128xi32, #tpu.memory_space<vmem>> -> memref<128xi32, #tpu.memory_space<vmem>>
      %dma_start3A_404 = arith.constant 0 : i32
      %dma_start3A_405 = arith.constant 0 : i32
      %dma_start3A_406 = tpu.memref_slice %arg27[%dma_start3A_404, %dma_start3A_405] : memref<10240x32xf32, #tpu.memory_space<vmem_shared>> -> memref<10240x32xf32, #tpu.memory_space<vmem_shared>>
      tpu.enqueue_indirect_dma source(%arg14 : memref<128x32xf32, #tpu.memory_space<vmem>>) target(%dma_start3A_406 : memref<10240x32xf32, #tpu.memory_space<vmem_shared>>) offsets(%dma_start3A_403 : memref<128xi32, #tpu.memory_space<vmem>>) semaphore(%arg25 : memref<!tpu.dma_semaphore, #tpu.memory_space<semaphore_mem>>) {add = true}
      %add3A_407 = arith.constant 3 : i32
      %add3A_408 = arith.addi %mul3A_346, %add3A_407 : i32
      %dma_wait3A_409 = arith.constant 0 : i32
      %dma_wait3A_410 = tpu.memref_slice %arg11[%add3A_408, %dma_wait3A_409] : memref<160x128xi32, #tpu.memory_space<vmem>> -> memref<1x128xi32, #tpu.memory_space<vmem>>
      %dma_wait3A_411 = tpu.memref_squeeze %dma_wait3A_410 : memref<1x128xi32, #tpu.memory_space<vmem>> -> memref<128xi32, #tpu.memory_space<vmem>>
      %dma_wait3A_412 = arith.constant 0 : i32
      %dma_wait3A_413 = arith.constant 0 : i32
      %dma_wait3A_414 = tpu.memref_slice %arg9[%add3A_3, %dma_wait3A_412, %dma_wait3A_413] : memref<4x10240x32xf32, #tpu.memory_space<hbm>> -> memref<1x10240x32xf32, #tpu.memory_space<hbm>>
      %dma_wait3A_415 = tpu.memref_squeeze %dma_wait3A_414 : memref<1x10240x32xf32, #tpu.memory_space<hbm>> -> memref<10240x32xf32, #tpu.memory_space<hbm>>
      %dma_wait3A_416 = arith.constant 0 : i32
      %dma_wait3A_417 = arith.constant 0 : i32
      %dma_wait3A_418 = tpu.memref_slice %dma_wait3A_415[%dma_wait3A_416, %dma_wait3A_417] : memref<10240x32xf32, #tpu.memory_space<hbm>> -> memref<10240x32xf32, #tpu.memory_space<hbm>>
      tpu.wait_indirect_dma semaphore(%arg22 : memref<!tpu.dma_semaphore, #tpu.memory_space<semaphore_mem>>) src(%dma_wait3A_418 : memref<10240x32xf32, #tpu.memory_space<hbm>>) dst(%arg15 : memref<128x32xf32, #tpu.memory_space<vmem>>)
      %add3A_419 = arith.constant 3 : i32
      %add3A_420 = arith.addi %mul3A_346, %add3A_419 : i32
      %dma_start3A_421 = arith.constant 0 : i32
      %dma_start3A_422 = tpu.memref_slice %arg10[%add3A_420, %dma_start3A_421] : memref<160x128xi32, #tpu.memory_space<vmem>> -> memref<1x128xi32, #tpu.memory_space<vmem>>
      %dma_start3A_423 = tpu.memref_squeeze %dma_start3A_422 : memref<1x128xi32, #tpu.memory_space<vmem>> -> memref<128xi32, #tpu.memory_space<vmem>>
      %dma_start3A_424 = arith.constant 0 : i32
      %dma_start3A_425 = arith.constant 0 : i32
      %dma_start3A_426 = tpu.memref_slice %arg27[%dma_start3A_424, %dma_start3A_425] : memref<10240x32xf32, #tpu.memory_space<vmem_shared>> -> memref<10240x32xf32, #tpu.memory_space<vmem_shared>>
      tpu.enqueue_indirect_dma source(%arg15 : memref<128x32xf32, #tpu.memory_space<vmem>>) target(%dma_start3A_426 : memref<10240x32xf32, #tpu.memory_space<vmem_shared>>) offsets(%dma_start3A_423 : memref<128xi32, #tpu.memory_space<vmem>>) semaphore(%arg26 : memref<!tpu.dma_semaphore, #tpu.memory_space<semaphore_mem>>) {add = true}
      %add3A_427 = arith.constant 4 : i32
      %add3A_428 = arith.addi %mul3A_346, %add3A_427 : i32
      %add3A_429 = arith.constant 0 : i32
      %add3A_430 = arith.addi %add3A_428, %add3A_429 : i32
      %lt3A = arith.constant 160 : i32
      %lt3A_431 = arith.cmpi slt, %add3A_430, %lt3A : i32
      %convert_element_type3A = arith.extui %lt3A_431 : i1 to i32
      %cond3A = arith.constant 0 : i32
      %cond3A_432 = arith.cmpi ne, %convert_element_type3A, %cond3A : i32
      scf.if %cond3A_432 {
        %add3A_460 = arith.constant 0 : i32
        %add3A_461 = arith.addi %mul3A_346, %add3A_460 : i32
        %dma_wait3A_462 = arith.constant 0 : i32
        %dma_wait3A_463 = tpu.memref_slice %arg10[%add3A_461, %dma_wait3A_462] : memref<160x128xi32, #tpu.memory_space<vmem>> -> memref<1x128xi32, #tpu.memory_space<vmem>>
        %dma_wait3A_464 = tpu.memref_squeeze %dma_wait3A_463 : memref<1x128xi32, #tpu.memory_space<vmem>> -> memref<128xi32, #tpu.memory_space<vmem>>
        %dma_wait3A_465 = arith.constant 0 : i32
        %dma_wait3A_466 = arith.constant 0 : i32
        %dma_wait3A_467 = tpu.memref_slice %arg27[%dma_wait3A_465, %dma_wait3A_466] : memref<10240x32xf32, #tpu.memory_space<vmem_shared>> -> memref<10240x32xf32, #tpu.memory_space<vmem_shared>>
        tpu.wait_indirect_dma semaphore(%arg23 : memref<!tpu.dma_semaphore, #tpu.memory_space<semaphore_mem>>) src(%arg12 : memref<128x32xf32, #tpu.memory_space<vmem>>) dst(%dma_wait3A_467 : memref<10240x32xf32, #tpu.memory_space<vmem_shared>>)
        %dma_start3A_468 = arith.constant 0 : i32
        %dma_start3A_469 = tpu.memref_slice %arg11[%add3A_430, %dma_start3A_468] : memref<160x128xi32, #tpu.memory_space<vmem>> -> memref<1x128xi32, #tpu.memory_space<vmem>>
        %dma_start3A_470 = tpu.memref_squeeze %dma_start3A_469 : memref<1x128xi32, #tpu.memory_space<vmem>> -> memref<128xi32, #tpu.memory_space<vmem>>
        %dma_start3A_471 = arith.constant 0 : i32
        %dma_start3A_472 = arith.constant 0 : i32
        %dma_start3A_473 = tpu.memref_slice %arg9[%add3A_3, %dma_start3A_471, %dma_start3A_472] : memref<4x10240x32xf32, #tpu.memory_space<hbm>> -> memref<1x10240x32xf32, #tpu.memory_space<hbm>>
        %dma_start3A_474 = tpu.memref_squeeze %dma_start3A_473 : memref<1x10240x32xf32, #tpu.memory_space<hbm>> -> memref<10240x32xf32, #tpu.memory_space<hbm>>
        %dma_start3A_475 = arith.constant 0 : i32
        %dma_start3A_476 = arith.constant 0 : i32
        %dma_start3A_477 = tpu.memref_slice %dma_start3A_474[%dma_start3A_475, %dma_start3A_476] : memref<10240x32xf32, #tpu.memory_space<hbm>> -> memref<10240x32xf32, #tpu.memory_space<hbm>>
        tpu.enqueue_indirect_dma source(%dma_start3A_477 : memref<10240x32xf32, #tpu.memory_space<hbm>>) target(%arg12 : memref<128x32xf32, #tpu.memory_space<vmem>>) offsets(%dma_start3A_470 : memref<128xi32, #tpu.memory_space<vmem>>) semaphore(%arg19 : memref<!tpu.dma_semaphore, #tpu.memory_space<semaphore_mem>>)
      } else {
      }
      %add3A_433 = arith.constant 4 : i32
      %add3A_434 = arith.addi %mul3A_346, %add3A_433 : i32
      %add3A_435 = arith.constant 1 : i32
      %add3A_436 = arith.addi %add3A_434, %add3A_435 : i32
      %lt3A_437 = arith.constant 160 : i32
      %lt3A_438 = arith.cmpi slt, %add3A_436, %lt3A_437 : i32
      %convert_element_type3A_439 = arith.extui %lt3A_438 : i1 to i32
      %cond3A_440 = arith.constant 0 : i32
      %cond3A_441 = arith.cmpi ne, %convert_element_type3A_439, %cond3A_440 : i32
      scf.if %cond3A_441 {
        %add3A_460 = arith.constant 1 : i32
        %add3A_461 = arith.addi %mul3A_346, %add3A_460 : i32
        %dma_wait3A_462 = arith.constant 0 : i32
        %dma_wait3A_463 = tpu.memref_slice %arg10[%add3A_461, %dma_wait3A_462] : memref<160x128xi32, #tpu.memory_space<vmem>> -> memref<1x128xi32, #tpu.memory_space<vmem>>
        %dma_wait3A_464 = tpu.memref_squeeze %dma_wait3A_463 : memref<1x128xi32, #tpu.memory_space<vmem>> -> memref<128xi32, #tpu.memory_space<vmem>>
        %dma_wait3A_465 = arith.constant 0 : i32
        %dma_wait3A_466 = arith.constant 0 : i32
        %dma_wait3A_467 = tpu.memref_slice %arg27[%dma_wait3A_465, %dma_wait3A_466] : memref<10240x32xf32, #tpu.memory_space<vmem_shared>> -> memref<10240x32xf32, #tpu.memory_space<vmem_shared>>
        tpu.wait_indirect_dma semaphore(%arg24 : memref<!tpu.dma_semaphore, #tpu.memory_space<semaphore_mem>>) src(%arg13 : memref<128x32xf32, #tpu.memory_space<vmem>>) dst(%dma_wait3A_467 : memref<10240x32xf32, #tpu.memory_space<vmem_shared>>)
        %dma_start3A_468 = arith.constant 0 : i32
        %dma_start3A_469 = tpu.memref_slice %arg11[%add3A_436, %dma_start3A_468] : memref<160x128xi32, #tpu.memory_space<vmem>> -> memref<1x128xi32, #tpu.memory_space<vmem>>
        %dma_start3A_470 = tpu.memref_squeeze %dma_start3A_469 : memref<1x128xi32, #tpu.memory_space<vmem>> -> memref<128xi32, #tpu.memory_space<vmem>>
        %dma_start3A_471 = arith.constant 0 : i32
        %dma_start3A_472 = arith.constant 0 : i32
        %dma_start3A_473 = tpu.memref_slice %arg9[%add3A_3, %dma_start3A_471, %dma_start3A_472] : memref<4x10240x32xf32, #tpu.memory_space<hbm>> -> memref<1x10240x32xf32, #tpu.memory_space<hbm>>
        %dma_start3A_474 = tpu.memref_squeeze %dma_start3A_473 : memref<1x10240x32xf32, #tpu.memory_space<hbm>> -> memref<10240x32xf32, #tpu.memory_space<hbm>>
        %dma_start3A_475 = arith.constant 0 : i32
        %dma_start3A_476 = arith.constant 0 : i32
        %dma_start3A_477 = tpu.memref_slice %dma_start3A_474[%dma_start3A_475, %dma_start3A_476] : memref<10240x32xf32, #tpu.memory_space<hbm>> -> memref<10240x32xf32, #tpu.memory_space<hbm>>
        tpu.enqueue_indirect_dma source(%dma_start3A_477 : memref<10240x32xf32, #tpu.memory_space<hbm>>) target(%arg13 : memref<128x32xf32, #tpu.memory_space<vmem>>) offsets(%dma_start3A_470 : memref<128xi32, #tpu.memory_space<vmem>>) semaphore(%arg20 : memref<!tpu.dma_semaphore, #tpu.memory_space<semaphore_mem>>)
      } else {
      }
      %add3A_442 = arith.constant 4 : i32
      %add3A_443 = arith.addi %mul3A_346, %add3A_442 : i32
      %add3A_444 = arith.constant 2 : i32
      %add3A_445 = arith.addi %add3A_443, %add3A_444 : i32
      %lt3A_446 = arith.constant 160 : i32
      %lt3A_447 = arith.cmpi slt, %add3A_445, %lt3A_446 : i32
      %convert_element_type3A_448 = arith.extui %lt3A_447 : i1 to i32
      %cond3A_449 = arith.constant 0 : i32
      %cond3A_450 = arith.cmpi ne, %convert_element_type3A_448, %cond3A_449 : i32
      scf.if %cond3A_450 {
        %add3A_460 = arith.constant 2 : i32
        %add3A_461 = arith.addi %mul3A_346, %add3A_460 : i32
        %dma_wait3A_462 = arith.constant 0 : i32
        %dma_wait3A_463 = tpu.memref_slice %arg10[%add3A_461, %dma_wait3A_462] : memref<160x128xi32, #tpu.memory_space<vmem>> -> memref<1x128xi32, #tpu.memory_space<vmem>>
        %dma_wait3A_464 = tpu.memref_squeeze %dma_wait3A_463 : memref<1x128xi32, #tpu.memory_space<vmem>> -> memref<128xi32, #tpu.memory_space<vmem>>
        %dma_wait3A_465 = arith.constant 0 : i32
        %dma_wait3A_466 = arith.constant 0 : i32
        %dma_wait3A_467 = tpu.memref_slice %arg27[%dma_wait3A_465, %dma_wait3A_466] : memref<10240x32xf32, #tpu.memory_space<vmem_shared>> -> memref<10240x32xf32, #tpu.memory_space<vmem_shared>>
        tpu.wait_indirect_dma semaphore(%arg25 : memref<!tpu.dma_semaphore, #tpu.memory_space<semaphore_mem>>) src(%arg14 : memref<128x32xf32, #tpu.memory_space<vmem>>) dst(%dma_wait3A_467 : memref<10240x32xf32, #tpu.memory_space<vmem_shared>>)
        %dma_start3A_468 = arith.constant 0 : i32
        %dma_start3A_469 = tpu.memref_slice %arg11[%add3A_445, %dma_start3A_468] : memref<160x128xi32, #tpu.memory_space<vmem>> -> memref<1x128xi32, #tpu.memory_space<vmem>>
        %dma_start3A_470 = tpu.memref_squeeze %dma_start3A_469 : memref<1x128xi32, #tpu.memory_space<vmem>> -> memref<128xi32, #tpu.memory_space<vmem>>
        %dma_start3A_471 = arith.constant 0 : i32
        %dma_start3A_472 = arith.constant 0 : i32
        %dma_start3A_473 = tpu.memref_slice %arg9[%add3A_3, %dma_start3A_471, %dma_start3A_472] : memref<4x10240x32xf32, #tpu.memory_space<hbm>> -> memref<1x10240x32xf32, #tpu.memory_space<hbm>>
        %dma_start3A_474 = tpu.memref_squeeze %dma_start3A_473 : memref<1x10240x32xf32, #tpu.memory_space<hbm>> -> memref<10240x32xf32, #tpu.memory_space<hbm>>
        %dma_start3A_475 = arith.constant 0 : i32
        %dma_start3A_476 = arith.constant 0 : i32
        %dma_start3A_477 = tpu.memref_slice %dma_start3A_474[%dma_start3A_475, %dma_start3A_476] : memref<10240x32xf32, #tpu.memory_space<hbm>> -> memref<10240x32xf32, #tpu.memory_space<hbm>>
        tpu.enqueue_indirect_dma source(%dma_start3A_477 : memref<10240x32xf32, #tpu.memory_space<hbm>>) target(%arg14 : memref<128x32xf32, #tpu.memory_space<vmem>>) offsets(%dma_start3A_470 : memref<128xi32, #tpu.memory_space<vmem>>) semaphore(%arg21 : memref<!tpu.dma_semaphore, #tpu.memory_space<semaphore_mem>>)
      } else {
      }
      %add3A_451 = arith.constant 4 : i32
      %add3A_452 = arith.addi %mul3A_346, %add3A_451 : i32
      %add3A_453 = arith.constant 3 : i32
      %add3A_454 = arith.addi %add3A_452, %add3A_453 : i32
      %lt3A_455 = arith.constant 160 : i32
      %lt3A_456 = arith.cmpi slt, %add3A_454, %lt3A_455 : i32
      %convert_element_type3A_457 = arith.extui %lt3A_456 : i1 to i32
      %cond3A_458 = arith.constant 0 : i32
      %cond3A_459 = arith.cmpi ne, %convert_element_type3A_457, %cond3A_458 : i32
      scf.if %cond3A_459 {
        %add3A_460 = arith.constant 3 : i32
        %add3A_461 = arith.addi %mul3A_346, %add3A_460 : i32
        %dma_wait3A_462 = arith.constant 0 : i32
        %dma_wait3A_463 = tpu.memref_slice %arg10[%add3A_461, %dma_wait3A_462] : memref<160x128xi32, #tpu.memory_space<vmem>> -> memref<1x128xi32, #tpu.memory_space<vmem>>
        %dma_wait3A_464 = tpu.memref_squeeze %dma_wait3A_463 : memref<1x128xi32, #tpu.memory_space<vmem>> -> memref<128xi32, #tpu.memory_space<vmem>>
        %dma_wait3A_465 = arith.constant 0 : i32
        %dma_wait3A_466 = arith.constant 0 : i32
        %dma_wait3A_467 = tpu.memref_slice %arg27[%dma_wait3A_465, %dma_wait3A_466] : memref<10240x32xf32, #tpu.memory_space<vmem_shared>> -> memref<10240x32xf32, #tpu.memory_space<vmem_shared>>
        tpu.wait_indirect_dma semaphore(%arg26 : memref<!tpu.dma_semaphore, #tpu.memory_space<semaphore_mem>>) src(%arg15 : memref<128x32xf32, #tpu.memory_space<vmem>>) dst(%dma_wait3A_467 : memref<10240x32xf32, #tpu.memory_space<vmem_shared>>)
        %dma_start3A_468 = arith.constant 0 : i32
        %dma_start3A_469 = tpu.memref_slice %arg11[%add3A_454, %dma_start3A_468] : memref<160x128xi32, #tpu.memory_space<vmem>> -> memref<1x128xi32, #tpu.memory_space<vmem>>
        %dma_start3A_470 = tpu.memref_squeeze %dma_start3A_469 : memref<1x128xi32, #tpu.memory_space<vmem>> -> memref<128xi32, #tpu.memory_space<vmem>>
        %dma_start3A_471 = arith.constant 0 : i32
        %dma_start3A_472 = arith.constant 0 : i32
        %dma_start3A_473 = tpu.memref_slice %arg9[%add3A_3, %dma_start3A_471, %dma_start3A_472] : memref<4x10240x32xf32, #tpu.memory_space<hbm>> -> memref<1x10240x32xf32, #tpu.memory_space<hbm>>
        %dma_start3A_474 = tpu.memref_squeeze %dma_start3A_473 : memref<1x10240x32xf32, #tpu.memory_space<hbm>> -> memref<10240x32xf32, #tpu.memory_space<hbm>>
        %dma_start3A_475 = arith.constant 0 : i32
        %dma_start3A_476 = arith.constant 0 : i32
        %dma_start3A_477 = tpu.memref_slice %dma_start3A_474[%dma_start3A_475, %dma_start3A_476] : memref<10240x32xf32, #tpu.memory_space<hbm>> -> memref<10240x32xf32, #tpu.memory_space<hbm>>
        tpu.enqueue_indirect_dma source(%dma_start3A_477 : memref<10240x32xf32, #tpu.memory_space<hbm>>) target(%arg15 : memref<128x32xf32, #tpu.memory_space<vmem>>) offsets(%dma_start3A_470 : memref<128xi32, #tpu.memory_space<vmem>>) semaphore(%arg22 : memref<!tpu.dma_semaphore, #tpu.memory_space<semaphore_mem>>)
      } else {
      }
    }
    %scan3A_133 = arith.constant 40 : i32
    %dma_wait3A_134 = arith.constant 156 : i32
    %dma_wait3A_135 = arith.constant 0 : i32
    %dma_wait3A_136 = tpu.memref_slice %arg10[%dma_wait3A_134, %dma_wait3A_135] : memref<160x128xi32, #tpu.memory_space<vmem>> -> memref<1x128xi32, #tpu.memory_space<vmem>>
    %dma_wait3A_137 = tpu.memref_squeeze %dma_wait3A_136 : memref<1x128xi32, #tpu.memory_space<vmem>> -> memref<128xi32, #tpu.memory_space<vmem>>
    %dma_wait3A_138 = arith.constant 0 : i32
    %dma_wait3A_139 = arith.constant 0 : i32
    %dma_wait3A_140 = tpu.memref_slice %arg27[%dma_wait3A_138, %dma_wait3A_139] : memref<10240x32xf32, #tpu.memory_space<vmem_shared>> -> memref<10240x32xf32, #tpu.memory_space<vmem_shared>>
    tpu.wait_indirect_dma semaphore(%arg23 : memref<!tpu.dma_semaphore, #tpu.memory_space<semaphore_mem>>) src(%arg12 : memref<128x32xf32, #tpu.memory_space<vmem>>) dst(%dma_wait3A_140 : memref<10240x32xf32, #tpu.memory_space<vmem_shared>>)
    %dma_wait3A_141 = arith.constant 157 : i32
    %dma_wait3A_142 = arith.constant 0 : i32
    %dma_wait3A_143 = tpu.memref_slice %arg10[%dma_wait3A_141, %dma_wait3A_142] : memref<160x128xi32, #tpu.memory_space<vmem>> -> memref<1x128xi32, #tpu.memory_space<vmem>>
    %dma_wait3A_144 = tpu.memref_squeeze %dma_wait3A_143 : memref<1x128xi32, #tpu.memory_space<vmem>> -> memref<128xi32, #tpu.memory_space<vmem>>
    %dma_wait3A_145 = arith.constant 0 : i32
    %dma_wait3A_146 = arith.constant 0 : i32
    %dma_wait3A_147 = tpu.memref_slice %arg27[%dma_wait3A_145, %dma_wait3A_146] : memref<10240x32xf32, #tpu.memory_space<vmem_shared>> -> memref<10240x32xf32, #tpu.memory_space<vmem_shared>>
    tpu.wait_indirect_dma semaphore(%arg24 : memref<!tpu.dma_semaphore, #tpu.memory_space<semaphore_mem>>) src(%arg13 : memref<128x32xf32, #tpu.memory_space<vmem>>) dst(%dma_wait3A_147 : memref<10240x32xf32, #tpu.memory_space<vmem_shared>>)
    %dma_wait3A_148 = arith.constant 158 : i32
    %dma_wait3A_149 = arith.constant 0 : i32
    %dma_wait3A_150 = tpu.memref_slice %arg10[%dma_wait3A_148, %dma_wait3A_149] : memref<160x128xi32, #tpu.memory_space<vmem>> -> memref<1x128xi32, #tpu.memory_space<vmem>>
    %dma_wait3A_151 = tpu.memref_squeeze %dma_wait3A_150 : memref<1x128xi32, #tpu.memory_space<vmem>> -> memref<128xi32, #tpu.memory_space<vmem>>
    %dma_wait3A_152 = arith.constant 0 : i32
    %dma_wait3A_153 = arith.constant 0 : i32
    %dma_wait3A_154 = tpu.memref_slice %arg27[%dma_wait3A_152, %dma_wait3A_153] : memref<10240x32xf32, #tpu.memory_space<vmem_shared>> -> memref<10240x32xf32, #tpu.memory_space<vmem_shared>>
    tpu.wait_indirect_dma semaphore(%arg25 : memref<!tpu.dma_semaphore, #tpu.memory_space<semaphore_mem>>) src(%arg14 : memref<128x32xf32, #tpu.memory_space<vmem>>) dst(%dma_wait3A_154 : memref<10240x32xf32, #tpu.memory_space<vmem_shared>>)
    %dma_wait3A_155 = arith.constant 159 : i32
    %dma_wait3A_156 = arith.constant 0 : i32
    %dma_wait3A_157 = tpu.memref_slice %arg10[%dma_wait3A_155, %dma_wait3A_156] : memref<160x128xi32, #tpu.memory_space<vmem>> -> memref<1x128xi32, #tpu.memory_space<vmem>>
    %dma_wait3A_158 = tpu.memref_squeeze %dma_wait3A_157 : memref<1x128xi32, #tpu.memory_space<vmem>> -> memref<128xi32, #tpu.memory_space<vmem>>
    %dma_wait3A_159 = arith.constant 0 : i32
    %dma_wait3A_160 = arith.constant 0 : i32
    %dma_wait3A_161 = tpu.memref_slice %arg27[%dma_wait3A_159, %dma_wait3A_160] : memref<10240x32xf32, #tpu.memory_space<vmem_shared>> -> memref<10240x32xf32, #tpu.memory_space<vmem_shared>>
    tpu.wait_indirect_dma semaphore(%arg26 : memref<!tpu.dma_semaphore, #tpu.memory_space<semaphore_mem>>) src(%arg15 : memref<128x32xf32, #tpu.memory_space<vmem>>) dst(%dma_wait3A_161 : memref<10240x32xf32, #tpu.memory_space<vmem_shared>>)
    %barrier3A_162 = arith.constant 0 : index
    tpu.barrier barrier_id(%barrier3A_162)
    "tpu.region"() ({
      %run_scoped3A = tpu.sem_alloc : memref<!tpu.dma_semaphore, #tpu.memory_space<semaphore_mem>>
      %dma_start3A_340 = arith.constant 0 : i32
      %dma_start3A_341 = tpu.memref_slice %arg27[%mul3A_0, %dma_start3A_340] : memref<10240x32xf32, #tpu.memory_space<vmem_shared>> -> memref<640x32xf32, #tpu.memory_space<vmem_shared>>
      %dma_start3A_342 = arith.constant 0 : i32
      %dma_start3A_343 = tpu.memref_slice %arg27[%mul3A_0, %dma_start3A_342] : memref<10240x32xf32, #tpu.memory_space<vmem_shared>> -> memref<640x32xf32, #tpu.memory_space<vmem_shared>>
      tpu.enqueue_dma source(%dma_start3A_343 : memref<640x32xf32, #tpu.memory_space<vmem_shared>>) target(%arg16 : memref<640x32xf32, #tpu.memory_space<vmem>>) target_semaphore(%run_scoped3A : memref<!tpu.dma_semaphore, #tpu.memory_space<semaphore_mem>>)
      %dma_wait3A_344 = arith.constant 0 : i32
      %dma_wait3A_345 = tpu.memref_slice %arg27[%mul3A_0, %dma_wait3A_344] : memref<10240x32xf32, #tpu.memory_space<vmem_shared>> -> memref<640x32xf32, #tpu.memory_space<vmem_shared>>
      %dma_wait3A_346 = arith.constant 0 : i32
      %dma_wait3A_347 = tpu.memref_slice %arg27[%mul3A_0, %dma_wait3A_346] : memref<10240x32xf32, #tpu.memory_space<vmem_shared>> -> memref<640x32xf32, #tpu.memory_space<vmem_shared>>
      tpu.wait_dma2 semaphore(%run_scoped3A : memref<!tpu.dma_semaphore, #tpu.memory_space<semaphore_mem>>) src(%dma_wait3A_347 : memref<640x32xf32, #tpu.memory_space<vmem_shared>>) dst(%arg16 : memref<640x32xf32, #tpu.memory_space<vmem>>)
      tpu.yield
    }) : () -> ()
    %scan3A_163 = arith.constant 0 : i32
    %scan3A_164 = arith.constant 640 : i32
    %scan3A_165 = arith.addi %scan3A_163, %scan3A_164 : i32
    %scan3A_166 = arith.constant 1 : i32
    scf.for %scan3A_340 = %scan3A_163 to %scan3A_165 step %scan3A_166  : i32 {
      %mul3A_341 = arith.constant 1 : i32
      %mul3A_342 = arith.muli %scan3A_340, %mul3A_341 : i32
      %add3A_343 = arith.constant 0 : i32
      %add3A_344 = arith.addi %add3A_343, %mul3A_342 : i32
      %get3A = arith.index_cast %add3A_344 : i32 to index
      %get3A_345 = arith.constant 0 : index
      %get3A_346 = tpu.vector_load %arg18[%get3A, %get3A_345] {strides = array<i32>} : memref<640x16xf32, #tpu.memory_space<vmem>>, vector<1x16xf32>,
      %get3A_347 = vector.shape_cast %get3A_346 : vector<1x16xf32> to vector<16xf32>
      %get3A_348 = arith.index_cast %add3A_344 : i32 to index
      %get3A_349 = arith.constant 0 : index
      %get3A_350 = tpu.vector_load %arg16[%get3A_348, %get3A_349] {strides = array<i32>} : memref<640x32xf32, #tpu.memory_space<vmem>>, vector<1x16xf32>,
      %get3A_351 = vector.shape_cast %get3A_350 : vector<1x16xf32> to vector<16xf32>
      %mul3A_352 = arith.mulf %get3A_351, %get3A_347 : vector<16xf32>
      %swap3A = arith.index_cast %add3A_344 : i32 to index
      %swap3A_353 = arith.constant 0 : index
      %swap3A_354 = tpu.vector_load %arg16[%swap3A, %swap3A_353] {strides = array<i32>} : memref<640x32xf32, #tpu.memory_space<vmem>>, vector<1x16xf32>,
      %swap3A_355 = vector.shape_cast %swap3A_354 : vector<1x16xf32> to vector<16xf32>
      %swap3A_356 = vector.shape_cast %mul3A_352 : vector<16xf32> to vector<1x16xf32>
      tpu.vector_store %arg16[%swap3A, %swap3A_353], %swap3A_356 {strides = array<i32>} : memref<640x32xf32, #tpu.memory_space<vmem>>, vector<1x16xf32>,
      %get3A_357 = arith.index_cast %add3A_344 : i32 to index
      %get3A_358 = arith.constant 16 : index
      %get3A_359 = tpu.vector_load %arg16[%get3A_357, %get3A_358] {strides = array<i32>} : memref<640x32xf32, #tpu.memory_space<vmem>>, vector<1x16xf32>,
      %get3A_360 = vector.shape_cast %get3A_359 : vector<1x16xf32> to vector<16xf32>
      %mul3A_361 = arith.mulf %get3A_360, %get3A_347 : vector<16xf32>
      %swap3A_362 = arith.index_cast %add3A_344 : i32 to index
      %swap3A_363 = arith.constant 16 : index
      %swap3A_364 = tpu.vector_load %arg16[%swap3A_362, %swap3A_363] {strides = array<i32>} : memref<640x32xf32, #tpu.memory_space<vmem>>, vector<1x16xf32>,
      %swap3A_365 = vector.shape_cast %swap3A_364 : vector<1x16xf32> to vector<16xf32>
      %swap3A_366 = vector.shape_cast %mul3A_361 : vector<16xf32> to vector<1x16xf32>
      tpu.vector_store %arg16[%swap3A_362, %swap3A_363], %swap3A_366 {strides = array<i32>} : memref<640x32xf32, #tpu.memory_space<vmem>>, vector<1x16xf32>,
    }
    %scan3A_167 = arith.constant 640 : i32
    "tpu.region"() ({
      %run_scoped3A = tpu.sem_alloc : memref<!tpu.dma_semaphore, #tpu.memory_space<semaphore_mem>>
      %dma_start3A_340 = arith.constant 0 : i32
      %dma_start3A_341 = tpu.memref_slice %arg8[%add3A_3, %mul3A_0, %dma_start3A_340] : memref<4x10240x32xf32, #tpu.memory_space<hbm>> -> memref<1x640x32xf32, #tpu.memory_space<hbm>>
      %dma_start3A_342 = tpu.memref_squeeze %dma_start3A_341 : memref<1x640x32xf32, #tpu.memory_space<hbm>> -> memref<640x32xf32, #tpu.memory_space<hbm>>
      %dma_start3A_343 = arith.constant 0 : i32
      %dma_start3A_344 = tpu.memref_slice %arg8[%add3A_3, %mul3A_0, %dma_start3A_343] : memref<4x10240x32xf32, #tpu.memory_space<hbm>> -> memref<1x640x32xf32, #tpu.memory_space<hbm>>
      %dma_start3A_345 = tpu.memref_squeeze %dma_start3A_344 : memref<1x640x32xf32, #tpu.memory_space<hbm>> -> memref<640x32xf32, #tpu.memory_space<hbm>>
      tpu.enqueue_dma source(%arg16 : memref<640x32xf32, #tpu.memory_space<vmem>>) target(%dma_start3A_345 : memref<640x32xf32, #tpu.memory_space<hbm>>) target_semaphore(%run_scoped3A : memref<!tpu.dma_semaphore, #tpu.memory_space<semaphore_mem>>)
      %dma_wait3A_346 = arith.constant 0 : i32
      %dma_wait3A_347 = tpu.memref_slice %arg8[%add3A_3, %mul3A_0, %dma_wait3A_346] : memref<4x10240x32xf32, #tpu.memory_space<hbm>> -> memref<1x640x32xf32, #tpu.memory_space<hbm>>
      %dma_wait3A_348 = tpu.memref_squeeze %dma_wait3A_347 : memref<1x640x32xf32, #tpu.memory_space<hbm>> -> memref<640x32xf32, #tpu.memory_space<hbm>>
      %dma_wait3A_349 = arith.constant 0 : i32
      %dma_wait3A_350 = tpu.memref_slice %arg8[%add3A_3, %mul3A_0, %dma_wait3A_349] : memref<4x10240x32xf32, #tpu.memory_space<hbm>> -> memref<1x640x32xf32, #tpu.memory_space<hbm>>
      %dma_wait3A_351 = tpu.memref_squeeze %dma_wait3A_350 : memref<1x640x32xf32, #tpu.memory_space<hbm>> -> memref<640x32xf32, #tpu.memory_space<hbm>>
      tpu.wait_dma2 semaphore(%run_scoped3A : memref<!tpu.dma_semaphore, #tpu.memory_space<semaphore_mem>>) src(%arg16 : memref<640x32xf32, #tpu.memory_space<vmem>>) dst(%dma_wait3A_351 : memref<640x32xf32, #tpu.memory_space<hbm>>)
      tpu.yield
    }) : () -> ()
    %mul3A_168 = arith.constant 2 : i32
    %mul3A_169 = arith.muli %arg0, %mul3A_168 : i32
    %add3A_170 = arith.constant 1 : i32
    %add3A_171 = arith.addi %mul3A_169, %add3A_170 : i32
    "tpu.region"() ({
      %run_scoped3A = tpu.sem_alloc : memref<!tpu.dma_semaphore, #tpu.memory_space<semaphore_mem>>
      %dma_start3A_340 = arith.constant 0 : i32
      %dma_start3A_341 = tpu.memref_slice %arg27[%mul3A_0, %dma_start3A_340] : memref<10240x32xf32, #tpu.memory_space<vmem_shared>> -> memref<640x32xf32, #tpu.memory_space<vmem_shared>>
      tpu.enqueue_dma source(%arg5 : memref<640x32xf32, #tpu.memory_space<hbm>>) target(%dma_start3A_341 : memref<640x32xf32, #tpu.memory_space<vmem_shared>>) target_semaphore(%run_scoped3A : memref<!tpu.dma_semaphore, #tpu.memory_space<semaphore_mem>>)
      %dma_wait3A_342 = arith.constant 0 : i32
      %dma_wait3A_343 = tpu.memref_slice %arg27[%mul3A_0, %dma_wait3A_342] : memref<10240x32xf32, #tpu.memory_space<vmem_shared>> -> memref<640x32xf32, #tpu.memory_space<vmem_shared>>
      tpu.wait_dma2 semaphore(%run_scoped3A : memref<!tpu.dma_semaphore, #tpu.memory_space<semaphore_mem>>) src(%arg5 : memref<640x32xf32, #tpu.memory_space<hbm>>) dst(%dma_wait3A_343 : memref<640x32xf32, #tpu.memory_space<vmem_shared>>)
      tpu.yield
    }) : () -> ()
    %barrier3A_172 = arith.constant 0 : index
    tpu.barrier barrier_id(%barrier3A_172)
    %dma_start3A_173 = arith.constant 0 : i32
    %dma_start3A_174 = arith.constant 0 : i32
    %dma_start3A_175 = tpu.memref_slice %arg10[%dma_start3A_173, %dma_start3A_174] : memref<160x128xi32, #tpu.memory_space<vmem>> -> memref<1x128xi32, #tpu.memory_space<vmem>>
    %dma_start3A_176 = tpu.memref_squeeze %dma_start3A_175 : memref<1x128xi32, #tpu.memory_space<vmem>> -> memref<128xi32, #tpu.memory_space<vmem>>
    %dma_start3A_177 = arith.constant 0 : i32
    %dma_start3A_178 = arith.constant 0 : i32
    %dma_start3A_179 = tpu.memref_slice %arg2[%add3A_171, %dma_start3A_177, %dma_start3A_178] : memref<4x10240x32xf32, #tpu.memory_space<hbm>> -> memref<1x10240x32xf32, #tpu.memory_space<hbm>>
    %dma_start3A_180 = tpu.memref_squeeze %dma_start3A_179 : memref<1x10240x32xf32, #tpu.memory_space<hbm>> -> memref<10240x32xf32, #tpu.memory_space<hbm>>
    %dma_start3A_181 = arith.constant 0 : i32
    %dma_start3A_182 = arith.constant 0 : i32
    %dma_start3A_183 = tpu.memref_slice %dma_start3A_180[%dma_start3A_181, %dma_start3A_182] : memref<10240x32xf32, #tpu.memory_space<hbm>> -> memref<10240x32xf32, #tpu.memory_space<hbm>>
    tpu.enqueue_indirect_dma source(%dma_start3A_183 : memref<10240x32xf32, #tpu.memory_space<hbm>>) target(%arg12 : memref<128x32xf32, #tpu.memory_space<vmem>>) offsets(%dma_start3A_176 : memref<128xi32, #tpu.memory_space<vmem>>) semaphore(%arg19 : memref<!tpu.dma_semaphore, #tpu.memory_space<semaphore_mem>>)
    %dma_start3A_184 = arith.constant 1 : i32
    %dma_start3A_185 = arith.constant 0 : i32
    %dma_start3A_186 = tpu.memref_slice %arg10[%dma_start3A_184, %dma_start3A_185] : memref<160x128xi32, #tpu.memory_space<vmem>> -> memref<1x128xi32, #tpu.memory_space<vmem>>
    %dma_start3A_187 = tpu.memref_squeeze %dma_start3A_186 : memref<1x128xi32, #tpu.memory_space<vmem>> -> memref<128xi32, #tpu.memory_space<vmem>>
    %dma_start3A_188 = arith.constant 0 : i32
    %dma_start3A_189 = arith.constant 0 : i32
    %dma_start3A_190 = tpu.memref_slice %arg2[%add3A_171, %dma_start3A_188, %dma_start3A_189] : memref<4x10240x32xf32, #tpu.memory_space<hbm>> -> memref<1x10240x32xf32, #tpu.memory_space<hbm>>
    %dma_start3A_191 = tpu.memref_squeeze %dma_start3A_190 : memref<1x10240x32xf32, #tpu.memory_space<hbm>> -> memref<10240x32xf32, #tpu.memory_space<hbm>>
    %dma_start3A_192 = arith.constant 0 : i32
    %dma_start3A_193 = arith.constant 0 : i32
    %dma_start3A_194 = tpu.memref_slice %dma_start3A_191[%dma_start3A_192, %dma_start3A_193] : memref<10240x32xf32, #tpu.memory_space<hbm>> -> memref<10240x32xf32, #tpu.memory_space<hbm>>
    tpu.enqueue_indirect_dma source(%dma_start3A_194 : memref<10240x32xf32, #tpu.memory_space<hbm>>) target(%arg13 : memref<128x32xf32, #tpu.memory_space<vmem>>) offsets(%dma_start3A_187 : memref<128xi32, #tpu.memory_space<vmem>>) semaphore(%arg20 : memref<!tpu.dma_semaphore, #tpu.memory_space<semaphore_mem>>)
    %dma_start3A_195 = arith.constant 2 : i32
    %dma_start3A_196 = arith.constant 0 : i32
    %dma_start3A_197 = tpu.memref_slice %arg10[%dma_start3A_195, %dma_start3A_196] : memref<160x128xi32, #tpu.memory_space<vmem>> -> memref<1x128xi32, #tpu.memory_space<vmem>>
    %dma_start3A_198 = tpu.memref_squeeze %dma_start3A_197 : memref<1x128xi32, #tpu.memory_space<vmem>> -> memref<128xi32, #tpu.memory_space<vmem>>
    %dma_start3A_199 = arith.constant 0 : i32
    %dma_start3A_200 = arith.constant 0 : i32
    %dma_start3A_201 = tpu.memref_slice %arg2[%add3A_171, %dma_start3A_199, %dma_start3A_200] : memref<4x10240x32xf32, #tpu.memory_space<hbm>> -> memref<1x10240x32xf32, #tpu.memory_space<hbm>>
    %dma_start3A_202 = tpu.memref_squeeze %dma_start3A_201 : memref<1x10240x32xf32, #tpu.memory_space<hbm>> -> memref<10240x32xf32, #tpu.memory_space<hbm>>
    %dma_start3A_203 = arith.constant 0 : i32
    %dma_start3A_204 = arith.constant 0 : i32
    %dma_start3A_205 = tpu.memref_slice %dma_start3A_202[%dma_start3A_203, %dma_start3A_204] : memref<10240x32xf32, #tpu.memory_space<hbm>> -> memref<10240x32xf32, #tpu.memory_space<hbm>>
    tpu.enqueue_indirect_dma source(%dma_start3A_205 : memref<10240x32xf32, #tpu.memory_space<hbm>>) target(%arg14 : memref<128x32xf32, #tpu.memory_space<vmem>>) offsets(%dma_start3A_198 : memref<128xi32, #tpu.memory_space<vmem>>) semaphore(%arg21 : memref<!tpu.dma_semaphore, #tpu.memory_space<semaphore_mem>>)
    %dma_start3A_206 = arith.constant 3 : i32
    %dma_start3A_207 = arith.constant 0 : i32
    %dma_start3A_208 = tpu.memref_slice %arg10[%dma_start3A_206, %dma_start3A_207] : memref<160x128xi32, #tpu.memory_space<vmem>> -> memref<1x128xi32, #tpu.memory_space<vmem>>
    %dma_start3A_209 = tpu.memref_squeeze %dma_start3A_208 : memref<1x128xi32, #tpu.memory_space<vmem>> -> memref<128xi32, #tpu.memory_space<vmem>>
    %dma_start3A_210 = arith.constant 0 : i32
    %dma_start3A_211 = arith.constant 0 : i32
    %dma_start3A_212 = tpu.memref_slice %arg2[%add3A_171, %dma_start3A_210, %dma_start3A_211] : memref<4x10240x32xf32, #tpu.memory_space<hbm>> -> memref<1x10240x32xf32, #tpu.memory_space<hbm>>
    %dma_start3A_213 = tpu.memref_squeeze %dma_start3A_212 : memref<1x10240x32xf32, #tpu.memory_space<hbm>> -> memref<10240x32xf32, #tpu.memory_space<hbm>>
    %dma_start3A_214 = arith.constant 0 : i32
    %dma_start3A_215 = arith.constant 0 : i32
    %dma_start3A_216 = tpu.memref_slice %dma_start3A_213[%dma_start3A_214, %dma_start3A_215] : memref<10240x32xf32, #tpu.memory_space<hbm>> -> memref<10240x32xf32, #tpu.memory_space<hbm>>
    tpu.enqueue_indirect_dma source(%dma_start3A_216 : memref<10240x32xf32, #tpu.memory_space<hbm>>) target(%arg15 : memref<128x32xf32, #tpu.memory_space<vmem>>) offsets(%dma_start3A_209 : memref<128xi32, #tpu.memory_space<vmem>>) semaphore(%arg22 : memref<!tpu.dma_semaphore, #tpu.memory_space<semaphore_mem>>)
    %scan3A_217 = arith.constant 0 : i32
    %scan3A_218 = arith.constant 40 : i32
    %scan3A_219 = arith.addi %scan3A_217, %scan3A_218 : i32
    %scan3A_220 = arith.constant 1 : i32
    scf.for %scan3A_340 = %scan3A_217 to %scan3A_219 step %scan3A_220  : i32 {
      %mul3A_341 = arith.constant 1 : i32
      %mul3A_342 = arith.muli %scan3A_340, %mul3A_341 : i32
      %add3A_343 = arith.constant 0 : i32
      %add3A_344 = arith.addi %add3A_343, %mul3A_342 : i32
      %mul3A_345 = arith.constant 4 : i32
      %mul3A_346 = arith.muli %mul3A_345, %add3A_344 : i32
      %add3A_347 = arith.constant 0 : i32
      %add3A_348 = arith.addi %mul3A_346, %add3A_347 : i32
      %dma_wait3A_349 = arith.constant 0 : i32
      %dma_wait3A_350 = tpu.memref_slice %arg10[%add3A_348, %dma_wait3A_349] : memref<160x128xi32, #tpu.memory_space<vmem>> -> memref<1x128xi32, #tpu.memory_space<vmem>>
      %dma_wait3A_351 = tpu.memref_squeeze %dma_wait3A_350 : memref<1x128xi32, #tpu.memory_space<vmem>> -> memref<128xi32, #tpu.memory_space<vmem>>
      %dma_wait3A_352 = arith.constant 0 : i32
      %dma_wait3A_353 = arith.constant 0 : i32
      %dma_wait3A_354 = tpu.memref_slice %arg2[%add3A_171, %dma_wait3A_352, %dma_wait3A_353] : memref<4x10240x32xf32, #tpu.memory_space<hbm>> -> memref<1x10240x32xf32, #tpu.memory_space<hbm>>
      %dma_wait3A_355 = tpu.memref_squeeze %dma_wait3A_354 : memref<1x10240x32xf32, #tpu.memory_space<hbm>> -> memref<10240x32xf32, #tpu.memory_space<hbm>>
      %dma_wait3A_356 = arith.constant 0 : i32
      %dma_wait3A_357 = arith.constant 0 : i32
      %dma_wait3A_358 = tpu.memref_slice %dma_wait3A_355[%dma_wait3A_356, %dma_wait3A_357] : memref<10240x32xf32, #tpu.memory_space<hbm>> -> memref<10240x32xf32, #tpu.memory_space<hbm>>
      tpu.wait_indirect_dma semaphore(%arg19 : memref<!tpu.dma_semaphore, #tpu.memory_space<semaphore_mem>>) src(%dma_wait3A_358 : memref<10240x32xf32, #tpu.memory_space<hbm>>) dst(%arg12 : memref<128x32xf32, #tpu.memory_space<vmem>>)
      %add3A_359 = arith.constant 0 : i32
      %add3A_360 = arith.addi %mul3A_346, %add3A_359 : i32
      %dma_start3A_361 = arith.constant 0 : i32
      %dma_start3A_362 = tpu.memref_slice %arg11[%add3A_360, %dma_start3A_361] : memref<160x128xi32, #tpu.memory_space<vmem>> -> memref<1x128xi32, #tpu.memory_space<vmem>>
      %dma_start3A_363 = tpu.memref_squeeze %dma_start3A_362 : memref<1x128xi32, #tpu.memory_space<vmem>> -> memref<128xi32, #tpu.memory_space<vmem>>
      %dma_start3A_364 = arith.constant 0 : i32
      %dma_start3A_365 = arith.constant 0 : i32
      %dma_start3A_366 = tpu.memref_slice %arg27[%dma_start3A_364, %dma_start3A_365] : memref<10240x32xf32, #tpu.memory_space<vmem_shared>> -> memref<10240x32xf32, #tpu.memory_space<vmem_shared>>
      tpu.enqueue_indirect_dma source(%arg12 : memref<128x32xf32, #tpu.memory_space<vmem>>) target(%dma_start3A_366 : memref<10240x32xf32, #tpu.memory_space<vmem_shared>>) offsets(%dma_start3A_363 : memref<128xi32, #tpu.memory_space<vmem>>) semaphore(%arg23 : memref<!tpu.dma_semaphore, #tpu.memory_space<semaphore_mem>>) {add = true}
      %add3A_367 = arith.constant 1 : i32
      %add3A_368 = arith.addi %mul3A_346, %add3A_367 : i32
      %dma_wait3A_369 = arith.constant 0 : i32
      %dma_wait3A_370 = tpu.memref_slice %arg10[%add3A_368, %dma_wait3A_369] : memref<160x128xi32, #tpu.memory_space<vmem>> -> memref<1x128xi32, #tpu.memory_space<vmem>>
      %dma_wait3A_371 = tpu.memref_squeeze %dma_wait3A_370 : memref<1x128xi32, #tpu.memory_space<vmem>> -> memref<128xi32, #tpu.memory_space<vmem>>
      %dma_wait3A_372 = arith.constant 0 : i32
      %dma_wait3A_373 = arith.constant 0 : i32
      %dma_wait3A_374 = tpu.memref_slice %arg2[%add3A_171, %dma_wait3A_372, %dma_wait3A_373] : memref<4x10240x32xf32, #tpu.memory_space<hbm>> -> memref<1x10240x32xf32, #tpu.memory_space<hbm>>
      %dma_wait3A_375 = tpu.memref_squeeze %dma_wait3A_374 : memref<1x10240x32xf32, #tpu.memory_space<hbm>> -> memref<10240x32xf32, #tpu.memory_space<hbm>>
      %dma_wait3A_376 = arith.constant 0 : i32
      %dma_wait3A_377 = arith.constant 0 : i32
      %dma_wait3A_378 = tpu.memref_slice %dma_wait3A_375[%dma_wait3A_376, %dma_wait3A_377] : memref<10240x32xf32, #tpu.memory_space<hbm>> -> memref<10240x32xf32, #tpu.memory_space<hbm>>
      tpu.wait_indirect_dma semaphore(%arg20 : memref<!tpu.dma_semaphore, #tpu.memory_space<semaphore_mem>>) src(%dma_wait3A_378 : memref<10240x32xf32, #tpu.memory_space<hbm>>) dst(%arg13 : memref<128x32xf32, #tpu.memory_space<vmem>>)
      %add3A_379 = arith.constant 1 : i32
      %add3A_380 = arith.addi %mul3A_346, %add3A_379 : i32
      %dma_start3A_381 = arith.constant 0 : i32
      %dma_start3A_382 = tpu.memref_slice %arg11[%add3A_380, %dma_start3A_381] : memref<160x128xi32, #tpu.memory_space<vmem>> -> memref<1x128xi32, #tpu.memory_space<vmem>>
      %dma_start3A_383 = tpu.memref_squeeze %dma_start3A_382 : memref<1x128xi32, #tpu.memory_space<vmem>> -> memref<128xi32, #tpu.memory_space<vmem>>
      %dma_start3A_384 = arith.constant 0 : i32
      %dma_start3A_385 = arith.constant 0 : i32
      %dma_start3A_386 = tpu.memref_slice %arg27[%dma_start3A_384, %dma_start3A_385] : memref<10240x32xf32, #tpu.memory_space<vmem_shared>> -> memref<10240x32xf32, #tpu.memory_space<vmem_shared>>
      tpu.enqueue_indirect_dma source(%arg13 : memref<128x32xf32, #tpu.memory_space<vmem>>) target(%dma_start3A_386 : memref<10240x32xf32, #tpu.memory_space<vmem_shared>>) offsets(%dma_start3A_383 : memref<128xi32, #tpu.memory_space<vmem>>) semaphore(%arg24 : memref<!tpu.dma_semaphore, #tpu.memory_space<semaphore_mem>>) {add = true}
      %add3A_387 = arith.constant 2 : i32
      %add3A_388 = arith.addi %mul3A_346, %add3A_387 : i32
      %dma_wait3A_389 = arith.constant 0 : i32
      %dma_wait3A_390 = tpu.memref_slice %arg10[%add3A_388, %dma_wait3A_389] : memref<160x128xi32, #tpu.memory_space<vmem>> -> memref<1x128xi32, #tpu.memory_space<vmem>>
      %dma_wait3A_391 = tpu.memref_squeeze %dma_wait3A_390 : memref<1x128xi32, #tpu.memory_space<vmem>> -> memref<128xi32, #tpu.memory_space<vmem>>
      %dma_wait3A_392 = arith.constant 0 : i32
      %dma_wait3A_393 = arith.constant 0 : i32
      %dma_wait3A_394 = tpu.memref_slice %arg2[%add3A_171, %dma_wait3A_392, %dma_wait3A_393] : memref<4x10240x32xf32, #tpu.memory_space<hbm>> -> memref<1x10240x32xf32, #tpu.memory_space<hbm>>
      %dma_wait3A_395 = tpu.memref_squeeze %dma_wait3A_394 : memref<1x10240x32xf32, #tpu.memory_space<hbm>> -> memref<10240x32xf32, #tpu.memory_space<hbm>>
      %dma_wait3A_396 = arith.constant 0 : i32
      %dma_wait3A_397 = arith.constant 0 : i32
      %dma_wait3A_398 = tpu.memref_slice %dma_wait3A_395[%dma_wait3A_396, %dma_wait3A_397] : memref<10240x32xf32, #tpu.memory_space<hbm>> -> memref<10240x32xf32, #tpu.memory_space<hbm>>
      tpu.wait_indirect_dma semaphore(%arg21 : memref<!tpu.dma_semaphore, #tpu.memory_space<semaphore_mem>>) src(%dma_wait3A_398 : memref<10240x32xf32, #tpu.memory_space<hbm>>) dst(%arg14 : memref<128x32xf32, #tpu.memory_space<vmem>>)
      %add3A_399 = arith.constant 2 : i32
      %add3A_400 = arith.addi %mul3A_346, %add3A_399 : i32
      %dma_start3A_401 = arith.constant 0 : i32
      %dma_start3A_402 = tpu.memref_slice %arg11[%add3A_400, %dma_start3A_401] : memref<160x128xi32, #tpu.memory_space<vmem>> -> memref<1x128xi32, #tpu.memory_space<vmem>>
      %dma_start3A_403 = tpu.memref_squeeze %dma_start3A_402 : memref<1x128xi32, #tpu.memory_space<vmem>> -> memref<128xi32, #tpu.memory_space<vmem>>
      %dma_start3A_404 = arith.constant 0 : i32
      %dma_start3A_405 = arith.constant 0 : i32
      %dma_start3A_406 = tpu.memref_slice %arg27[%dma_start3A_404, %dma_start3A_405] : memref<10240x32xf32, #tpu.memory_space<vmem_shared>> -> memref<10240x32xf32, #tpu.memory_space<vmem_shared>>
      tpu.enqueue_indirect_dma source(%arg14 : memref<128x32xf32, #tpu.memory_space<vmem>>) target(%dma_start3A_406 : memref<10240x32xf32, #tpu.memory_space<vmem_shared>>) offsets(%dma_start3A_403 : memref<128xi32, #tpu.memory_space<vmem>>) semaphore(%arg25 : memref<!tpu.dma_semaphore, #tpu.memory_space<semaphore_mem>>) {add = true}
      %add3A_407 = arith.constant 3 : i32
      %add3A_408 = arith.addi %mul3A_346, %add3A_407 : i32
      %dma_wait3A_409 = arith.constant 0 : i32
      %dma_wait3A_410 = tpu.memref_slice %arg10[%add3A_408, %dma_wait3A_409] : memref<160x128xi32, #tpu.memory_space<vmem>> -> memref<1x128xi32, #tpu.memory_space<vmem>>
      %dma_wait3A_411 = tpu.memref_squeeze %dma_wait3A_410 : memref<1x128xi32, #tpu.memory_space<vmem>> -> memref<128xi32, #tpu.memory_space<vmem>>
      %dma_wait3A_412 = arith.constant 0 : i32
      %dma_wait3A_413 = arith.constant 0 : i32
      %dma_wait3A_414 = tpu.memref_slice %arg2[%add3A_171, %dma_wait3A_412, %dma_wait3A_413] : memref<4x10240x32xf32, #tpu.memory_space<hbm>> -> memref<1x10240x32xf32, #tpu.memory_space<hbm>>
      %dma_wait3A_415 = tpu.memref_squeeze %dma_wait3A_414 : memref<1x10240x32xf32, #tpu.memory_space<hbm>> -> memref<10240x32xf32, #tpu.memory_space<hbm>>
      %dma_wait3A_416 = arith.constant 0 : i32
      %dma_wait3A_417 = arith.constant 0 : i32
      %dma_wait3A_418 = tpu.memref_slice %dma_wait3A_415[%dma_wait3A_416, %dma_wait3A_417] : memref<10240x32xf32, #tpu.memory_space<hbm>> -> memref<10240x32xf32, #tpu.memory_space<hbm>>
      tpu.wait_indirect_dma semaphore(%arg22 : memref<!tpu.dma_semaphore, #tpu.memory_space<semaphore_mem>>) src(%dma_wait3A_418 : memref<10240x32xf32, #tpu.memory_space<hbm>>) dst(%arg15 : memref<128x32xf32, #tpu.memory_space<vmem>>)
      %add3A_419 = arith.constant 3 : i32
      %add3A_420 = arith.addi %mul3A_346, %add3A_419 : i32
      %dma_start3A_421 = arith.constant 0 : i32
      %dma_start3A_422 = tpu.memref_slice %arg11[%add3A_420, %dma_start3A_421] : memref<160x128xi32, #tpu.memory_space<vmem>> -> memref<1x128xi32, #tpu.memory_space<vmem>>
      %dma_start3A_423 = tpu.memref_squeeze %dma_start3A_422 : memref<1x128xi32, #tpu.memory_space<vmem>> -> memref<128xi32, #tpu.memory_space<vmem>>
      %dma_start3A_424 = arith.constant 0 : i32
      %dma_start3A_425 = arith.constant 0 : i32
      %dma_start3A_426 = tpu.memref_slice %arg27[%dma_start3A_424, %dma_start3A_425] : memref<10240x32xf32, #tpu.memory_space<vmem_shared>> -> memref<10240x32xf32, #tpu.memory_space<vmem_shared>>
      tpu.enqueue_indirect_dma source(%arg15 : memref<128x32xf32, #tpu.memory_space<vmem>>) target(%dma_start3A_426 : memref<10240x32xf32, #tpu.memory_space<vmem_shared>>) offsets(%dma_start3A_423 : memref<128xi32, #tpu.memory_space<vmem>>) semaphore(%arg26 : memref<!tpu.dma_semaphore, #tpu.memory_space<semaphore_mem>>) {add = true}
      %add3A_427 = arith.constant 4 : i32
      %add3A_428 = arith.addi %mul3A_346, %add3A_427 : i32
      %add3A_429 = arith.constant 0 : i32
      %add3A_430 = arith.addi %add3A_428, %add3A_429 : i32
      %lt3A = arith.constant 160 : i32
      %lt3A_431 = arith.cmpi slt, %add3A_430, %lt3A : i32
      %convert_element_type3A = arith.extui %lt3A_431 : i1 to i32
      %cond3A = arith.constant 0 : i32
      %cond3A_432 = arith.cmpi ne, %convert_element_type3A, %cond3A : i32
      scf.if %cond3A_432 {
        %add3A_460 = arith.constant 0 : i32
        %add3A_461 = arith.addi %mul3A_346, %add3A_460 : i32
        %dma_wait3A_462 = arith.constant 0 : i32
        %dma_wait3A_463 = tpu.memref_slice %arg11[%add3A_461, %dma_wait3A_462] : memref<160x128xi32, #tpu.memory_space<vmem>> -> memref<1x128xi32, #tpu.memory_space<vmem>>
        %dma_wait3A_464 = tpu.memref_squeeze %dma_wait3A_463 : memref<1x128xi32, #tpu.memory_space<vmem>> -> memref<128xi32, #tpu.memory_space<vmem>>
        %dma_wait3A_465 = arith.constant 0 : i32
        %dma_wait3A_466 = arith.constant 0 : i32
        %dma_wait3A_467 = tpu.memref_slice %arg27[%dma_wait3A_465, %dma_wait3A_466] : memref<10240x32xf32, #tpu.memory_space<vmem_shared>> -> memref<10240x32xf32, #tpu.memory_space<vmem_shared>>
        tpu.wait_indirect_dma semaphore(%arg23 : memref<!tpu.dma_semaphore, #tpu.memory_space<semaphore_mem>>) src(%arg12 : memref<128x32xf32, #tpu.memory_space<vmem>>) dst(%dma_wait3A_467 : memref<10240x32xf32, #tpu.memory_space<vmem_shared>>)
        %dma_start3A_468 = arith.constant 0 : i32
        %dma_start3A_469 = tpu.memref_slice %arg10[%add3A_430, %dma_start3A_468] : memref<160x128xi32, #tpu.memory_space<vmem>> -> memref<1x128xi32, #tpu.memory_space<vmem>>
        %dma_start3A_470 = tpu.memref_squeeze %dma_start3A_469 : memref<1x128xi32, #tpu.memory_space<vmem>> -> memref<128xi32, #tpu.memory_space<vmem>>
        %dma_start3A_471 = arith.constant 0 : i32
        %dma_start3A_472 = arith.constant 0 : i32
        %dma_start3A_473 = tpu.memref_slice %arg2[%add3A_171, %dma_start3A_471, %dma_start3A_472] : memref<4x10240x32xf32, #tpu.memory_space<hbm>> -> memref<1x10240x32xf32, #tpu.memory_space<hbm>>
        %dma_start3A_474 = tpu.memref_squeeze %dma_start3A_473 : memref<1x10240x32xf32, #tpu.memory_space<hbm>> -> memref<10240x32xf32, #tpu.memory_space<hbm>>
        %dma_start3A_475 = arith.constant 0 : i32
        %dma_start3A_476 = arith.constant 0 : i32
        %dma_start3A_477 = tpu.memref_slice %dma_start3A_474[%dma_start3A_475, %dma_start3A_476] : memref<10240x32xf32, #tpu.memory_space<hbm>> -> memref<10240x32xf32, #tpu.memory_space<hbm>>
        tpu.enqueue_indirect_dma source(%dma_start3A_477 : memref<10240x32xf32, #tpu.memory_space<hbm>>) target(%arg12 : memref<128x32xf32, #tpu.memory_space<vmem>>) offsets(%dma_start3A_470 : memref<128xi32, #tpu.memory_space<vmem>>) semaphore(%arg19 : memref<!tpu.dma_semaphore, #tpu.memory_space<semaphore_mem>>)
      } else {
      }
      %add3A_433 = arith.constant 4 : i32
      %add3A_434 = arith.addi %mul3A_346, %add3A_433 : i32
      %add3A_435 = arith.constant 1 : i32
      %add3A_436 = arith.addi %add3A_434, %add3A_435 : i32
      %lt3A_437 = arith.constant 160 : i32
      %lt3A_438 = arith.cmpi slt, %add3A_436, %lt3A_437 : i32
      %convert_element_type3A_439 = arith.extui %lt3A_438 : i1 to i32
      %cond3A_440 = arith.constant 0 : i32
      %cond3A_441 = arith.cmpi ne, %convert_element_type3A_439, %cond3A_440 : i32
      scf.if %cond3A_441 {
        %add3A_460 = arith.constant 1 : i32
        %add3A_461 = arith.addi %mul3A_346, %add3A_460 : i32
        %dma_wait3A_462 = arith.constant 0 : i32
        %dma_wait3A_463 = tpu.memref_slice %arg11[%add3A_461, %dma_wait3A_462] : memref<160x128xi32, #tpu.memory_space<vmem>> -> memref<1x128xi32, #tpu.memory_space<vmem>>
        %dma_wait3A_464 = tpu.memref_squeeze %dma_wait3A_463 : memref<1x128xi32, #tpu.memory_space<vmem>> -> memref<128xi32, #tpu.memory_space<vmem>>
        %dma_wait3A_465 = arith.constant 0 : i32
        %dma_wait3A_466 = arith.constant 0 : i32
        %dma_wait3A_467 = tpu.memref_slice %arg27[%dma_wait3A_465, %dma_wait3A_466] : memref<10240x32xf32, #tpu.memory_space<vmem_shared>> -> memref<10240x32xf32, #tpu.memory_space<vmem_shared>>
        tpu.wait_indirect_dma semaphore(%arg24 : memref<!tpu.dma_semaphore, #tpu.memory_space<semaphore_mem>>) src(%arg13 : memref<128x32xf32, #tpu.memory_space<vmem>>) dst(%dma_wait3A_467 : memref<10240x32xf32, #tpu.memory_space<vmem_shared>>)
        %dma_start3A_468 = arith.constant 0 : i32
        %dma_start3A_469 = tpu.memref_slice %arg10[%add3A_436, %dma_start3A_468] : memref<160x128xi32, #tpu.memory_space<vmem>> -> memref<1x128xi32, #tpu.memory_space<vmem>>
        %dma_start3A_470 = tpu.memref_squeeze %dma_start3A_469 : memref<1x128xi32, #tpu.memory_space<vmem>> -> memref<128xi32, #tpu.memory_space<vmem>>
        %dma_start3A_471 = arith.constant 0 : i32
        %dma_start3A_472 = arith.constant 0 : i32
        %dma_start3A_473 = tpu.memref_slice %arg2[%add3A_171, %dma_start3A_471, %dma_start3A_472] : memref<4x10240x32xf32, #tpu.memory_space<hbm>> -> memref<1x10240x32xf32, #tpu.memory_space<hbm>>
        %dma_start3A_474 = tpu.memref_squeeze %dma_start3A_473 : memref<1x10240x32xf32, #tpu.memory_space<hbm>> -> memref<10240x32xf32, #tpu.memory_space<hbm>>
        %dma_start3A_475 = arith.constant 0 : i32
        %dma_start3A_476 = arith.constant 0 : i32
        %dma_start3A_477 = tpu.memref_slice %dma_start3A_474[%dma_start3A_475, %dma_start3A_476] : memref<10240x32xf32, #tpu.memory_space<hbm>> -> memref<10240x32xf32, #tpu.memory_space<hbm>>
        tpu.enqueue_indirect_dma source(%dma_start3A_477 : memref<10240x32xf32, #tpu.memory_space<hbm>>) target(%arg13 : memref<128x32xf32, #tpu.memory_space<vmem>>) offsets(%dma_start3A_470 : memref<128xi32, #tpu.memory_space<vmem>>) semaphore(%arg20 : memref<!tpu.dma_semaphore, #tpu.memory_space<semaphore_mem>>)
      } else {
      }
      %add3A_442 = arith.constant 4 : i32
      %add3A_443 = arith.addi %mul3A_346, %add3A_442 : i32
      %add3A_444 = arith.constant 2 : i32
      %add3A_445 = arith.addi %add3A_443, %add3A_444 : i32
      %lt3A_446 = arith.constant 160 : i32
      %lt3A_447 = arith.cmpi slt, %add3A_445, %lt3A_446 : i32
      %convert_element_type3A_448 = arith.extui %lt3A_447 : i1 to i32
      %cond3A_449 = arith.constant 0 : i32
      %cond3A_450 = arith.cmpi ne, %convert_element_type3A_448, %cond3A_449 : i32
      scf.if %cond3A_450 {
        %add3A_460 = arith.constant 2 : i32
        %add3A_461 = arith.addi %mul3A_346, %add3A_460 : i32
        %dma_wait3A_462 = arith.constant 0 : i32
        %dma_wait3A_463 = tpu.memref_slice %arg11[%add3A_461, %dma_wait3A_462] : memref<160x128xi32, #tpu.memory_space<vmem>> -> memref<1x128xi32, #tpu.memory_space<vmem>>
        %dma_wait3A_464 = tpu.memref_squeeze %dma_wait3A_463 : memref<1x128xi32, #tpu.memory_space<vmem>> -> memref<128xi32, #tpu.memory_space<vmem>>
        %dma_wait3A_465 = arith.constant 0 : i32
        %dma_wait3A_466 = arith.constant 0 : i32
        %dma_wait3A_467 = tpu.memref_slice %arg27[%dma_wait3A_465, %dma_wait3A_466] : memref<10240x32xf32, #tpu.memory_space<vmem_shared>> -> memref<10240x32xf32, #tpu.memory_space<vmem_shared>>
        tpu.wait_indirect_dma semaphore(%arg25 : memref<!tpu.dma_semaphore, #tpu.memory_space<semaphore_mem>>) src(%arg14 : memref<128x32xf32, #tpu.memory_space<vmem>>) dst(%dma_wait3A_467 : memref<10240x32xf32, #tpu.memory_space<vmem_shared>>)
        %dma_start3A_468 = arith.constant 0 : i32
        %dma_start3A_469 = tpu.memref_slice %arg10[%add3A_445, %dma_start3A_468] : memref<160x128xi32, #tpu.memory_space<vmem>> -> memref<1x128xi32, #tpu.memory_space<vmem>>
        %dma_start3A_470 = tpu.memref_squeeze %dma_start3A_469 : memref<1x128xi32, #tpu.memory_space<vmem>> -> memref<128xi32, #tpu.memory_space<vmem>>
        %dma_start3A_471 = arith.constant 0 : i32
        %dma_start3A_472 = arith.constant 0 : i32
        %dma_start3A_473 = tpu.memref_slice %arg2[%add3A_171, %dma_start3A_471, %dma_start3A_472] : memref<4x10240x32xf32, #tpu.memory_space<hbm>> -> memref<1x10240x32xf32, #tpu.memory_space<hbm>>
        %dma_start3A_474 = tpu.memref_squeeze %dma_start3A_473 : memref<1x10240x32xf32, #tpu.memory_space<hbm>> -> memref<10240x32xf32, #tpu.memory_space<hbm>>
        %dma_start3A_475 = arith.constant 0 : i32
        %dma_start3A_476 = arith.constant 0 : i32
        %dma_start3A_477 = tpu.memref_slice %dma_start3A_474[%dma_start3A_475, %dma_start3A_476] : memref<10240x32xf32, #tpu.memory_space<hbm>> -> memref<10240x32xf32, #tpu.memory_space<hbm>>
        tpu.enqueue_indirect_dma source(%dma_start3A_477 : memref<10240x32xf32, #tpu.memory_space<hbm>>) target(%arg14 : memref<128x32xf32, #tpu.memory_space<vmem>>) offsets(%dma_start3A_470 : memref<128xi32, #tpu.memory_space<vmem>>) semaphore(%arg21 : memref<!tpu.dma_semaphore, #tpu.memory_space<semaphore_mem>>)
      } else {
      }
      %add3A_451 = arith.constant 4 : i32
      %add3A_452 = arith.addi %mul3A_346, %add3A_451 : i32
      %add3A_453 = arith.constant 3 : i32
      %add3A_454 = arith.addi %add3A_452, %add3A_453 : i32
      %lt3A_455 = arith.constant 160 : i32
      %lt3A_456 = arith.cmpi slt, %add3A_454, %lt3A_455 : i32
      %convert_element_type3A_457 = arith.extui %lt3A_456 : i1 to i32
      %cond3A_458 = arith.constant 0 : i32
      %cond3A_459 = arith.cmpi ne, %convert_element_type3A_457, %cond3A_458 : i32
      scf.if %cond3A_459 {
        %add3A_460 = arith.constant 3 : i32
        %add3A_461 = arith.addi %mul3A_346, %add3A_460 : i32
        %dma_wait3A_462 = arith.constant 0 : i32
        %dma_wait3A_463 = tpu.memref_slice %arg11[%add3A_461, %dma_wait3A_462] : memref<160x128xi32, #tpu.memory_space<vmem>> -> memref<1x128xi32, #tpu.memory_space<vmem>>
        %dma_wait3A_464 = tpu.memref_squeeze %dma_wait3A_463 : memref<1x128xi32, #tpu.memory_space<vmem>> -> memref<128xi32, #tpu.memory_space<vmem>>
        %dma_wait3A_465 = arith.constant 0 : i32
        %dma_wait3A_466 = arith.constant 0 : i32
        %dma_wait3A_467 = tpu.memref_slice %arg27[%dma_wait3A_465, %dma_wait3A_466] : memref<10240x32xf32, #tpu.memory_space<vmem_shared>> -> memref<10240x32xf32, #tpu.memory_space<vmem_shared>>
        tpu.wait_indirect_dma semaphore(%arg26 : memref<!tpu.dma_semaphore, #tpu.memory_space<semaphore_mem>>) src(%arg15 : memref<128x32xf32, #tpu.memory_space<vmem>>) dst(%dma_wait3A_467 : memref<10240x32xf32, #tpu.memory_space<vmem_shared>>)
        %dma_start3A_468 = arith.constant 0 : i32
        %dma_start3A_469 = tpu.memref_slice %arg10[%add3A_454, %dma_start3A_468] : memref<160x128xi32, #tpu.memory_space<vmem>> -> memref<1x128xi32, #tpu.memory_space<vmem>>
        %dma_start3A_470 = tpu.memref_squeeze %dma_start3A_469 : memref<1x128xi32, #tpu.memory_space<vmem>> -> memref<128xi32, #tpu.memory_space<vmem>>
        %dma_start3A_471 = arith.constant 0 : i32
        %dma_start3A_472 = arith.constant 0 : i32
        %dma_start3A_473 = tpu.memref_slice %arg2[%add3A_171, %dma_start3A_471, %dma_start3A_472] : memref<4x10240x32xf32, #tpu.memory_space<hbm>> -> memref<1x10240x32xf32, #tpu.memory_space<hbm>>
        %dma_start3A_474 = tpu.memref_squeeze %dma_start3A_473 : memref<1x10240x32xf32, #tpu.memory_space<hbm>> -> memref<10240x32xf32, #tpu.memory_space<hbm>>
        %dma_start3A_475 = arith.constant 0 : i32
        %dma_start3A_476 = arith.constant 0 : i32
        %dma_start3A_477 = tpu.memref_slice %dma_start3A_474[%dma_start3A_475, %dma_start3A_476] : memref<10240x32xf32, #tpu.memory_space<hbm>> -> memref<10240x32xf32, #tpu.memory_space<hbm>>
        tpu.enqueue_indirect_dma source(%dma_start3A_477 : memref<10240x32xf32, #tpu.memory_space<hbm>>) target(%arg15 : memref<128x32xf32, #tpu.memory_space<vmem>>) offsets(%dma_start3A_470 : memref<128xi32, #tpu.memory_space<vmem>>) semaphore(%arg22 : memref<!tpu.dma_semaphore, #tpu.memory_space<semaphore_mem>>)
      } else {
      }
    }
    %scan3A_221 = arith.constant 40 : i32
    %dma_wait3A_222 = arith.constant 156 : i32
    %dma_wait3A_223 = arith.constant 0 : i32
    %dma_wait3A_224 = tpu.memref_slice %arg11[%dma_wait3A_222, %dma_wait3A_223] : memref<160x128xi32, #tpu.memory_space<vmem>> -> memref<1x128xi32, #tpu.memory_space<vmem>>
    %dma_wait3A_225 = tpu.memref_squeeze %dma_wait3A_224 : memref<1x128xi32, #tpu.memory_space<vmem>> -> memref<128xi32, #tpu.memory_space<vmem>>
    %dma_wait3A_226 = arith.constant 0 : i32
    %dma_wait3A_227 = arith.constant 0 : i32
    %dma_wait3A_228 = tpu.memref_slice %arg27[%dma_wait3A_226, %dma_wait3A_227] : memref<10240x32xf32, #tpu.memory_space<vmem_shared>> -> memref<10240x32xf32, #tpu.memory_space<vmem_shared>>
    tpu.wait_indirect_dma semaphore(%arg23 : memref<!tpu.dma_semaphore, #tpu.memory_space<semaphore_mem>>) src(%arg12 : memref<128x32xf32, #tpu.memory_space<vmem>>) dst(%dma_wait3A_228 : memref<10240x32xf32, #tpu.memory_space<vmem_shared>>)
    %dma_wait3A_229 = arith.constant 157 : i32
    %dma_wait3A_230 = arith.constant 0 : i32
    %dma_wait3A_231 = tpu.memref_slice %arg11[%dma_wait3A_229, %dma_wait3A_230] : memref<160x128xi32, #tpu.memory_space<vmem>> -> memref<1x128xi32, #tpu.memory_space<vmem>>
    %dma_wait3A_232 = tpu.memref_squeeze %dma_wait3A_231 : memref<1x128xi32, #tpu.memory_space<vmem>> -> memref<128xi32, #tpu.memory_space<vmem>>
    %dma_wait3A_233 = arith.constant 0 : i32
    %dma_wait3A_234 = arith.constant 0 : i32
    %dma_wait3A_235 = tpu.memref_slice %arg27[%dma_wait3A_233, %dma_wait3A_234] : memref<10240x32xf32, #tpu.memory_space<vmem_shared>> -> memref<10240x32xf32, #tpu.memory_space<vmem_shared>>
    tpu.wait_indirect_dma semaphore(%arg24 : memref<!tpu.dma_semaphore, #tpu.memory_space<semaphore_mem>>) src(%arg13 : memref<128x32xf32, #tpu.memory_space<vmem>>) dst(%dma_wait3A_235 : memref<10240x32xf32, #tpu.memory_space<vmem_shared>>)
    %dma_wait3A_236 = arith.constant 158 : i32
    %dma_wait3A_237 = arith.constant 0 : i32
    %dma_wait3A_238 = tpu.memref_slice %arg11[%dma_wait3A_236, %dma_wait3A_237] : memref<160x128xi32, #tpu.memory_space<vmem>> -> memref<1x128xi32, #tpu.memory_space<vmem>>
    %dma_wait3A_239 = tpu.memref_squeeze %dma_wait3A_238 : memref<1x128xi32, #tpu.memory_space<vmem>> -> memref<128xi32, #tpu.memory_space<vmem>>
    %dma_wait3A_240 = arith.constant 0 : i32
    %dma_wait3A_241 = arith.constant 0 : i32
    %dma_wait3A_242 = tpu.memref_slice %arg27[%dma_wait3A_240, %dma_wait3A_241] : memref<10240x32xf32, #tpu.memory_space<vmem_shared>> -> memref<10240x32xf32, #tpu.memory_space<vmem_shared>>
    tpu.wait_indirect_dma semaphore(%arg25 : memref<!tpu.dma_semaphore, #tpu.memory_space<semaphore_mem>>) src(%arg14 : memref<128x32xf32, #tpu.memory_space<vmem>>) dst(%dma_wait3A_242 : memref<10240x32xf32, #tpu.memory_space<vmem_shared>>)
    %dma_wait3A_243 = arith.constant 159 : i32
    %dma_wait3A_244 = arith.constant 0 : i32
    %dma_wait3A_245 = tpu.memref_slice %arg11[%dma_wait3A_243, %dma_wait3A_244] : memref<160x128xi32, #tpu.memory_space<vmem>> -> memref<1x128xi32, #tpu.memory_space<vmem>>
    %dma_wait3A_246 = tpu.memref_squeeze %dma_wait3A_245 : memref<1x128xi32, #tpu.memory_space<vmem>> -> memref<128xi32, #tpu.memory_space<vmem>>
    %dma_wait3A_247 = arith.constant 0 : i32
    %dma_wait3A_248 = arith.constant 0 : i32
    %dma_wait3A_249 = tpu.memref_slice %arg27[%dma_wait3A_247, %dma_wait3A_248] : memref<10240x32xf32, #tpu.memory_space<vmem_shared>> -> memref<10240x32xf32, #tpu.memory_space<vmem_shared>>
    tpu.wait_indirect_dma semaphore(%arg26 : memref<!tpu.dma_semaphore, #tpu.memory_space<semaphore_mem>>) src(%arg15 : memref<128x32xf32, #tpu.memory_space<vmem>>) dst(%dma_wait3A_249 : memref<10240x32xf32, #tpu.memory_space<vmem_shared>>)
    %barrier3A_250 = arith.constant 0 : index
    tpu.barrier barrier_id(%barrier3A_250)
    "tpu.region"() ({
      %run_scoped3A = tpu.sem_alloc : memref<!tpu.dma_semaphore, #tpu.memory_space<semaphore_mem>>
      %dma_start3A_340 = arith.constant 0 : i32
      %dma_start3A_341 = tpu.memref_slice %arg27[%mul3A_0, %dma_start3A_340] : memref<10240x32xf32, #tpu.memory_space<vmem_shared>> -> memref<640x32xf32, #tpu.memory_space<vmem_shared>>
      %dma_start3A_342 = arith.constant 0 : i32
      %dma_start3A_343 = tpu.memref_slice %arg27[%mul3A_0, %dma_start3A_342] : memref<10240x32xf32, #tpu.memory_space<vmem_shared>> -> memref<640x32xf32, #tpu.memory_space<vmem_shared>>
      tpu.enqueue_dma source(%dma_start3A_343 : memref<640x32xf32, #tpu.memory_space<vmem_shared>>) target(%arg16 : memref<640x32xf32, #tpu.memory_space<vmem>>) target_semaphore(%run_scoped3A : memref<!tpu.dma_semaphore, #tpu.memory_space<semaphore_mem>>)
      %dma_wait3A_344 = arith.constant 0 : i32
      %dma_wait3A_345 = tpu.memref_slice %arg27[%mul3A_0, %dma_wait3A_344] : memref<10240x32xf32, #tpu.memory_space<vmem_shared>> -> memref<640x32xf32, #tpu.memory_space<vmem_shared>>
      %dma_wait3A_346 = arith.constant 0 : i32
      %dma_wait3A_347 = tpu.memref_slice %arg27[%mul3A_0, %dma_wait3A_346] : memref<10240x32xf32, #tpu.memory_space<vmem_shared>> -> memref<640x32xf32, #tpu.memory_space<vmem_shared>>
      tpu.wait_dma2 semaphore(%run_scoped3A : memref<!tpu.dma_semaphore, #tpu.memory_space<semaphore_mem>>) src(%dma_wait3A_347 : memref<640x32xf32, #tpu.memory_space<vmem_shared>>) dst(%arg16 : memref<640x32xf32, #tpu.memory_space<vmem>>)
      tpu.yield
    }) : () -> ()
    %scan3A_251 = arith.constant 0 : i32
    %scan3A_252 = arith.constant 640 : i32
    %scan3A_253 = arith.addi %scan3A_251, %scan3A_252 : i32
    %scan3A_254 = arith.constant 1 : i32
    scf.for %scan3A_340 = %scan3A_251 to %scan3A_253 step %scan3A_254  : i32 {
      %mul3A_341 = arith.constant 1 : i32
      %mul3A_342 = arith.muli %scan3A_340, %mul3A_341 : i32
      %add3A_343 = arith.constant 0 : i32
      %add3A_344 = arith.addi %add3A_343, %mul3A_342 : i32
      %get3A = arith.index_cast %add3A_344 : i32 to index
      %get3A_345 = arith.constant 0 : index
      %get3A_346 = tpu.vector_load %arg17[%get3A, %get3A_345] {strides = array<i32>} : memref<640x16xf32, #tpu.memory_space<vmem>>, vector<1x16xf32>,
      %get3A_347 = vector.shape_cast %get3A_346 : vector<1x16xf32> to vector<16xf32>
      %get3A_348 = arith.index_cast %add3A_344 : i32 to index
      %get3A_349 = arith.constant 0 : index
      %get3A_350 = tpu.vector_load %arg16[%get3A_348, %get3A_349] {strides = array<i32>} : memref<640x32xf32, #tpu.memory_space<vmem>>, vector<1x16xf32>,
      %get3A_351 = vector.shape_cast %get3A_350 : vector<1x16xf32> to vector<16xf32>
      %mul3A_352 = arith.mulf %get3A_351, %get3A_347 : vector<16xf32>
      %swap3A = arith.index_cast %add3A_344 : i32 to index
      %swap3A_353 = arith.constant 0 : index
      %swap3A_354 = tpu.vector_load %arg16[%swap3A, %swap3A_353] {strides = array<i32>} : memref<640x32xf32, #tpu.memory_space<vmem>>, vector<1x16xf32>,
      %swap3A_355 = vector.shape_cast %swap3A_354 : vector<1x16xf32> to vector<16xf32>
      %swap3A_356 = vector.shape_cast %mul3A_352 : vector<16xf32> to vector<1x16xf32>
      tpu.vector_store %arg16[%swap3A, %swap3A_353], %swap3A_356 {strides = array<i32>} : memref<640x32xf32, #tpu.memory_space<vmem>>, vector<1x16xf32>,
      %get3A_357 = arith.index_cast %add3A_344 : i32 to index
      %get3A_358 = arith.constant 16 : index
      %get3A_359 = tpu.vector_load %arg16[%get3A_357, %get3A_358] {strides = array<i32>} : memref<640x32xf32, #tpu.memory_space<vmem>>, vector<1x16xf32>,
      %get3A_360 = vector.shape_cast %get3A_359 : vector<1x16xf32> to vector<16xf32>
      %mul3A_361 = arith.mulf %get3A_360, %get3A_347 : vector<16xf32>
      %swap3A_362 = arith.index_cast %add3A_344 : i32 to index
      %swap3A_363 = arith.constant 16 : index
      %swap3A_364 = tpu.vector_load %arg16[%swap3A_362, %swap3A_363] {strides = array<i32>} : memref<640x32xf32, #tpu.memory_space<vmem>>, vector<1x16xf32>,
      %swap3A_365 = vector.shape_cast %swap3A_364 : vector<1x16xf32> to vector<16xf32>
      %swap3A_366 = vector.shape_cast %mul3A_361 : vector<16xf32> to vector<1x16xf32>
      tpu.vector_store %arg16[%swap3A_362, %swap3A_363], %swap3A_366 {strides = array<i32>} : memref<640x32xf32, #tpu.memory_space<vmem>>, vector<1x16xf32>,
    }
    %scan3A_255 = arith.constant 640 : i32
    "tpu.region"() ({
      %run_scoped3A = tpu.sem_alloc : memref<!tpu.dma_semaphore, #tpu.memory_space<semaphore_mem>>
      %dma_start3A_340 = arith.constant 0 : i32
      %dma_start3A_341 = tpu.memref_slice %arg9[%add3A_171, %mul3A_0, %dma_start3A_340] : memref<4x10240x32xf32, #tpu.memory_space<hbm>> -> memref<1x640x32xf32, #tpu.memory_space<hbm>>
      %dma_start3A_342 = tpu.memref_squeeze %dma_start3A_341 : memref<1x640x32xf32, #tpu.memory_space<hbm>> -> memref<640x32xf32, #tpu.memory_space<hbm>>
      %dma_start3A_343 = arith.constant 0 : i32
      %dma_start3A_344 = tpu.memref_slice %arg9[%add3A_171, %mul3A_0, %dma_start3A_343] : memref<4x10240x32xf32, #tpu.memory_space<hbm>> -> memref<1x640x32xf32, #tpu.memory_space<hbm>>
      %dma_start3A_345 = tpu.memref_squeeze %dma_start3A_344 : memref<1x640x32xf32, #tpu.memory_space<hbm>> -> memref<640x32xf32, #tpu.memory_space<hbm>>
      tpu.enqueue_dma source(%arg16 : memref<640x32xf32, #tpu.memory_space<vmem>>) target(%dma_start3A_345 : memref<640x32xf32, #tpu.memory_space<hbm>>) target_semaphore(%run_scoped3A : memref<!tpu.dma_semaphore, #tpu.memory_space<semaphore_mem>>)
      %dma_wait3A_346 = arith.constant 0 : i32
      %dma_wait3A_347 = tpu.memref_slice %arg9[%add3A_171, %mul3A_0, %dma_wait3A_346] : memref<4x10240x32xf32, #tpu.memory_space<hbm>> -> memref<1x640x32xf32, #tpu.memory_space<hbm>>
      %dma_wait3A_348 = tpu.memref_squeeze %dma_wait3A_347 : memref<1x640x32xf32, #tpu.memory_space<hbm>> -> memref<640x32xf32, #tpu.memory_space<hbm>>
      %dma_wait3A_349 = arith.constant 0 : i32
      %dma_wait3A_350 = tpu.memref_slice %arg9[%add3A_171, %mul3A_0, %dma_wait3A_349] : memref<4x10240x32xf32, #tpu.memory_space<hbm>> -> memref<1x640x32xf32, #tpu.memory_space<hbm>>
      %dma_wait3A_351 = tpu.memref_squeeze %dma_wait3A_350 : memref<1x640x32xf32, #tpu.memory_space<hbm>> -> memref<640x32xf32, #tpu.memory_space<hbm>>
      tpu.wait_dma2 semaphore(%run_scoped3A : memref<!tpu.dma_semaphore, #tpu.memory_space<semaphore_mem>>) src(%arg16 : memref<640x32xf32, #tpu.memory_space<vmem>>) dst(%dma_wait3A_351 : memref<640x32xf32, #tpu.memory_space<hbm>>)
      tpu.yield
    }) : () -> ()
    "tpu.region"() ({
      %run_scoped3A = tpu.sem_alloc : memref<!tpu.dma_semaphore, #tpu.memory_space<semaphore_mem>>
      %dma_start3A_340 = arith.constant 0 : i32
      %dma_start3A_341 = tpu.memref_slice %arg27[%mul3A_0, %dma_start3A_340] : memref<10240x32xf32, #tpu.memory_space<vmem_shared>> -> memref<640x32xf32, #tpu.memory_space<vmem_shared>>
      tpu.enqueue_dma source(%arg5 : memref<640x32xf32, #tpu.memory_space<hbm>>) target(%dma_start3A_341 : memref<640x32xf32, #tpu.memory_space<vmem_shared>>) target_semaphore(%run_scoped3A : memref<!tpu.dma_semaphore, #tpu.memory_space<semaphore_mem>>)
      %dma_wait3A_342 = arith.constant 0 : i32
      %dma_wait3A_343 = tpu.memref_slice %arg27[%mul3A_0, %dma_wait3A_342] : memref<10240x32xf32, #tpu.memory_space<vmem_shared>> -> memref<640x32xf32, #tpu.memory_space<vmem_shared>>
      tpu.wait_dma2 semaphore(%run_scoped3A : memref<!tpu.dma_semaphore, #tpu.memory_space<semaphore_mem>>) src(%arg5 : memref<640x32xf32, #tpu.memory_space<hbm>>) dst(%dma_wait3A_343 : memref<640x32xf32, #tpu.memory_space<vmem_shared>>)
      tpu.yield
    }) : () -> ()
    %barrier3A_256 = arith.constant 0 : index
    tpu.barrier barrier_id(%barrier3A_256)
    %dma_start3A_257 = arith.constant 0 : i32
    %dma_start3A_258 = arith.constant 0 : i32
    %dma_start3A_259 = tpu.memref_slice %arg11[%dma_start3A_257, %dma_start3A_258] : memref<160x128xi32, #tpu.memory_space<vmem>> -> memref<1x128xi32, #tpu.memory_space<vmem>>
    %dma_start3A_260 = tpu.memref_squeeze %dma_start3A_259 : memref<1x128xi32, #tpu.memory_space<vmem>> -> memref<128xi32, #tpu.memory_space<vmem>>
    %dma_start3A_261 = arith.constant 0 : i32
    %dma_start3A_262 = arith.constant 0 : i32
    %dma_start3A_263 = tpu.memref_slice %arg9[%add3A_171, %dma_start3A_261, %dma_start3A_262] : memref<4x10240x32xf32, #tpu.memory_space<hbm>> -> memref<1x10240x32xf32, #tpu.memory_space<hbm>>
    %dma_start3A_264 = tpu.memref_squeeze %dma_start3A_263 : memref<1x10240x32xf32, #tpu.memory_space<hbm>> -> memref<10240x32xf32, #tpu.memory_space<hbm>>
    %dma_start3A_265 = arith.constant 0 : i32
    %dma_start3A_266 = arith.constant 0 : i32
    %dma_start3A_267 = tpu.memref_slice %dma_start3A_264[%dma_start3A_265, %dma_start3A_266] : memref<10240x32xf32, #tpu.memory_space<hbm>> -> memref<10240x32xf32, #tpu.memory_space<hbm>>
    tpu.enqueue_indirect_dma source(%dma_start3A_267 : memref<10240x32xf32, #tpu.memory_space<hbm>>) target(%arg12 : memref<128x32xf32, #tpu.memory_space<vmem>>) offsets(%dma_start3A_260 : memref<128xi32, #tpu.memory_space<vmem>>) semaphore(%arg19 : memref<!tpu.dma_semaphore, #tpu.memory_space<semaphore_mem>>)
    %dma_start3A_268 = arith.constant 1 : i32
    %dma_start3A_269 = arith.constant 0 : i32
    %dma_start3A_270 = tpu.memref_slice %arg11[%dma_start3A_268, %dma_start3A_269] : memref<160x128xi32, #tpu.memory_space<vmem>> -> memref<1x128xi32, #tpu.memory_space<vmem>>
    %dma_start3A_271 = tpu.memref_squeeze %dma_start3A_270 : memref<1x128xi32, #tpu.memory_space<vmem>> -> memref<128xi32, #tpu.memory_space<vmem>>
    %dma_start3A_272 = arith.constant 0 : i32
    %dma_start3A_273 = arith.constant 0 : i32
    %dma_start3A_274 = tpu.memref_slice %arg9[%add3A_171, %dma_start3A_272, %dma_start3A_273] : memref<4x10240x32xf32, #tpu.memory_space<hbm>> -> memref<1x10240x32xf32, #tpu.memory_space<hbm>>
    %dma_start3A_275 = tpu.memref_squeeze %dma_start3A_274 : memref<1x10240x32xf32, #tpu.memory_space<hbm>> -> memref<10240x32xf32, #tpu.memory_space<hbm>>
    %dma_start3A_276 = arith.constant 0 : i32
    %dma_start3A_277 = arith.constant 0 : i32
    %dma_start3A_278 = tpu.memref_slice %dma_start3A_275[%dma_start3A_276, %dma_start3A_277] : memref<10240x32xf32, #tpu.memory_space<hbm>> -> memref<10240x32xf32, #tpu.memory_space<hbm>>
    tpu.enqueue_indirect_dma source(%dma_start3A_278 : memref<10240x32xf32, #tpu.memory_space<hbm>>) target(%arg13 : memref<128x32xf32, #tpu.memory_space<vmem>>) offsets(%dma_start3A_271 : memref<128xi32, #tpu.memory_space<vmem>>) semaphore(%arg20 : memref<!tpu.dma_semaphore, #tpu.memory_space<semaphore_mem>>)
    %dma_start3A_279 = arith.constant 2 : i32
    %dma_start3A_280 = arith.constant 0 : i32
    %dma_start3A_281 = tpu.memref_slice %arg11[%dma_start3A_279, %dma_start3A_280] : memref<160x128xi32, #tpu.memory_space<vmem>> -> memref<1x128xi32, #tpu.memory_space<vmem>>
    %dma_start3A_282 = tpu.memref_squeeze %dma_start3A_281 : memref<1x128xi32, #tpu.memory_space<vmem>> -> memref<128xi32, #tpu.memory_space<vmem>>
    %dma_start3A_283 = arith.constant 0 : i32
    %dma_start3A_284 = arith.constant 0 : i32
    %dma_start3A_285 = tpu.memref_slice %arg9[%add3A_171, %dma_start3A_283, %dma_start3A_284] : memref<4x10240x32xf32, #tpu.memory_space<hbm>> -> memref<1x10240x32xf32, #tpu.memory_space<hbm>>
    %dma_start3A_286 = tpu.memref_squeeze %dma_start3A_285 : memref<1x10240x32xf32, #tpu.memory_space<hbm>> -> memref<10240x32xf32, #tpu.memory_space<hbm>>
    %dma_start3A_287 = arith.constant 0 : i32
    %dma_start3A_288 = arith.constant 0 : i32
    %dma_start3A_289 = tpu.memref_slice %dma_start3A_286[%dma_start3A_287, %dma_start3A_288] : memref<10240x32xf32, #tpu.memory_space<hbm>> -> memref<10240x32xf32, #tpu.memory_space<hbm>>
    tpu.enqueue_indirect_dma source(%dma_start3A_289 : memref<10240x32xf32, #tpu.memory_space<hbm>>) target(%arg14 : memref<128x32xf32, #tpu.memory_space<vmem>>) offsets(%dma_start3A_282 : memref<128xi32, #tpu.memory_space<vmem>>) semaphore(%arg21 : memref<!tpu.dma_semaphore, #tpu.memory_space<semaphore_mem>>)
    %dma_start3A_290 = arith.constant 3 : i32
    %dma_start3A_291 = arith.constant 0 : i32
    %dma_start3A_292 = tpu.memref_slice %arg11[%dma_start3A_290, %dma_start3A_291] : memref<160x128xi32, #tpu.memory_space<vmem>> -> memref<1x128xi32, #tpu.memory_space<vmem>>
    %dma_start3A_293 = tpu.memref_squeeze %dma_start3A_292 : memref<1x128xi32, #tpu.memory_space<vmem>> -> memref<128xi32, #tpu.memory_space<vmem>>
    %dma_start3A_294 = arith.constant 0 : i32
    %dma_start3A_295 = arith.constant 0 : i32
    %dma_start3A_296 = tpu.memref_slice %arg9[%add3A_171, %dma_start3A_294, %dma_start3A_295] : memref<4x10240x32xf32, #tpu.memory_space<hbm>> -> memref<1x10240x32xf32, #tpu.memory_space<hbm>>
    %dma_start3A_297 = tpu.memref_squeeze %dma_start3A_296 : memref<1x10240x32xf32, #tpu.memory_space<hbm>> -> memref<10240x32xf32, #tpu.memory_space<hbm>>
    %dma_start3A_298 = arith.constant 0 : i32
    %dma_start3A_299 = arith.constant 0 : i32
    %dma_start3A_300 = tpu.memref_slice %dma_start3A_297[%dma_start3A_298, %dma_start3A_299] : memref<10240x32xf32, #tpu.memory_space<hbm>> -> memref<10240x32xf32, #tpu.memory_space<hbm>>
    tpu.enqueue_indirect_dma source(%dma_start3A_300 : memref<10240x32xf32, #tpu.memory_space<hbm>>) target(%arg15 : memref<128x32xf32, #tpu.memory_space<vmem>>) offsets(%dma_start3A_293 : memref<128xi32, #tpu.memory_space<vmem>>) semaphore(%arg22 : memref<!tpu.dma_semaphore, #tpu.memory_space<semaphore_mem>>)
    %scan3A_301 = arith.constant 0 : i32
    %scan3A_302 = arith.constant 40 : i32
    %scan3A_303 = arith.addi %scan3A_301, %scan3A_302 : i32
    %scan3A_304 = arith.constant 1 : i32
    scf.for %scan3A_340 = %scan3A_301 to %scan3A_303 step %scan3A_304  : i32 {
      %mul3A_341 = arith.constant 1 : i32
      %mul3A_342 = arith.muli %scan3A_340, %mul3A_341 : i32
      %add3A_343 = arith.constant 0 : i32
      %add3A_344 = arith.addi %add3A_343, %mul3A_342 : i32
      %mul3A_345 = arith.constant 4 : i32
      %mul3A_346 = arith.muli %mul3A_345, %add3A_344 : i32
      %add3A_347 = arith.constant 0 : i32
      %add3A_348 = arith.addi %mul3A_346, %add3A_347 : i32
      %dma_wait3A_349 = arith.constant 0 : i32
      %dma_wait3A_350 = tpu.memref_slice %arg11[%add3A_348, %dma_wait3A_349] : memref<160x128xi32, #tpu.memory_space<vmem>> -> memref<1x128xi32, #tpu.memory_space<vmem>>
      %dma_wait3A_351 = tpu.memref_squeeze %dma_wait3A_350 : memref<1x128xi32, #tpu.memory_space<vmem>> -> memref<128xi32, #tpu.memory_space<vmem>>
      %dma_wait3A_352 = arith.constant 0 : i32
      %dma_wait3A_353 = arith.constant 0 : i32
      %dma_wait3A_354 = tpu.memref_slice %arg9[%add3A_171, %dma_wait3A_352, %dma_wait3A_353] : memref<4x10240x32xf32, #tpu.memory_space<hbm>> -> memref<1x10240x32xf32, #tpu.memory_space<hbm>>
      %dma_wait3A_355 = tpu.memref_squeeze %dma_wait3A_354 : memref<1x10240x32xf32, #tpu.memory_space<hbm>> -> memref<10240x32xf32, #tpu.memory_space<hbm>>
      %dma_wait3A_356 = arith.constant 0 : i32
      %dma_wait3A_357 = arith.constant 0 : i32
      %dma_wait3A_358 = tpu.memref_slice %dma_wait3A_355[%dma_wait3A_356, %dma_wait3A_357] : memref<10240x32xf32, #tpu.memory_space<hbm>> -> memref<10240x32xf32, #tpu.memory_space<hbm>>
      tpu.wait_indirect_dma semaphore(%arg19 : memref<!tpu.dma_semaphore, #tpu.memory_space<semaphore_mem>>) src(%dma_wait3A_358 : memref<10240x32xf32, #tpu.memory_space<hbm>>) dst(%arg12 : memref<128x32xf32, #tpu.memory_space<vmem>>)
      %add3A_359 = arith.constant 0 : i32
      %add3A_360 = arith.addi %mul3A_346, %add3A_359 : i32
      %dma_start3A_361 = arith.constant 0 : i32
      %dma_start3A_362 = tpu.memref_slice %arg10[%add3A_360, %dma_start3A_361] : memref<160x128xi32, #tpu.memory_space<vmem>> -> memref<1x128xi32, #tpu.memory_space<vmem>>
      %dma_start3A_363 = tpu.memref_squeeze %dma_start3A_362 : memref<1x128xi32, #tpu.memory_space<vmem>> -> memref<128xi32, #tpu.memory_space<vmem>>
      %dma_start3A_364 = arith.constant 0 : i32
      %dma_start3A_365 = arith.constant 0 : i32
      %dma_start3A_366 = tpu.memref_slice %arg27[%dma_start3A_364, %dma_start3A_365] : memref<10240x32xf32, #tpu.memory_space<vmem_shared>> -> memref<10240x32xf32, #tpu.memory_space<vmem_shared>>
      tpu.enqueue_indirect_dma source(%arg12 : memref<128x32xf32, #tpu.memory_space<vmem>>) target(%dma_start3A_366 : memref<10240x32xf32, #tpu.memory_space<vmem_shared>>) offsets(%dma_start3A_363 : memref<128xi32, #tpu.memory_space<vmem>>) semaphore(%arg23 : memref<!tpu.dma_semaphore, #tpu.memory_space<semaphore_mem>>) {add = true}
      %add3A_367 = arith.constant 1 : i32
      %add3A_368 = arith.addi %mul3A_346, %add3A_367 : i32
      %dma_wait3A_369 = arith.constant 0 : i32
      %dma_wait3A_370 = tpu.memref_slice %arg11[%add3A_368, %dma_wait3A_369] : memref<160x128xi32, #tpu.memory_space<vmem>> -> memref<1x128xi32, #tpu.memory_space<vmem>>
      %dma_wait3A_371 = tpu.memref_squeeze %dma_wait3A_370 : memref<1x128xi32, #tpu.memory_space<vmem>> -> memref<128xi32, #tpu.memory_space<vmem>>
      %dma_wait3A_372 = arith.constant 0 : i32
      %dma_wait3A_373 = arith.constant 0 : i32
      %dma_wait3A_374 = tpu.memref_slice %arg9[%add3A_171, %dma_wait3A_372, %dma_wait3A_373] : memref<4x10240x32xf32, #tpu.memory_space<hbm>> -> memref<1x10240x32xf32, #tpu.memory_space<hbm>>
      %dma_wait3A_375 = tpu.memref_squeeze %dma_wait3A_374 : memref<1x10240x32xf32, #tpu.memory_space<hbm>> -> memref<10240x32xf32, #tpu.memory_space<hbm>>
      %dma_wait3A_376 = arith.constant 0 : i32
      %dma_wait3A_377 = arith.constant 0 : i32
      %dma_wait3A_378 = tpu.memref_slice %dma_wait3A_375[%dma_wait3A_376, %dma_wait3A_377] : memref<10240x32xf32, #tpu.memory_space<hbm>> -> memref<10240x32xf32, #tpu.memory_space<hbm>>
      tpu.wait_indirect_dma semaphore(%arg20 : memref<!tpu.dma_semaphore, #tpu.memory_space<semaphore_mem>>) src(%dma_wait3A_378 : memref<10240x32xf32, #tpu.memory_space<hbm>>) dst(%arg13 : memref<128x32xf32, #tpu.memory_space<vmem>>)
      %add3A_379 = arith.constant 1 : i32
      %add3A_380 = arith.addi %mul3A_346, %add3A_379 : i32
      %dma_start3A_381 = arith.constant 0 : i32
      %dma_start3A_382 = tpu.memref_slice %arg10[%add3A_380, %dma_start3A_381] : memref<160x128xi32, #tpu.memory_space<vmem>> -> memref<1x128xi32, #tpu.memory_space<vmem>>
      %dma_start3A_383 = tpu.memref_squeeze %dma_start3A_382 : memref<1x128xi32, #tpu.memory_space<vmem>> -> memref<128xi32, #tpu.memory_space<vmem>>
      %dma_start3A_384 = arith.constant 0 : i32
      %dma_start3A_385 = arith.constant 0 : i32
      %dma_start3A_386 = tpu.memref_slice %arg27[%dma_start3A_384, %dma_start3A_385] : memref<10240x32xf32, #tpu.memory_space<vmem_shared>> -> memref<10240x32xf32, #tpu.memory_space<vmem_shared>>
      tpu.enqueue_indirect_dma source(%arg13 : memref<128x32xf32, #tpu.memory_space<vmem>>) target(%dma_start3A_386 : memref<10240x32xf32, #tpu.memory_space<vmem_shared>>) offsets(%dma_start3A_383 : memref<128xi32, #tpu.memory_space<vmem>>) semaphore(%arg24 : memref<!tpu.dma_semaphore, #tpu.memory_space<semaphore_mem>>) {add = true}
      %add3A_387 = arith.constant 2 : i32
      %add3A_388 = arith.addi %mul3A_346, %add3A_387 : i32
      %dma_wait3A_389 = arith.constant 0 : i32
      %dma_wait3A_390 = tpu.memref_slice %arg11[%add3A_388, %dma_wait3A_389] : memref<160x128xi32, #tpu.memory_space<vmem>> -> memref<1x128xi32, #tpu.memory_space<vmem>>
      %dma_wait3A_391 = tpu.memref_squeeze %dma_wait3A_390 : memref<1x128xi32, #tpu.memory_space<vmem>> -> memref<128xi32, #tpu.memory_space<vmem>>
      %dma_wait3A_392 = arith.constant 0 : i32
      %dma_wait3A_393 = arith.constant 0 : i32
      %dma_wait3A_394 = tpu.memref_slice %arg9[%add3A_171, %dma_wait3A_392, %dma_wait3A_393] : memref<4x10240x32xf32, #tpu.memory_space<hbm>> -> memref<1x10240x32xf32, #tpu.memory_space<hbm>>
      %dma_wait3A_395 = tpu.memref_squeeze %dma_wait3A_394 : memref<1x10240x32xf32, #tpu.memory_space<hbm>> -> memref<10240x32xf32, #tpu.memory_space<hbm>>
      %dma_wait3A_396 = arith.constant 0 : i32
      %dma_wait3A_397 = arith.constant 0 : i32
      %dma_wait3A_398 = tpu.memref_slice %dma_wait3A_395[%dma_wait3A_396, %dma_wait3A_397] : memref<10240x32xf32, #tpu.memory_space<hbm>> -> memref<10240x32xf32, #tpu.memory_space<hbm>>
      tpu.wait_indirect_dma semaphore(%arg21 : memref<!tpu.dma_semaphore, #tpu.memory_space<semaphore_mem>>) src(%dma_wait3A_398 : memref<10240x32xf32, #tpu.memory_space<hbm>>) dst(%arg14 : memref<128x32xf32, #tpu.memory_space<vmem>>)
      %add3A_399 = arith.constant 2 : i32
      %add3A_400 = arith.addi %mul3A_346, %add3A_399 : i32
      %dma_start3A_401 = arith.constant 0 : i32
      %dma_start3A_402 = tpu.memref_slice %arg10[%add3A_400, %dma_start3A_401] : memref<160x128xi32, #tpu.memory_space<vmem>> -> memref<1x128xi32, #tpu.memory_space<vmem>>
      %dma_start3A_403 = tpu.memref_squeeze %dma_start3A_402 : memref<1x128xi32, #tpu.memory_space<vmem>> -> memref<128xi32, #tpu.memory_space<vmem>>
      %dma_start3A_404 = arith.constant 0 : i32
      %dma_start3A_405 = arith.constant 0 : i32
      %dma_start3A_406 = tpu.memref_slice %arg27[%dma_start3A_404, %dma_start3A_405] : memref<10240x32xf32, #tpu.memory_space<vmem_shared>> -> memref<10240x32xf32, #tpu.memory_space<vmem_shared>>
      tpu.enqueue_indirect_dma source(%arg14 : memref<128x32xf32, #tpu.memory_space<vmem>>) target(%dma_start3A_406 : memref<10240x32xf32, #tpu.memory_space<vmem_shared>>) offsets(%dma_start3A_403 : memref<128xi32, #tpu.memory_space<vmem>>) semaphore(%arg25 : memref<!tpu.dma_semaphore, #tpu.memory_space<semaphore_mem>>) {add = true}
      %add3A_407 = arith.constant 3 : i32
      %add3A_408 = arith.addi %mul3A_346, %add3A_407 : i32
      %dma_wait3A_409 = arith.constant 0 : i32
      %dma_wait3A_410 = tpu.memref_slice %arg11[%add3A_408, %dma_wait3A_409] : memref<160x128xi32, #tpu.memory_space<vmem>> -> memref<1x128xi32, #tpu.memory_space<vmem>>
      %dma_wait3A_411 = tpu.memref_squeeze %dma_wait3A_410 : memref<1x128xi32, #tpu.memory_space<vmem>> -> memref<128xi32, #tpu.memory_space<vmem>>
      %dma_wait3A_412 = arith.constant 0 : i32
      %dma_wait3A_413 = arith.constant 0 : i32
      %dma_wait3A_414 = tpu.memref_slice %arg9[%add3A_171, %dma_wait3A_412, %dma_wait3A_413] : memref<4x10240x32xf32, #tpu.memory_space<hbm>> -> memref<1x10240x32xf32, #tpu.memory_space<hbm>>
      %dma_wait3A_415 = tpu.memref_squeeze %dma_wait3A_414 : memref<1x10240x32xf32, #tpu.memory_space<hbm>> -> memref<10240x32xf32, #tpu.memory_space<hbm>>
      %dma_wait3A_416 = arith.constant 0 : i32
      %dma_wait3A_417 = arith.constant 0 : i32
      %dma_wait3A_418 = tpu.memref_slice %dma_wait3A_415[%dma_wait3A_416, %dma_wait3A_417] : memref<10240x32xf32, #tpu.memory_space<hbm>> -> memref<10240x32xf32, #tpu.memory_space<hbm>>
      tpu.wait_indirect_dma semaphore(%arg22 : memref<!tpu.dma_semaphore, #tpu.memory_space<semaphore_mem>>) src(%dma_wait3A_418 : memref<10240x32xf32, #tpu.memory_space<hbm>>) dst(%arg15 : memref<128x32xf32, #tpu.memory_space<vmem>>)
      %add3A_419 = arith.constant 3 : i32
      %add3A_420 = arith.addi %mul3A_346, %add3A_419 : i32
      %dma_start3A_421 = arith.constant 0 : i32
      %dma_start3A_422 = tpu.memref_slice %arg10[%add3A_420, %dma_start3A_421] : memref<160x128xi32, #tpu.memory_space<vmem>> -> memref<1x128xi32, #tpu.memory_space<vmem>>
      %dma_start3A_423 = tpu.memref_squeeze %dma_start3A_422 : memref<1x128xi32, #tpu.memory_space<vmem>> -> memref<128xi32, #tpu.memory_space<vmem>>
      %dma_start3A_424 = arith.constant 0 : i32
      %dma_start3A_425 = arith.constant 0 : i32
      %dma_start3A_426 = tpu.memref_slice %arg27[%dma_start3A_424, %dma_start3A_425] : memref<10240x32xf32, #tpu.memory_space<vmem_shared>> -> memref<10240x32xf32, #tpu.memory_space<vmem_shared>>
      tpu.enqueue_indirect_dma source(%arg15 : memref<128x32xf32, #tpu.memory_space<vmem>>) target(%dma_start3A_426 : memref<10240x32xf32, #tpu.memory_space<vmem_shared>>) offsets(%dma_start3A_423 : memref<128xi32, #tpu.memory_space<vmem>>) semaphore(%arg26 : memref<!tpu.dma_semaphore, #tpu.memory_space<semaphore_mem>>) {add = true}
      %add3A_427 = arith.constant 4 : i32
      %add3A_428 = arith.addi %mul3A_346, %add3A_427 : i32
      %add3A_429 = arith.constant 0 : i32
      %add3A_430 = arith.addi %add3A_428, %add3A_429 : i32
      %lt3A = arith.constant 160 : i32
      %lt3A_431 = arith.cmpi slt, %add3A_430, %lt3A : i32
      %convert_element_type3A = arith.extui %lt3A_431 : i1 to i32
      %cond3A = arith.constant 0 : i32
      %cond3A_432 = arith.cmpi ne, %convert_element_type3A, %cond3A : i32
      scf.if %cond3A_432 {
        %add3A_460 = arith.constant 0 : i32
        %add3A_461 = arith.addi %mul3A_346, %add3A_460 : i32
        %dma_wait3A_462 = arith.constant 0 : i32
        %dma_wait3A_463 = tpu.memref_slice %arg10[%add3A_461, %dma_wait3A_462] : memref<160x128xi32, #tpu.memory_space<vmem>> -> memref<1x128xi32, #tpu.memory_space<vmem>>
        %dma_wait3A_464 = tpu.memref_squeeze %dma_wait3A_463 : memref<1x128xi32, #tpu.memory_space<vmem>> -> memref<128xi32, #tpu.memory_space<vmem>>
        %dma_wait3A_465 = arith.constant 0 : i32
        %dma_wait3A_466 = arith.constant 0 : i32
        %dma_wait3A_467 = tpu.memref_slice %arg27[%dma_wait3A_465, %dma_wait3A_466] : memref<10240x32xf32, #tpu.memory_space<vmem_shared>> -> memref<10240x32xf32, #tpu.memory_space<vmem_shared>>
        tpu.wait_indirect_dma semaphore(%arg23 : memref<!tpu.dma_semaphore, #tpu.memory_space<semaphore_mem>>) src(%arg12 : memref<128x32xf32, #tpu.memory_space<vmem>>) dst(%dma_wait3A_467 : memref<10240x32xf32, #tpu.memory_space<vmem_shared>>)
        %dma_start3A_468 = arith.constant 0 : i32
        %dma_start3A_469 = tpu.memref_slice %arg11[%add3A_430, %dma_start3A_468] : memref<160x128xi32, #tpu.memory_space<vmem>> -> memref<1x128xi32, #tpu.memory_space<vmem>>
        %dma_start3A_470 = tpu.memref_squeeze %dma_start3A_469 : memref<1x128xi32, #tpu.memory_space<vmem>> -> memref<128xi32, #tpu.memory_space<vmem>>
        %dma_start3A_471 = arith.constant 0 : i32
        %dma_start3A_472 = arith.constant 0 : i32
        %dma_start3A_473 = tpu.memref_slice %arg9[%add3A_171, %dma_start3A_471, %dma_start3A_472] : memref<4x10240x32xf32, #tpu.memory_space<hbm>> -> memref<1x10240x32xf32, #tpu.memory_space<hbm>>
        %dma_start3A_474 = tpu.memref_squeeze %dma_start3A_473 : memref<1x10240x32xf32, #tpu.memory_space<hbm>> -> memref<10240x32xf32, #tpu.memory_space<hbm>>
        %dma_start3A_475 = arith.constant 0 : i32
        %dma_start3A_476 = arith.constant 0 : i32
        %dma_start3A_477 = tpu.memref_slice %dma_start3A_474[%dma_start3A_475, %dma_start3A_476] : memref<10240x32xf32, #tpu.memory_space<hbm>> -> memref<10240x32xf32, #tpu.memory_space<hbm>>
        tpu.enqueue_indirect_dma source(%dma_start3A_477 : memref<10240x32xf32, #tpu.memory_space<hbm>>) target(%arg12 : memref<128x32xf32, #tpu.memory_space<vmem>>) offsets(%dma_start3A_470 : memref<128xi32, #tpu.memory_space<vmem>>) semaphore(%arg19 : memref<!tpu.dma_semaphore, #tpu.memory_space<semaphore_mem>>)
      } else {
      }
      %add3A_433 = arith.constant 4 : i32
      %add3A_434 = arith.addi %mul3A_346, %add3A_433 : i32
      %add3A_435 = arith.constant 1 : i32
      %add3A_436 = arith.addi %add3A_434, %add3A_435 : i32
      %lt3A_437 = arith.constant 160 : i32
      %lt3A_438 = arith.cmpi slt, %add3A_436, %lt3A_437 : i32
      %convert_element_type3A_439 = arith.extui %lt3A_438 : i1 to i32
      %cond3A_440 = arith.constant 0 : i32
      %cond3A_441 = arith.cmpi ne, %convert_element_type3A_439, %cond3A_440 : i32
      scf.if %cond3A_441 {
        %add3A_460 = arith.constant 1 : i32
        %add3A_461 = arith.addi %mul3A_346, %add3A_460 : i32
        %dma_wait3A_462 = arith.constant 0 : i32
        %dma_wait3A_463 = tpu.memref_slice %arg10[%add3A_461, %dma_wait3A_462] : memref<160x128xi32, #tpu.memory_space<vmem>> -> memref<1x128xi32, #tpu.memory_space<vmem>>
        %dma_wait3A_464 = tpu.memref_squeeze %dma_wait3A_463 : memref<1x128xi32, #tpu.memory_space<vmem>> -> memref<128xi32, #tpu.memory_space<vmem>>
        %dma_wait3A_465 = arith.constant 0 : i32
        %dma_wait3A_466 = arith.constant 0 : i32
        %dma_wait3A_467 = tpu.memref_slice %arg27[%dma_wait3A_465, %dma_wait3A_466] : memref<10240x32xf32, #tpu.memory_space<vmem_shared>> -> memref<10240x32xf32, #tpu.memory_space<vmem_shared>>
        tpu.wait_indirect_dma semaphore(%arg24 : memref<!tpu.dma_semaphore, #tpu.memory_space<semaphore_mem>>) src(%arg13 : memref<128x32xf32, #tpu.memory_space<vmem>>) dst(%dma_wait3A_467 : memref<10240x32xf32, #tpu.memory_space<vmem_shared>>)
        %dma_start3A_468 = arith.constant 0 : i32
        %dma_start3A_469 = tpu.memref_slice %arg11[%add3A_436, %dma_start3A_468] : memref<160x128xi32, #tpu.memory_space<vmem>> -> memref<1x128xi32, #tpu.memory_space<vmem>>
        %dma_start3A_470 = tpu.memref_squeeze %dma_start3A_469 : memref<1x128xi32, #tpu.memory_space<vmem>> -> memref<128xi32, #tpu.memory_space<vmem>>
        %dma_start3A_471 = arith.constant 0 : i32
        %dma_start3A_472 = arith.constant 0 : i32
        %dma_start3A_473 = tpu.memref_slice %arg9[%add3A_171, %dma_start3A_471, %dma_start3A_472] : memref<4x10240x32xf32, #tpu.memory_space<hbm>> -> memref<1x10240x32xf32, #tpu.memory_space<hbm>>
        %dma_start3A_474 = tpu.memref_squeeze %dma_start3A_473 : memref<1x10240x32xf32, #tpu.memory_space<hbm>> -> memref<10240x32xf32, #tpu.memory_space<hbm>>
        %dma_start3A_475 = arith.constant 0 : i32
        %dma_start3A_476 = arith.constant 0 : i32
        %dma_start3A_477 = tpu.memref_slice %dma_start3A_474[%dma_start3A_475, %dma_start3A_476] : memref<10240x32xf32, #tpu.memory_space<hbm>> -> memref<10240x32xf32, #tpu.memory_space<hbm>>
        tpu.enqueue_indirect_dma source(%dma_start3A_477 : memref<10240x32xf32, #tpu.memory_space<hbm>>) target(%arg13 : memref<128x32xf32, #tpu.memory_space<vmem>>) offsets(%dma_start3A_470 : memref<128xi32, #tpu.memory_space<vmem>>) semaphore(%arg20 : memref<!tpu.dma_semaphore, #tpu.memory_space<semaphore_mem>>)
      } else {
      }
      %add3A_442 = arith.constant 4 : i32
      %add3A_443 = arith.addi %mul3A_346, %add3A_442 : i32
      %add3A_444 = arith.constant 2 : i32
      %add3A_445 = arith.addi %add3A_443, %add3A_444 : i32
      %lt3A_446 = arith.constant 160 : i32
      %lt3A_447 = arith.cmpi slt, %add3A_445, %lt3A_446 : i32
      %convert_element_type3A_448 = arith.extui %lt3A_447 : i1 to i32
      %cond3A_449 = arith.constant 0 : i32
      %cond3A_450 = arith.cmpi ne, %convert_element_type3A_448, %cond3A_449 : i32
      scf.if %cond3A_450 {
        %add3A_460 = arith.constant 2 : i32
        %add3A_461 = arith.addi %mul3A_346, %add3A_460 : i32
        %dma_wait3A_462 = arith.constant 0 : i32
        %dma_wait3A_463 = tpu.memref_slice %arg10[%add3A_461, %dma_wait3A_462] : memref<160x128xi32, #tpu.memory_space<vmem>> -> memref<1x128xi32, #tpu.memory_space<vmem>>
        %dma_wait3A_464 = tpu.memref_squeeze %dma_wait3A_463 : memref<1x128xi32, #tpu.memory_space<vmem>> -> memref<128xi32, #tpu.memory_space<vmem>>
        %dma_wait3A_465 = arith.constant 0 : i32
        %dma_wait3A_466 = arith.constant 0 : i32
        %dma_wait3A_467 = tpu.memref_slice %arg27[%dma_wait3A_465, %dma_wait3A_466] : memref<10240x32xf32, #tpu.memory_space<vmem_shared>> -> memref<10240x32xf32, #tpu.memory_space<vmem_shared>>
        tpu.wait_indirect_dma semaphore(%arg25 : memref<!tpu.dma_semaphore, #tpu.memory_space<semaphore_mem>>) src(%arg14 : memref<128x32xf32, #tpu.memory_space<vmem>>) dst(%dma_wait3A_467 : memref<10240x32xf32, #tpu.memory_space<vmem_shared>>)
        %dma_start3A_468 = arith.constant 0 : i32
        %dma_start3A_469 = tpu.memref_slice %arg11[%add3A_445, %dma_start3A_468] : memref<160x128xi32, #tpu.memory_space<vmem>> -> memref<1x128xi32, #tpu.memory_space<vmem>>
        %dma_start3A_470 = tpu.memref_squeeze %dma_start3A_469 : memref<1x128xi32, #tpu.memory_space<vmem>> -> memref<128xi32, #tpu.memory_space<vmem>>
        %dma_start3A_471 = arith.constant 0 : i32
        %dma_start3A_472 = arith.constant 0 : i32
        %dma_start3A_473 = tpu.memref_slice %arg9[%add3A_171, %dma_start3A_471, %dma_start3A_472] : memref<4x10240x32xf32, #tpu.memory_space<hbm>> -> memref<1x10240x32xf32, #tpu.memory_space<hbm>>
        %dma_start3A_474 = tpu.memref_squeeze %dma_start3A_473 : memref<1x10240x32xf32, #tpu.memory_space<hbm>> -> memref<10240x32xf32, #tpu.memory_space<hbm>>
        %dma_start3A_475 = arith.constant 0 : i32
        %dma_start3A_476 = arith.constant 0 : i32
        %dma_start3A_477 = tpu.memref_slice %dma_start3A_474[%dma_start3A_475, %dma_start3A_476] : memref<10240x32xf32, #tpu.memory_space<hbm>> -> memref<10240x32xf32, #tpu.memory_space<hbm>>
        tpu.enqueue_indirect_dma source(%dma_start3A_477 : memref<10240x32xf32, #tpu.memory_space<hbm>>) target(%arg14 : memref<128x32xf32, #tpu.memory_space<vmem>>) offsets(%dma_start3A_470 : memref<128xi32, #tpu.memory_space<vmem>>) semaphore(%arg21 : memref<!tpu.dma_semaphore, #tpu.memory_space<semaphore_mem>>)
      } else {
      }
      %add3A_451 = arith.constant 4 : i32
      %add3A_452 = arith.addi %mul3A_346, %add3A_451 : i32
      %add3A_453 = arith.constant 3 : i32
      %add3A_454 = arith.addi %add3A_452, %add3A_453 : i32
      %lt3A_455 = arith.constant 160 : i32
      %lt3A_456 = arith.cmpi slt, %add3A_454, %lt3A_455 : i32
      %convert_element_type3A_457 = arith.extui %lt3A_456 : i1 to i32
      %cond3A_458 = arith.constant 0 : i32
      %cond3A_459 = arith.cmpi ne, %convert_element_type3A_457, %cond3A_458 : i32
      scf.if %cond3A_459 {
        %add3A_460 = arith.constant 3 : i32
        %add3A_461 = arith.addi %mul3A_346, %add3A_460 : i32
        %dma_wait3A_462 = arith.constant 0 : i32
        %dma_wait3A_463 = tpu.memref_slice %arg10[%add3A_461, %dma_wait3A_462] : memref<160x128xi32, #tpu.memory_space<vmem>> -> memref<1x128xi32, #tpu.memory_space<vmem>>
        %dma_wait3A_464 = tpu.memref_squeeze %dma_wait3A_463 : memref<1x128xi32, #tpu.memory_space<vmem>> -> memref<128xi32, #tpu.memory_space<vmem>>
        %dma_wait3A_465 = arith.constant 0 : i32
        %dma_wait3A_466 = arith.constant 0 : i32
        %dma_wait3A_467 = tpu.memref_slice %arg27[%dma_wait3A_465, %dma_wait3A_466] : memref<10240x32xf32, #tpu.memory_space<vmem_shared>> -> memref<10240x32xf32, #tpu.memory_space<vmem_shared>>
        tpu.wait_indirect_dma semaphore(%arg26 : memref<!tpu.dma_semaphore, #tpu.memory_space<semaphore_mem>>) src(%arg15 : memref<128x32xf32, #tpu.memory_space<vmem>>) dst(%dma_wait3A_467 : memref<10240x32xf32, #tpu.memory_space<vmem_shared>>)
        %dma_start3A_468 = arith.constant 0 : i32
        %dma_start3A_469 = tpu.memref_slice %arg11[%add3A_454, %dma_start3A_468] : memref<160x128xi32, #tpu.memory_space<vmem>> -> memref<1x128xi32, #tpu.memory_space<vmem>>
        %dma_start3A_470 = tpu.memref_squeeze %dma_start3A_469 : memref<1x128xi32, #tpu.memory_space<vmem>> -> memref<128xi32, #tpu.memory_space<vmem>>
        %dma_start3A_471 = arith.constant 0 : i32
        %dma_start3A_472 = arith.constant 0 : i32
        %dma_start3A_473 = tpu.memref_slice %arg9[%add3A_171, %dma_start3A_471, %dma_start3A_472] : memref<4x10240x32xf32, #tpu.memory_space<hbm>> -> memref<1x10240x32xf32, #tpu.memory_space<hbm>>
        %dma_start3A_474 = tpu.memref_squeeze %dma_start3A_473 : memref<1x10240x32xf32, #tpu.memory_space<hbm>> -> memref<10240x32xf32, #tpu.memory_space<hbm>>
        %dma_start3A_475 = arith.constant 0 : i32
        %dma_start3A_476 = arith.constant 0 : i32
        %dma_start3A_477 = tpu.memref_slice %dma_start3A_474[%dma_start3A_475, %dma_start3A_476] : memref<10240x32xf32, #tpu.memory_space<hbm>> -> memref<10240x32xf32, #tpu.memory_space<hbm>>
        tpu.enqueue_indirect_dma source(%dma_start3A_477 : memref<10240x32xf32, #tpu.memory_space<hbm>>) target(%arg15 : memref<128x32xf32, #tpu.memory_space<vmem>>) offsets(%dma_start3A_470 : memref<128xi32, #tpu.memory_space<vmem>>) semaphore(%arg22 : memref<!tpu.dma_semaphore, #tpu.memory_space<semaphore_mem>>)
      } else {
      }
    }
    %scan3A_305 = arith.constant 40 : i32
    %dma_wait3A_306 = arith.constant 156 : i32
    %dma_wait3A_307 = arith.constant 0 : i32
    %dma_wait3A_308 = tpu.memref_slice %arg10[%dma_wait3A_306, %dma_wait3A_307] : memref<160x128xi32, #tpu.memory_space<vmem>> -> memref<1x128xi32, #tpu.memory_space<vmem>>
    %dma_wait3A_309 = tpu.memref_squeeze %dma_wait3A_308 : memref<1x128xi32, #tpu.memory_space<vmem>> -> memref<128xi32, #tpu.memory_space<vmem>>
    %dma_wait3A_310 = arith.constant 0 : i32
    %dma_wait3A_311 = arith.constant 0 : i32
    %dma_wait3A_312 = tpu.memref_slice %arg27[%dma_wait3A_310, %dma_wait3A_311] : memref<10240x32xf32, #tpu.memory_space<vmem_shared>> -> memref<10240x32xf32, #tpu.memory_space<vmem_shared>>
    tpu.wait_indirect_dma semaphore(%arg23 : memref<!tpu.dma_semaphore, #tpu.memory_space<semaphore_mem>>) src(%arg12 : memref<128x32xf32, #tpu.memory_space<vmem>>) dst(%dma_wait3A_312 : memref<10240x32xf32, #tpu.memory_space<vmem_shared>>)
    %dma_wait3A_313 = arith.constant 157 : i32
    %dma_wait3A_314 = arith.constant 0 : i32
    %dma_wait3A_315 = tpu.memref_slice %arg10[%dma_wait3A_313, %dma_wait3A_314] : memref<160x128xi32, #tpu.memory_space<vmem>> -> memref<1x128xi32, #tpu.memory_space<vmem>>
    %dma_wait3A_316 = tpu.memref_squeeze %dma_wait3A_315 : memref<1x128xi32, #tpu.memory_space<vmem>> -> memref<128xi32, #tpu.memory_space<vmem>>
    %dma_wait3A_317 = arith.constant 0 : i32
    %dma_wait3A_318 = arith.constant 0 : i32
    %dma_wait3A_319 = tpu.memref_slice %arg27[%dma_wait3A_317, %dma_wait3A_318] : memref<10240x32xf32, #tpu.memory_space<vmem_shared>> -> memref<10240x32xf32, #tpu.memory_space<vmem_shared>>
    tpu.wait_indirect_dma semaphore(%arg24 : memref<!tpu.dma_semaphore, #tpu.memory_space<semaphore_mem>>) src(%arg13 : memref<128x32xf32, #tpu.memory_space<vmem>>) dst(%dma_wait3A_319 : memref<10240x32xf32, #tpu.memory_space<vmem_shared>>)
    %dma_wait3A_320 = arith.constant 158 : i32
    %dma_wait3A_321 = arith.constant 0 : i32
    %dma_wait3A_322 = tpu.memref_slice %arg10[%dma_wait3A_320, %dma_wait3A_321] : memref<160x128xi32, #tpu.memory_space<vmem>> -> memref<1x128xi32, #tpu.memory_space<vmem>>
    %dma_wait3A_323 = tpu.memref_squeeze %dma_wait3A_322 : memref<1x128xi32, #tpu.memory_space<vmem>> -> memref<128xi32, #tpu.memory_space<vmem>>
    %dma_wait3A_324 = arith.constant 0 : i32
    %dma_wait3A_325 = arith.constant 0 : i32
    %dma_wait3A_326 = tpu.memref_slice %arg27[%dma_wait3A_324, %dma_wait3A_325] : memref<10240x32xf32, #tpu.memory_space<vmem_shared>> -> memref<10240x32xf32, #tpu.memory_space<vmem_shared>>
    tpu.wait_indirect_dma semaphore(%arg25 : memref<!tpu.dma_semaphore, #tpu.memory_space<semaphore_mem>>) src(%arg14 : memref<128x32xf32, #tpu.memory_space<vmem>>) dst(%dma_wait3A_326 : memref<10240x32xf32, #tpu.memory_space<vmem_shared>>)
    %dma_wait3A_327 = arith.constant 159 : i32
    %dma_wait3A_328 = arith.constant 0 : i32
    %dma_wait3A_329 = tpu.memref_slice %arg10[%dma_wait3A_327, %dma_wait3A_328] : memref<160x128xi32, #tpu.memory_space<vmem>> -> memref<1x128xi32, #tpu.memory_space<vmem>>
    %dma_wait3A_330 = tpu.memref_squeeze %dma_wait3A_329 : memref<1x128xi32, #tpu.memory_space<vmem>> -> memref<128xi32, #tpu.memory_space<vmem>>
    %dma_wait3A_331 = arith.constant 0 : i32
    %dma_wait3A_332 = arith.constant 0 : i32
    %dma_wait3A_333 = tpu.memref_slice %arg27[%dma_wait3A_331, %dma_wait3A_332] : memref<10240x32xf32, #tpu.memory_space<vmem_shared>> -> memref<10240x32xf32, #tpu.memory_space<vmem_shared>>
    tpu.wait_indirect_dma semaphore(%arg26 : memref<!tpu.dma_semaphore, #tpu.memory_space<semaphore_mem>>) src(%arg15 : memref<128x32xf32, #tpu.memory_space<vmem>>) dst(%dma_wait3A_333 : memref<10240x32xf32, #tpu.memory_space<vmem_shared>>)
    %barrier3A_334 = arith.constant 0 : index
    tpu.barrier barrier_id(%barrier3A_334)
    "tpu.region"() ({
      %run_scoped3A = tpu.sem_alloc : memref<!tpu.dma_semaphore, #tpu.memory_space<semaphore_mem>>
      %dma_start3A_340 = arith.constant 0 : i32
      %dma_start3A_341 = tpu.memref_slice %arg27[%mul3A_0, %dma_start3A_340] : memref<10240x32xf32, #tpu.memory_space<vmem_shared>> -> memref<640x32xf32, #tpu.memory_space<vmem_shared>>
      %dma_start3A_342 = arith.constant 0 : i32
      %dma_start3A_343 = tpu.memref_slice %arg27[%mul3A_0, %dma_start3A_342] : memref<10240x32xf32, #tpu.memory_space<vmem_shared>> -> memref<640x32xf32, #tpu.memory_space<vmem_shared>>
      tpu.enqueue_dma source(%dma_start3A_343 : memref<640x32xf32, #tpu.memory_space<vmem_shared>>) target(%arg16 : memref<640x32xf32, #tpu.memory_space<vmem>>) target_semaphore(%run_scoped3A : memref<!tpu.dma_semaphore, #tpu.memory_space<semaphore_mem>>)
      %dma_wait3A_344 = arith.constant 0 : i32
      %dma_wait3A_345 = tpu.memref_slice %arg27[%mul3A_0, %dma_wait3A_344] : memref<10240x32xf32, #tpu.memory_space<vmem_shared>> -> memref<640x32xf32, #tpu.memory_space<vmem_shared>>
      %dma_wait3A_346 = arith.constant 0 : i32
      %dma_wait3A_347 = tpu.memref_slice %arg27[%mul3A_0, %dma_wait3A_346] : memref<10240x32xf32, #tpu.memory_space<vmem_shared>> -> memref<640x32xf32, #tpu.memory_space<vmem_shared>>
      tpu.wait_dma2 semaphore(%run_scoped3A : memref<!tpu.dma_semaphore, #tpu.memory_space<semaphore_mem>>) src(%dma_wait3A_347 : memref<640x32xf32, #tpu.memory_space<vmem_shared>>) dst(%arg16 : memref<640x32xf32, #tpu.memory_space<vmem>>)
      tpu.yield
    }) : () -> ()
    %scan3A_335 = arith.constant 0 : i32
    %scan3A_336 = arith.constant 640 : i32
    %scan3A_337 = arith.addi %scan3A_335, %scan3A_336 : i32
    %scan3A_338 = arith.constant 1 : i32
    scf.for %scan3A_340 = %scan3A_335 to %scan3A_337 step %scan3A_338  : i32 {
      %mul3A_341 = arith.constant 1 : i32
      %mul3A_342 = arith.muli %scan3A_340, %mul3A_341 : i32
      %add3A_343 = arith.constant 0 : i32
      %add3A_344 = arith.addi %add3A_343, %mul3A_342 : i32
      %get3A = arith.index_cast %add3A_344 : i32 to index
      %get3A_345 = arith.constant 0 : index
      %get3A_346 = tpu.vector_load %arg18[%get3A, %get3A_345] {strides = array<i32>} : memref<640x16xf32, #tpu.memory_space<vmem>>, vector<1x16xf32>,
      %get3A_347 = vector.shape_cast %get3A_346 : vector<1x16xf32> to vector<16xf32>
      %get3A_348 = arith.index_cast %add3A_344 : i32 to index
      %get3A_349 = arith.constant 0 : index
      %get3A_350 = tpu.vector_load %arg16[%get3A_348, %get3A_349] {strides = array<i32>} : memref<640x32xf32, #tpu.memory_space<vmem>>, vector<1x16xf32>,
      %get3A_351 = vector.shape_cast %get3A_350 : vector<1x16xf32> to vector<16xf32>
      %mul3A_352 = arith.mulf %get3A_351, %get3A_347 : vector<16xf32>
      %swap3A = arith.index_cast %add3A_344 : i32 to index
      %swap3A_353 = arith.constant 0 : index
      %swap3A_354 = tpu.vector_load %arg16[%swap3A, %swap3A_353] {strides = array<i32>} : memref<640x32xf32, #tpu.memory_space<vmem>>, vector<1x16xf32>,
      %swap3A_355 = vector.shape_cast %swap3A_354 : vector<1x16xf32> to vector<16xf32>
      %swap3A_356 = vector.shape_cast %mul3A_352 : vector<16xf32> to vector<1x16xf32>
      tpu.vector_store %arg16[%swap3A, %swap3A_353], %swap3A_356 {strides = array<i32>} : memref<640x32xf32, #tpu.memory_space<vmem>>, vector<1x16xf32>,
      %get3A_357 = arith.index_cast %add3A_344 : i32 to index
      %get3A_358 = arith.constant 16 : index
      %get3A_359 = tpu.vector_load %arg16[%get3A_357, %get3A_358] {strides = array<i32>} : memref<640x32xf32, #tpu.memory_space<vmem>>, vector<1x16xf32>,
      %get3A_360 = vector.shape_cast %get3A_359 : vector<1x16xf32> to vector<16xf32>
      %mul3A_361 = arith.mulf %get3A_360, %get3A_347 : vector<16xf32>
      %swap3A_362 = arith.index_cast %add3A_344 : i32 to index
      %swap3A_363 = arith.constant 16 : index
      %swap3A_364 = tpu.vector_load %arg16[%swap3A_362, %swap3A_363] {strides = array<i32>} : memref<640x32xf32, #tpu.memory_space<vmem>>, vector<1x16xf32>,
      %swap3A_365 = vector.shape_cast %swap3A_364 : vector<1x16xf32> to vector<16xf32>
      %swap3A_366 = vector.shape_cast %mul3A_361 : vector<16xf32> to vector<1x16xf32>
      tpu.vector_store %arg16[%swap3A_362, %swap3A_363], %swap3A_366 {strides = array<i32>} : memref<640x32xf32, #tpu.memory_space<vmem>>, vector<1x16xf32>,
    }
    %scan3A_339 = arith.constant 640 : i32
    "tpu.region"() ({
      %run_scoped3A = tpu.sem_alloc : memref<!tpu.dma_semaphore, #tpu.memory_space<semaphore_mem>>
      %dma_start3A_340 = arith.constant 0 : i32
      %dma_start3A_341 = tpu.memref_slice %arg8[%add3A_171, %mul3A_0, %dma_start3A_340] : memref<4x10240x32xf32, #tpu.memory_space<hbm>> -> memref<1x640x32xf32, #tpu.memory_space<hbm>>
      %dma_start3A_342 = tpu.memref_squeeze %dma_start3A_341 : memref<1x640x32xf32, #tpu.memory_space<hbm>> -> memref<640x32xf32, #tpu.memory_space<hbm>>
      %dma_start3A_343 = arith.constant 0 : i32
      %dma_start3A_344 = tpu.memref_slice %arg8[%add3A_171, %mul3A_0, %dma_start3A_343] : memref<4x10240x32xf32, #tpu.memory_space<hbm>> -> memref<1x640x32xf32, #tpu.memory_space<hbm>>
      %dma_start3A_345 = tpu.memref_squeeze %dma_start3A_344 : memref<1x640x32xf32, #tpu.memory_space<hbm>> -> memref<640x32xf32, #tpu.memory_space<hbm>>
      tpu.enqueue_dma source(%arg16 : memref<640x32xf32, #tpu.memory_space<vmem>>) target(%dma_start3A_345 : memref<640x32xf32, #tpu.memory_space<hbm>>) target_semaphore(%run_scoped3A : memref<!tpu.dma_semaphore, #tpu.memory_space<semaphore_mem>>)
      %dma_wait3A_346 = arith.constant 0 : i32
      %dma_wait3A_347 = tpu.memref_slice %arg8[%add3A_171, %mul3A_0, %dma_wait3A_346] : memref<4x10240x32xf32, #tpu.memory_space<hbm>> -> memref<1x640x32xf32, #tpu.memory_space<hbm>>
      %dma_wait3A_348 = tpu.memref_squeeze %dma_wait3A_347 : memref<1x640x32xf32, #tpu.memory_space<hbm>> -> memref<640x32xf32, #tpu.memory_space<hbm>>
      %dma_wait3A_349 = arith.constant 0 : i32
      %dma_wait3A_350 = tpu.memref_slice %arg8[%add3A_171, %mul3A_0, %dma_wait3A_349] : memref<4x10240x32xf32, #tpu.memory_space<hbm>> -> memref<1x640x32xf32, #tpu.memory_space<hbm>>
      %dma_wait3A_351 = tpu.memref_squeeze %dma_wait3A_350 : memref<1x640x32xf32, #tpu.memory_space<hbm>> -> memref<640x32xf32, #tpu.memory_space<hbm>>
      tpu.wait_dma2 semaphore(%run_scoped3A : memref<!tpu.dma_semaphore, #tpu.memory_space<semaphore_mem>>) src(%arg16 : memref<640x32xf32, #tpu.memory_space<vmem>>) dst(%dma_wait3A_351 : memref<640x32xf32, #tpu.memory_space<hbm>>)
      tpu.yield
    }) : () -> ()
    return
  }
}

module attributes {stable_mosaic.version = 14 : i64} {
  func.func @_mm1_body(%arg0: i32, %arg1: i32, %arg2: memref<1280x128xf32, #tpu.memory_space<vmem>>, %arg3: memref<1x32x128xf32, #tpu.memory_space<vmem>>, %arg4: memref<1x1280x32xf32, #tpu.memory_space<vmem>>) attributes {dimension_semantics = [#tpu.dimension_semantics<arbitrary>, #tpu.dimension_semantics<arbitrary>], iteration_bounds = array<i64: 8, 4>, scalar_prefetch = 0 : i64, scratch_operands = 0 : i64, tpu.core_type = #tpu.core_type<tc>, window_params = [{transform_indices = @transform_0, window_bounds = array<i64: 1280, 128>}, {transform_indices = @transform_1, window_bounds = array<i64: 1, 32, 128>}, {transform_indices = @transform_2, window_bounds = array<i64: 1, 1280, 32>}]} {
    %get3A = arith.constant 0 : index
    %get3A_0 = arith.constant 0 : index
    %get3A_1 = vector.load %arg2[%get3A, %get3A_0] : memref<1280x128xf32, #tpu.memory_space<vmem>>, vector<1280x128xf32>
    %get3A_2 = arith.constant 0 : index
    %get3A_3 = arith.constant 0 : index
    %get3A_4 = arith.constant 0 : index
    %get3A_5 = vector.load %arg3[%get3A_2, %get3A_3, %get3A_4] : memref<1x32x128xf32, #tpu.memory_space<vmem>>, vector<1x32x128xf32>
    %get3A_6 = vector.shape_cast %get3A_5 : vector<1x32x128xf32> to vector<32x128xf32>
    %dot_general3A = arith.constant dense<0.000000e+00> : vector<1280x32xf32>
    %dot_general3A_7 = tpu.matmul %get3A_1, %get3A_6, %dot_general3A {dimension_numbers = #tpu.dot_dimension_numbers<[1], [1], [0], [0], [0, 0, 1, 0], [], []>, transpose_lhs_hint = false} : vector<1280x128xf32>, vector<32x128xf32>, vector<1280x32xf32> -> vector<1280x32xf32>
    %broadcast_in_dim3A = vector.shape_cast %dot_general3A_7 : vector<1280x32xf32> to vector<1x1280x32xf32>
    %swap3A = arith.constant 0 : index
    %swap3A_8 = arith.constant 0 : index
    %swap3A_9 = arith.constant 0 : index
    %swap3A_10 = vector.load %arg4[%swap3A, %swap3A_8, %swap3A_9] : memref<1x1280x32xf32, #tpu.memory_space<vmem>>, vector<1x1280x32xf32>
    tpu.vector_store %arg4[%swap3A, %swap3A_8, %swap3A_9], %broadcast_in_dim3A {strides = array<i32>} : memref<1x1280x32xf32, #tpu.memory_space<vmem>>, vector<1x1280x32xf32>,
    return
  }
  func.func @transform_0(%arg0: i32, %arg1: i32) -> (i32, i32) {
    %c0_i32 = arith.constant 0 : i32
    %c0_i32_0 = arith.constant 0 : i32
    return %arg0, %c0_i32 : i32, i32
  }
  func.func @transform_1(%arg0: i32, %arg1: i32) -> (i32, i32, i32) {
    %c0_i32 = arith.constant 0 : i32
    %c0_i32_0 = arith.constant 0 : i32
    %c0_i32_1 = arith.constant 0 : i32
    return %arg1, %c0_i32, %c0_i32_0 : i32, i32, i32
  }
  func.func @transform_2(%arg0: i32, %arg1: i32) -> (i32, i32, i32) {
    %c0_i32 = arith.constant 0 : i32
    %c0_i32_0 = arith.constant 0 : i32
    return %arg1, %arg0, %c0_i32 : i32, i32, i32
  }
}

module attributes {stable_mosaic.version = 14 : i64} {
  func.func @_bn_body(%arg0: i32, %arg1: memref<4x1280x32xf32, #tpu.memory_space<vmem>>, %arg2: memref<4x1x32xf32, #tpu.memory_space<vmem>>, %arg3: memref<4x1x32xf32, #tpu.memory_space<vmem>>, %arg4: memref<4x1280x32xf32, #tpu.memory_space<vmem>>) attributes {dimension_semantics = [#tpu.dimension_semantics<arbitrary>], iteration_bounds = array<i64: 8>, scalar_prefetch = 0 : i64, scratch_operands = 0 : i64, tpu.core_type = #tpu.core_type<tc>, window_params = [{transform_indices = @transform_0, window_bounds = array<i64: 4, 1280, 32>}, {pipeline_mode = #tpu.pipeline_mode<synchronous>, transform_indices = @transform_1, window_bounds = array<i64: 4, 1, 32>}, {pipeline_mode = #tpu.pipeline_mode<synchronous>, transform_indices = @transform_2, window_bounds = array<i64: 4, 1, 32>}, {transform_indices = @transform_3, window_bounds = array<i64: 4, 1280, 32>}]} {
    %get3A = arith.constant 0 : index
    %get3A_0 = arith.constant 0 : index
    %get3A_1 = arith.constant 0 : index
    %get3A_2 = vector.load %arg1[%get3A, %get3A_0, %get3A_1] : memref<4x1280x32xf32, #tpu.memory_space<vmem>>, vector<4x1280x32xf32>
    %get3A_3 = arith.constant 0 : index
    %get3A_4 = arith.constant 0 : index
    %get3A_5 = arith.constant 0 : index
    %get3A_6 = vector.load %arg2[%get3A_3, %get3A_4, %get3A_5] : memref<4x1x32xf32, #tpu.memory_space<vmem>>, vector<4x1x32xf32>
    %mul3A = vector.broadcast %get3A_6 : vector<4x1x32xf32> to vector<4x1280x32xf32>
    %mul3A_7 = arith.mulf %get3A_2, %mul3A : vector<4x1280x32xf32>
    %get3A_8 = arith.constant 0 : index
    %get3A_9 = arith.constant 0 : index
    %get3A_10 = arith.constant 0 : index
    %get3A_11 = vector.load %arg3[%get3A_8, %get3A_9, %get3A_10] : memref<4x1x32xf32, #tpu.memory_space<vmem>>, vector<4x1x32xf32>
    %add3A = vector.broadcast %get3A_11 : vector<4x1x32xf32> to vector<4x1280x32xf32>
    %add3A_12 = arith.addf %mul3A_7, %add3A : vector<4x1280x32xf32>
    %max3A = arith.constant 0.000000e+00 : f32
    %max3A_13 = vector.broadcast %max3A : f32 to vector<4x1280x32xf32>
    %max3A_14 = arith.maximumf %add3A_12, %max3A_13 : vector<4x1280x32xf32>
    %swap3A = arith.constant 0 : index
    %swap3A_15 = arith.constant 0 : index
    %swap3A_16 = arith.constant 0 : index
    %swap3A_17 = vector.load %arg4[%swap3A, %swap3A_15, %swap3A_16] : memref<4x1280x32xf32, #tpu.memory_space<vmem>>, vector<4x1280x32xf32>
    tpu.vector_store %arg4[%swap3A, %swap3A_15, %swap3A_16], %max3A_14 {strides = array<i32>} : memref<4x1280x32xf32, #tpu.memory_space<vmem>>, vector<4x1280x32xf32>,
    return
  }
  func.func @transform_0(%arg0: i32) -> (i32, i32, i32) {
    %c0_i32 = arith.constant 0 : i32
    %c0_i32_0 = arith.constant 0 : i32
    %c0_i32_1 = arith.constant 0 : i32
    return %c0_i32, %arg0, %c0_i32_0 : i32, i32, i32
  }
  func.func @transform_1(%arg0: i32) -> (i32, i32, i32) {
    %c0_i32 = arith.constant 0 : i32
    %c0_i32_0 = arith.constant 0 : i32
    %c0_i32_1 = arith.constant 0 : i32
    %c0_i32_2 = arith.constant 0 : i32
    return %c0_i32, %c0_i32_0, %c0_i32_1 : i32, i32, i32
  }
  func.func @transform_2(%arg0: i32) -> (i32, i32, i32) {
    %c0_i32 = arith.constant 0 : i32
    %c0_i32_0 = arith.constant 0 : i32
    %c0_i32_1 = arith.constant 0 : i32
    %c0_i32_2 = arith.constant 0 : i32
    return %c0_i32, %c0_i32_0, %c0_i32_1 : i32, i32, i32
  }
  func.func @transform_3(%arg0: i32) -> (i32, i32, i32) {
    %c0_i32 = arith.constant 0 : i32
    %c0_i32_0 = arith.constant 0 : i32
    %c0_i32_1 = arith.constant 0 : i32
    return %c0_i32, %arg0, %c0_i32_0 : i32, i32, i32
  }
}

module attributes {stable_mosaic.version = 14 : i64} {
  func.func @_mm2_body(%arg0: i32, %arg1: memref<4x2000x32xf32, #tpu.memory_space<vmem>>, %arg2: memref<4x128x32xf32, #tpu.memory_space<vmem>>, %arg3: memref<1x128xf32, #tpu.memory_space<vmem>>, %arg4: memref<1x128xf32, #tpu.memory_space<vmem>>, %arg5: memref<128x128xf32, #tpu.memory_space<vmem>>, %arg6: memref<1x128xf32, #tpu.memory_space<vmem>>, %arg7: memref<1x128xf32, #tpu.memory_space<vmem>>, %arg8: memref<1x128xf32, #tpu.memory_space<vmem>>) attributes {dimension_semantics = [#tpu.dimension_semantics<arbitrary>], iteration_bounds = array<i64: 5>, scalar_prefetch = 0 : i64, scratch_operands = 1 : i64, tpu.core_type = #tpu.core_type<tc>, window_params = [{transform_indices = @transform_0, window_bounds = array<i64: 4, 2000, 32>}, {pipeline_mode = #tpu.pipeline_mode<synchronous>, transform_indices = @transform_1, window_bounds = array<i64: 4, 128, 32>}, {pipeline_mode = #tpu.pipeline_mode<synchronous>, transform_indices = @transform_2, window_bounds = array<i64: 1, 128>}, {pipeline_mode = #tpu.pipeline_mode<synchronous>, transform_indices = @transform_3, window_bounds = array<i64: 1, 128>}, {pipeline_mode = #tpu.pipeline_mode<synchronous>, transform_indices = @transform_4, window_bounds = array<i64: 128, 128>}, {pipeline_mode = #tpu.pipeline_mode<synchronous>, transform_indices = @transform_5, window_bounds = array<i64: 1, 128>}, {pipeline_mode = #tpu.pipeline_mode<synchronous>, transform_indices = @transform_6, window_bounds = array<i64: 1, 128>}]} {
    %eq3A = arith.constant 0 : i32
    %eq3A_0 = arith.cmpi eq, %arg0, %eq3A : i32
    %convert_element_type3A = arith.extui %eq3A_0 : i1 to i32
    %cond3A = arith.constant 0 : i32
    %cond3A_1 = arith.cmpi ne, %convert_element_type3A, %cond3A : i32
    scf.if %cond3A_1 {
      %broadcast_in_dim3A_73 = arith.constant 0.000000e+00 : f32
      %broadcast_in_dim3A_74 = vector.broadcast %broadcast_in_dim3A_73 : f32 to vector<1x128xf32>
      %swap3A_75 = arith.constant 0 : index
      %swap3A_76 = arith.constant 0 : index
      %swap3A_77 = vector.load %arg8[%swap3A_75, %swap3A_76] : memref<1x128xf32, #tpu.memory_space<vmem>>, vector<1x128xf32>
      tpu.vector_store %arg8[%swap3A_75, %swap3A_76], %broadcast_in_dim3A_74 {strides = array<i32>} : memref<1x128xf32, #tpu.memory_space<vmem>>, vector<1x128xf32>,
    } else {
    }
    %get3A = arith.constant 0 : index
    %get3A_2 = arith.constant 0 : index
    %get3A_3 = arith.constant 0 : index
    %get3A_4 = vector.load %arg1[%get3A, %get3A_2, %get3A_3] : memref<4x2000x32xf32, #tpu.memory_space<vmem>>, vector<1x2000x32xf32>
    %get3A_5 = vector.shape_cast %get3A_4 : vector<1x2000x32xf32> to vector<2000x32xf32>
    %get3A_6 = arith.constant 0 : index
    %get3A_7 = arith.constant 0 : index
    %get3A_8 = arith.constant 0 : index
    %get3A_9 = vector.load %arg2[%get3A_6, %get3A_7, %get3A_8] : memref<4x128x32xf32, #tpu.memory_space<vmem>>, vector<1x128x32xf32>
    %get3A_10 = vector.shape_cast %get3A_9 : vector<1x128x32xf32> to vector<128x32xf32>
    %dot_general3A = arith.constant dense<0.000000e+00> : vector<2000x128xf32>
    %dot_general3A_11 = tpu.matmul %get3A_5, %get3A_10, %dot_general3A {dimension_numbers = #tpu.dot_dimension_numbers<[1], [1], [0], [0], [0, 0, 1, 0], [], []>, transpose_lhs_hint = false} : vector<2000x32xf32>, vector<128x32xf32>, vector<2000x128xf32> -> vector<2000x128xf32>
    %get3A_12 = arith.constant 1 : index
    %get3A_13 = arith.constant 0 : index
    %get3A_14 = arith.constant 0 : index
    %get3A_15 = vector.load %arg1[%get3A_12, %get3A_13, %get3A_14] : memref<4x2000x32xf32, #tpu.memory_space<vmem>>, vector<1x2000x32xf32>
    %get3A_16 = vector.shape_cast %get3A_15 : vector<1x2000x32xf32> to vector<2000x32xf32>
    %get3A_17 = arith.constant 1 : index
    %get3A_18 = arith.constant 0 : index
    %get3A_19 = arith.constant 0 : index
    %get3A_20 = vector.load %arg2[%get3A_17, %get3A_18, %get3A_19] : memref<4x128x32xf32, #tpu.memory_space<vmem>>, vector<1x128x32xf32>
    %get3A_21 = vector.shape_cast %get3A_20 : vector<1x128x32xf32> to vector<128x32xf32>
    %dot_general3A_22 = arith.constant dense<0.000000e+00> : vector<2000x128xf32>
    %dot_general3A_23 = tpu.matmul %get3A_16, %get3A_21, %dot_general3A_22 {dimension_numbers = #tpu.dot_dimension_numbers<[1], [1], [0], [0], [0, 0, 1, 0], [], []>, transpose_lhs_hint = false} : vector<2000x32xf32>, vector<128x32xf32>, vector<2000x128xf32> -> vector<2000x128xf32>
    %add3A = arith.addf %dot_general3A_11, %dot_general3A_23 : vector<2000x128xf32>
    %get3A_24 = arith.constant 2 : index
    %get3A_25 = arith.constant 0 : index
    %get3A_26 = arith.constant 0 : index
    %get3A_27 = vector.load %arg1[%get3A_24, %get3A_25, %get3A_26] : memref<4x2000x32xf32, #tpu.memory_space<vmem>>, vector<1x2000x32xf32>
    %get3A_28 = vector.shape_cast %get3A_27 : vector<1x2000x32xf32> to vector<2000x32xf32>
    %get3A_29 = arith.constant 2 : index
    %get3A_30 = arith.constant 0 : index
    %get3A_31 = arith.constant 0 : index
    %get3A_32 = vector.load %arg2[%get3A_29, %get3A_30, %get3A_31] : memref<4x128x32xf32, #tpu.memory_space<vmem>>, vector<1x128x32xf32>
    %get3A_33 = vector.shape_cast %get3A_32 : vector<1x128x32xf32> to vector<128x32xf32>
    %dot_general3A_34 = arith.constant dense<0.000000e+00> : vector<2000x128xf32>
    %dot_general3A_35 = tpu.matmul %get3A_28, %get3A_33, %dot_general3A_34 {dimension_numbers = #tpu.dot_dimension_numbers<[1], [1], [0], [0], [0, 0, 1, 0], [], []>, transpose_lhs_hint = false} : vector<2000x32xf32>, vector<128x32xf32>, vector<2000x128xf32> -> vector<2000x128xf32>
    %add3A_36 = arith.addf %add3A, %dot_general3A_35 : vector<2000x128xf32>
    %get3A_37 = arith.constant 3 : index
    %get3A_38 = arith.constant 0 : index
    %get3A_39 = arith.constant 0 : index
    %get3A_40 = vector.load %arg1[%get3A_37, %get3A_38, %get3A_39] : memref<4x2000x32xf32, #tpu.memory_space<vmem>>, vector<1x2000x32xf32>
    %get3A_41 = vector.shape_cast %get3A_40 : vector<1x2000x32xf32> to vector<2000x32xf32>
    %get3A_42 = arith.constant 3 : index
    %get3A_43 = arith.constant 0 : index
    %get3A_44 = arith.constant 0 : index
    %get3A_45 = vector.load %arg2[%get3A_42, %get3A_43, %get3A_44] : memref<4x128x32xf32, #tpu.memory_space<vmem>>, vector<1x128x32xf32>
    %get3A_46 = vector.shape_cast %get3A_45 : vector<1x128x32xf32> to vector<128x32xf32>
    %dot_general3A_47 = arith.constant dense<0.000000e+00> : vector<2000x128xf32>
    %dot_general3A_48 = tpu.matmul %get3A_41, %get3A_46, %dot_general3A_47 {dimension_numbers = #tpu.dot_dimension_numbers<[1], [1], [0], [0], [0, 0, 1, 0], [], []>, transpose_lhs_hint = false} : vector<2000x32xf32>, vector<128x32xf32>, vector<2000x128xf32> -> vector<2000x128xf32>
    %add3A_49 = arith.addf %add3A_36, %dot_general3A_48 : vector<2000x128xf32>
    %get3A_50 = arith.constant 0 : index
    %get3A_51 = arith.constant 0 : index
    %get3A_52 = vector.load %arg3[%get3A_50, %get3A_51] : memref<1x128xf32, #tpu.memory_space<vmem>>, vector<1x128xf32>
    %mul3A = vector.broadcast %get3A_52 : vector<1x128xf32> to vector<2000x128xf32>
    %mul3A_53 = arith.mulf %add3A_49, %mul3A : vector<2000x128xf32>
    %get3A_54 = arith.constant 0 : index
    %get3A_55 = arith.constant 0 : index
    %get3A_56 = vector.load %arg4[%get3A_54, %get3A_55] : memref<1x128xf32, #tpu.memory_space<vmem>>, vector<1x128xf32>
    %add3A_57 = vector.broadcast %get3A_56 : vector<1x128xf32> to vector<2000x128xf32>
    %add3A_58 = arith.addf %mul3A_53, %add3A_57 : vector<2000x128xf32>
    %max3A = arith.constant 0.000000e+00 : f32
    %max3A_59 = vector.broadcast %max3A : f32 to vector<2000x128xf32>
    %max3A_60 = arith.maximumf %add3A_58, %max3A_59 : vector<2000x128xf32>
    %get3A_61 = arith.constant 0 : index
    %get3A_62 = arith.constant 0 : index
    %get3A_63 = vector.load %arg8[%get3A_61, %get3A_62] : memref<1x128xf32, #tpu.memory_space<vmem>>, vector<1x128xf32>
    %reduce_sum3A = arith.constant dense<0.000000e+00> : vector<128xf32>
    %reduce_sum3A_64 = vector.multi_reduction <add>, %max3A_60, %reduce_sum3A [0] : vector<2000x128xf32> to vector<128xf32>
    %broadcast_in_dim3A = vector.shape_cast %reduce_sum3A_64 : vector<128xf32> to vector<1x128xf32>
    %add3A_65 = arith.addf %get3A_63, %broadcast_in_dim3A : vector<1x128xf32>
    %swap3A = arith.constant 0 : index
    %swap3A_66 = arith.constant 0 : index
    %swap3A_67 = vector.load %arg8[%swap3A, %swap3A_66] : memref<1x128xf32, #tpu.memory_space<vmem>>, vector<1x128xf32>
    tpu.vector_store %arg8[%swap3A, %swap3A_66], %add3A_65 {strides = array<i32>} : memref<1x128xf32, #tpu.memory_space<vmem>>, vector<1x128xf32>,
    %eq3A_68 = arith.constant 4 : i32
    %eq3A_69 = arith.cmpi eq, %arg0, %eq3A_68 : i32
    %convert_element_type3A_70 = arith.extui %eq3A_69 : i1 to i32
    %cond3A_71 = arith.constant 0 : i32
    %cond3A_72 = arith.cmpi ne, %convert_element_type3A_70, %cond3A_71 : i32
    scf.if %cond3A_72 {
      %get3A_73 = arith.constant 0 : index
      %get3A_74 = arith.constant 0 : index
      %get3A_75 = vector.load %arg8[%get3A_73, %get3A_74] : memref<1x128xf32, #tpu.memory_space<vmem>>, vector<1x128xf32>
      %mul3A_76 = arith.constant 9.99999974E-5 : f32
      %mul3A_77 = vector.broadcast %mul3A_76 : f32 to vector<1x128xf32>
      %mul3A_78 = arith.mulf %get3A_75, %mul3A_77 : vector<1x128xf32>
      %get3A_79 = arith.constant 0 : index
      %get3A_80 = arith.constant 0 : index
      %get3A_81 = vector.load %arg5[%get3A_79, %get3A_80] : memref<128x128xf32, #tpu.memory_space<vmem>>, vector<128x128xf32>
      %dot_general3A_82 = arith.constant dense<0.000000e+00> : vector<1x128xf32>
      %dot_general3A_83 = tpu.matmul %mul3A_78, %get3A_81, %dot_general3A_82 {dimension_numbers = #tpu.dot_dimension_numbers<[1], [1], [0], [0], [0, 0, 1, 0], [], []>, transpose_lhs_hint = false} : vector<1x128xf32>, vector<128x128xf32>, vector<1x128xf32> -> vector<1x128xf32>
      %get3A_84 = arith.constant 0 : index
      %get3A_85 = arith.constant 0 : index
      %get3A_86 = vector.load %arg6[%get3A_84, %get3A_85] : memref<1x128xf32, #tpu.memory_space<vmem>>, vector<1x128xf32>
      %add3A_87 = arith.addf %dot_general3A_83, %get3A_86 : vector<1x128xf32>
      %swap3A_88 = arith.constant 0 : index
      %swap3A_89 = arith.constant 0 : index
      %swap3A_90 = vector.load %arg7[%swap3A_88, %swap3A_89] : memref<1x128xf32, #tpu.memory_space<vmem>>, vector<1x128xf32>
      tpu.vector_store %arg7[%swap3A_88, %swap3A_89], %add3A_87 {strides = array<i32>} : memref<1x128xf32, #tpu.memory_space<vmem>>, vector<1x128xf32>,
    } else {
    }
    return
  }
  func.func @transform_0(%arg0: i32) -> (i32, i32, i32) {
    %c0_i32 = arith.constant 0 : i32
    %c0_i32_0 = arith.constant 0 : i32
    %c0_i32_1 = arith.constant 0 : i32
    return %c0_i32, %arg0, %c0_i32_0 : i32, i32, i32
  }
  func.func @transform_1(%arg0: i32) -> (i32, i32, i32) {
    %c0_i32 = arith.constant 0 : i32
    %c0_i32_0 = arith.constant 0 : i32
    %c0_i32_1 = arith.constant 0 : i32
    %c0_i32_2 = arith.constant 0 : i32
    return %c0_i32, %c0_i32_0, %c0_i32_1 : i32, i32, i32
  }
  func.func @transform_2(%arg0: i32) -> (i32, i32) {
    %c0_i32 = arith.constant 0 : i32
    %c0_i32_0 = arith.constant 0 : i32
    %c0_i32_1 = arith.constant 0 : i32
    return %c0_i32, %c0_i32_0 : i32, i32
  }
  func.func @transform_3(%arg0: i32) -> (i32, i32) {
    %c0_i32 = arith.constant 0 : i32
    %c0_i32_0 = arith.constant 0 : i32
    %c0_i32_1 = arith.constant 0 : i32
    return %c0_i32, %c0_i32_0 : i32, i32
  }
  func.func @transform_4(%arg0: i32) -> (i32, i32) {
    %c0_i32 = arith.constant 0 : i32
    %c0_i32_0 = arith.constant 0 : i32
    %c0_i32_1 = arith.constant 0 : i32
    return %c0_i32, %c0_i32_0 : i32, i32
  }
  func.func @transform_5(%arg0: i32) -> (i32, i32) {
    %c0_i32 = arith.constant 0 : i32
    %c0_i32_0 = arith.constant 0 : i32
    %c0_i32_1 = arith.constant 0 : i32
    return %c0_i32, %c0_i32_0 : i32, i32
  }
  func.func @transform_6(%arg0: i32) -> (i32, i32) {
    %c0_i32 = arith.constant 0 : i32
    %c0_i32_0 = arith.constant 0 : i32
    %c0_i32_1 = arith.constant 0 : i32
    return %c0_i32, %c0_i32_0 : i32, i32
  }
}

</mosaic_0001>

<sc_bundles>
// kernel: kernel.11.cloned.1.call-start
scs
__scs_entry_jumppad:
0x0: {  	(pc) =	sbr.rel $0x88, $3  }
0x1: {  	(tag) =	ssettag $0x0;
	lr =	simm.s32 $0x1  }
0x2: {  	[smem:$0x3F95] =	sst lr;
	_ =	strace $0xD0000000  }
0x3: {  	_ = 	snop  }
0x4: {  	_ = 	snop  }
0x5: {  	_ = 	snop  }
0x6: {  	_ = 	snop  }
0x7: {  	_ = 	snop  }
__scs_overlays_trampoline_lowered:
0x8: {  	[smem:$0x3FA4] =	sst s0  }
0x9: {  	[smem:$0x3FA5] =	sst s1  }
0xa: {  	[smem:$0x3FA6] =	sst s2  }
0xb: {  	[smem:$0x3FA7] =	sst s3  }
0xc: {  	[smem:$0x3FA8] =	sst s4  }
0xd: {  	[smem:$0x3FA9] =	sst s5  }
0xe: {  	[smem:$0x3FAA] =	sst s6  }
0xf: {  	[smem:$0x3FAB] =	sst s7  }
0x10: {  	[smem:$0x3FAC] =	sst s8  }
0x11: {  	[smem:$0x3FAD] =	sst s9;
	s0 =	simm.s32 @!p0 $0x0  }
0x12: {  	s1 =	sld [smem:$0x3F93];
	s0 =	simm.s32 @p0 $0x1  }
0x13: {  	[smem:$0x3FAE] =	sst s0;
	s0 =	simm.s32 @!p1 $0x0  }
0x14: {  	s2 =	sld [smem:$0x3F92];
	s0 =	simm.s32 @p1 $0x1  }
0x15: {  	[smem:$0x3FAF] =	sst s0;
	s0 =	simm.s32 @!p2 $0x0  }
0x16: {  	s3 =	sld [smem:$0x3FDB];
	s0 =	simm.s32 @p2 $0x1  }
0x17: {  	s4 =	simm.s32 $0x1BF5;
	[smem:$0x3FB1] =	sst s0  }
0x18: {  	s0 =	sld [smem:$0x3F94];
	_ =	swait.ge [sflag:s4], $0x0  }
0x19: {  	s7 =	sld [smem:$0x3F95]  }
0x1a: {  	s8 =	sadd.s32 $0xFFFFE003, lr  }
0x1b: {  	s9 =	sadd.s32 $0xFFFFFEF7, lr;
	s5 =	simm.s32 $0xFFFFFFFF;
	p2 =	slt.u32 s8, $0xFFFFF086  }
0x1c: {  	p1 =	slt.u32 s9, $0xF7A;
	s5 =	simm.s32 @!p2 $0x0  }
0x1d: {  	s5 =	simm.s32 @p1 $0x1;
	p0 =	seq.s32 s7, s2  }
0x1e: {  	s7 =	smul.u32 @!p0 $0xF7A, s2;
	p2 =	seq.s32 @!p0 s5, $0x0  }
0x1f: {  	s9 =	smul.u32 $0xF7A, s1;
	s8 =	simm.s32 @!p0 $0x1BF5;
	p2 =	por !p2, p0  }
0x20: {  	[sflag:s8] =	ssyncset.s32 @!p0 $0xFFFFF086;
	s6 =	sadd.s32 @!p0 s3, s7;
	s7 =	simm.s32 @!p0 $0x108  }
0x21: {  	s3 =	sadd.s32 s3, s9;
	s6 =	sadd.s32 @!p0 $0x88, s6;
	s7 =	simm.s32 @p2 $0x1082  }
0x22: {  	[simem:s7], [sflag:s8] =	dma.local @!p0 [hbm:s6], $0xF7A  }
0x23: {  	s9 =	sor.u32 $0xD0000000, s2;
	s6 =	simm.s32 $0x108;
	_ =	swait.ge @!p0 [sflag:s8], $0x0  }
0x24: {  	s3 =	sadd.s32 $0x88, s3;
	s6 =	simm.s32 @!p1 $0x1082;
	[sflag:s4] =	ssyncset.s32 $0xFFFFF086  }
0x25: {  	[simem:s6], [sflag:s4] =	dma.local [hbm:s3], $0xF7A  }
0x26: {  	[smem:$0x3F95] =	sst s1;
	(tag) =	ssettag s2;
	_ =	strace s9  }
0x27: {  	s1 =	sld [smem:$0x3FA5]  }
0x28: {  	s2 =	sld [smem:$0x3FA6]  }
0x29: {  	s4 =	sld [smem:$0x3FA8]  }
0x2a: {  	p0 =	seq.s32 s5, $0x0;
	s5 =	sld [smem:$0x3FA9]  }
0x2b: {  	s6 =	sld [smem:$0x3FAA]  }
0x2c: {  	s7 =	sld [smem:$0x3FAB]  }
0x2d: {  	s3 =	simm.s32 $0x108;
	s8 =	sld [smem:$0x3FAC]  }
0x2e: {  	s3 =	simm.s32 @!p0 $0x1082;
	s9 =	sld [smem:$0x3FAD]  }
0x2f: {  	lr =	sadd.s32 s0, s3;
	s0 =	sld [smem:$0x3FA4]  }
0x30: {  	s3 =	sld [smem:$0x3FA7]  }
0x31: {  	[smem:$0x3FB0] =	sst s10  }
0x32: {  	s10 =	sld [smem:$0x3FAE];
	_ =	sdelay $0x3  }
0x33: {  	p0 =	seq.s32 s10, $0x1;
	s10 =	sld [smem:$0x3FB0];
	_ =	sdelay $0x3  }
0x34: {  	[smem:$0x3FB0] =	sst s10  }
0x35: {  	s10 =	sld [smem:$0x3FAF];
	_ =	sdelay $0x3  }
0x36: {  	p1 =	seq.s32 s10, $0x1;
	s10 =	sld [smem:$0x3FB0];
	_ =	sdelay $0x3  }
0x37: {  	[smem:$0x3FB0] =	sst s10  }
0x38: {  	s10 =	sld [smem:$0x3FB1]  }
0x39: {  	_ = 	snop;
	(pc) =	sbr.ind lr, $3  }
0x3a: {  	_ = 	snop  }
0x3b: {  	_ = 	snop  }
0x3c: {  	p2 =	seq.s32 s10, $0x1;
	s10 =	sld [smem:$0x3FB0]  }
0x3d: {  	_ =	shalt  }
0x3e: {  	_ =	shalt  }
0x3f: {  	_ =	shalt  }
0x40: {  	_ =	shalt  }
0x41: {  	_ =	shalt  }
0x42: {  	_ =	shalt  }
0x43: {  	_ =	shalt  }
0x44: {  	_ =	shalt  }
0x45: {  	_ =	shalt  }
0x46: {  	_ =	shalt  }
0x47: {  	_ =	shalt  }
0x48: {  	_ =	shalt  }
0x49: {  	_ =	shalt  }
0x4a: {  	_ =	shalt  }
0x4b: {  	_ =	shalt  }
0x4c: {  	_ =	shalt  }
0x4d: {  	_ =	shalt  }
0x4e: {  	_ =	shalt  }
0x4f: {  	_ =	shalt  }
0x50: {  	_ =	shalt  }
0x51: {  	_ =	shalt  }
0x52: {  	_ =	shalt  }
0x53: {  	_ =	shalt  }
0x54: {  	_ =	shalt  }
0x55: {  	_ =	shalt  }
0x56: {  	_ =	shalt  }
0x57: {  	_ =	shalt  }
0x58: {  	_ =	shalt  }
0x59: {  	_ =	shalt  }
0x5a: {  	_ =	shalt  }
0x5b: {  	_ =	shalt  }
0x5c: {  	_ =	shalt  }
0x5d: {  	_ =	shalt  }
0x5e: {  	_ =	shalt  }
0x5f: {  	_ =	shalt  }
0x60: {  	_ =	shalt  }
0x61: {  	_ =	shalt  }
0x62: {  	_ =	shalt  }
0x63: {  	_ =	shalt  }
0x64: {  	_ =	shalt  }
0x65: {  	_ =	shalt  }
0x66: {  	_ =	shalt  }
0x67: {  	_ =	shalt  }
0x68: {  	_ =	shalt  }
0x69: {  	_ =	shalt  }
0x6a: {  	_ =	shalt  }
0x6b: {  	_ =	shalt  }
0x6c: {  	_ =	shalt  }
0x6d: {  	_ =	shalt  }
0x6e: {  	_ =	shalt  }
0x6f: {  	_ =	shalt  }
0x70: {  	_ =	shalt  }
0x71: {  	_ =	shalt  }
0x72: {  	_ =	shalt  }
0x73: {  	_ =	shalt  }
0x74: {  	_ =	shalt  }
0x75: {  	_ =	shalt  }
0x76: {  	_ =	shalt  }
0x77: {  	_ =	shalt  }
0x78: {  	_ =	shalt  }
0x79: {  	_ =	shalt  }
0x7a: {  	_ =	shalt  }
0x7b: {  	_ =	shalt  }
0x7c: {  	_ =	shalt  }
0x7d: {  	_ =	shalt  }
0x7e: {  	_ =	shalt  }
0x7f: {  	_ =	shalt  }
0x80: {  	_ =	shalt  }
0x81: {  	_ =	shalt  }
0x82: {  	_ =	shalt  }
0x83: {  	_ =	shalt  }
0x84: {  	_ =	shalt  }
0x85: {  	_ =	shalt  }
0x86: {  	_ =	shalt  }
0x87: {  	_ =	shalt  }
.Lfunc_end0:
.L_simem_size_0:
called_computation.1_lowered:
.L_overlay_start_0:
0x88: {  	s2 =	sld [smem:$0x3FD9]  }
0x89: {  	s3 =	sld [smem:$0x3FFE];
	_ =	sdelay $0x1  }
0x8a: {  	s1 =	srdreg.scid  }
0x8b: {  	s0 =	sand.u32 $0x1, s1  }
0x8c: {  	s16 =	sshll.u32 s0, $0xA;
	s2 =	sadd.s32 s3, s2  }
0x8d: {  	s2 =	sadd.s32 s2, s16  }
0x8e: {  	[smem:$0x3FBC] =	sst s2  }
0x8f: {  	_ = 	snop  }
0x90: {  	(tm) =	ssettm $0x1  }
0x91: {  	s17 =	sld [smem:$0x3FFB];
	_ =	sdelay $0x3  }
0x92: {  	_ =	strace s17  }
0x93: {  	s2 =	sld [smem:$0x3FFC];
	_ =	sdelay $0x3  }
0x94: {  	_ =	strace s2  }
0x95: {  	s2 =	sld [smem:$0x3FFD];
	_ =	sdelay $0x3  }
0x96: {  	_ =	strace s2  }
0x97: {  	_ =	strace $0x8FFFFFFF  }
0x98: {  	s18 =	sld [smem:$0x3FDB];
	_ =	sdelay $0x1  }
0x99: {  	s19 =	simm.s32 $_scs_section_size  }
0x9a: {  	s4 =	simm.s32 $_size__tile_overlayer_lowered;
	s5 =	simm.s32 $_tile_overlayer_lowered  }
0x9b: {  	s22 =	simm.s32 $0x1BFF;
	s21 =	sshll.u32 s5, $0x1;
	s2 =	sadd.s32 s19, s18  }
0x9c: {  	s6 =	simm.s32 $0x0;
	s20 =	sshll.u32 s4, $0x1;
	s4 =	sadd.s32 s21, s2  }
0x9d: {  	[timem:s6], [sflag:s22] =	dma.local [hbm:s4], s20  }
0x9e: {  	_ =	swait.ge [sflag:s22], s20  }
0x9f: {  	s3 =	ssub.s32 $0x0, s20;
	[sflag:s22] =	ssyncset.done $0x0  }
0xa0: {  	[sflag:s22] =	ssyncadd.s32 s3;
	_ =	sdelay $0x1  }
0xa1: {  	s23 =	simm.s32 $0x1B8B  }
0xa2: {  	_ =	swait.ge [sflag:s23], $0x1  }
0xa3: {  	[sflag:s23] =	ssyncset.done $0x0  }
0xa4: {  	s25 =	simm.s32 $0x1B8E;
	s24 =	sld [smem:$0x3FFE];
	[sflag:s23] =	ssyncadd.s32 $0xFFFFFFFF  }
0xa5: {  	s26 =	simm.s32 $execute0_lowered;
	[smem:$0x3FD2] =	sst s25  }
0xa6: {  	s4 =	sshll.u32 s26, $0x1;
	_ =	strace $0x80000049;
	[dreg:$0x1] =	wrdreg $0xFFFFFFFF  }
0xa7: {  	s28 =	simm.s32 $_size_execute0_lowered;
	s2 =	sadd.s32 s2, s4;
	[dreg:$0x0] =	wrdreg $0x0  }
0xa8: {  	s4 =	sshll.u32 s28, $0x1;
	[dreg:$0x2] =	wrdreg s2  }
0xa9: {  	[dreg:$0x3] =	wrdreg s4  }
0xaa: {  	[dreg:$0x4] =	wrdreg $0xC0  }
0xab: {  	_ =	task [dreg:s6], $0x5FFFF  }
0xac: {  	[dreg:$0x1] =	wrdreg $0xFFFFFFFF  }
0xad: {  	[dreg:$0x0] =	wrdreg $0x60  }
0xae: {  	[dreg:$0x2] =	wrdreg s24  }
0xaf: {  	[dreg:$0x3] =	wrdreg $0x180000  }
0xb0: {  	[dreg:$0x4] =	wrdreg $0x9  }
0xb1: {  	_ =	task.clear_ibuf [dreg:s6], $0x5FFFF;
	_ =	strace $0x90000049  }
0xb2: {  	s29 =	simm.s32 $0x9;
	_ =	strace $0x8000004B  }
0xb3: {  	_ =	swait.ge [sflag:s29], $0x1  }
0xb4: {  	[sflag:s29] =	ssyncadd.s32 $0xFFFFFFFF  }
0xb5: {  	_ =	strace $0x9000004B  }
0xb6: {  	_ =	sfence  }
0xb7: {  	s30 =	sld [smem:$0x0];
	_ =	sdelay $0x2  }
0xb8: {  	s31 =	sshll.u32 s1, $0xD;
	s1 =	sshrl.u32 s1, $0x2  }
0xb9: {  	s3 =	sand.u32 $0x4000, s31;
	s1 =	sadd.s32 s1, s30  }
0xba: {  	s0 =	sor.u32 s3, s0;
	s1 =	sshll.u32 s1, $0x11  }
0xbb: {  	s0 =	sor.u32 s1, s0  }
0xbc: {  	s0 =	sadd.s32 $0x8F2B, s0  }
0xbd: {  	[sflag:s0] =	ssyncadd.remote.s32 $0x1  }
0xbe: {  	_ =	sfence.sel $0xFFFF  }
0xbf: {  	[dreg:$0x0] =	wrdreg $0xFFFFFFFF;
	(pc) =	sbr.abs _section_cstart, $3  }
0xc0: {  	[dreg:$0x1] =	wrdreg $0xFFFFFFFF  }
0xc1: {  	_ =	task.clear_ibuf [dreg:s6], $0x2FFFF;
	_ =	strace $0x9FFFFFFF  }
0xc2: {  	(tm) =	ssettm $0x7FFFFFFF  }
0xc3: {  	_ =	shalt  }
tec
execute0_lowered:
.L_overlay_start_1:
0x0: {  	(tag) =	ssettag $0x1  }
0x1: {  	s0 =	srdreg.scid;
	s1 =	rddreg [dreg:$0x0]  }
0x2: {  	s10 =	stileid.u32;
	s2 =	rddreg [dreg:$0x1];
	s3 =	simm.s32 $0x0  }
0x3: {  	s28 =	simm.s32 $0xC000;
	s30 =	simm.s32 $0xD000;
	s31 =	simm.s32 $0x1  }
0x4: {  	s29 =	simm.s32 $0xE000;
	s15 =	simm.s32 $0x0;
	s5 =	smul.u32 $0x2800, s10  }
0x5: {  	s0 =	sand.u32 $0x1, s0;
	[smem:$0x7FF] =	sst s3;
	s6 =	smul.u32 $0xA00, s10  }
0x6: {  	s17 =	sadd.s32 $0xCB800, s1;
	s8 =	sadd.s32 $0x54200, s1;
	s11 =	smul.u32 $0x5000, s10  }
0x7: {  	s4 =	smul.u32 $0x28000, s0;
	_ =	strace $0x8000004A;
	s9 =	ssub.s32 $0x2, s0  }
0x8: {  	s0 =	smul.u32 $0xA0000, s0;
	s6 =	sadd.s32 s6, s1;
	s18 =	sshrl.u32 s9, $0x1  }
0x9: {  	s4 =	sadd.s32 s5, s4;
	s13 =	ssub.s32 s9, s18;
	s19 =	sadd.s32 $0xD000, s6  }
0xa: {  	s6 =	sadd.s32 $0x3000, s6;
	s22 =	sadd.s32 s11, s0;
	s9 =	sadd.s32 s11, s2  }
0xb: {  	s23 =	sshrl.u32 s0, $0x3;
	s0 =	sadd.s32 $0x50000, s0;
	s5 =	simm.s32 $0x6  }
0xc: {  	s7 =	sshrl.u32 s4, $0x3;
	s4 =	sadd.s32 $0x2B800, s1;
	[dreg:$0x3] =	wrdreg s19  }
0xd: {  	[dreg:$0x4] =	wrdreg s6;
	s6 =	sshrl.u32 s22, $0x3;
	s10 =	sadd.s32 s17, s23  }
0xe: {  	s24 =	sshrl.u32 s0, $0x3;
	s0 =	sadd.s32 s11, s0;
	s26 =	smax.u32 s13, $0x1  }
0xf: {  	s19 =	simm.s32 $0x9;
	s22 =	simm.s32 $0x4;
	s7 =	sadd.s32 s7, s1  }
0x10: {  	s1 =	sadd.s32 $0x2C200, s1;
	[dreg:$0xb] =	wrdreg s26;
	s20 =	sadd.s32 $0x17800, s7  }
0x11: {  	s14 =	sadd.s32 s17, s24;
	s21 =	sadd.s32 $0x21800, s7;
	[dreg:$0x5] =	wrdreg s20  }
0x12: {  	s0 =	sshrl.u32 s0, $0x3;
	s12 =	sadd.s32 s1, s6;
	[dreg:$0x6] =	wrdreg s21  }
0x13: {  	s6 =	sadd.s32 s8, s6;
	s25 =	sadd.s32 s1, s0;
	[dreg:$0x7] =	wrdreg s12  }
0x14: {  	s16 =	sadd.s32 s1, s24;
	s0 =	sadd.s32 s8, s0;
	[dreg:$0x8] =	wrdreg s6  }
0x15: {  	s24 =	simm.s32 $0xA000;
	s7 =	simm.s32 $0x8;
	[dreg:$0x9] =	wrdreg s25  }
0x16: {  	s12 =	sadd.s32 s1, s23;
	[dreg:$0xa] =	wrdreg s0;
	s20 =	simm.s32 $0x5000  }
0x17: {  	s23 =	simm.s32 $0x80;
	s25 =	simm.s32 $0xB000;
	s1 =	simm.s32 $0x2  }
0x18: {  	s21 =	simm.s32 $0x3;
	s0 =	simm.s32 $0x5;
	s6 =	simm.s32 $0x7  }
.LBB2_1:
0x19: {  	s8 =	rddreg [dreg:$0x3]  }
0x1a: {  	[tilespmem:s3], [sflag:$0x9] =	stream.linear.gather [hbm4b:s8+s3], $0x5000, $0x38;
	[tilespmem:$0x1D000] =	vst v63  }
0x1b: {  	_ =	swait.ge [sflag:s19], $0x5000  }
0x1c: {  	[sflag:s19] =	ssyncset.done $0x0  }
0x1d: {  	s11 =	rddreg [dreg:$0x4];
	[sflag:s19] =	ssyncadd.s32 $0xFFFFB000  }
0x1e: {  	[tilespmem:s20], [sflag:$0x9] =	stream.linear.gather [hbm4b:s11+s3], $0x5000, $0x38;
	[tilespmem:$0x1D000] =	vst v63  }
0x1f: {  	_ =	swait.ge [sflag:s19], $0x5000  }
0x20: {  	[sflag:s19] =	ssyncset.done $0x0  }
0x21: {  	s11 =	simm.s32 $0x13000;
	s13 =	rddreg [dreg:$0x5];
	[sflag:s19] =	ssyncadd.s32 $0xFFFFB000  }
0x22: {  	[tilespmem:s11], [sflag:$0x9] =	stream.linear.gather [hbm4b:s13+s3], $0x2800, $0x38;
	[tilespmem:$0x1D000] =	vst v63  }
0x23: {  	_ =	swait.ge [sflag:s19], $0x2800  }
0x24: {  	[sflag:s19] =	ssyncset.done $0x0  }
0x25: {  	s18 =	simm.s32 $0x15800;
	s17 =	rddreg [dreg:$0x6];
	[sflag:s19] =	ssyncadd.s32 $0xFFFFD800  }
0x26: {  	[tilespmem:s18], [sflag:$0x9] =	stream.linear.gather [hbm4b:s17+s3], $0x2800, $0x38;
	[tilespmem:$0x1D000] =	vst v63  }
0x27: {  	s26 =	stileid.u32;
	_ =	swait.ge [sflag:s19], $0x2800  }
0x28: {  	s8 =	sshll.u32 s26, $0x6;
	[sflag:s19] =	ssyncset.done $0x0  }
0x29: {  	s17 =	sor.u32 $0x1C09, s8;
	s18 =	sshrl.u32 s9, $0x3;
	[sflag:s19] =	ssyncadd.s32 $0xFFFFD800  }
0x2a: {  	[spmem:s18], [sflag:s17] =	dma.local [hbm:s4], $0xA00  }
0x2b: {  	_ =	swait.ge [sflag:s19], $0xA00  }
0x2c: {  	[sflag:s19] =	ssyncset.done $0x0  }
0x2d: {  	[sflag:s19] =	ssyncadd.s32 $0xFFFFF600  }
0x2e: {  	[bflag:$0x0] =	sbarrier.arrive $0xFFFF  }
0x2f: {  	[tilespmem:s24], [sflag:$0x1] =	stream.indirect.gather [hbm4b:s10+s23], $0x20, s3, s23, $0xb8;
	[tilespmem:$0x1D000] =	vst v63  }
0x30: {  	_ = 	snop  }
0x31: {  	[tilespmem:s25], [sflag:$0x2] =	stream.indirect.gather [hbm4b:s10+s23], $0x20, s23, s23, $0xb8;
	[tilespmem:$0x1D000] =	vst v63  }
0x32: {  	s11 =	simm.s32 $0x100  }
0x33: {  	[tilespmem:s28], [sflag:$0x3] =	stream.indirect.gather [hbm4b:s10+s23], $0x20, s11, s23, $0xb8;
	[tilespmem:$0x1D000] =	vst v63  }
0x34: {  	s13 =	simm.s32 $0x180  }
0x35: {  	[tilespmem:s30], [sflag:$0x4] =	stream.indirect.gather [hbm4b:s10+s23], $0x20, s13, s23, $0xb8;
	[tilespmem:$0x1D000] =	vst v63  }
0x36: {  	_ =	swait.ge [sflag:s31], $0x1000  }
0x37: {  	[sflag:s31] =	ssyncset.done $0x0  }
0x38: {  	s26 =	simm.s32 $0x5000;
	[sflag:s31] =	ssyncadd.s32 $0xFFFFF000  }
0x39: {  	[spmem:s2] =	stream.indirect.scatter.add.f32 [tilespmem:s24], [sflag:$0x5], $0x20, s26, s23, $0xb8;
	[tilespmem:$0x1D000] =	vst v63  }
0x3a: {  	_ =	swait.ge [sflag:s1], $0x1000  }
0x3b: {  	[sflag:s1] =	ssyncset.done $0x0  }
0x3c: {  	s11 =	simm.s32 $0x5080;
	[sflag:s1] =	ssyncadd.s32 $0xFFFFF000  }
0x3d: {  	[spmem:s2] =	stream.indirect.scatter.add.f32 [tilespmem:s25], [sflag:$0x6], $0x20, s11, s23, $0xb8;
	[tilespmem:$0x1D000] =	vst v63  }
0x3e: {  	_ =	swait.ge [sflag:s21], $0x1000  }
0x3f: {  	[sflag:s21] =	ssyncset.done $0x0  }
0x40: {  	s13 =	simm.s32 $0x5100;
	[sflag:s21] =	ssyncadd.s32 $0xFFFFF000  }
0x41: {  	[spmem:s2] =	stream.indirect.scatter.add.f32 [tilespmem:s28], [sflag:$0x7], $0x20, s13, s23, $0xb8;
	[tilespmem:$0x1D000] =	vst v63  }
0x42: {  	_ =	swait.ge [sflag:s22], $0x1000  }
0x43: {  	[sflag:s22] =	ssyncset.done $0x0  }
0x44: {  	s26 =	simm.s32 $0x5180;
	[sflag:s22] =	ssyncadd.s32 $0xFFFFF000  }
0x45: {  	[spmem:s2] =	stream.indirect.scatter.add.f32 [tilespmem:s30], [sflag:$0x8], $0x20, s26, s23, $0xb8;
	[tilespmem:$0x1D000] =	vst v63  }
0x46: {  	_ =	swait.ge [sflag:s0], $0x1000  }
0x47: {  	[sflag:s0] =	ssyncset.done $0x0  }
0x48: {  	s11 =	simm.s32 $0x200;
	[sflag:s0] =	ssyncadd.s32 $0xFFFFF000  }
0x49: {  	[tilespmem:s24], [sflag:$0x1] =	stream.indirect.gather [hbm4b:s10+s23], $0x20, s11, s23, $0xb8;
	[tilespmem:$0x1D000] =	vst v63  }
0x4a: {  	_ =	swait.ge [sflag:s5], $0x1000  }
0x4b: {  	[sflag:s5] =	ssyncset.done $0x0  }
0x4c: {  	s13 =	simm.s32 $0x280;
	[sflag:s5] =	ssyncadd.s32 $0xFFFFF000  }
0x4d: {  	[tilespmem:s25], [sflag:$0x2] =	stream.indirect.gather [hbm4b:s10+s23], $0x20, s13, s23, $0xb8;
	[tilespmem:$0x1D000] =	vst v63  }
0x4e: {  	_ =	swait.ge [sflag:s6], $0x1000  }
0x4f: {  	[sflag:s6] =	ssyncset.done $0x0  }
0x50: {  	s26 =	simm.s32 $0x300;
	[sflag:s6] =	ssyncadd.s32 $0xFFFFF000  }
0x51: {  	[tilespmem:s28], [sflag:$0x3] =	stream.indirect.gather [hbm4b:s10+s23], $0x20, s26, s23, $0xb8;
	[tilespmem:$0x1D000] =	vst v63  }
0x52: {  	_ =	swait.ge [sflag:s7], $0x1000  }
0x53: {  	[sflag:s7] =	ssyncset.done $0x0  }
0x54: {  	s8 =	simm.s32 $0x800;
	s11 =	simm.s32 $0x380;
	[sflag:s7] =	ssyncadd.s32 $0xFFFFF000  }
.LBB2_2:
0x55: {  	[tilespmem:s30], [sflag:$0x4] =	stream.indirect.gather [hbm4b:s10+s23], $0x20, s11, s23, $0xb8;
	[tilespmem:$0x1D000] =	vst v63  }
0x56: {  	s11 =	smov.u32 s8  }
0x57: {  	p0 =	sne.s32 s8, $0x13000;
	s8 =	sadd.s32 $0x800, s8;
	_ =	swait.ge [sflag:s31], $0x1000  }
0x58: {  	s11 =	sshra.s32 s11, $0x2;
	[sflag:s31] =	ssyncset.done $0x0  }
0x59: {  	s13 =	sadd.s32 $0x5000, s11;
	[sflag:s31] =	ssyncadd.s32 $0xFFFFF000  }
0x5a: {  	[spmem:s2] =	stream.indirect.scatter.add.f32 [tilespmem:s24], [sflag:$0x5], $0x20, s13, s23, $0xb8;
	[tilespmem:$0x1D000] =	vst v63  }
0x5b: {  	_ =	swait.ge [sflag:s1], $0x1000  }
0x5c: {  	[sflag:s1] =	ssyncset.done $0x0  }
0x5d: {  	s13 =	sadd.s32 $0x5080, s11;
	[sflag:s1] =	ssyncadd.s32 $0xFFFFF000  }
0x5e: {  	[spmem:s2] =	stream.indirect.scatter.add.f32 [tilespmem:s25], [sflag:$0x6], $0x20, s13, s23, $0xb8;
	[tilespmem:$0x1D000] =	vst v63  }
0x5f: {  	_ =	swait.ge [sflag:s21], $0x1000  }
0x60: {  	[sflag:s21] =	ssyncset.done $0x0  }
0x61: {  	s13 =	sadd.s32 $0x5100, s11;
	[sflag:s21] =	ssyncadd.s32 $0xFFFFF000  }
0x62: {  	[spmem:s2] =	stream.indirect.scatter.add.f32 [tilespmem:s28], [sflag:$0x7], $0x20, s13, s23, $0xb8;
	[tilespmem:$0x1D000] =	vst v63  }
0x63: {  	_ =	swait.ge [sflag:s22], $0x1000  }
0x64: {  	[sflag:s22] =	ssyncset.done $0x0  }
0x65: {  	s13 =	sadd.s32 $0x5180, s11;
	[sflag:s22] =	ssyncadd.s32 $0xFFFFF000  }
0x66: {  	[spmem:s2] =	stream.indirect.scatter.add.f32 [tilespmem:s30], [sflag:$0x8], $0x20, s13, s23, $0xb8;
	[tilespmem:$0x1D000] =	vst v63  }
0x67: {  	_ =	swait.ge [sflag:s0], $0x1000  }
0x68: {  	[sflag:s0] =	ssyncset.done $0x0  }
0x69: {  	s13 =	sadd.s32 $0x200, s11;
	[sflag:s0] =	ssyncadd.s32 $0xFFFFF000  }
0x6a: {  	[tilespmem:s24], [sflag:$0x1] =	stream.indirect.gather [hbm4b:s10+s23], $0x20, s13, s23, $0xb8;
	[tilespmem:$0x1D000] =	vst v63  }
0x6b: {  	_ =	swait.ge [sflag:s5], $0x1000  }
0x6c: {  	[sflag:s5] =	ssyncset.done $0x0  }
0x6d: {  	s13 =	sadd.s32 $0x280, s11;
	[sflag:s5] =	ssyncadd.s32 $0xFFFFF000  }
0x6e: {  	[tilespmem:s25], [sflag:$0x2] =	stream.indirect.gather [hbm4b:s10+s23], $0x20, s13, s23, $0xb8;
	[tilespmem:$0x1D000] =	vst v63  }
0x6f: {  	_ =	swait.ge [sflag:s6], $0x1000  }
0x70: {  	[sflag:s6] =	ssyncset.done $0x0  }
.Ltmp0:
0x71: {  	s13 =	sadd.s32 $0x300, s11;
	[sflag:s6] =	ssyncadd.s32 $0xFFFFF000;
	(pc) =	sbr.rel @p0 .LBB2_2-.Ltmp0, $4  }
0x72: {  	[tilespmem:s28], [sflag:$0x3] =	stream.indirect.gather [hbm4b:s10+s23], $0x20, s13, s23, $0xb8;
	[tilespmem:$0x1D000] =	vst v63  }
0x73: {  	_ =	swait.ge [sflag:s7], $0x1000  }
0x74: {  	[sflag:s7] =	ssyncset.done $0x0  }
0x75: {  	s11 =	sadd.s32 $0x380, s11;
	[sflag:s7] =	ssyncadd.s32 $0xFFFFF000  }
0x76: {  	[tilespmem:s30], [sflag:$0x4] =	stream.indirect.gather [hbm4b:s10+s23], $0x20, s11, s23, $0xb8;
	[tilespmem:$0x1D000] =	vst v63  }
0x77: {  	_ =	swait.ge [sflag:s31], $0x1000  }
0x78: {  	[sflag:s31] =	ssyncset.done $0x0  }
0x79: {  	s8 =	simm.s32 $0x9E00;
	[sflag:s31] =	ssyncadd.s32 $0xFFFFF000  }
0x7a: {  	[spmem:s2] =	stream.indirect.scatter.add.f32 [tilespmem:s24], [sflag:$0x5], $0x20, s8, s23, $0xb8;
	[tilespmem:$0x1D000] =	vst v63  }
0x7b: {  	_ =	swait.ge [sflag:s1], $0x1000  }
0x7c: {  	[sflag:s1] =	ssyncset.done $0x0  }
0x7d: {  	s26 =	simm.s32 $0x9E80;
	[sflag:s1] =	ssyncadd.s32 $0xFFFFF000  }
0x7e: {  	[spmem:s2] =	stream.indirect.scatter.add.f32 [tilespmem:s25], [sflag:$0x6], $0x20, s26, s23, $0xb8;
	[tilespmem:$0x1D000] =	vst v63  }
0x7f: {  	_ =	swait.ge [sflag:s21], $0x1000  }
0x80: {  	[sflag:s21] =	ssyncset.done $0x0  }
0x81: {  	s11 =	simm.s32 $0x9F00;
	[sflag:s21] =	ssyncadd.s32 $0xFFFFF000  }
0x82: {  	[spmem:s2] =	stream.indirect.scatter.add.f32 [tilespmem:s28], [sflag:$0x7], $0x20, s11, s23, $0xb8;
	[tilespmem:$0x1D000] =	vst v63  }
0x83: {  	_ =	swait.ge [sflag:s22], $0x1000  }
0x84: {  	[sflag:s22] =	ssyncset.done $0x0  }
0x85: {  	s13 =	simm.s32 $0x9F80;
	[sflag:s22] =	ssyncadd.s32 $0xFFFFF000  }
0x86: {  	[spmem:s2] =	stream.indirect.scatter.add.f32 [tilespmem:s30], [sflag:$0x8], $0x20, s13, s23, $0xb8;
	[tilespmem:$0x1D000] =	vst v63  }
0x87: {  	_ =	swait.ge [sflag:s0], $0x1000  }
0x88: {  	[sflag:s0] =	ssyncset.done $0x0  }
0x89: {  	[sflag:s0] =	ssyncadd.s32 $0xFFFFF000  }
0x8a: {  	_ =	swait.ge [sflag:s5], $0x1000  }
0x8b: {  	[sflag:s5] =	ssyncset.done $0x0  }
0x8c: {  	[sflag:s5] =	ssyncadd.s32 $0xFFFFF000  }
0x8d: {  	_ =	swait.ge [sflag:s6], $0x1000  }
0x8e: {  	[sflag:s6] =	ssyncset.done $0x0  }
0x8f: {  	[sflag:s6] =	ssyncadd.s32 $0xFFFFF000  }
0x90: {  	_ =	swait.ge [sflag:s7], $0x1000  }
0x91: {  	[sflag:s7] =	ssyncset.done $0x0  }
0x92: {  	[sflag:s7] =	ssyncadd.s32 $0xFFFFF000  }
0x93: {  	[bflag:$0x0] =	sbarrier.arrive $0xFFFF  }
0x94: {  	[tilespmem:s29], [sflag:$0x9] =	stream.linear.gather [spmem:s9], $0x5000, $0x38;
	[tilespmem:$0x1D000] =	vst v63  }
0x95: {  	_ =	swait.ge [sflag:s19], $0x5000  }
0x96: {  	[sflag:s19] =	ssyncset.done $0x0  }
0x97: {  	s8 =	simm.s32 $0xE010;
	[sflag:s19] =	ssyncadd.s32 $0xFFFFB000  }
0x98: {  	s26 =	simm.s32 $0x0;
	v0 =	vld [tilespmem:s8+$0xFFFFFFF0]  }
0x99: {  	v2 =	vld [tilespmem:s26+$0x13000]  }
0x9a: {  	v3 =	vld [tilespmem:s8+$0x0];
	_ =	sdelay $0x4  }
0x9b: {  	s11 =	simm.s32 $0x40;
	s13 =	simm.s32 $0xE010;
	v1 =	vmul.f32 v0, v2;
	v0 =	vmul.f32 v3, v2  }
.LBB2_4:
0x9c: {  	p0 =	sne.s32 s11, $0x9FC0  }
0x9d: {  	[tilespmem:s8+$0xFFFFFFF0] =	vst v1;
	s13 =	sadd.s32 $0x20, s13;
	s26 =	smov.u32 s11;
	s11 =	sadd.s32 $0x40, s11  }
0x9e: {  	s26 =	sshra.s32 s26, $0x2;
	v1 =	vld [tilespmem:s13+$0xFFFFFFF0];
	[tilespmem:s8+$0x0] =	vst v0;
	s8 =	smov.u32 s13  }
0x9f: {  	v0 =	vld [tilespmem:s26+$0x13000]  }
0xa0: {  	v2 =	vld [tilespmem:s13+$0x0]  }
.Ltmp1:
0xa1: {  	(pc) =	sbr.rel @p0 .LBB2_4-.Ltmp1, $3  }
0xa2: {  	_ =	sdelay $0x1  }
0xa3: {  	v1 =	vmul.f32 v1, v0  }
0xa4: {  	v0 =	vmul.f32 v2, v0  }
0xa5: {  	[tilespmem:s8+$0xFFFFFFF0] =	vst v1  }
0xa6: {  	s13 =	simm.s32 $0x0;
	s11 =	rddreg [dreg:$0x7];
	[tilespmem:s8+$0x0] =	vst v0  }
0xa7: {  	[hbm4b:s11+s13] =	stream.linear.scatter [tilespmem:s29], [sflag:$0x9], $0x5000, $0x38;
	[tilespmem:$0x1D000] =	vst v63  }
0xa8: {  	_ =	swait.ge [sflag:s19], $0x5000  }
0xa9: {  	[sflag:s19] =	ssyncset.done $0x0  }
0xaa: {  	[sflag:s19] =	ssyncadd.s32 $0xFFFFB000  }
0xab: {  	[spmem:s18], [sflag:s17] =	dma.local [hbm:s4], $0xA00  }
0xac: {  	_ =	swait.ge [sflag:s19], $0xA00  }
0xad: {  	[sflag:s19] =	ssyncset.done $0x0  }
0xae: {  	[sflag:s19] =	ssyncadd.s32 $0xFFFFF600  }
0xaf: {  	[bflag:$0x0] =	sbarrier.arrive $0xFFFF  }
0xb0: {  	[tilespmem:s24], [sflag:$0x1] =	stream.indirect.gather [hbm4b:s12+s23], $0x20, s20, s23, $0xb8;
	[tilespmem:$0x1D000] =	vst v63  }
0xb1: {  	s26 =	simm.s32 $0x5080  }
0xb2: {  	[tilespmem:s25], [sflag:$0x2] =	stream.indirect.gather [hbm4b:s12+s23], $0x20, s26, s23, $0xb8;
	[tilespmem:$0x1D000] =	vst v63  }
0xb3: {  	s11 =	simm.s32 $0x5100  }
0xb4: {  	[tilespmem:s28], [sflag:$0x3] =	stream.indirect.gather [hbm4b:s12+s23], $0x20, s11, s23, $0xb8;
	[tilespmem:$0x1D000] =	vst v63  }
0xb5: {  	s13 =	simm.s32 $0x5180  }
0xb6: {  	[tilespmem:s30], [sflag:$0x4] =	stream.indirect.gather [hbm4b:s12+s23], $0x20, s13, s23, $0xb8;
	[tilespmem:$0x1D000] =	vst v63  }
0xb7: {  	_ =	swait.ge [sflag:s31], $0x1000  }
0xb8: {  	[sflag:s31] =	ssyncset.done $0x0  }
0xb9: {  	s26 =	simm.s32 $0x0;
	[sflag:s31] =	ssyncadd.s32 $0xFFFFF000  }
0xba: {  	[spmem:s2] =	stream.indirect.scatter.add.f32 [tilespmem:s24], [sflag:$0x5], $0x20, s26, s23, $0xb8;
	[tilespmem:$0x1D000] =	vst v63  }
0xbb: {  	_ =	swait.ge [sflag:s1], $0x1000  }
0xbc: {  	[sflag:s1] =	ssyncset.done $0x0  }
0xbd: {  	s11 =	simm.s32 $0x80;
	[sflag:s1] =	ssyncadd.s32 $0xFFFFF000  }
0xbe: {  	[spmem:s2] =	stream.indirect.scatter.add.f32 [tilespmem:s25], [sflag:$0x6], $0x20, s11, s23, $0xb8;
	[tilespmem:$0x1D000] =	vst v63  }
0xbf: {  	_ =	swait.ge [sflag:s21], $0x1000  }
0xc0: {  	[sflag:s21] =	ssyncset.done $0x0  }
0xc1: {  	s13 =	simm.s32 $0x100;
	[sflag:s21] =	ssyncadd.s32 $0xFFFFF000  }
0xc2: {  	[spmem:s2] =	stream.indirect.scatter.add.f32 [tilespmem:s28], [sflag:$0x7], $0x20, s13, s23, $0xb8;
	[tilespmem:$0x1D000] =	vst v63  }
0xc3: {  	_ =	swait.ge [sflag:s22], $0x1000  }
0xc4: {  	[sflag:s22] =	ssyncset.done $0x0  }
0xc5: {  	s26 =	simm.s32 $0x180;
	[sflag:s22] =	ssyncadd.s32 $0xFFFFF000  }
0xc6: {  	[spmem:s2] =	stream.indirect.scatter.add.f32 [tilespmem:s30], [sflag:$0x8], $0x20, s26, s23, $0xb8;
	[tilespmem:$0x1D000] =	vst v63  }
0xc7: {  	_ =	swait.ge [sflag:s0], $0x1000  }
0xc8: {  	[sflag:s0] =	ssyncset.done $0x0  }
0xc9: {  	s11 =	simm.s32 $0x5200;
	[sflag:s0] =	ssyncadd.s32 $0xFFFFF000  }
0xca: {  	[tilespmem:s24], [sflag:$0x1] =	stream.indirect.gather [hbm4b:s12+s23], $0x20, s11, s23, $0xb8;
	[tilespmem:$0x1D000] =	vst v63  }
0xcb: {  	_ =	swait.ge [sflag:s5], $0x1000  }
0xcc: {  	[sflag:s5] =	ssyncset.done $0x0  }
0xcd: {  	s13 =	simm.s32 $0x5280;
	[sflag:s5] =	ssyncadd.s32 $0xFFFFF000  }
0xce: {  	[tilespmem:s25], [sflag:$0x2] =	stream.indirect.gather [hbm4b:s12+s23], $0x20, s13, s23, $0xb8;
	[tilespmem:$0x1D000] =	vst v63  }
0xcf: {  	_ =	swait.ge [sflag:s6], $0x1000  }
0xd0: {  	[sflag:s6] =	ssyncset.done $0x0  }
0xd1: {  	s26 =	simm.s32 $0x5300;
	[sflag:s6] =	ssyncadd.s32 $0xFFFFF000  }
0xd2: {  	[tilespmem:s28], [sflag:$0x3] =	stream.indirect.gather [hbm4b:s12+s23], $0x20, s26, s23, $0xb8;
	[tilespmem:$0x1D000] =	vst v63  }
0xd3: {  	_ =	swait.ge [sflag:s7], $0x1000  }
0xd4: {  	[sflag:s7] =	ssyncset.done $0x0  }
0xd5: {  	s8 =	simm.s32 $0x800;
	s11 =	simm.s32 $0x5380;
	[sflag:s7] =	ssyncadd.s32 $0xFFFFF000  }
.LBB2_6:
0xd6: {  	[tilespmem:s30], [sflag:$0x4] =	stream.indirect.gather [hbm4b:s12+s23], $0x20, s11, s23, $0xb8;
	[tilespmem:$0x1D000] =	vst v63  }
0xd7: {  	s11 =	smov.u32 s8  }
0xd8: {  	p0 =	sne.s32 s8, $0x13000;
	s8 =	sadd.s32 $0x800, s8;
	_ =	swait.ge [sflag:s31], $0x1000  }
0xd9: {  	[sflag:s31] =	ssyncset.done $0x0  }
0xda: {  	s11 =	sshra.s32 s11, $0x2;
	[sflag:s31] =	ssyncadd.s32 $0xFFFFF000  }
0xdb: {  	[spmem:s2] =	stream.indirect.scatter.add.f32 [tilespmem:s24], [sflag:$0x5], $0x20, s11, s23, $0xb8;
	[tilespmem:$0x1D000] =	vst v63  }
0xdc: {  	_ =	swait.ge [sflag:s1], $0x1000  }
0xdd: {  	[sflag:s1] =	ssyncset.done $0x0  }
0xde: {  	s13 =	sadd.s32 $0x80, s11;
	[sflag:s1] =	ssyncadd.s32 $0xFFFFF000  }
0xdf: {  	[spmem:s2] =	stream.indirect.scatter.add.f32 [tilespmem:s25], [sflag:$0x6], $0x20, s13, s23, $0xb8;
	[tilespmem:$0x1D000] =	vst v63  }
0xe0: {  	_ =	swait.ge [sflag:s21], $0x1000  }
0xe1: {  	[sflag:s21] =	ssyncset.done $0x0  }
0xe2: {  	s13 =	sadd.s32 $0x100, s11;
	[sflag:s21] =	ssyncadd.s32 $0xFFFFF000  }
0xe3: {  	[spmem:s2] =	stream.indirect.scatter.add.f32 [tilespmem:s28], [sflag:$0x7], $0x20, s13, s23, $0xb8;
	[tilespmem:$0x1D000] =	vst v63  }
0xe4: {  	_ =	swait.ge [sflag:s22], $0x1000  }
0xe5: {  	[sflag:s22] =	ssyncset.done $0x0  }
0xe6: {  	s13 =	sadd.s32 $0x180, s11;
	[sflag:s22] =	ssyncadd.s32 $0xFFFFF000  }
0xe7: {  	[spmem:s2] =	stream.indirect.scatter.add.f32 [tilespmem:s30], [sflag:$0x8], $0x20, s13, s23, $0xb8;
	[tilespmem:$0x1D000] =	vst v63  }
0xe8: {  	_ =	swait.ge [sflag:s0], $0x1000  }
0xe9: {  	[sflag:s0] =	ssyncset.done $0x0  }
0xea: {  	s13 =	sadd.s32 $0x5200, s11;
	[sflag:s0] =	ssyncadd.s32 $0xFFFFF000  }
0xeb: {  	[tilespmem:s24], [sflag:$0x1] =	stream.indirect.gather [hbm4b:s12+s23], $0x20, s13, s23, $0xb8;
	[tilespmem:$0x1D000] =	vst v63  }
0xec: {  	_ =	swait.ge [sflag:s5], $0x1000  }
0xed: {  	[sflag:s5] =	ssyncset.done $0x0  }
0xee: {  	s13 =	sadd.s32 $0x5280, s11;
	[sflag:s5] =	ssyncadd.s32 $0xFFFFF000  }
0xef: {  	[tilespmem:s25], [sflag:$0x2] =	stream.indirect.gather [hbm4b:s12+s23], $0x20, s13, s23, $0xb8;
	[tilespmem:$0x1D000] =	vst v63  }
0xf0: {  	_ =	swait.ge [sflag:s6], $0x1000  }
0xf1: {  	[sflag:s6] =	ssyncset.done $0x0  }
.Ltmp2:
0xf2: {  	s13 =	sadd.s32 $0x5300, s11;
	[sflag:s6] =	ssyncadd.s32 $0xFFFFF000;
	(pc) =	sbr.rel @p0 .LBB2_6-.Ltmp2, $4  }
0xf3: {  	[tilespmem:s28], [sflag:$0x3] =	stream.indirect.gather [hbm4b:s12+s23], $0x20, s13, s23, $0xb8;
	[tilespmem:$0x1D000] =	vst v63  }
0xf4: {  	_ =	swait.ge [sflag:s7], $0x1000  }
0xf5: {  	[sflag:s7] =	ssyncset.done $0x0  }
0xf6: {  	s11 =	sadd.s32 $0x5380, s11;
	[sflag:s7] =	ssyncadd.s32 $0xFFFFF000  }
0xf7: {  	[tilespmem:s30], [sflag:$0x4] =	stream.indirect.gather [hbm4b:s12+s23], $0x20, s11, s23, $0xb8;
	[tilespmem:$0x1D000] =	vst v63  }
0xf8: {  	_ =	swait.ge [sflag:s31], $0x1000  }
0xf9: {  	[sflag:s31] =	ssyncset.done $0x0  }
0xfa: {  	s8 =	simm.s32 $0x4E00;
	[sflag:s31] =	ssyncadd.s32 $0xFFFFF000  }
0xfb: {  	[spmem:s2] =	stream.indirect.scatter.add.f32 [tilespmem:s24], [sflag:$0x5], $0x20, s8, s23, $0xb8;
	[tilespmem:$0x1D000] =	vst v63  }
0xfc: {  	_ =	swait.ge [sflag:s1], $0x1000  }
0xfd: {  	[sflag:s1] =	ssyncset.done $0x0  }
0xfe: {  	s26 =	simm.s32 $0x4E80;
	[sflag:s1] =	ssyncadd.s32 $0xFFFFF000  }
0xff: {  	[spmem:s2] =	stream.indirect.scatter.add.f32 [tilespmem:s25], [sflag:$0x6], $0x20, s26, s23, $0xb8;
	[tilespmem:$0x1D000] =	vst v63  }
0x100: {  	_ =	swait.ge [sflag:s21], $0x1000  }
0x101: {  	[sflag:s21] =	ssyncset.done $0x0  }
0x102: {  	s11 =	simm.s32 $0x4F00;
	[sflag:s21] =	ssyncadd.s32 $0xFFFFF000  }
0x103: {  	[spmem:s2] =	stream.indirect.scatter.add.f32 [tilespmem:s28], [sflag:$0x7], $0x20, s11, s23, $0xb8;
	[tilespmem:$0x1D000] =	vst v63  }
0x104: {  	_ =	swait.ge [sflag:s22], $0x1000  }
0x105: {  	[sflag:s22] =	ssyncset.done $0x0  }
0x106: {  	s13 =	simm.s32 $0x4F80;
	[sflag:s22] =	ssyncadd.s32 $0xFFFFF000  }
0x107: {  	[spmem:s2] =	stream.indirect.scatter.add.f32 [tilespmem:s30], [sflag:$0x8], $0x20, s13, s23, $0xb8;
	[tilespmem:$0x1D000] =	vst v63  }
0x108: {  	_ =	swait.ge [sflag:s0], $0x1000  }
0x109: {  	[sflag:s0] =	ssyncset.done $0x0  }
0x10a: {  	[sflag:s0] =	ssyncadd.s32 $0xFFFFF000  }
0x10b: {  	_ =	swait.ge [sflag:s5], $0x1000  }
0x10c: {  	[sflag:s5] =	ssyncset.done $0x0  }
0x10d: {  	[sflag:s5] =	ssyncadd.s32 $0xFFFFF000  }
0x10e: {  	_ =	swait.ge [sflag:s6], $0x1000  }
0x10f: {  	[sflag:s6] =	ssyncset.done $0x0  }
0x110: {  	[sflag:s6] =	ssyncadd.s32 $0xFFFFF000  }
0x111: {  	_ =	swait.ge [sflag:s7], $0x1000  }
0x112: {  	[sflag:s7] =	ssyncset.done $0x0  }
0x113: {  	[sflag:s7] =	ssyncadd.s32 $0xFFFFF000  }
0x114: {  	[bflag:$0x0] =	sbarrier.arrive $0xFFFF  }
0x115: {  	[tilespmem:s29], [sflag:$0x9] =	stream.linear.gather [spmem:s9], $0x5000, $0x38;
	[tilespmem:$0x1D000] =	vst v63  }
0x116: {  	_ =	swait.ge [sflag:s19], $0x5000  }
0x117: {  	[sflag:s19] =	ssyncset.done $0x0  }
0x118: {  	s8 =	simm.s32 $0xE010;
	[sflag:s19] =	ssyncadd.s32 $0xFFFFB000  }
0x119: {  	s26 =	simm.s32 $0x0;
	v0 =	vld [tilespmem:s8+$0xFFFFFFF0]  }
0x11a: {  	v2 =	vld [tilespmem:s26+$0x15800]  }
0x11b: {  	v3 =	vld [tilespmem:s8+$0x0];
	_ =	sdelay $0x4  }
0x11c: {  	s11 =	simm.s32 $0x40;
	s13 =	simm.s32 $0xE010;
	v1 =	vmul.f32 v0, v2;
	v0 =	vmul.f32 v3, v2  }
.LBB2_8:
0x11d: {  	p0 =	sne.s32 s11, $0x9FC0  }
0x11e: {  	[tilespmem:s8+$0xFFFFFFF0] =	vst v1;
	s13 =	sadd.s32 $0x20, s13;
	s26 =	smov.u32 s11;
	s11 =	sadd.s32 $0x40, s11  }
0x11f: {  	s26 =	sshra.s32 s26, $0x2;
	v1 =	vld [tilespmem:s13+$0xFFFFFFF0];
	[tilespmem:s8+$0x0] =	vst v0;
	s8 =	smov.u32 s13  }
0x120: {  	v0 =	vld [tilespmem:s26+$0x15800]  }
0x121: {  	v2 =	vld [tilespmem:s13+$0x0]  }
.Ltmp3:
0x122: {  	(pc) =	sbr.rel @p0 .LBB2_8-.Ltmp3, $3  }
0x123: {  	_ =	sdelay $0x1  }
0x124: {  	v1 =	vmul.f32 v1, v0  }
0x125: {  	v0 =	vmul.f32 v2, v0  }
0x126: {  	[tilespmem:s8+$0xFFFFFFF0] =	vst v1  }
0x127: {  	s26 =	simm.s32 $0x0;
	s11 =	rddreg [dreg:$0x8];
	[tilespmem:s8+$0x0] =	vst v0  }
0x128: {  	[hbm4b:s11+s26] =	stream.linear.scatter [tilespmem:s29], [sflag:$0x9], $0x5000, $0x38;
	[tilespmem:$0x1D000] =	vst v63  }
0x129: {  	_ =	swait.ge [sflag:s19], $0x5000  }
0x12a: {  	[sflag:s19] =	ssyncset.done $0x0  }
0x12b: {  	[sflag:s19] =	ssyncadd.s32 $0xFFFFB000  }
0x12c: {  	[spmem:s18], [sflag:s17] =	dma.local [hbm:s4], $0xA00  }
0x12d: {  	_ =	swait.ge [sflag:s19], $0xA00  }
0x12e: {  	[sflag:s19] =	ssyncset.done $0x0  }
0x12f: {  	[sflag:s19] =	ssyncadd.s32 $0xFFFFF600  }
0x130: {  	[bflag:$0x0] =	sbarrier.arrive $0xFFFF  }
0x131: {  	[tilespmem:s24], [sflag:$0x1] =	stream.indirect.gather [hbm4b:s14+s23], $0x20, s26, s23, $0xb8;
	[tilespmem:$0x1D000] =	vst v63  }
0x132: {  	_ = 	snop  }
0x133: {  	[tilespmem:s25], [sflag:$0x2] =	stream.indirect.gather [hbm4b:s14+s23], $0x20, s23, s23, $0xb8;
	[tilespmem:$0x1D000] =	vst v63  }
0x134: {  	s11 =	simm.s32 $0x100  }
0x135: {  	[tilespmem:s28], [sflag:$0x3] =	stream.indirect.gather [hbm4b:s14+s23], $0x20, s11, s23, $0xb8;
	[tilespmem:$0x1D000] =	vst v63  }
0x136: {  	s13 =	simm.s32 $0x180  }
0x137: {  	[tilespmem:s30], [sflag:$0x4] =	stream.indirect.gather [hbm4b:s14+s23], $0x20, s13, s23, $0xb8;
	[tilespmem:$0x1D000] =	vst v63  }
0x138: {  	_ =	swait.ge [sflag:s31], $0x1000  }
0x139: {  	[sflag:s31] =	ssyncset.done $0x0  }
0x13a: {  	s26 =	simm.s32 $0x5000;
	[sflag:s31] =	ssyncadd.s32 $0xFFFFF000  }
0x13b: {  	[spmem:s2] =	stream.indirect.scatter.add.f32 [tilespmem:s24], [sflag:$0x5], $0x20, s26, s23, $0xb8;
	[tilespmem:$0x1D000] =	vst v63  }
0x13c: {  	_ =	swait.ge [sflag:s1], $0x1000  }
0x13d: {  	[sflag:s1] =	ssyncset.done $0x0  }
0x13e: {  	s11 =	simm.s32 $0x5080;
	[sflag:s1] =	ssyncadd.s32 $0xFFFFF000  }
0x13f: {  	[spmem:s2] =	stream.indirect.scatter.add.f32 [tilespmem:s25], [sflag:$0x6], $0x20, s11, s23, $0xb8;
	[tilespmem:$0x1D000] =	vst v63  }
0x140: {  	_ =	swait.ge [sflag:s21], $0x1000  }
0x141: {  	[sflag:s21] =	ssyncset.done $0x0  }
0x142: {  	s13 =	simm.s32 $0x5100;
	[sflag:s21] =	ssyncadd.s32 $0xFFFFF000  }
0x143: {  	[spmem:s2] =	stream.indirect.scatter.add.f32 [tilespmem:s28], [sflag:$0x7], $0x20, s13, s23, $0xb8;
	[tilespmem:$0x1D000] =	vst v63  }
0x144: {  	_ =	swait.ge [sflag:s22], $0x1000  }
0x145: {  	[sflag:s22] =	ssyncset.done $0x0  }
0x146: {  	s26 =	simm.s32 $0x5180;
	[sflag:s22] =	ssyncadd.s32 $0xFFFFF000  }
0x147: {  	[spmem:s2] =	stream.indirect.scatter.add.f32 [tilespmem:s30], [sflag:$0x8], $0x20, s26, s23, $0xb8;
	[tilespmem:$0x1D000] =	vst v63  }
0x148: {  	_ =	swait.ge [sflag:s0], $0x1000  }
0x149: {  	[sflag:s0] =	ssyncset.done $0x0  }
0x14a: {  	s11 =	simm.s32 $0x200;
	[sflag:s0] =	ssyncadd.s32 $0xFFFFF000  }
0x14b: {  	[tilespmem:s24], [sflag:$0x1] =	stream.indirect.gather [hbm4b:s14+s23], $0x20, s11, s23, $0xb8;
	[tilespmem:$0x1D000] =	vst v63  }
0x14c: {  	_ =	swait.ge [sflag:s5], $0x1000  }
0x14d: {  	[sflag:s5] =	ssyncset.done $0x0  }
0x14e: {  	s13 =	simm.s32 $0x280;
	[sflag:s5] =	ssyncadd.s32 $0xFFFFF000  }
0x14f: {  	[tilespmem:s25], [sflag:$0x2] =	stream.indirect.gather [hbm4b:s14+s23], $0x20, s13, s23, $0xb8;
	[tilespmem:$0x1D000] =	vst v63  }
0x150: {  	_ =	swait.ge [sflag:s6], $0x1000  }
0x151: {  	[sflag:s6] =	ssyncset.done $0x0  }
0x152: {  	s26 =	simm.s32 $0x300;
	[sflag:s6] =	ssyncadd.s32 $0xFFFFF000  }
0x153: {  	[tilespmem:s28], [sflag:$0x3] =	stream.indirect.gather [hbm4b:s14+s23], $0x20, s26, s23, $0xb8;
	[tilespmem:$0x1D000] =	vst v63  }
0x154: {  	_ =	swait.ge [sflag:s7], $0x1000  }
0x155: {  	[sflag:s7] =	ssyncset.done $0x0  }
0x156: {  	s8 =	simm.s32 $0x800;
	s11 =	simm.s32 $0x380;
	[sflag:s7] =	ssyncadd.s32 $0xFFFFF000  }
.LBB2_10:
0x157: {  	[tilespmem:s30], [sflag:$0x4] =	stream.indirect.gather [hbm4b:s14+s23], $0x20, s11, s23, $0xb8;
	[tilespmem:$0x1D000] =	vst v63  }
0x158: {  	s11 =	smov.u32 s8  }
0x159: {  	p0 =	sne.s32 s8, $0x13000;
	s8 =	sadd.s32 $0x800, s8;
	_ =	swait.ge [sflag:s31], $0x1000  }
0x15a: {  	s11 =	sshra.s32 s11, $0x2;
	[sflag:s31] =	ssyncset.done $0x0  }
0x15b: {  	s13 =	sadd.s32 $0x5000, s11;
	[sflag:s31] =	ssyncadd.s32 $0xFFFFF000  }
0x15c: {  	[spmem:s2] =	stream.indirect.scatter.add.f32 [tilespmem:s24], [sflag:$0x5], $0x20, s13, s23, $0xb8;
	[tilespmem:$0x1D000] =	vst v63  }
0x15d: {  	_ =	swait.ge [sflag:s1], $0x1000  }
0x15e: {  	[sflag:s1] =	ssyncset.done $0x0  }
0x15f: {  	s13 =	sadd.s32 $0x5080, s11;
	[sflag:s1] =	ssyncadd.s32 $0xFFFFF000  }
0x160: {  	[spmem:s2] =	stream.indirect.scatter.add.f32 [tilespmem:s25], [sflag:$0x6], $0x20, s13, s23, $0xb8;
	[tilespmem:$0x1D000] =	vst v63  }
0x161: {  	_ =	swait.ge [sflag:s21], $0x1000  }
0x162: {  	[sflag:s21] =	ssyncset.done $0x0  }
0x163: {  	s13 =	sadd.s32 $0x5100, s11;
	[sflag:s21] =	ssyncadd.s32 $0xFFFFF000  }
0x164: {  	[spmem:s2] =	stream.indirect.scatter.add.f32 [tilespmem:s28], [sflag:$0x7], $0x20, s13, s23, $0xb8;
	[tilespmem:$0x1D000] =	vst v63  }
0x165: {  	_ =	swait.ge [sflag:s22], $0x1000  }
0x166: {  	[sflag:s22] =	ssyncset.done $0x0  }
0x167: {  	s13 =	sadd.s32 $0x5180, s11;
	[sflag:s22] =	ssyncadd.s32 $0xFFFFF000  }
0x168: {  	[spmem:s2] =	stream.indirect.scatter.add.f32 [tilespmem:s30], [sflag:$0x8], $0x20, s13, s23, $0xb8;
	[tilespmem:$0x1D000] =	vst v63  }
0x169: {  	_ =	swait.ge [sflag:s0], $0x1000  }
0x16a: {  	[sflag:s0] =	ssyncset.done $0x0  }
0x16b: {  	s13 =	sadd.s32 $0x200, s11;
	[sflag:s0] =	ssyncadd.s32 $0xFFFFF000  }
0x16c: {  	[tilespmem:s24], [sflag:$0x1] =	stream.indirect.gather [hbm4b:s14+s23], $0x20, s13, s23, $0xb8;
	[tilespmem:$0x1D000] =	vst v63  }
0x16d: {  	_ =	swait.ge [sflag:s5], $0x1000  }
0x16e: {  	[sflag:s5] =	ssyncset.done $0x0  }
0x16f: {  	s13 =	sadd.s32 $0x280, s11;
	[sflag:s5] =	ssyncadd.s32 $0xFFFFF000  }
0x170: {  	[tilespmem:s25], [sflag:$0x2] =	stream.indirect.gather [hbm4b:s14+s23], $0x20, s13, s23, $0xb8;
	[tilespmem:$0x1D000] =	vst v63  }
0x171: {  	_ =	swait.ge [sflag:s6], $0x1000  }
0x172: {  	[sflag:s6] =	ssyncset.done $0x0  }
.Ltmp4:
0x173: {  	s13 =	sadd.s32 $0x300, s11;
	[sflag:s6] =	ssyncadd.s32 $0xFFFFF000;
	(pc) =	sbr.rel @p0 .LBB2_10-.Ltmp4, $4  }
0x174: {  	[tilespmem:s28], [sflag:$0x3] =	stream.indirect.gather [hbm4b:s14+s23], $0x20, s13, s23, $0xb8;
	[tilespmem:$0x1D000] =	vst v63  }
0x175: {  	_ =	swait.ge [sflag:s7], $0x1000  }
0x176: {  	[sflag:s7] =	ssyncset.done $0x0  }
0x177: {  	s11 =	sadd.s32 $0x380, s11;
	[sflag:s7] =	ssyncadd.s32 $0xFFFFF000  }
0x178: {  	[tilespmem:s30], [sflag:$0x4] =	stream.indirect.gather [hbm4b:s14+s23], $0x20, s11, s23, $0xb8;
	[tilespmem:$0x1D000] =	vst v63  }
0x179: {  	_ =	swait.ge [sflag:s31], $0x1000  }
0x17a: {  	[sflag:s31] =	ssyncset.done $0x0  }
0x17b: {  	s8 =	simm.s32 $0x9E00;
	[sflag:s31] =	ssyncadd.s32 $0xFFFFF000  }
0x17c: {  	[spmem:s2] =	stream.indirect.scatter.add.f32 [tilespmem:s24], [sflag:$0x5], $0x20, s8, s23, $0xb8;
	[tilespmem:$0x1D000] =	vst v63  }
0x17d: {  	_ =	swait.ge [sflag:s1], $0x1000  }
0x17e: {  	[sflag:s1] =	ssyncset.done $0x0  }
0x17f: {  	s26 =	simm.s32 $0x9E80;
	[sflag:s1] =	ssyncadd.s32 $0xFFFFF000  }
0x180: {  	[spmem:s2] =	stream.indirect.scatter.add.f32 [tilespmem:s25], [sflag:$0x6], $0x20, s26, s23, $0xb8;
	[tilespmem:$0x1D000] =	vst v63  }
0x181: {  	_ =	swait.ge [sflag:s21], $0x1000  }
0x182: {  	[sflag:s21] =	ssyncset.done $0x0  }
0x183: {  	s11 =	simm.s32 $0x9F00;
	[sflag:s21] =	ssyncadd.s32 $0xFFFFF000  }
0x184: {  	[spmem:s2] =	stream.indirect.scatter.add.f32 [tilespmem:s28], [sflag:$0x7], $0x20, s11, s23, $0xb8;
	[tilespmem:$0x1D000] =	vst v63  }
0x185: {  	_ =	swait.ge [sflag:s22], $0x1000  }
0x186: {  	[sflag:s22] =	ssyncset.done $0x0  }
0x187: {  	s13 =	simm.s32 $0x9F80;
	[sflag:s22] =	ssyncadd.s32 $0xFFFFF000  }
0x188: {  	[spmem:s2] =	stream.indirect.scatter.add.f32 [tilespmem:s30], [sflag:$0x8], $0x20, s13, s23, $0xb8;
	[tilespmem:$0x1D000] =	vst v63  }
0x189: {  	_ =	swait.ge [sflag:s0], $0x1000  }
0x18a: {  	[sflag:s0] =	ssyncset.done $0x0  }
0x18b: {  	[sflag:s0] =	ssyncadd.s32 $0xFFFFF000  }
0x18c: {  	_ =	swait.ge [sflag:s5], $0x1000  }
0x18d: {  	[sflag:s5] =	ssyncset.done $0x0  }
0x18e: {  	[sflag:s5] =	ssyncadd.s32 $0xFFFFF000  }
0x18f: {  	_ =	swait.ge [sflag:s6], $0x1000  }
0x190: {  	[sflag:s6] =	ssyncset.done $0x0  }
0x191: {  	[sflag:s6] =	ssyncadd.s32 $0xFFFFF000  }
0x192: {  	_ =	swait.ge [sflag:s7], $0x1000  }
0x193: {  	[sflag:s7] =	ssyncset.done $0x0  }
0x194: {  	[sflag:s7] =	ssyncadd.s32 $0xFFFFF000  }
0x195: {  	[bflag:$0x0] =	sbarrier.arrive $0xFFFF  }
0x196: {  	[tilespmem:s29], [sflag:$0x9] =	stream.linear.gather [spmem:s9], $0x5000, $0x38;
	[tilespmem:$0x1D000] =	vst v63  }
0x197: {  	_ =	swait.ge [sflag:s19], $0x5000  }
0x198: {  	[sflag:s19] =	ssyncset.done $0x0  }
0x199: {  	s8 =	simm.s32 $0xE010;
	[sflag:s19] =	ssyncadd.s32 $0xFFFFB000  }
0x19a: {  	s26 =	simm.s32 $0x0;
	v0 =	vld [tilespmem:s8+$0xFFFFFFF0]  }
0x19b: {  	v2 =	vld [tilespmem:s26+$0x13000]  }
0x19c: {  	v3 =	vld [tilespmem:s8+$0x0];
	_ =	sdelay $0x4  }
0x19d: {  	s11 =	simm.s32 $0x40;
	s13 =	simm.s32 $0xE010;
	v1 =	vmul.f32 v0, v2;
	v0 =	vmul.f32 v3, v2  }
.LBB2_12:
0x19e: {  	p0 =	sne.s32 s11, $0x9FC0  }
0x19f: {  	[tilespmem:s8+$0xFFFFFFF0] =	vst v1;
	s13 =	sadd.s32 $0x20, s13;
	s26 =	smov.u32 s11;
	s11 =	sadd.s32 $0x40, s11  }
0x1a0: {  	s26 =	sshra.s32 s26, $0x2;
	v1 =	vld [tilespmem:s13+$0xFFFFFFF0];
	[tilespmem:s8+$0x0] =	vst v0;
	s8 =	smov.u32 s13  }
0x1a1: {  	v0 =	vld [tilespmem:s26+$0x13000]  }
0x1a2: {  	v2 =	vld [tilespmem:s13+$0x0]  }
.Ltmp5:
0x1a3: {  	(pc) =	sbr.rel @p0 .LBB2_12-.Ltmp5, $3  }
0x1a4: {  	_ =	sdelay $0x1  }
0x1a5: {  	v1 =	vmul.f32 v1, v0  }
0x1a6: {  	v0 =	vmul.f32 v2, v0  }
0x1a7: {  	[tilespmem:s8+$0xFFFFFFF0] =	vst v1  }
0x1a8: {  	s26 =	simm.s32 $0x0;
	s11 =	rddreg [dreg:$0x9];
	[tilespmem:s8+$0x0] =	vst v0  }
0x1a9: {  	[hbm4b:s11+s26] =	stream.linear.scatter [tilespmem:s29], [sflag:$0x9], $0x5000, $0x38;
	[tilespmem:$0x1D000] =	vst v63  }
0x1aa: {  	_ =	swait.ge [sflag:s19], $0x5000  }
0x1ab: {  	[sflag:s19] =	ssyncset.done $0x0  }
0x1ac: {  	[sflag:s19] =	ssyncadd.s32 $0xFFFFB000  }
0x1ad: {  	[spmem:s18], [sflag:s17] =	dma.local [hbm:s4], $0xA00  }
0x1ae: {  	_ =	swait.ge [sflag:s19], $0xA00  }
0x1af: {  	[sflag:s19] =	ssyncset.done $0x0  }
0x1b0: {  	[sflag:s19] =	ssyncadd.s32 $0xFFFFF600  }
0x1b1: {  	[bflag:$0x0] =	sbarrier.arrive $0xFFFF  }
0x1b2: {  	[tilespmem:s24], [sflag:$0x1] =	stream.indirect.gather [hbm4b:s16+s23], $0x20, s20, s23, $0xb8;
	[tilespmem:$0x1D000] =	vst v63  }
0x1b3: {  	s11 =	simm.s32 $0x5080  }
0x1b4: {  	[tilespmem:s25], [sflag:$0x2] =	stream.indirect.gather [hbm4b:s16+s23], $0x20, s11, s23, $0xb8;
	[tilespmem:$0x1D000] =	vst v63  }
0x1b5: {  	s13 =	simm.s32 $0x5100  }
0x1b6: {  	[tilespmem:s28], [sflag:$0x3] =	stream.indirect.gather [hbm4b:s16+s23], $0x20, s13, s23, $0xb8;
	[tilespmem:$0x1D000] =	vst v63  }
0x1b7: {  	s17 =	simm.s32 $0x5180  }
0x1b8: {  	[tilespmem:s30], [sflag:$0x4] =	stream.indirect.gather [hbm4b:s16+s23], $0x20, s17, s23, $0xb8;
	[tilespmem:$0x1D000] =	vst v63  }
0x1b9: {  	_ =	swait.ge [sflag:s31], $0x1000  }
0x1ba: {  	[sflag:s31] =	ssyncset.done $0x0  }
0x1bb: {  	s18 =	simm.s32 $0x0;
	[sflag:s31] =	ssyncadd.s32 $0xFFFFF000  }
0x1bc: {  	[spmem:s2] =	stream.indirect.scatter.add.f32 [tilespmem:s24], [sflag:$0x5], $0x20, s18, s23, $0xb8;
	[tilespmem:$0x1D000] =	vst v63  }
0x1bd: {  	_ =	swait.ge [sflag:s1], $0x1000  }
0x1be: {  	[sflag:s1] =	ssyncset.done $0x0  }
0x1bf: {  	s26 =	simm.s32 $0x80;
	[sflag:s1] =	ssyncadd.s32 $0xFFFFF000  }
0x1c0: {  	[spmem:s2] =	stream.indirect.scatter.add.f32 [tilespmem:s25], [sflag:$0x6], $0x20, s26, s23, $0xb8;
	[tilespmem:$0x1D000] =	vst v63  }
0x1c1: {  	_ =	swait.ge [sflag:s21], $0x1000  }
0x1c2: {  	[sflag:s21] =	ssyncset.done $0x0  }
0x1c3: {  	s11 =	simm.s32 $0x100;
	[sflag:s21] =	ssyncadd.s32 $0xFFFFF000  }
0x1c4: {  	[spmem:s2] =	stream.indirect.scatter.add.f32 [tilespmem:s28], [sflag:$0x7], $0x20, s11, s23, $0xb8;
	[tilespmem:$0x1D000] =	vst v63  }
0x1c5: {  	_ =	swait.ge [sflag:s22], $0x1000  }
0x1c6: {  	[sflag:s22] =	ssyncset.done $0x0  }
0x1c7: {  	s13 =	simm.s32 $0x180;
	[sflag:s22] =	ssyncadd.s32 $0xFFFFF000  }
0x1c8: {  	[spmem:s2] =	stream.indirect.scatter.add.f32 [tilespmem:s30], [sflag:$0x8], $0x20, s13, s23, $0xb8;
	[tilespmem:$0x1D000] =	vst v63  }
0x1c9: {  	_ =	swait.ge [sflag:s0], $0x1000  }
0x1ca: {  	[sflag:s0] =	ssyncset.done $0x0  }
0x1cb: {  	s17 =	simm.s32 $0x5200;
	[sflag:s0] =	ssyncadd.s32 $0xFFFFF000  }
0x1cc: {  	[tilespmem:s24], [sflag:$0x1] =	stream.indirect.gather [hbm4b:s16+s23], $0x20, s17, s23, $0xb8;
	[tilespmem:$0x1D000] =	vst v63  }
0x1cd: {  	_ =	swait.ge [sflag:s5], $0x1000  }
0x1ce: {  	[sflag:s5] =	ssyncset.done $0x0  }
0x1cf: {  	s18 =	simm.s32 $0x5280;
	[sflag:s5] =	ssyncadd.s32 $0xFFFFF000  }
0x1d0: {  	[tilespmem:s25], [sflag:$0x2] =	stream.indirect.gather [hbm4b:s16+s23], $0x20, s18, s23, $0xb8;
	[tilespmem:$0x1D000] =	vst v63  }
0x1d1: {  	_ =	swait.ge [sflag:s6], $0x1000  }
0x1d2: {  	[sflag:s6] =	ssyncset.done $0x0  }
0x1d3: {  	s26 =	simm.s32 $0x5300;
	[sflag:s6] =	ssyncadd.s32 $0xFFFFF000  }
0x1d4: {  	[tilespmem:s28], [sflag:$0x3] =	stream.indirect.gather [hbm4b:s16+s23], $0x20, s26, s23, $0xb8;
	[tilespmem:$0x1D000] =	vst v63  }
0x1d5: {  	_ =	swait.ge [sflag:s7], $0x1000  }
0x1d6: {  	[sflag:s7] =	ssyncset.done $0x0  }
0x1d7: {  	s8 =	simm.s32 $0x800;
	s11 =	simm.s32 $0x5380;
	[sflag:s7] =	ssyncadd.s32 $0xFFFFF000  }
.LBB2_14:
0x1d8: {  	[tilespmem:s30], [sflag:$0x4] =	stream.indirect.gather [hbm4b:s16+s23], $0x20, s11, s23, $0xb8;
	[tilespmem:$0x1D000] =	vst v63  }
0x1d9: {  	s11 =	smov.u32 s8  }
0x1da: {  	p0 =	sne.s32 s8, $0x13000;
	s8 =	sadd.s32 $0x800, s8;
	_ =	swait.ge [sflag:s31], $0x1000  }
0x1db: {  	[sflag:s31] =	ssyncset.done $0x0  }
0x1dc: {  	s11 =	sshra.s32 s11, $0x2;
	[sflag:s31] =	ssyncadd.s32 $0xFFFFF000  }
0x1dd: {  	[spmem:s2] =	stream.indirect.scatter.add.f32 [tilespmem:s24], [sflag:$0x5], $0x20, s11, s23, $0xb8;
	[tilespmem:$0x1D000] =	vst v63  }
0x1de: {  	_ =	swait.ge [sflag:s1], $0x1000  }
0x1df: {  	[sflag:s1] =	ssyncset.done $0x0  }
0x1e0: {  	s13 =	sadd.s32 $0x80, s11;
	[sflag:s1] =	ssyncadd.s32 $0xFFFFF000  }
0x1e1: {  	[spmem:s2] =	stream.indirect.scatter.add.f32 [tilespmem:s25], [sflag:$0x6], $0x20, s13, s23, $0xb8;
	[tilespmem:$0x1D000] =	vst v63  }
0x1e2: {  	_ =	swait.ge [sflag:s21], $0x1000  }
0x1e3: {  	[sflag:s21] =	ssyncset.done $0x0  }
0x1e4: {  	s13 =	sadd.s32 $0x100, s11;
	[sflag:s21] =	ssyncadd.s32 $0xFFFFF000  }
0x1e5: {  	[spmem:s2] =	stream.indirect.scatter.add.f32 [tilespmem:s28], [sflag:$0x7], $0x20, s13, s23, $0xb8;
	[tilespmem:$0x1D000] =	vst v63  }
0x1e6: {  	_ =	swait.ge [sflag:s22], $0x1000  }
0x1e7: {  	[sflag:s22] =	ssyncset.done $0x0  }
0x1e8: {  	s13 =	sadd.s32 $0x180, s11;
	[sflag:s22] =	ssyncadd.s32 $0xFFFFF000  }
0x1e9: {  	[spmem:s2] =	stream.indirect.scatter.add.f32 [tilespmem:s30], [sflag:$0x8], $0x20, s13, s23, $0xb8;
	[tilespmem:$0x1D000] =	vst v63  }
0x1ea: {  	_ =	swait.ge [sflag:s0], $0x1000  }
0x1eb: {  	[sflag:s0] =	ssyncset.done $0x0  }
0x1ec: {  	s13 =	sadd.s32 $0x5200, s11;
	[sflag:s0] =	ssyncadd.s32 $0xFFFFF000  }
0x1ed: {  	[tilespmem:s24], [sflag:$0x1] =	stream.indirect.gather [hbm4b:s16+s23], $0x20, s13, s23, $0xb8;
	[tilespmem:$0x1D000] =	vst v63  }
0x1ee: {  	_ =	swait.ge [sflag:s5], $0x1000  }
0x1ef: {  	[sflag:s5] =	ssyncset.done $0x0  }
0x1f0: {  	s13 =	sadd.s32 $0x5280, s11;
	[sflag:s5] =	ssyncadd.s32 $0xFFFFF000  }
0x1f1: {  	[tilespmem:s25], [sflag:$0x2] =	stream.indirect.gather [hbm4b:s16+s23], $0x20, s13, s23, $0xb8;
	[tilespmem:$0x1D000] =	vst v63  }
0x1f2: {  	_ =	swait.ge [sflag:s6], $0x1000  }
0x1f3: {  	[sflag:s6] =	ssyncset.done $0x0  }
.Ltmp6:
0x1f4: {  	s13 =	sadd.s32 $0x5300, s11;
	[sflag:s6] =	ssyncadd.s32 $0xFFFFF000;
	(pc) =	sbr.rel @p0 .LBB2_14-.Ltmp6, $4  }
0x1f5: {  	[tilespmem:s28], [sflag:$0x3] =	stream.indirect.gather [hbm4b:s16+s23], $0x20, s13, s23, $0xb8;
	[tilespmem:$0x1D000] =	vst v63  }
0x1f6: {  	_ =	swait.ge [sflag:s7], $0x1000  }
0x1f7: {  	[sflag:s7] =	ssyncset.done $0x0  }
0x1f8: {  	s11 =	sadd.s32 $0x5380, s11;
	[sflag:s7] =	ssyncadd.s32 $0xFFFFF000  }
0x1f9: {  	[tilespmem:s30], [sflag:$0x4] =	stream.indirect.gather [hbm4b:s16+s23], $0x20, s11, s23, $0xb8;
	[tilespmem:$0x1D000] =	vst v63  }
0x1fa: {  	_ =	swait.ge [sflag:s31], $0x1000  }
0x1fb: {  	[sflag:s31] =	ssyncset.done $0x0  }
0x1fc: {  	s8 =	simm.s32 $0x4E00;
	[sflag:s31] =	ssyncadd.s32 $0xFFFFF000  }
0x1fd: {  	[spmem:s2] =	stream.indirect.scatter.add.f32 [tilespmem:s24], [sflag:$0x5], $0x20, s8, s23, $0xb8;
	[tilespmem:$0x1D000] =	vst v63  }
0x1fe: {  	_ =	swait.ge [sflag:s1], $0x1000  }
0x1ff: {  	[sflag:s1] =	ssyncset.done $0x0  }
0x200: {  	s13 =	simm.s32 $0x4E80;
	[sflag:s1] =	ssyncadd.s32 $0xFFFFF000  }
0x201: {  	[spmem:s2] =	stream.indirect.scatter.add.f32 [tilespmem:s25], [sflag:$0x6], $0x20, s13, s23, $0xb8;
	[tilespmem:$0x1D000] =	vst v63  }
0x202: {  	_ =	swait.ge [sflag:s21], $0x1000  }
0x203: {  	[sflag:s21] =	ssyncset.done $0x0  }
0x204: {  	s17 =	simm.s32 $0x4F00;
	[sflag:s21] =	ssyncadd.s32 $0xFFFFF000  }
0x205: {  	[spmem:s2] =	stream.indirect.scatter.add.f32 [tilespmem:s28], [sflag:$0x7], $0x20, s17, s23, $0xb8;
	[tilespmem:$0x1D000] =	vst v63  }
0x206: {  	_ =	swait.ge [sflag:s22], $0x1000  }
0x207: {  	[sflag:s22] =	ssyncset.done $0x0  }
0x208: {  	s18 =	simm.s32 $0x4F80;
	[sflag:s22] =	ssyncadd.s32 $0xFFFFF000  }
0x209: {  	[spmem:s2] =	stream.indirect.scatter.add.f32 [tilespmem:s30], [sflag:$0x8], $0x20, s18, s23, $0xb8;
	[tilespmem:$0x1D000] =	vst v63  }
0x20a: {  	_ =	swait.ge [sflag:s0], $0x1000  }
0x20b: {  	[sflag:s0] =	ssyncset.done $0x0  }
0x20c: {  	[sflag:s0] =	ssyncadd.s32 $0xFFFFF000  }
0x20d: {  	_ =	swait.ge [sflag:s5], $0x1000  }
0x20e: {  	[sflag:s5] =	ssyncset.done $0x0  }
0x20f: {  	[sflag:s5] =	ssyncadd.s32 $0xFFFFF000  }
0x210: {  	_ =	swait.ge [sflag:s6], $0x1000  }
0x211: {  	[sflag:s6] =	ssyncset.done $0x0  }
0x212: {  	[sflag:s6] =	ssyncadd.s32 $0xFFFFF000  }
0x213: {  	_ =	swait.ge [sflag:s7], $0x1000  }
0x214: {  	[sflag:s7] =	ssyncset.done $0x0  }
0x215: {  	[sflag:s7] =	ssyncadd.s32 $0xFFFFF000  }
0x216: {  	[bflag:$0x0] =	sbarrier.arrive $0xFFFF  }
0x217: {  	[tilespmem:s29], [sflag:$0x9] =	stream.linear.gather [spmem:s9], $0x5000, $0x38;
	[tilespmem:$0x1D000] =	vst v63  }
0x218: {  	_ =	swait.ge [sflag:s19], $0x5000  }
0x219: {  	[sflag:s19] =	ssyncset.done $0x0  }
0x21a: {  	s8 =	simm.s32 $0xE010;
	[sflag:s19] =	ssyncadd.s32 $0xFFFFB000  }
0x21b: {  	s26 =	simm.s32 $0x0;
	v0 =	vld [tilespmem:s8+$0xFFFFFFF0]  }
0x21c: {  	v2 =	vld [tilespmem:s26+$0x15800]  }
0x21d: {  	v3 =	vld [tilespmem:s8+$0x0];
	_ =	sdelay $0x4  }
0x21e: {  	s11 =	simm.s32 $0x40;
	s13 =	simm.s32 $0xE010;
	v1 =	vmul.f32 v0, v2;
	v0 =	vmul.f32 v3, v2  }
.LBB2_16:
0x21f: {  	p0 =	sne.s32 s11, $0x9FC0  }
0x220: {  	[tilespmem:s8+$0xFFFFFFF0] =	vst v1;
	s13 =	sadd.s32 $0x20, s13;
	s17 =	smov.u32 s11;
	s11 =	sadd.s32 $0x40, s11  }
0x221: {  	s17 =	sshra.s32 s17, $0x2;
	v1 =	vld [tilespmem:s13+$0xFFFFFFF0];
	[tilespmem:s8+$0x0] =	vst v0;
	s8 =	smov.u32 s13  }
0x222: {  	v0 =	vld [tilespmem:s17+$0x15800]  }
0x223: {  	v2 =	vld [tilespmem:s13+$0x0]  }
.Ltmp7:
0x224: {  	(pc) =	sbr.rel @p0 .LBB2_16-.Ltmp7, $3  }
0x225: {  	_ =	sdelay $0x1  }
0x226: {  	v1 =	vmul.f32 v1, v0  }
0x227: {  	v0 =	vmul.f32 v2, v0  }
0x228: {  	[tilespmem:s8+$0xFFFFFFF0] =	vst v1  }
0x229: {  	s18 =	rddreg [dreg:$0xa];
	[tilespmem:s8+$0x0] =	vst v0  }
0x22a: {  	[hbm4b:s18+s3] =	stream.linear.scatter [tilespmem:s29], [sflag:$0x9], $0x5000, $0x38;
	[tilespmem:$0x1D000] =	vst v63  }
0x22b: {  	_ =	swait.ge [sflag:s19], $0x5000  }
0x22c: {  	s15 =	sadd.s32 $0x1, s15;
	s26 =	rddreg [dreg:$0xb]  }
0x22d: {  	p0 =	sne.s32 s15, s26  }
.Ltmp8:
0x22e: {  	_ = 	snop;
	(pc) =	sbr.rel @p0 .LBB2_1-.Ltmp8, $3  }
0x22f: {  	_ =	sdelay $0x1  }
0x230: {  	[sflag:s19] =	ssyncset.done $0x0  }
0x231: {  	[sflag:s19] =	ssyncadd.s32 $0xFFFFB000  }
0x232: {  	_ =	sfence.sel $0x180000  }
0x233: {  	[bflag:$0x0] =	sbarrier.arrive $0xFFFF  }
0x234: {  	_ =	strace $0x9000004A  }
0x235: {  	s0 =	stileid.u32;
	[bflag:$0x2] =	sbarrier.arrive $0xFFFF  }
0x236: {  	p0 =	sne.s32 s0, $0x0;
	s0 =	rddreg [dreg:$0x2]  }
0x237: {  	s0 =	sadd.s32 @!p0 $0x100000, s0  }
0x238: {  	[sflag:s0] =	ssyncadd.tile.s32 @!p0 $0x1;
	_ =	shalt  }
.Lfunc_end2:
_tile_overlayer_lowered:
.L_overlay_start_2:
0x239: {  	(tag) =	ssettag $0x2  }
0x23a: {  	s0 =	rddreg [dreg:$0x0];
	s2 =	stileid.u32  }
0x23b: {  	s1 =	rddreg [dreg:$0x1];
	p0 =	sne.s32 s2, $0x0  }
0x23c: {  	s3 =	rddreg [dreg:$0x2];
	[bflag:$0x3] =	sbarrier.arrive $0xFFFF;
	s2 =	simm.s32 @!p0 $0x1C09  }
0x23d: {  	[timem:s3], [sflag:s2] =	dma.local @!p0 [hbm:s0], s1  }
0x23e: {  	s0 =	simm.s32 @!p0 $0x9  }
0x23f: {  	_ =	swait.ge @!p0 [sflag:s0], s1  }
0x240: {  	s1 =	ssub.s32 @!p0 $0x0, s1;
	[sflag:s0] =	ssyncset.done @!p0 $0x0  }
0x241: {  	[sflag:s0] =	ssyncadd.s32 @!p0 s1  }
0x242: {  	[bflag:$0x3] =	sbarrier.arrive $0xFFFF  }
0x243: {  	_ =	shalt  }

// kernel: kernel.14.cloned.1.call-start
scs
__scs_entry_jumppad:
0x0: {  	(pc) =	sbr.rel $0x88, $3  }
0x1: {  	(tag) =	ssettag $0x0;
	lr =	simm.s32 $0x1  }
0x2: {  	[smem:$0x3F95] =	sst lr;
	_ =	strace $0xD0000000  }
0x3: {  	_ = 	snop  }
0x4: {  	_ = 	snop  }
0x5: {  	_ = 	snop  }
0x6: {  	_ = 	snop  }
0x7: {  	_ = 	snop  }
__scs_overlays_trampoline_lowered:
0x8: {  	[smem:$0x3FA4] =	sst s0  }
0x9: {  	[smem:$0x3FA5] =	sst s1  }
0xa: {  	[smem:$0x3FA6] =	sst s2  }
0xb: {  	[smem:$0x3FA7] =	sst s3  }
0xc: {  	[smem:$0x3FA8] =	sst s4  }
0xd: {  	[smem:$0x3FA9] =	sst s5  }
0xe: {  	[smem:$0x3FAA] =	sst s6  }
0xf: {  	[smem:$0x3FAB] =	sst s7  }
0x10: {  	[smem:$0x3FAC] =	sst s8  }
0x11: {  	[smem:$0x3FAD] =	sst s9;
	s0 =	simm.s32 @!p0 $0x0  }
0x12: {  	s1 =	sld [smem:$0x3F93];
	s0 =	simm.s32 @p0 $0x1  }
0x13: {  	[smem:$0x3FAE] =	sst s0;
	s0 =	simm.s32 @!p1 $0x0  }
0x14: {  	s2 =	sld [smem:$0x3F92];
	s0 =	simm.s32 @p1 $0x1  }
0x15: {  	[smem:$0x3FAF] =	sst s0;
	s0 =	simm.s32 @!p2 $0x0  }
0x16: {  	s3 =	sld [smem:$0x3FDB];
	s0 =	simm.s32 @p2 $0x1  }
0x17: {  	s4 =	simm.s32 $0x1BF5;
	[smem:$0x3FB1] =	sst s0  }
0x18: {  	s0 =	sld [smem:$0x3F94];
	_ =	swait.ge [sflag:s4], $0x0  }
0x19: {  	s7 =	sld [smem:$0x3F95]  }
0x1a: {  	s8 =	sadd.s32 $0xFFFFE003, lr  }
0x1b: {  	s9 =	sadd.s32 $0xFFFFFEF7, lr;
	s5 =	simm.s32 $0xFFFFFFFF;
	p2 =	slt.u32 s8, $0xFFFFF086  }
0x1c: {  	p1 =	slt.u32 s9, $0xF7A;
	s5 =	simm.s32 @!p2 $0x0  }
0x1d: {  	s5 =	simm.s32 @p1 $0x1;
	p0 =	seq.s32 s7, s2  }
0x1e: {  	s7 =	smul.u32 @!p0 $0xF7A, s2;
	p2 =	seq.s32 @!p0 s5, $0x0  }
0x1f: {  	s9 =	smul.u32 $0xF7A, s1;
	s8 =	simm.s32 @!p0 $0x1BF5;
	p2 =	por !p2, p0  }
0x20: {  	[sflag:s8] =	ssyncset.s32 @!p0 $0xFFFFF086;
	s6 =	sadd.s32 @!p0 s3, s7;
	s7 =	simm.s32 @!p0 $0x108  }
0x21: {  	s3 =	sadd.s32 s3, s9;
	s6 =	sadd.s32 @!p0 $0x88, s6;
	s7 =	simm.s32 @p2 $0x1082  }
0x22: {  	[simem:s7], [sflag:s8] =	dma.local @!p0 [hbm:s6], $0xF7A  }
0x23: {  	s9 =	sor.u32 $0xD0000000, s2;
	s6 =	simm.s32 $0x108;
	_ =	swait.ge @!p0 [sflag:s8], $0x0  }
0x24: {  	s3 =	sadd.s32 $0x88, s3;
	s6 =	simm.s32 @!p1 $0x1082;
	[sflag:s4] =	ssyncset.s32 $0xFFFFF086  }
0x25: {  	[simem:s6], [sflag:s4] =	dma.local [hbm:s3], $0xF7A  }
0x26: {  	[smem:$0x3F95] =	sst s1;
	(tag) =	ssettag s2;
	_ =	strace s9  }
0x27: {  	s1 =	sld [smem:$0x3FA5]  }
0x28: {  	s2 =	sld [smem:$0x3FA6]  }
0x29: {  	s4 =	sld [smem:$0x3FA8]  }
0x2a: {  	p0 =	seq.s32 s5, $0x0;
	s5 =	sld [smem:$0x3FA9]  }
0x2b: {  	s6 =	sld [smem:$0x3FAA]  }
0x2c: {  	s7 =	sld [smem:$0x3FAB]  }
0x2d: {  	s3 =	simm.s32 $0x108;
	s8 =	sld [smem:$0x3FAC]  }
0x2e: {  	s3 =	simm.s32 @!p0 $0x1082;
	s9 =	sld [smem:$0x3FAD]  }
0x2f: {  	lr =	sadd.s32 s0, s3;
	s0 =	sld [smem:$0x3FA4]  }
0x30: {  	s3 =	sld [smem:$0x3FA7]  }
0x31: {  	[smem:$0x3FB0] =	sst s10  }
0x32: {  	s10 =	sld [smem:$0x3FAE];
	_ =	sdelay $0x3  }
0x33: {  	p0 =	seq.s32 s10, $0x1;
	s10 =	sld [smem:$0x3FB0];
	_ =	sdelay $0x3  }
0x34: {  	[smem:$0x3FB0] =	sst s10  }
0x35: {  	s10 =	sld [smem:$0x3FAF];
	_ =	sdelay $0x3  }
0x36: {  	p1 =	seq.s32 s10, $0x1;
	s10 =	sld [smem:$0x3FB0];
	_ =	sdelay $0x3  }
0x37: {  	[smem:$0x3FB0] =	sst s10  }
0x38: {  	s10 =	sld [smem:$0x3FB1]  }
0x39: {  	_ = 	snop;
	(pc) =	sbr.ind lr, $3  }
0x3a: {  	_ = 	snop  }
0x3b: {  	_ = 	snop  }
0x3c: {  	p2 =	seq.s32 s10, $0x1;
	s10 =	sld [smem:$0x3FB0]  }
0x3d: {  	_ =	shalt  }
0x3e: {  	_ =	shalt  }
0x3f: {  	_ =	shalt  }
0x40: {  	_ =	shalt  }
0x41: {  	_ =	shalt  }
0x42: {  	_ =	shalt  }
0x43: {  	_ =	shalt  }
0x44: {  	_ =	shalt  }
0x45: {  	_ =	shalt  }
0x46: {  	_ =	shalt  }
0x47: {  	_ =	shalt  }
0x48: {  	_ =	shalt  }
0x49: {  	_ =	shalt  }
0x4a: {  	_ =	shalt  }
0x4b: {  	_ =	shalt  }
0x4c: {  	_ =	shalt  }
0x4d: {  	_ =	shalt  }
0x4e: {  	_ =	shalt  }
0x4f: {  	_ =	shalt  }
0x50: {  	_ =	shalt  }
0x51: {  	_ =	shalt  }
0x52: {  	_ =	shalt  }
0x53: {  	_ =	shalt  }
0x54: {  	_ =	shalt  }
0x55: {  	_ =	shalt  }
0x56: {  	_ =	shalt  }
0x57: {  	_ =	shalt  }
0x58: {  	_ =	shalt  }
0x59: {  	_ =	shalt  }
0x5a: {  	_ =	shalt  }
0x5b: {  	_ =	shalt  }
0x5c: {  	_ =	shalt  }
0x5d: {  	_ =	shalt  }
0x5e: {  	_ =	shalt  }
0x5f: {  	_ =	shalt  }
0x60: {  	_ =	shalt  }
0x61: {  	_ =	shalt  }
0x62: {  	_ =	shalt  }
0x63: {  	_ =	shalt  }
0x64: {  	_ =	shalt  }
0x65: {  	_ =	shalt  }
0x66: {  	_ =	shalt  }
0x67: {  	_ =	shalt  }
0x68: {  	_ =	shalt  }
0x69: {  	_ =	shalt  }
0x6a: {  	_ =	shalt  }
0x6b: {  	_ =	shalt  }
0x6c: {  	_ =	shalt  }
0x6d: {  	_ =	shalt  }
0x6e: {  	_ =	shalt  }
0x6f: {  	_ =	shalt  }
0x70: {  	_ =	shalt  }
0x71: {  	_ =	shalt  }
0x72: {  	_ =	shalt  }
0x73: {  	_ =	shalt  }
0x74: {  	_ =	shalt  }
0x75: {  	_ =	shalt  }
0x76: {  	_ =	shalt  }
0x77: {  	_ =	shalt  }
0x78: {  	_ =	shalt  }
0x79: {  	_ =	shalt  }
0x7a: {  	_ =	shalt  }
0x7b: {  	_ =	shalt  }
0x7c: {  	_ =	shalt  }
0x7d: {  	_ =	shalt  }
0x7e: {  	_ =	shalt  }
0x7f: {  	_ =	shalt  }
0x80: {  	_ =	shalt  }
0x81: {  	_ =	shalt  }
0x82: {  	_ =	shalt  }
0x83: {  	_ =	shalt  }
0x84: {  	_ =	shalt  }
0x85: {  	_ =	shalt  }
0x86: {  	_ =	shalt  }
0x87: {  	_ =	shalt  }
.Lfunc_end0:
.L_simem_size_0:
called_computation.2_lowered:
.L_overlay_start_0:
0x88: {  	s2 =	sld [smem:$0x3FD9]  }
0x89: {  	s3 =	sld [smem:$0x3FFE];
	_ =	sdelay $0x1  }
0x8a: {  	s1 =	srdreg.scid  }
0x8b: {  	s0 =	sand.u32 $0x1, s1  }
0x8c: {  	s16 =	sshll.u32 s0, $0xA;
	s2 =	sadd.s32 s3, s2  }
0x8d: {  	s2 =	sadd.s32 s2, s16  }
0x8e: {  	[smem:$0x3FBC] =	sst s2  }
0x8f: {  	_ = 	snop  }
0x90: {  	(tm) =	ssettm $0x1  }
0x91: {  	s17 =	sld [smem:$0x3FFB];
	_ =	sdelay $0x3  }
0x92: {  	_ =	strace s17  }
0x93: {  	s2 =	sld [smem:$0x3FFC];
	_ =	sdelay $0x3  }
0x94: {  	_ =	strace s2  }
0x95: {  	s2 =	sld [smem:$0x3FFD];
	_ =	sdelay $0x3  }
0x96: {  	_ =	strace s2  }
0x97: {  	_ =	strace $0x8FFFFFFF  }
0x98: {  	s18 =	sld [smem:$0x3FDB];
	_ =	sdelay $0x1  }
0x99: {  	s19 =	simm.s32 $_scs_section_size  }
0x9a: {  	s4 =	simm.s32 $_size__tile_overlayer_lowered;
	s5 =	simm.s32 $_tile_overlayer_lowered  }
0x9b: {  	s22 =	simm.s32 $0x1BFF;
	s21 =	sshll.u32 s5, $0x1;
	s2 =	sadd.s32 s19, s18  }
0x9c: {  	s6 =	simm.s32 $0x0;
	s20 =	sshll.u32 s4, $0x1;
	s4 =	sadd.s32 s21, s2  }
0x9d: {  	[timem:s6], [sflag:s22] =	dma.local [hbm:s4], s20  }
0x9e: {  	_ =	swait.ge [sflag:s22], s20  }
0x9f: {  	s3 =	ssub.s32 $0x0, s20;
	[sflag:s22] =	ssyncset.done $0x0  }
0xa0: {  	[sflag:s22] =	ssyncadd.s32 s3;
	_ =	sdelay $0x1  }
0xa1: {  	s23 =	simm.s32 $0x1B8B  }
0xa2: {  	_ =	swait.ge [sflag:s23], $0x1  }
0xa3: {  	[sflag:s23] =	ssyncset.done $0x0  }
0xa4: {  	s25 =	simm.s32 $0x1B8E;
	s24 =	sld [smem:$0x3FFE];
	[sflag:s23] =	ssyncadd.s32 $0xFFFFFFFF  }
0xa5: {  	s26 =	simm.s32 $execute0_lowered;
	[smem:$0x3FD2] =	sst s25  }
0xa6: {  	s4 =	sshll.u32 s26, $0x1;
	_ =	strace $0x8000004C;
	[dreg:$0x1] =	wrdreg $0xFFFFFFFF  }
0xa7: {  	s28 =	simm.s32 $_size_execute0_lowered;
	s2 =	sadd.s32 s2, s4;
	[dreg:$0x0] =	wrdreg $0x0  }
0xa8: {  	s4 =	sshll.u32 s28, $0x1;
	[dreg:$0x2] =	wrdreg s2  }
0xa9: {  	[dreg:$0x3] =	wrdreg s4  }
0xaa: {  	[dreg:$0x4] =	wrdreg $0xC0  }
0xab: {  	_ =	task [dreg:s6], $0x5FFFF  }
0xac: {  	[dreg:$0x1] =	wrdreg $0xFFFFFFFF  }
0xad: {  	[dreg:$0x0] =	wrdreg $0x60  }
0xae: {  	[dreg:$0x2] =	wrdreg s24  }
0xaf: {  	[dreg:$0x3] =	wrdreg $0x180000  }
0xb0: {  	[dreg:$0x4] =	wrdreg $0x9  }
0xb1: {  	_ =	task.clear_ibuf [dreg:s6], $0x5FFFF;
	_ =	strace $0x9000004C  }
0xb2: {  	s29 =	simm.s32 $0x9;
	_ =	strace $0x8000004E  }
0xb3: {  	_ =	swait.ge [sflag:s29], $0x1  }
0xb4: {  	[sflag:s29] =	ssyncadd.s32 $0xFFFFFFFF  }
0xb5: {  	_ =	strace $0x9000004E  }
0xb6: {  	_ =	sfence  }
0xb7: {  	s30 =	sld [smem:$0x0];
	_ =	sdelay $0x2  }
0xb8: {  	s31 =	sshll.u32 s1, $0xD;
	s1 =	sshrl.u32 s1, $0x2  }
0xb9: {  	s3 =	sand.u32 $0x4000, s31;
	s1 =	sadd.s32 s1, s30  }
0xba: {  	s0 =	sor.u32 s3, s0;
	s1 =	sshll.u32 s1, $0x11  }
0xbb: {  	s0 =	sor.u32 s1, s0  }
0xbc: {  	s0 =	sadd.s32 $0x8F2B, s0  }
0xbd: {  	[sflag:s0] =	ssyncadd.remote.s32 $0x1  }
0xbe: {  	_ =	sfence.sel $0xFFFF  }
0xbf: {  	[dreg:$0x0] =	wrdreg $0xFFFFFFFF;
	(pc) =	sbr.abs _section_cstart, $3  }
0xc0: {  	[dreg:$0x1] =	wrdreg $0xFFFFFFFF  }
0xc1: {  	_ =	task.clear_ibuf [dreg:s6], $0x2FFFF;
	_ =	strace $0x9FFFFFFF  }
0xc2: {  	(tm) =	ssettm $0x7FFFFFFF  }
0xc3: {  	_ =	shalt  }
tec
execute0_lowered:
.L_overlay_start_1:
0x0: {  	(tag) =	ssettag $0x1  }
0x1: {  	s0 =	srdreg.scid;
	s1 =	rddreg [dreg:$0x0]  }
0x2: {  	s10 =	stileid.u32;
	s2 =	rddreg [dreg:$0x1];
	s3 =	simm.s32 $0x0  }
0x3: {  	s28 =	simm.s32 $0xC000;
	s30 =	simm.s32 $0xD000;
	s31 =	simm.s32 $0x1  }
0x4: {  	s29 =	simm.s32 $0xE000;
	s15 =	simm.s32 $0x0;
	s5 =	smul.u32 $0x2800, s10  }
0x5: {  	s0 =	sand.u32 $0x1, s0;
	[smem:$0x7FF] =	sst s3;
	s6 =	smul.u32 $0xA00, s10  }
0x6: {  	s17 =	sadd.s32 $0x2C200, s1;
	s8 =	sadd.s32 $0x7C200, s1;
	s11 =	smul.u32 $0x5000, s10  }
0x7: {  	s4 =	smul.u32 $0x28000, s0;
	_ =	strace $0x8000004D;
	s9 =	ssub.s32 $0x2, s0  }
0x8: {  	s0 =	smul.u32 $0xA0000, s0;
	s6 =	sadd.s32 s6, s1;
	s18 =	sshrl.u32 s9, $0x1  }
0x9: {  	s4 =	sadd.s32 s5, s4;
	s13 =	ssub.s32 s9, s18;
	s19 =	sadd.s32 $0xD000, s6  }
0xa: {  	s6 =	sadd.s32 $0x3000, s6;
	s22 =	sadd.s32 s11, s0;
	s9 =	sadd.s32 s11, s2  }
0xb: {  	s23 =	sshrl.u32 s0, $0x3;
	s0 =	sadd.s32 $0x50000, s0;
	s5 =	simm.s32 $0x6  }
0xc: {  	s7 =	sshrl.u32 s4, $0x3;
	s4 =	sadd.s32 $0x2B800, s1;
	[dreg:$0x3] =	wrdreg s19  }
0xd: {  	[dreg:$0x4] =	wrdreg s6;
	s6 =	sshrl.u32 s22, $0x3;
	s10 =	sadd.s32 s17, s23  }
0xe: {  	s24 =	sshrl.u32 s0, $0x3;
	s0 =	sadd.s32 s11, s0;
	s26 =	smax.u32 s13, $0x1  }
0xf: {  	s19 =	simm.s32 $0x9;
	s22 =	simm.s32 $0x4;
	s7 =	sadd.s32 s7, s1  }
0x10: {  	s1 =	sadd.s32 $0x54200, s1;
	[dreg:$0xb] =	wrdreg s26;
	s20 =	sadd.s32 $0x17800, s7  }
0x11: {  	s14 =	sadd.s32 s17, s24;
	s21 =	sadd.s32 $0x21800, s7;
	[dreg:$0x5] =	wrdreg s20  }
0x12: {  	s0 =	sshrl.u32 s0, $0x3;
	s12 =	sadd.s32 s1, s6;
	[dreg:$0x6] =	wrdreg s21  }
0x13: {  	s6 =	sadd.s32 s8, s6;
	s25 =	sadd.s32 s1, s0;
	[dreg:$0x7] =	wrdreg s12  }
0x14: {  	s16 =	sadd.s32 s1, s24;
	s0 =	sadd.s32 s8, s0;
	[dreg:$0x8] =	wrdreg s6  }
0x15: {  	s24 =	simm.s32 $0xA000;
	s7 =	simm.s32 $0x8;
	[dreg:$0x9] =	wrdreg s25  }
0x16: {  	s12 =	sadd.s32 s1, s23;
	[dreg:$0xa] =	wrdreg s0;
	s20 =	simm.s32 $0x5000  }
0x17: {  	s23 =	simm.s32 $0x80;
	s25 =	simm.s32 $0xB000;
	s1 =	simm.s32 $0x2  }
0x18: {  	s21 =	simm.s32 $0x3;
	s0 =	simm.s32 $0x5;
	s6 =	simm.s32 $0x7  }
.LBB2_1:
0x19: {  	s8 =	rddreg [dreg:$0x3]  }
0x1a: {  	[tilespmem:s3], [sflag:$0x9] =	stream.linear.gather [hbm4b:s8+s3], $0x5000, $0x38;
	[tilespmem:$0x1D000] =	vst v63  }
0x1b: {  	_ =	swait.ge [sflag:s19], $0x5000  }
0x1c: {  	[sflag:s19] =	ssyncset.done $0x0  }
0x1d: {  	s11 =	rddreg [dreg:$0x4];
	[sflag:s19] =	ssyncadd.s32 $0xFFFFB000  }
0x1e: {  	[tilespmem:s20], [sflag:$0x9] =	stream.linear.gather [hbm4b:s11+s3], $0x5000, $0x38;
	[tilespmem:$0x1D000] =	vst v63  }
0x1f: {  	_ =	swait.ge [sflag:s19], $0x5000  }
0x20: {  	[sflag:s19] =	ssyncset.done $0x0  }
0x21: {  	s11 =	simm.s32 $0x13000;
	s13 =	rddreg [dreg:$0x5];
	[sflag:s19] =	ssyncadd.s32 $0xFFFFB000  }
0x22: {  	[tilespmem:s11], [sflag:$0x9] =	stream.linear.gather [hbm4b:s13+s3], $0x2800, $0x38;
	[tilespmem:$0x1D000] =	vst v63  }
0x23: {  	_ =	swait.ge [sflag:s19], $0x2800  }
0x24: {  	[sflag:s19] =	ssyncset.done $0x0  }
0x25: {  	s18 =	simm.s32 $0x15800;
	s17 =	rddreg [dreg:$0x6];
	[sflag:s19] =	ssyncadd.s32 $0xFFFFD800  }
0x26: {  	[tilespmem:s18], [sflag:$0x9] =	stream.linear.gather [hbm4b:s17+s3], $0x2800, $0x38;
	[tilespmem:$0x1D000] =	vst v63  }
0x27: {  	s26 =	stileid.u32;
	_ =	swait.ge [sflag:s19], $0x2800  }
0x28: {  	s8 =	sshll.u32 s26, $0x6;
	[sflag:s19] =	ssyncset.done $0x0  }
0x29: {  	s17 =	sor.u32 $0x1C09, s8;
	s18 =	sshrl.u32 s9, $0x3;
	[sflag:s19] =	ssyncadd.s32 $0xFFFFD800  }
0x2a: {  	[spmem:s18], [sflag:s17] =	dma.local [hbm:s4], $0xA00  }
0x2b: {  	_ =	swait.ge [sflag:s19], $0xA00  }
0x2c: {  	[sflag:s19] =	ssyncset.done $0x0  }
0x2d: {  	[sflag:s19] =	ssyncadd.s32 $0xFFFFF600  }
0x2e: {  	[bflag:$0x0] =	sbarrier.arrive $0xFFFF  }
0x2f: {  	[tilespmem:s24], [sflag:$0x1] =	stream.indirect.gather [hbm4b:s10+s23], $0x20, s3, s23, $0xb8;
	[tilespmem:$0x1D000] =	vst v63  }
0x30: {  	_ = 	snop  }
0x31: {  	[tilespmem:s25], [sflag:$0x2] =	stream.indirect.gather [hbm4b:s10+s23], $0x20, s23, s23, $0xb8;
	[tilespmem:$0x1D000] =	vst v63  }
0x32: {  	s11 =	simm.s32 $0x100  }
0x33: {  	[tilespmem:s28], [sflag:$0x3] =	stream.indirect.gather [hbm4b:s10+s23], $0x20, s11, s23, $0xb8;
	[tilespmem:$0x1D000] =	vst v63  }
0x34: {  	s13 =	simm.s32 $0x180  }
0x35: {  	[tilespmem:s30], [sflag:$0x4] =	stream.indirect.gather [hbm4b:s10+s23], $0x20, s13, s23, $0xb8;
	[tilespmem:$0x1D000] =	vst v63  }
0x36: {  	_ =	swait.ge [sflag:s31], $0x1000  }
0x37: {  	[sflag:s31] =	ssyncset.done $0x0  }
0x38: {  	s26 =	simm.s32 $0x5000;
	[sflag:s31] =	ssyncadd.s32 $0xFFFFF000  }
0x39: {  	[spmem:s2] =	stream.indirect.scatter.add.f32 [tilespmem:s24], [sflag:$0x5], $0x20, s26, s23, $0xb8;
	[tilespmem:$0x1D000] =	vst v63  }
0x3a: {  	_ =	swait.ge [sflag:s1], $0x1000  }
0x3b: {  	[sflag:s1] =	ssyncset.done $0x0  }
0x3c: {  	s11 =	simm.s32 $0x5080;
	[sflag:s1] =	ssyncadd.s32 $0xFFFFF000  }
0x3d: {  	[spmem:s2] =	stream.indirect.scatter.add.f32 [tilespmem:s25], [sflag:$0x6], $0x20, s11, s23, $0xb8;
	[tilespmem:$0x1D000] =	vst v63  }
0x3e: {  	_ =	swait.ge [sflag:s21], $0x1000  }
0x3f: {  	[sflag:s21] =	ssyncset.done $0x0  }
0x40: {  	s13 =	simm.s32 $0x5100;
	[sflag:s21] =	ssyncadd.s32 $0xFFFFF000  }
0x41: {  	[spmem:s2] =	stream.indirect.scatter.add.f32 [tilespmem:s28], [sflag:$0x7], $0x20, s13, s23, $0xb8;
	[tilespmem:$0x1D000] =	vst v63  }
0x42: {  	_ =	swait.ge [sflag:s22], $0x1000  }
0x43: {  	[sflag:s22] =	ssyncset.done $0x0  }
0x44: {  	s26 =	simm.s32 $0x5180;
	[sflag:s22] =	ssyncadd.s32 $0xFFFFF000  }
0x45: {  	[spmem:s2] =	stream.indirect.scatter.add.f32 [tilespmem:s30], [sflag:$0x8], $0x20, s26, s23, $0xb8;
	[tilespmem:$0x1D000] =	vst v63  }
0x46: {  	_ =	swait.ge [sflag:s0], $0x1000  }
0x47: {  	[sflag:s0] =	ssyncset.done $0x0  }
0x48: {  	s11 =	simm.s32 $0x200;
	[sflag:s0] =	ssyncadd.s32 $0xFFFFF000  }
0x49: {  	[tilespmem:s24], [sflag:$0x1] =	stream.indirect.gather [hbm4b:s10+s23], $0x20, s11, s23, $0xb8;
	[tilespmem:$0x1D000] =	vst v63  }
0x4a: {  	_ =	swait.ge [sflag:s5], $0x1000  }
0x4b: {  	[sflag:s5] =	ssyncset.done $0x0  }
0x4c: {  	s13 =	simm.s32 $0x280;
	[sflag:s5] =	ssyncadd.s32 $0xFFFFF000  }
0x4d: {  	[tilespmem:s25], [sflag:$0x2] =	stream.indirect.gather [hbm4b:s10+s23], $0x20, s13, s23, $0xb8;
	[tilespmem:$0x1D000] =	vst v63  }
0x4e: {  	_ =	swait.ge [sflag:s6], $0x1000  }
0x4f: {  	[sflag:s6] =	ssyncset.done $0x0  }
0x50: {  	s26 =	simm.s32 $0x300;
	[sflag:s6] =	ssyncadd.s32 $0xFFFFF000  }
0x51: {  	[tilespmem:s28], [sflag:$0x3] =	stream.indirect.gather [hbm4b:s10+s23], $0x20, s26, s23, $0xb8;
	[tilespmem:$0x1D000] =	vst v63  }
0x52: {  	_ =	swait.ge [sflag:s7], $0x1000  }
0x53: {  	[sflag:s7] =	ssyncset.done $0x0  }
0x54: {  	s8 =	simm.s32 $0x800;
	s11 =	simm.s32 $0x380;
	[sflag:s7] =	ssyncadd.s32 $0xFFFFF000  }
.LBB2_2:
0x55: {  	[tilespmem:s30], [sflag:$0x4] =	stream.indirect.gather [hbm4b:s10+s23], $0x20, s11, s23, $0xb8;
	[tilespmem:$0x1D000] =	vst v63  }
0x56: {  	s11 =	smov.u32 s8  }
0x57: {  	p0 =	sne.s32 s8, $0x13000;
	s8 =	sadd.s32 $0x800, s8;
	_ =	swait.ge [sflag:s31], $0x1000  }
0x58: {  	s11 =	sshra.s32 s11, $0x2;
	[sflag:s31] =	ssyncset.done $0x0  }
0x59: {  	s13 =	sadd.s32 $0x5000, s11;
	[sflag:s31] =	ssyncadd.s32 $0xFFFFF000  }
0x5a: {  	[spmem:s2] =	stream.indirect.scatter.add.f32 [tilespmem:s24], [sflag:$0x5], $0x20, s13, s23, $0xb8;
	[tilespmem:$0x1D000] =	vst v63  }
0x5b: {  	_ =	swait.ge [sflag:s1], $0x1000  }
0x5c: {  	[sflag:s1] =	ssyncset.done $0x0  }
0x5d: {  	s13 =	sadd.s32 $0x5080, s11;
	[sflag:s1] =	ssyncadd.s32 $0xFFFFF000  }
0x5e: {  	[spmem:s2] =	stream.indirect.scatter.add.f32 [tilespmem:s25], [sflag:$0x6], $0x20, s13, s23, $0xb8;
	[tilespmem:$0x1D000] =	vst v63  }
0x5f: {  	_ =	swait.ge [sflag:s21], $0x1000  }
0x60: {  	[sflag:s21] =	ssyncset.done $0x0  }
0x61: {  	s13 =	sadd.s32 $0x5100, s11;
	[sflag:s21] =	ssyncadd.s32 $0xFFFFF000  }
0x62: {  	[spmem:s2] =	stream.indirect.scatter.add.f32 [tilespmem:s28], [sflag:$0x7], $0x20, s13, s23, $0xb8;
	[tilespmem:$0x1D000] =	vst v63  }
0x63: {  	_ =	swait.ge [sflag:s22], $0x1000  }
0x64: {  	[sflag:s22] =	ssyncset.done $0x0  }
0x65: {  	s13 =	sadd.s32 $0x5180, s11;
	[sflag:s22] =	ssyncadd.s32 $0xFFFFF000  }
0x66: {  	[spmem:s2] =	stream.indirect.scatter.add.f32 [tilespmem:s30], [sflag:$0x8], $0x20, s13, s23, $0xb8;
	[tilespmem:$0x1D000] =	vst v63  }
0x67: {  	_ =	swait.ge [sflag:s0], $0x1000  }
0x68: {  	[sflag:s0] =	ssyncset.done $0x0  }
0x69: {  	s13 =	sadd.s32 $0x200, s11;
	[sflag:s0] =	ssyncadd.s32 $0xFFFFF000  }
0x6a: {  	[tilespmem:s24], [sflag:$0x1] =	stream.indirect.gather [hbm4b:s10+s23], $0x20, s13, s23, $0xb8;
	[tilespmem:$0x1D000] =	vst v63  }
0x6b: {  	_ =	swait.ge [sflag:s5], $0x1000  }
0x6c: {  	[sflag:s5] =	ssyncset.done $0x0  }
0x6d: {  	s13 =	sadd.s32 $0x280, s11;
	[sflag:s5] =	ssyncadd.s32 $0xFFFFF000  }
0x6e: {  	[tilespmem:s25], [sflag:$0x2] =	stream.indirect.gather [hbm4b:s10+s23], $0x20, s13, s23, $0xb8;
	[tilespmem:$0x1D000] =	vst v63  }
0x6f: {  	_ =	swait.ge [sflag:s6], $0x1000  }
0x70: {  	[sflag:s6] =	ssyncset.done $0x0  }
.Ltmp0:
0x71: {  	s13 =	sadd.s32 $0x300, s11;
	[sflag:s6] =	ssyncadd.s32 $0xFFFFF000;
	(pc) =	sbr.rel @p0 .LBB2_2-.Ltmp0, $4  }
0x72: {  	[tilespmem:s28], [sflag:$0x3] =	stream.indirect.gather [hbm4b:s10+s23], $0x20, s13, s23, $0xb8;
	[tilespmem:$0x1D000] =	vst v63  }
0x73: {  	_ =	swait.ge [sflag:s7], $0x1000  }
0x74: {  	[sflag:s7] =	ssyncset.done $0x0  }
0x75: {  	s11 =	sadd.s32 $0x380, s11;
	[sflag:s7] =	ssyncadd.s32 $0xFFFFF000  }
0x76: {  	[tilespmem:s30], [sflag:$0x4] =	stream.indirect.gather [hbm4b:s10+s23], $0x20, s11, s23, $0xb8;
	[tilespmem:$0x1D000] =	vst v63  }
0x77: {  	_ =	swait.ge [sflag:s31], $0x1000  }
0x78: {  	[sflag:s31] =	ssyncset.done $0x0  }
0x79: {  	s8 =	simm.s32 $0x9E00;
	[sflag:s31] =	ssyncadd.s32 $0xFFFFF000  }
0x7a: {  	[spmem:s2] =	stream.indirect.scatter.add.f32 [tilespmem:s24], [sflag:$0x5], $0x20, s8, s23, $0xb8;
	[tilespmem:$0x1D000] =	vst v63  }
0x7b: {  	_ =	swait.ge [sflag:s1], $0x1000  }
0x7c: {  	[sflag:s1] =	ssyncset.done $0x0  }
0x7d: {  	s26 =	simm.s32 $0x9E80;
	[sflag:s1] =	ssyncadd.s32 $0xFFFFF000  }
0x7e: {  	[spmem:s2] =	stream.indirect.scatter.add.f32 [tilespmem:s25], [sflag:$0x6], $0x20, s26, s23, $0xb8;
	[tilespmem:$0x1D000] =	vst v63  }
0x7f: {  	_ =	swait.ge [sflag:s21], $0x1000  }
0x80: {  	[sflag:s21] =	ssyncset.done $0x0  }
0x81: {  	s11 =	simm.s32 $0x9F00;
	[sflag:s21] =	ssyncadd.s32 $0xFFFFF000  }
0x82: {  	[spmem:s2] =	stream.indirect.scatter.add.f32 [tilespmem:s28], [sflag:$0x7], $0x20, s11, s23, $0xb8;
	[tilespmem:$0x1D000] =	vst v63  }
0x83: {  	_ =	swait.ge [sflag:s22], $0x1000  }
0x84: {  	[sflag:s22] =	ssyncset.done $0x0  }
0x85: {  	s13 =	simm.s32 $0x9F80;
	[sflag:s22] =	ssyncadd.s32 $0xFFFFF000  }
0x86: {  	[spmem:s2] =	stream.indirect.scatter.add.f32 [tilespmem:s30], [sflag:$0x8], $0x20, s13, s23, $0xb8;
	[tilespmem:$0x1D000] =	vst v63  }
0x87: {  	_ =	swait.ge [sflag:s0], $0x1000  }
0x88: {  	[sflag:s0] =	ssyncset.done $0x0  }
0x89: {  	[sflag:s0] =	ssyncadd.s32 $0xFFFFF000  }
0x8a: {  	_ =	swait.ge [sflag:s5], $0x1000  }
0x8b: {  	[sflag:s5] =	ssyncset.done $0x0  }
0x8c: {  	[sflag:s5] =	ssyncadd.s32 $0xFFFFF000  }
0x8d: {  	_ =	swait.ge [sflag:s6], $0x1000  }
0x8e: {  	[sflag:s6] =	ssyncset.done $0x0  }
0x8f: {  	[sflag:s6] =	ssyncadd.s32 $0xFFFFF000  }
0x90: {  	_ =	swait.ge [sflag:s7], $0x1000  }
0x91: {  	[sflag:s7] =	ssyncset.done $0x0  }
0x92: {  	[sflag:s7] =	ssyncadd.s32 $0xFFFFF000  }
0x93: {  	[bflag:$0x0] =	sbarrier.arrive $0xFFFF  }
0x94: {  	[tilespmem:s29], [sflag:$0x9] =	stream.linear.gather [spmem:s9], $0x5000, $0x38;
	[tilespmem:$0x1D000] =	vst v63  }
0x95: {  	_ =	swait.ge [sflag:s19], $0x5000  }
0x96: {  	[sflag:s19] =	ssyncset.done $0x0  }
0x97: {  	s8 =	simm.s32 $0xE010;
	[sflag:s19] =	ssyncadd.s32 $0xFFFFB000  }
0x98: {  	s26 =	simm.s32 $0x0;
	v0 =	vld [tilespmem:s8+$0xFFFFFFF0]  }
0x99: {  	v2 =	vld [tilespmem:s26+$0x13000]  }
0x9a: {  	v3 =	vld [tilespmem:s8+$0x0];
	_ =	sdelay $0x4  }
0x9b: {  	s11 =	simm.s32 $0x40;
	s13 =	simm.s32 $0xE010;
	v1 =	vmul.f32 v0, v2;
	v0 =	vmul.f32 v3, v2  }
.LBB2_4:
0x9c: {  	p0 =	sne.s32 s11, $0x9FC0  }
0x9d: {  	[tilespmem:s8+$0xFFFFFFF0] =	vst v1;
	s13 =	sadd.s32 $0x20, s13;
	s26 =	smov.u32 s11;
	s11 =	sadd.s32 $0x40, s11  }
0x9e: {  	s26 =	sshra.s32 s26, $0x2;
	v1 =	vld [tilespmem:s13+$0xFFFFFFF0];
	[tilespmem:s8+$0x0] =	vst v0;
	s8 =	smov.u32 s13  }
0x9f: {  	v0 =	vld [tilespmem:s26+$0x13000]  }
0xa0: {  	v2 =	vld [tilespmem:s13+$0x0]  }
.Ltmp1:
0xa1: {  	(pc) =	sbr.rel @p0 .LBB2_4-.Ltmp1, $3  }
0xa2: {  	_ =	sdelay $0x1  }
0xa3: {  	v1 =	vmul.f32 v1, v0  }
0xa4: {  	v0 =	vmul.f32 v2, v0  }
0xa5: {  	[tilespmem:s8+$0xFFFFFFF0] =	vst v1  }
0xa6: {  	s13 =	simm.s32 $0x0;
	s11 =	rddreg [dreg:$0x7];
	[tilespmem:s8+$0x0] =	vst v0  }
0xa7: {  	[hbm4b:s11+s13] =	stream.linear.scatter [tilespmem:s29], [sflag:$0x9], $0x5000, $0x38;
	[tilespmem:$0x1D000] =	vst v63  }
0xa8: {  	_ =	swait.ge [sflag:s19], $0x5000  }
0xa9: {  	[sflag:s19] =	ssyncset.done $0x0  }
0xaa: {  	[sflag:s19] =	ssyncadd.s32 $0xFFFFB000  }
0xab: {  	[spmem:s18], [sflag:s17] =	dma.local [hbm:s4], $0xA00  }
0xac: {  	_ =	swait.ge [sflag:s19], $0xA00  }
0xad: {  	[sflag:s19] =	ssyncset.done $0x0  }
0xae: {  	[sflag:s19] =	ssyncadd.s32 $0xFFFFF600  }
0xaf: {  	[bflag:$0x0] =	sbarrier.arrive $0xFFFF  }
0xb0: {  	[tilespmem:s24], [sflag:$0x1] =	stream.indirect.gather [hbm4b:s12+s23], $0x20, s20, s23, $0xb8;
	[tilespmem:$0x1D000] =	vst v63  }
0xb1: {  	s26 =	simm.s32 $0x5080  }
0xb2: {  	[tilespmem:s25], [sflag:$0x2] =	stream.indirect.gather [hbm4b:s12+s23], $0x20, s26, s23, $0xb8;
	[tilespmem:$0x1D000] =	vst v63  }
0xb3: {  	s11 =	simm.s32 $0x5100  }
0xb4: {  	[tilespmem:s28], [sflag:$0x3] =	stream.indirect.gather [hbm4b:s12+s23], $0x20, s11, s23, $0xb8;
	[tilespmem:$0x1D000] =	vst v63  }
0xb5: {  	s13 =	simm.s32 $0x5180  }
0xb6: {  	[tilespmem:s30], [sflag:$0x4] =	stream.indirect.gather [hbm4b:s12+s23], $0x20, s13, s23, $0xb8;
	[tilespmem:$0x1D000] =	vst v63  }
0xb7: {  	_ =	swait.ge [sflag:s31], $0x1000  }
0xb8: {  	[sflag:s31] =	ssyncset.done $0x0  }
0xb9: {  	s26 =	simm.s32 $0x0;
	[sflag:s31] =	ssyncadd.s32 $0xFFFFF000  }
0xba: {  	[spmem:s2] =	stream.indirect.scatter.add.f32 [tilespmem:s24], [sflag:$0x5], $0x20, s26, s23, $0xb8;
	[tilespmem:$0x1D000] =	vst v63  }
0xbb: {  	_ =	swait.ge [sflag:s1], $0x1000  }
0xbc: {  	[sflag:s1] =	ssyncset.done $0x0  }
0xbd: {  	s11 =	simm.s32 $0x80;
	[sflag:s1] =	ssyncadd.s32 $0xFFFFF000  }
0xbe: {  	[spmem:s2] =	stream.indirect.scatter.add.f32 [tilespmem:s25], [sflag:$0x6], $0x20, s11, s23, $0xb8;
	[tilespmem:$0x1D000] =	vst v63  }
0xbf: {  	_ =	swait.ge [sflag:s21], $0x1000  }
0xc0: {  	[sflag:s21] =	ssyncset.done $0x0  }
0xc1: {  	s13 =	simm.s32 $0x100;
	[sflag:s21] =	ssyncadd.s32 $0xFFFFF000  }
0xc2: {  	[spmem:s2] =	stream.indirect.scatter.add.f32 [tilespmem:s28], [sflag:$0x7], $0x20, s13, s23, $0xb8;
	[tilespmem:$0x1D000] =	vst v63  }
0xc3: {  	_ =	swait.ge [sflag:s22], $0x1000  }
0xc4: {  	[sflag:s22] =	ssyncset.done $0x0  }
0xc5: {  	s26 =	simm.s32 $0x180;
	[sflag:s22] =	ssyncadd.s32 $0xFFFFF000  }
0xc6: {  	[spmem:s2] =	stream.indirect.scatter.add.f32 [tilespmem:s30], [sflag:$0x8], $0x20, s26, s23, $0xb8;
	[tilespmem:$0x1D000] =	vst v63  }
0xc7: {  	_ =	swait.ge [sflag:s0], $0x1000  }
0xc8: {  	[sflag:s0] =	ssyncset.done $0x0  }
0xc9: {  	s11 =	simm.s32 $0x5200;
	[sflag:s0] =	ssyncadd.s32 $0xFFFFF000  }
0xca: {  	[tilespmem:s24], [sflag:$0x1] =	stream.indirect.gather [hbm4b:s12+s23], $0x20, s11, s23, $0xb8;
	[tilespmem:$0x1D000] =	vst v63  }
0xcb: {  	_ =	swait.ge [sflag:s5], $0x1000  }
0xcc: {  	[sflag:s5] =	ssyncset.done $0x0  }
0xcd: {  	s13 =	simm.s32 $0x5280;
	[sflag:s5] =	ssyncadd.s32 $0xFFFFF000  }
0xce: {  	[tilespmem:s25], [sflag:$0x2] =	stream.indirect.gather [hbm4b:s12+s23], $0x20, s13, s23, $0xb8;
	[tilespmem:$0x1D000] =	vst v63  }
0xcf: {  	_ =	swait.ge [sflag:s6], $0x1000  }
0xd0: {  	[sflag:s6] =	ssyncset.done $0x0  }
0xd1: {  	s26 =	simm.s32 $0x5300;
	[sflag:s6] =	ssyncadd.s32 $0xFFFFF000  }
0xd2: {  	[tilespmem:s28], [sflag:$0x3] =	stream.indirect.gather [hbm4b:s12+s23], $0x20, s26, s23, $0xb8;
	[tilespmem:$0x1D000] =	vst v63  }
0xd3: {  	_ =	swait.ge [sflag:s7], $0x1000  }
0xd4: {  	[sflag:s7] =	ssyncset.done $0x0  }
0xd5: {  	s8 =	simm.s32 $0x800;
	s11 =	simm.s32 $0x5380;
	[sflag:s7] =	ssyncadd.s32 $0xFFFFF000  }
.LBB2_6:
0xd6: {  	[tilespmem:s30], [sflag:$0x4] =	stream.indirect.gather [hbm4b:s12+s23], $0x20, s11, s23, $0xb8;
	[tilespmem:$0x1D000] =	vst v63  }
0xd7: {  	s11 =	smov.u32 s8  }
0xd8: {  	p0 =	sne.s32 s8, $0x13000;
	s8 =	sadd.s32 $0x800, s8;
	_ =	swait.ge [sflag:s31], $0x1000  }
0xd9: {  	[sflag:s31] =	ssyncset.done $0x0  }
0xda: {  	s11 =	sshra.s32 s11, $0x2;
	[sflag:s31] =	ssyncadd.s32 $0xFFFFF000  }
0xdb: {  	[spmem:s2] =	stream.indirect.scatter.add.f32 [tilespmem:s24], [sflag:$0x5], $0x20, s11, s23, $0xb8;
	[tilespmem:$0x1D000] =	vst v63  }
0xdc: {  	_ =	swait.ge [sflag:s1], $0x1000  }
0xdd: {  	[sflag:s1] =	ssyncset.done $0x0  }
0xde: {  	s13 =	sadd.s32 $0x80, s11;
	[sflag:s1] =	ssyncadd.s32 $0xFFFFF000  }
0xdf: {  	[spmem:s2] =	stream.indirect.scatter.add.f32 [tilespmem:s25], [sflag:$0x6], $0x20, s13, s23, $0xb8;
	[tilespmem:$0x1D000] =	vst v63  }
0xe0: {  	_ =	swait.ge [sflag:s21], $0x1000  }
0xe1: {  	[sflag:s21] =	ssyncset.done $0x0  }
0xe2: {  	s13 =	sadd.s32 $0x100, s11;
	[sflag:s21] =	ssyncadd.s32 $0xFFFFF000  }
0xe3: {  	[spmem:s2] =	stream.indirect.scatter.add.f32 [tilespmem:s28], [sflag:$0x7], $0x20, s13, s23, $0xb8;
	[tilespmem:$0x1D000] =	vst v63  }
0xe4: {  	_ =	swait.ge [sflag:s22], $0x1000  }
0xe5: {  	[sflag:s22] =	ssyncset.done $0x0  }
0xe6: {  	s13 =	sadd.s32 $0x180, s11;
	[sflag:s22] =	ssyncadd.s32 $0xFFFFF000  }
0xe7: {  	[spmem:s2] =	stream.indirect.scatter.add.f32 [tilespmem:s30], [sflag:$0x8], $0x20, s13, s23, $0xb8;
	[tilespmem:$0x1D000] =	vst v63  }
0xe8: {  	_ =	swait.ge [sflag:s0], $0x1000  }
0xe9: {  	[sflag:s0] =	ssyncset.done $0x0  }
0xea: {  	s13 =	sadd.s32 $0x5200, s11;
	[sflag:s0] =	ssyncadd.s32 $0xFFFFF000  }
0xeb: {  	[tilespmem:s24], [sflag:$0x1] =	stream.indirect.gather [hbm4b:s12+s23], $0x20, s13, s23, $0xb8;
	[tilespmem:$0x1D000] =	vst v63  }
0xec: {  	_ =	swait.ge [sflag:s5], $0x1000  }
0xed: {  	[sflag:s5] =	ssyncset.done $0x0  }
0xee: {  	s13 =	sadd.s32 $0x5280, s11;
	[sflag:s5] =	ssyncadd.s32 $0xFFFFF000  }
0xef: {  	[tilespmem:s25], [sflag:$0x2] =	stream.indirect.gather [hbm4b:s12+s23], $0x20, s13, s23, $0xb8;
	[tilespmem:$0x1D000] =	vst v63  }
0xf0: {  	_ =	swait.ge [sflag:s6], $0x1000  }
0xf1: {  	[sflag:s6] =	ssyncset.done $0x0  }
.Ltmp2:
0xf2: {  	s13 =	sadd.s32 $0x5300, s11;
	[sflag:s6] =	ssyncadd.s32 $0xFFFFF000;
	(pc) =	sbr.rel @p0 .LBB2_6-.Ltmp2, $4  }
0xf3: {  	[tilespmem:s28], [sflag:$0x3] =	stream.indirect.gather [hbm4b:s12+s23], $0x20, s13, s23, $0xb8;
	[tilespmem:$0x1D000] =	vst v63  }
0xf4: {  	_ =	swait.ge [sflag:s7], $0x1000  }
0xf5: {  	[sflag:s7] =	ssyncset.done $0x0  }
0xf6: {  	s11 =	sadd.s32 $0x5380, s11;
	[sflag:s7] =	ssyncadd.s32 $0xFFFFF000  }
0xf7: {  	[tilespmem:s30], [sflag:$0x4] =	stream.indirect.gather [hbm4b:s12+s23], $0x20, s11, s23, $0xb8;
	[tilespmem:$0x1D000] =	vst v63  }
0xf8: {  	_ =	swait.ge [sflag:s31], $0x1000  }
0xf9: {  	[sflag:s31] =	ssyncset.done $0x0  }
0xfa: {  	s8 =	simm.s32 $0x4E00;
	[sflag:s31] =	ssyncadd.s32 $0xFFFFF000  }
0xfb: {  	[spmem:s2] =	stream.indirect.scatter.add.f32 [tilespmem:s24], [sflag:$0x5], $0x20, s8, s23, $0xb8;
	[tilespmem:$0x1D000] =	vst v63  }
0xfc: {  	_ =	swait.ge [sflag:s1], $0x1000  }
0xfd: {  	[sflag:s1] =	ssyncset.done $0x0  }
0xfe: {  	s26 =	simm.s32 $0x4E80;
	[sflag:s1] =	ssyncadd.s32 $0xFFFFF000  }
0xff: {  	[spmem:s2] =	stream.indirect.scatter.add.f32 [tilespmem:s25], [sflag:$0x6], $0x20, s26, s23, $0xb8;
	[tilespmem:$0x1D000] =	vst v63  }
0x100: {  	_ =	swait.ge [sflag:s21], $0x1000  }
0x101: {  	[sflag:s21] =	ssyncset.done $0x0  }
0x102: {  	s11 =	simm.s32 $0x4F00;
	[sflag:s21] =	ssyncadd.s32 $0xFFFFF000  }
0x103: {  	[spmem:s2] =	stream.indirect.scatter.add.f32 [tilespmem:s28], [sflag:$0x7], $0x20, s11, s23, $0xb8;
	[tilespmem:$0x1D000] =	vst v63  }
0x104: {  	_ =	swait.ge [sflag:s22], $0x1000  }
0x105: {  	[sflag:s22] =	ssyncset.done $0x0  }
0x106: {  	s13 =	simm.s32 $0x4F80;
	[sflag:s22] =	ssyncadd.s32 $0xFFFFF000  }
0x107: {  	[spmem:s2] =	stream.indirect.scatter.add.f32 [tilespmem:s30], [sflag:$0x8], $0x20, s13, s23, $0xb8;
	[tilespmem:$0x1D000] =	vst v63  }
0x108: {  	_ =	swait.ge [sflag:s0], $0x1000  }
0x109: {  	[sflag:s0] =	ssyncset.done $0x0  }
0x10a: {  	[sflag:s0] =	ssyncadd.s32 $0xFFFFF000  }
0x10b: {  	_ =	swait.ge [sflag:s5], $0x1000  }
0x10c: {  	[sflag:s5] =	ssyncset.done $0x0  }
0x10d: {  	[sflag:s5] =	ssyncadd.s32 $0xFFFFF000  }
0x10e: {  	_ =	swait.ge [sflag:s6], $0x1000  }
0x10f: {  	[sflag:s6] =	ssyncset.done $0x0  }
0x110: {  	[sflag:s6] =	ssyncadd.s32 $0xFFFFF000  }
0x111: {  	_ =	swait.ge [sflag:s7], $0x1000  }
0x112: {  	[sflag:s7] =	ssyncset.done $0x0  }
0x113: {  	[sflag:s7] =	ssyncadd.s32 $0xFFFFF000  }
0x114: {  	[bflag:$0x0] =	sbarrier.arrive $0xFFFF  }
0x115: {  	[tilespmem:s29], [sflag:$0x9] =	stream.linear.gather [spmem:s9], $0x5000, $0x38;
	[tilespmem:$0x1D000] =	vst v63  }
0x116: {  	_ =	swait.ge [sflag:s19], $0x5000  }
0x117: {  	[sflag:s19] =	ssyncset.done $0x0  }
0x118: {  	s8 =	simm.s32 $0xE010;
	[sflag:s19] =	ssyncadd.s32 $0xFFFFB000  }
0x119: {  	s26 =	simm.s32 $0x0;
	v0 =	vld [tilespmem:s8+$0xFFFFFFF0]  }
0x11a: {  	v2 =	vld [tilespmem:s26+$0x15800]  }
0x11b: {  	v3 =	vld [tilespmem:s8+$0x0];
	_ =	sdelay $0x4  }
0x11c: {  	s11 =	simm.s32 $0x40;
	s13 =	simm.s32 $0xE010;
	v1 =	vmul.f32 v0, v2;
	v0 =	vmul.f32 v3, v2  }
.LBB2_8:
0x11d: {  	p0 =	sne.s32 s11, $0x9FC0  }
0x11e: {  	[tilespmem:s8+$0xFFFFFFF0] =	vst v1;
	s13 =	sadd.s32 $0x20, s13;
	s26 =	smov.u32 s11;
	s11 =	sadd.s32 $0x40, s11  }
0x11f: {  	s26 =	sshra.s32 s26, $0x2;
	v1 =	vld [tilespmem:s13+$0xFFFFFFF0];
	[tilespmem:s8+$0x0] =	vst v0;
	s8 =	smov.u32 s13  }
0x120: {  	v0 =	vld [tilespmem:s26+$0x15800]  }
0x121: {  	v2 =	vld [tilespmem:s13+$0x0]  }
.Ltmp3:
0x122: {  	(pc) =	sbr.rel @p0 .LBB2_8-.Ltmp3, $3  }
0x123: {  	_ =	sdelay $0x1  }
0x124: {  	v1 =	vmul.f32 v1, v0  }
0x125: {  	v0 =	vmul.f32 v2, v0  }
0x126: {  	[tilespmem:s8+$0xFFFFFFF0] =	vst v1  }
0x127: {  	s26 =	simm.s32 $0x0;
	s11 =	rddreg [dreg:$0x8];
	[tilespmem:s8+$0x0] =	vst v0  }
0x128: {  	[hbm4b:s11+s26] =	stream.linear.scatter [tilespmem:s29], [sflag:$0x9], $0x5000, $0x38;
	[tilespmem:$0x1D000] =	vst v63  }
0x129: {  	_ =	swait.ge [sflag:s19], $0x5000  }
0x12a: {  	[sflag:s19] =	ssyncset.done $0x0  }
0x12b: {  	[sflag:s19] =	ssyncadd.s32 $0xFFFFB000  }
0x12c: {  	[spmem:s18], [sflag:s17] =	dma.local [hbm:s4], $0xA00  }
0x12d: {  	_ =	swait.ge [sflag:s19], $0xA00  }
0x12e: {  	[sflag:s19] =	ssyncset.done $0x0  }
0x12f: {  	[sflag:s19] =	ssyncadd.s32 $0xFFFFF600  }
0x130: {  	[bflag:$0x0] =	sbarrier.arrive $0xFFFF  }
0x131: {  	[tilespmem:s24], [sflag:$0x1] =	stream.indirect.gather [hbm4b:s14+s23], $0x20, s26, s23, $0xb8;
	[tilespmem:$0x1D000] =	vst v63  }
0x132: {  	_ = 	snop  }
0x133: {  	[tilespmem:s25], [sflag:$0x2] =	stream.indirect.gather [hbm4b:s14+s23], $0x20, s23, s23, $0xb8;
	[tilespmem:$0x1D000] =	vst v63  }
0x134: {  	s11 =	simm.s32 $0x100  }
0x135: {  	[tilespmem:s28], [sflag:$0x3] =	stream.indirect.gather [hbm4b:s14+s23], $0x20, s11, s23, $0xb8;
	[tilespmem:$0x1D000] =	vst v63  }
0x136: {  	s13 =	simm.s32 $0x180  }
0x137: {  	[tilespmem:s30], [sflag:$0x4] =	stream.indirect.gather [hbm4b:s14+s23], $0x20, s13, s23, $0xb8;
	[tilespmem:$0x1D000] =	vst v63  }
0x138: {  	_ =	swait.ge [sflag:s31], $0x1000  }
0x139: {  	[sflag:s31] =	ssyncset.done $0x0  }
0x13a: {  	s26 =	simm.s32 $0x5000;
	[sflag:s31] =	ssyncadd.s32 $0xFFFFF000  }
0x13b: {  	[spmem:s2] =	stream.indirect.scatter.add.f32 [tilespmem:s24], [sflag:$0x5], $0x20, s26, s23, $0xb8;
	[tilespmem:$0x1D000] =	vst v63  }
0x13c: {  	_ =	swait.ge [sflag:s1], $0x1000  }
0x13d: {  	[sflag:s1] =	ssyncset.done $0x0  }
0x13e: {  	s11 =	simm.s32 $0x5080;
	[sflag:s1] =	ssyncadd.s32 $0xFFFFF000  }
0x13f: {  	[spmem:s2] =	stream.indirect.scatter.add.f32 [tilespmem:s25], [sflag:$0x6], $0x20, s11, s23, $0xb8;
	[tilespmem:$0x1D000] =	vst v63  }
0x140: {  	_ =	swait.ge [sflag:s21], $0x1000  }
0x141: {  	[sflag:s21] =	ssyncset.done $0x0  }
0x142: {  	s13 =	simm.s32 $0x5100;
	[sflag:s21] =	ssyncadd.s32 $0xFFFFF000  }
0x143: {  	[spmem:s2] =	stream.indirect.scatter.add.f32 [tilespmem:s28], [sflag:$0x7], $0x20, s13, s23, $0xb8;
	[tilespmem:$0x1D000] =	vst v63  }
0x144: {  	_ =	swait.ge [sflag:s22], $0x1000  }
0x145: {  	[sflag:s22] =	ssyncset.done $0x0  }
0x146: {  	s26 =	simm.s32 $0x5180;
	[sflag:s22] =	ssyncadd.s32 $0xFFFFF000  }
0x147: {  	[spmem:s2] =	stream.indirect.scatter.add.f32 [tilespmem:s30], [sflag:$0x8], $0x20, s26, s23, $0xb8;
	[tilespmem:$0x1D000] =	vst v63  }
0x148: {  	_ =	swait.ge [sflag:s0], $0x1000  }
0x149: {  	[sflag:s0] =	ssyncset.done $0x0  }
0x14a: {  	s11 =	simm.s32 $0x200;
	[sflag:s0] =	ssyncadd.s32 $0xFFFFF000  }
0x14b: {  	[tilespmem:s24], [sflag:$0x1] =	stream.indirect.gather [hbm4b:s14+s23], $0x20, s11, s23, $0xb8;
	[tilespmem:$0x1D000] =	vst v63  }
0x14c: {  	_ =	swait.ge [sflag:s5], $0x1000  }
0x14d: {  	[sflag:s5] =	ssyncset.done $0x0  }
0x14e: {  	s13 =	simm.s32 $0x280;
	[sflag:s5] =	ssyncadd.s32 $0xFFFFF000  }
0x14f: {  	[tilespmem:s25], [sflag:$0x2] =	stream.indirect.gather [hbm4b:s14+s23], $0x20, s13, s23, $0xb8;
	[tilespmem:$0x1D000] =	vst v63  }
0x150: {  	_ =	swait.ge [sflag:s6], $0x1000  }
0x151: {  	[sflag:s6] =	ssyncset.done $0x0  }
0x152: {  	s26 =	simm.s32 $0x300;
	[sflag:s6] =	ssyncadd.s32 $0xFFFFF000  }
0x153: {  	[tilespmem:s28], [sflag:$0x3] =	stream.indirect.gather [hbm4b:s14+s23], $0x20, s26, s23, $0xb8;
	[tilespmem:$0x1D000] =	vst v63  }
0x154: {  	_ =	swait.ge [sflag:s7], $0x1000  }
0x155: {  	[sflag:s7] =	ssyncset.done $0x0  }
0x156: {  	s8 =	simm.s32 $0x800;
	s11 =	simm.s32 $0x380;
	[sflag:s7] =	ssyncadd.s32 $0xFFFFF000  }
.LBB2_10:
0x157: {  	[tilespmem:s30], [sflag:$0x4] =	stream.indirect.gather [hbm4b:s14+s23], $0x20, s11, s23, $0xb8;
	[tilespmem:$0x1D000] =	vst v63  }
0x158: {  	s11 =	smov.u32 s8  }
0x159: {  	p0 =	sne.s32 s8, $0x13000;
	s8 =	sadd.s32 $0x800, s8;
	_ =	swait.ge [sflag:s31], $0x1000  }
0x15a: {  	s11 =	sshra.s32 s11, $0x2;
	[sflag:s31] =	ssyncset.done $0x0  }
0x15b: {  	s13 =	sadd.s32 $0x5000, s11;
	[sflag:s31] =	ssyncadd.s32 $0xFFFFF000  }
0x15c: {  	[spmem:s2] =	stream.indirect.scatter.add.f32 [tilespmem:s24], [sflag:$0x5], $0x20, s13, s23, $0xb8;
	[tilespmem:$0x1D000] =	vst v63  }
0x15d: {  	_ =	swait.ge [sflag:s1], $0x1000  }
0x15e: {  	[sflag:s1] =	ssyncset.done $0x0  }
0x15f: {  	s13 =	sadd.s32 $0x5080, s11;
	[sflag:s1] =	ssyncadd.s32 $0xFFFFF000  }
0x160: {  	[spmem:s2] =	stream.indirect.scatter.add.f32 [tilespmem:s25], [sflag:$0x6], $0x20, s13, s23, $0xb8;
	[tilespmem:$0x1D000] =	vst v63  }
0x161: {  	_ =	swait.ge [sflag:s21], $0x1000  }
0x162: {  	[sflag:s21] =	ssyncset.done $0x0  }
0x163: {  	s13 =	sadd.s32 $0x5100, s11;
	[sflag:s21] =	ssyncadd.s32 $0xFFFFF000  }
0x164: {  	[spmem:s2] =	stream.indirect.scatter.add.f32 [tilespmem:s28], [sflag:$0x7], $0x20, s13, s23, $0xb8;
	[tilespmem:$0x1D000] =	vst v63  }
0x165: {  	_ =	swait.ge [sflag:s22], $0x1000  }
0x166: {  	[sflag:s22] =	ssyncset.done $0x0  }
0x167: {  	s13 =	sadd.s32 $0x5180, s11;
	[sflag:s22] =	ssyncadd.s32 $0xFFFFF000  }
0x168: {  	[spmem:s2] =	stream.indirect.scatter.add.f32 [tilespmem:s30], [sflag:$0x8], $0x20, s13, s23, $0xb8;
	[tilespmem:$0x1D000] =	vst v63  }
0x169: {  	_ =	swait.ge [sflag:s0], $0x1000  }
0x16a: {  	[sflag:s0] =	ssyncset.done $0x0  }
0x16b: {  	s13 =	sadd.s32 $0x200, s11;
	[sflag:s0] =	ssyncadd.s32 $0xFFFFF000  }
0x16c: {  	[tilespmem:s24], [sflag:$0x1] =	stream.indirect.gather [hbm4b:s14+s23], $0x20, s13, s23, $0xb8;
	[tilespmem:$0x1D000] =	vst v63  }
0x16d: {  	_ =	swait.ge [sflag:s5], $0x1000  }
0x16e: {  	[sflag:s5] =	ssyncset.done $0x0  }
0x16f: {  	s13 =	sadd.s32 $0x280, s11;
	[sflag:s5] =	ssyncadd.s32 $0xFFFFF000  }
0x170: {  	[tilespmem:s25], [sflag:$0x2] =	stream.indirect.gather [hbm4b:s14+s23], $0x20, s13, s23, $0xb8;
	[tilespmem:$0x1D000] =	vst v63  }
0x171: {  	_ =	swait.ge [sflag:s6], $0x1000  }
0x172: {  	[sflag:s6] =	ssyncset.done $0x0  }
.Ltmp4:
0x173: {  	s13 =	sadd.s32 $0x300, s11;
	[sflag:s6] =	ssyncadd.s32 $0xFFFFF000;
	(pc) =	sbr.rel @p0 .LBB2_10-.Ltmp4, $4  }
0x174: {  	[tilespmem:s28], [sflag:$0x3] =	stream.indirect.gather [hbm4b:s14+s23], $0x20, s13, s23, $0xb8;
	[tilespmem:$0x1D000] =	vst v63  }
0x175: {  	_ =	swait.ge [sflag:s7], $0x1000  }
0x176: {  	[sflag:s7] =	ssyncset.done $0x0  }
0x177: {  	s11 =	sadd.s32 $0x380, s11;
	[sflag:s7] =	ssyncadd.s32 $0xFFFFF000  }
0x178: {  	[tilespmem:s30], [sflag:$0x4] =	stream.indirect.gather [hbm4b:s14+s23], $0x20, s11, s23, $0xb8;
	[tilespmem:$0x1D000] =	vst v63  }
0x179: {  	_ =	swait.ge [sflag:s31], $0x1000  }
0x17a: {  	[sflag:s31] =	ssyncset.done $0x0  }
0x17b: {  	s8 =	simm.s32 $0x9E00;
	[sflag:s31] =	ssyncadd.s32 $0xFFFFF000  }
0x17c: {  	[spmem:s2] =	stream.indirect.scatter.add.f32 [tilespmem:s24], [sflag:$0x5], $0x20, s8, s23, $0xb8;
	[tilespmem:$0x1D000] =	vst v63  }
0x17d: {  	_ =	swait.ge [sflag:s1], $0x1000  }
0x17e: {  	[sflag:s1] =	ssyncset.done $0x0  }
0x17f: {  	s26 =	simm.s32 $0x9E80;
	[sflag:s1] =	ssyncadd.s32 $0xFFFFF000  }
0x180: {  	[spmem:s2] =	stream.indirect.scatter.add.f32 [tilespmem:s25], [sflag:$0x6], $0x20, s26, s23, $0xb8;
	[tilespmem:$0x1D000] =	vst v63  }
0x181: {  	_ =	swait.ge [sflag:s21], $0x1000  }
0x182: {  	[sflag:s21] =	ssyncset.done $0x0  }
0x183: {  	s11 =	simm.s32 $0x9F00;
	[sflag:s21] =	ssyncadd.s32 $0xFFFFF000  }
0x184: {  	[spmem:s2] =	stream.indirect.scatter.add.f32 [tilespmem:s28], [sflag:$0x7], $0x20, s11, s23, $0xb8;
	[tilespmem:$0x1D000] =	vst v63  }
0x185: {  	_ =	swait.ge [sflag:s22], $0x1000  }
0x186: {  	[sflag:s22] =	ssyncset.done $0x0  }
0x187: {  	s13 =	simm.s32 $0x9F80;
	[sflag:s22] =	ssyncadd.s32 $0xFFFFF000  }
0x188: {  	[spmem:s2] =	stream.indirect.scatter.add.f32 [tilespmem:s30], [sflag:$0x8], $0x20, s13, s23, $0xb8;
	[tilespmem:$0x1D000] =	vst v63  }
0x189: {  	_ =	swait.ge [sflag:s0], $0x1000  }
0x18a: {  	[sflag:s0] =	ssyncset.done $0x0  }
0x18b: {  	[sflag:s0] =	ssyncadd.s32 $0xFFFFF000  }
0x18c: {  	_ =	swait.ge [sflag:s5], $0x1000  }
0x18d: {  	[sflag:s5] =	ssyncset.done $0x0  }
0x18e: {  	[sflag:s5] =	ssyncadd.s32 $0xFFFFF000  }
0x18f: {  	_ =	swait.ge [sflag:s6], $0x1000  }
0x190: {  	[sflag:s6] =	ssyncset.done $0x0  }
0x191: {  	[sflag:s6] =	ssyncadd.s32 $0xFFFFF000  }
0x192: {  	_ =	swait.ge [sflag:s7], $0x1000  }
0x193: {  	[sflag:s7] =	ssyncset.done $0x0  }
0x194: {  	[sflag:s7] =	ssyncadd.s32 $0xFFFFF000  }
0x195: {  	[bflag:$0x0] =	sbarrier.arrive $0xFFFF  }
0x196: {  	[tilespmem:s29], [sflag:$0x9] =	stream.linear.gather [spmem:s9], $0x5000, $0x38;
	[tilespmem:$0x1D000] =	vst v63  }
0x197: {  	_ =	swait.ge [sflag:s19], $0x5000  }
0x198: {  	[sflag:s19] =	ssyncset.done $0x0  }
0x199: {  	s8 =	simm.s32 $0xE010;
	[sflag:s19] =	ssyncadd.s32 $0xFFFFB000  }
0x19a: {  	s26 =	simm.s32 $0x0;
	v0 =	vld [tilespmem:s8+$0xFFFFFFF0]  }
0x19b: {  	v2 =	vld [tilespmem:s26+$0x13000]  }
0x19c: {  	v3 =	vld [tilespmem:s8+$0x0];
	_ =	sdelay $0x4  }
0x19d: {  	s11 =	simm.s32 $0x40;
	s13 =	simm.s32 $0xE010;
	v1 =	vmul.f32 v0, v2;
	v0 =	vmul.f32 v3, v2  }
.LBB2_12:
0x19e: {  	p0 =	sne.s32 s11, $0x9FC0  }
0x19f: {  	[tilespmem:s8+$0xFFFFFFF0] =	vst v1;
	s13 =	sadd.s32 $0x20, s13;
	s26 =	smov.u32 s11;
	s11 =	sadd.s32 $0x40, s11  }
0x1a0: {  	s26 =	sshra.s32 s26, $0x2;
	v1 =	vld [tilespmem:s13+$0xFFFFFFF0];
	[tilespmem:s8+$0x0] =	vst v0;
	s8 =	smov.u32 s13  }
0x1a1: {  	v0 =	vld [tilespmem:s26+$0x13000]  }
0x1a2: {  	v2 =	vld [tilespmem:s13+$0x0]  }
.Ltmp5:
0x1a3: {  	(pc) =	sbr.rel @p0 .LBB2_12-.Ltmp5, $3  }
0x1a4: {  	_ =	sdelay $0x1  }
0x1a5: {  	v1 =	vmul.f32 v1, v0  }
0x1a6: {  	v0 =	vmul.f32 v2, v0  }
0x1a7: {  	[tilespmem:s8+$0xFFFFFFF0] =	vst v1  }
0x1a8: {  	s26 =	simm.s32 $0x0;
	s11 =	rddreg [dreg:$0x9];
	[tilespmem:s8+$0x0] =	vst v0  }
0x1a9: {  	[hbm4b:s11+s26] =	stream.linear.scatter [tilespmem:s29], [sflag:$0x9], $0x5000, $0x38;
	[tilespmem:$0x1D000] =	vst v63  }
0x1aa: {  	_ =	swait.ge [sflag:s19], $0x5000  }
0x1ab: {  	[sflag:s19] =	ssyncset.done $0x0  }
0x1ac: {  	[sflag:s19] =	ssyncadd.s32 $0xFFFFB000  }
0x1ad: {  	[spmem:s18], [sflag:s17] =	dma.local [hbm:s4], $0xA00  }
0x1ae: {  	_ =	swait.ge [sflag:s19], $0xA00  }
0x1af: {  	[sflag:s19] =	ssyncset.done $0x0  }
0x1b0: {  	[sflag:s19] =	ssyncadd.s32 $0xFFFFF600  }
0x1b1: {  	[bflag:$0x0] =	sbarrier.arrive $0xFFFF  }
0x1b2: {  	[tilespmem:s24], [sflag:$0x1] =	stream.indirect.gather [hbm4b:s16+s23], $0x20, s20, s23, $0xb8;
	[tilespmem:$0x1D000] =	vst v63  }
0x1b3: {  	s11 =	simm.s32 $0x5080  }
0x1b4: {  	[tilespmem:s25], [sflag:$0x2] =	stream.indirect.gather [hbm4b:s16+s23], $0x20, s11, s23, $0xb8;
	[tilespmem:$0x1D000] =	vst v63  }
0x1b5: {  	s13 =	simm.s32 $0x5100  }
0x1b6: {  	[tilespmem:s28], [sflag:$0x3] =	stream.indirect.gather [hbm4b:s16+s23], $0x20, s13, s23, $0xb8;
	[tilespmem:$0x1D000] =	vst v63  }
0x1b7: {  	s17 =	simm.s32 $0x5180  }
0x1b8: {  	[tilespmem:s30], [sflag:$0x4] =	stream.indirect.gather [hbm4b:s16+s23], $0x20, s17, s23, $0xb8;
	[tilespmem:$0x1D000] =	vst v63  }
0x1b9: {  	_ =	swait.ge [sflag:s31], $0x1000  }
0x1ba: {  	[sflag:s31] =	ssyncset.done $0x0  }
0x1bb: {  	s18 =	simm.s32 $0x0;
	[sflag:s31] =	ssyncadd.s32 $0xFFFFF000  }
0x1bc: {  	[spmem:s2] =	stream.indirect.scatter.add.f32 [tilespmem:s24], [sflag:$0x5], $0x20, s18, s23, $0xb8;
	[tilespmem:$0x1D000] =	vst v63  }
0x1bd: {  	_ =	swait.ge [sflag:s1], $0x1000  }
0x1be: {  	[sflag:s1] =	ssyncset.done $0x0  }
0x1bf: {  	s26 =	simm.s32 $0x80;
	[sflag:s1] =	ssyncadd.s32 $0xFFFFF000  }
0x1c0: {  	[spmem:s2] =	stream.indirect.scatter.add.f32 [tilespmem:s25], [sflag:$0x6], $0x20, s26, s23, $0xb8;
	[tilespmem:$0x1D000] =	vst v63  }
0x1c1: {  	_ =	swait.ge [sflag:s21], $0x1000  }
0x1c2: {  	[sflag:s21] =	ssyncset.done $0x0  }
0x1c3: {  	s11 =	simm.s32 $0x100;
	[sflag:s21] =	ssyncadd.s32 $0xFFFFF000  }
0x1c4: {  	[spmem:s2] =	stream.indirect.scatter.add.f32 [tilespmem:s28], [sflag:$0x7], $0x20, s11, s23, $0xb8;
	[tilespmem:$0x1D000] =	vst v63  }
0x1c5: {  	_ =	swait.ge [sflag:s22], $0x1000  }
0x1c6: {  	[sflag:s22] =	ssyncset.done $0x0  }
0x1c7: {  	s13 =	simm.s32 $0x180;
	[sflag:s22] =	ssyncadd.s32 $0xFFFFF000  }
0x1c8: {  	[spmem:s2] =	stream.indirect.scatter.add.f32 [tilespmem:s30], [sflag:$0x8], $0x20, s13, s23, $0xb8;
	[tilespmem:$0x1D000] =	vst v63  }
0x1c9: {  	_ =	swait.ge [sflag:s0], $0x1000  }
0x1ca: {  	[sflag:s0] =	ssyncset.done $0x0  }
0x1cb: {  	s17 =	simm.s32 $0x5200;
	[sflag:s0] =	ssyncadd.s32 $0xFFFFF000  }
0x1cc: {  	[tilespmem:s24], [sflag:$0x1] =	stream.indirect.gather [hbm4b:s16+s23], $0x20, s17, s23, $0xb8;
	[tilespmem:$0x1D000] =	vst v63  }
0x1cd: {  	_ =	swait.ge [sflag:s5], $0x1000  }
0x1ce: {  	[sflag:s5] =	ssyncset.done $0x0  }
0x1cf: {  	s18 =	simm.s32 $0x5280;
	[sflag:s5] =	ssyncadd.s32 $0xFFFFF000  }
0x1d0: {  	[tilespmem:s25], [sflag:$0x2] =	stream.indirect.gather [hbm4b:s16+s23], $0x20, s18, s23, $0xb8;
	[tilespmem:$0x1D000] =	vst v63  }
0x1d1: {  	_ =	swait.ge [sflag:s6], $0x1000  }
0x1d2: {  	[sflag:s6] =	ssyncset.done $0x0  }
0x1d3: {  	s26 =	simm.s32 $0x5300;
	[sflag:s6] =	ssyncadd.s32 $0xFFFFF000  }
0x1d4: {  	[tilespmem:s28], [sflag:$0x3] =	stream.indirect.gather [hbm4b:s16+s23], $0x20, s26, s23, $0xb8;
	[tilespmem:$0x1D000] =	vst v63  }
0x1d5: {  	_ =	swait.ge [sflag:s7], $0x1000  }
0x1d6: {  	[sflag:s7] =	ssyncset.done $0x0  }
0x1d7: {  	s8 =	simm.s32 $0x800;
	s11 =	simm.s32 $0x5380;
	[sflag:s7] =	ssyncadd.s32 $0xFFFFF000  }
.LBB2_14:
0x1d8: {  	[tilespmem:s30], [sflag:$0x4] =	stream.indirect.gather [hbm4b:s16+s23], $0x20, s11, s23, $0xb8;
	[tilespmem:$0x1D000] =	vst v63  }
0x1d9: {  	s11 =	smov.u32 s8  }
0x1da: {  	p0 =	sne.s32 s8, $0x13000;
	s8 =	sadd.s32 $0x800, s8;
	_ =	swait.ge [sflag:s31], $0x1000  }
0x1db: {  	[sflag:s31] =	ssyncset.done $0x0  }
0x1dc: {  	s11 =	sshra.s32 s11, $0x2;
	[sflag:s31] =	ssyncadd.s32 $0xFFFFF000  }
0x1dd: {  	[spmem:s2] =	stream.indirect.scatter.add.f32 [tilespmem:s24], [sflag:$0x5], $0x20, s11, s23, $0xb8;
	[tilespmem:$0x1D000] =	vst v63  }
0x1de: {  	_ =	swait.ge [sflag:s1], $0x1000  }
0x1df: {  	[sflag:s1] =	ssyncset.done $0x0  }
0x1e0: {  	s13 =	sadd.s32 $0x80, s11;
	[sflag:s1] =	ssyncadd.s32 $0xFFFFF000  }
0x1e1: {  	[spmem:s2] =	stream.indirect.scatter.add.f32 [tilespmem:s25], [sflag:$0x6], $0x20, s13, s23, $0xb8;
	[tilespmem:$0x1D000] =	vst v63  }
0x1e2: {  	_ =	swait.ge [sflag:s21], $0x1000  }
0x1e3: {  	[sflag:s21] =	ssyncset.done $0x0  }
0x1e4: {  	s13 =	sadd.s32 $0x100, s11;
	[sflag:s21] =	ssyncadd.s32 $0xFFFFF000  }
0x1e5: {  	[spmem:s2] =	stream.indirect.scatter.add.f32 [tilespmem:s28], [sflag:$0x7], $0x20, s13, s23, $0xb8;
	[tilespmem:$0x1D000] =	vst v63  }
0x1e6: {  	_ =	swait.ge [sflag:s22], $0x1000  }
0x1e7: {  	[sflag:s22] =	ssyncset.done $0x0  }
0x1e8: {  	s13 =	sadd.s32 $0x180, s11;
	[sflag:s22] =	ssyncadd.s32 $0xFFFFF000  }
0x1e9: {  	[spmem:s2] =	stream.indirect.scatter.add.f32 [tilespmem:s30], [sflag:$0x8], $0x20, s13, s23, $0xb8;
	[tilespmem:$0x1D000] =	vst v63  }
0x1ea: {  	_ =	swait.ge [sflag:s0], $0x1000  }
0x1eb: {  	[sflag:s0] =	ssyncset.done $0x0  }
0x1ec: {  	s13 =	sadd.s32 $0x5200, s11;
	[sflag:s0] =	ssyncadd.s32 $0xFFFFF000  }
0x1ed: {  	[tilespmem:s24], [sflag:$0x1] =	stream.indirect.gather [hbm4b:s16+s23], $0x20, s13, s23, $0xb8;
	[tilespmem:$0x1D000] =	vst v63  }
0x1ee: {  	_ =	swait.ge [sflag:s5], $0x1000  }
0x1ef: {  	[sflag:s5] =	ssyncset.done $0x0  }
0x1f0: {  	s13 =	sadd.s32 $0x5280, s11;
	[sflag:s5] =	ssyncadd.s32 $0xFFFFF000  }
0x1f1: {  	[tilespmem:s25], [sflag:$0x2] =	stream.indirect.gather [hbm4b:s16+s23], $0x20, s13, s23, $0xb8;
	[tilespmem:$0x1D000] =	vst v63  }
0x1f2: {  	_ =	swait.ge [sflag:s6], $0x1000  }
0x1f3: {  	[sflag:s6] =	ssyncset.done $0x0  }
.Ltmp6:
0x1f4: {  	s13 =	sadd.s32 $0x5300, s11;
	[sflag:s6] =	ssyncadd.s32 $0xFFFFF000;
	(pc) =	sbr.rel @p0 .LBB2_14-.Ltmp6, $4  }
0x1f5: {  	[tilespmem:s28], [sflag:$0x3] =	stream.indirect.gather [hbm4b:s16+s23], $0x20, s13, s23, $0xb8;
	[tilespmem:$0x1D000] =	vst v63  }
0x1f6: {  	_ =	swait.ge [sflag:s7], $0x1000  }
0x1f7: {  	[sflag:s7] =	ssyncset.done $0x0  }
0x1f8: {  	s11 =	sadd.s32 $0x5380, s11;
	[sflag:s7] =	ssyncadd.s32 $0xFFFFF000  }
0x1f9: {  	[tilespmem:s30], [sflag:$0x4] =	stream.indirect.gather [hbm4b:s16+s23], $0x20, s11, s23, $0xb8;
	[tilespmem:$0x1D000] =	vst v63  }
0x1fa: {  	_ =	swait.ge [sflag:s31], $0x1000  }
0x1fb: {  	[sflag:s31] =	ssyncset.done $0x0  }
0x1fc: {  	s8 =	simm.s32 $0x4E00;
	[sflag:s31] =	ssyncadd.s32 $0xFFFFF000  }
0x1fd: {  	[spmem:s2] =	stream.indirect.scatter.add.f32 [tilespmem:s24], [sflag:$0x5], $0x20, s8, s23, $0xb8;
	[tilespmem:$0x1D000] =	vst v63  }
0x1fe: {  	_ =	swait.ge [sflag:s1], $0x1000  }
0x1ff: {  	[sflag:s1] =	ssyncset.done $0x0  }
0x200: {  	s13 =	simm.s32 $0x4E80;
	[sflag:s1] =	ssyncadd.s32 $0xFFFFF000  }
0x201: {  	[spmem:s2] =	stream.indirect.scatter.add.f32 [tilespmem:s25], [sflag:$0x6], $0x20, s13, s23, $0xb8;
	[tilespmem:$0x1D000] =	vst v63  }
0x202: {  	_ =	swait.ge [sflag:s21], $0x1000  }
0x203: {  	[sflag:s21] =	ssyncset.done $0x0  }
0x204: {  	s17 =	simm.s32 $0x4F00;
	[sflag:s21] =	ssyncadd.s32 $0xFFFFF000  }
0x205: {  	[spmem:s2] =	stream.indirect.scatter.add.f32 [tilespmem:s28], [sflag:$0x7], $0x20, s17, s23, $0xb8;
	[tilespmem:$0x1D000] =	vst v63  }
0x206: {  	_ =	swait.ge [sflag:s22], $0x1000  }
0x207: {  	[sflag:s22] =	ssyncset.done $0x0  }
0x208: {  	s18 =	simm.s32 $0x4F80;
	[sflag:s22] =	ssyncadd.s32 $0xFFFFF000  }
0x209: {  	[spmem:s2] =	stream.indirect.scatter.add.f32 [tilespmem:s30], [sflag:$0x8], $0x20, s18, s23, $0xb8;
	[tilespmem:$0x1D000] =	vst v63  }
0x20a: {  	_ =	swait.ge [sflag:s0], $0x1000  }
0x20b: {  	[sflag:s0] =	ssyncset.done $0x0  }
0x20c: {  	[sflag:s0] =	ssyncadd.s32 $0xFFFFF000  }
0x20d: {  	_ =	swait.ge [sflag:s5], $0x1000  }
0x20e: {  	[sflag:s5] =	ssyncset.done $0x0  }
0x20f: {  	[sflag:s5] =	ssyncadd.s32 $0xFFFFF000  }
0x210: {  	_ =	swait.ge [sflag:s6], $0x1000  }
0x211: {  	[sflag:s6] =	ssyncset.done $0x0  }
0x212: {  	[sflag:s6] =	ssyncadd.s32 $0xFFFFF000  }
0x213: {  	_ =	swait.ge [sflag:s7], $0x1000  }
0x214: {  	[sflag:s7] =	ssyncset.done $0x0  }
0x215: {  	[sflag:s7] =	ssyncadd.s32 $0xFFFFF000  }
0x216: {  	[bflag:$0x0] =	sbarrier.arrive $0xFFFF  }
0x217: {  	[tilespmem:s29], [sflag:$0x9] =	stream.linear.gather [spmem:s9], $0x5000, $0x38;
	[tilespmem:$0x1D000] =	vst v63  }
0x218: {  	_ =	swait.ge [sflag:s19], $0x5000  }
0x219: {  	[sflag:s19] =	ssyncset.done $0x0  }
0x21a: {  	s8 =	simm.s32 $0xE010;
	[sflag:s19] =	ssyncadd.s32 $0xFFFFB000  }
0x21b: {  	s26 =	simm.s32 $0x0;
	v0 =	vld [tilespmem:s8+$0xFFFFFFF0]  }
0x21c: {  	v2 =	vld [tilespmem:s26+$0x15800]  }
0x21d: {  	v3 =	vld [tilespmem:s8+$0x0];
	_ =	sdelay $0x4  }
0x21e: {  	s11 =	simm.s32 $0x40;
	s13 =	simm.s32 $0xE010;
	v1 =	vmul.f32 v0, v2;
	v0 =	vmul.f32 v3, v2  }
.LBB2_16:
0x21f: {  	p0 =	sne.s32 s11, $0x9FC0  }
0x220: {  	[tilespmem:s8+$0xFFFFFFF0] =	vst v1;
	s13 =	sadd.s32 $0x20, s13;
	s17 =	smov.u32 s11;
	s11 =	sadd.s32 $0x40, s11  }
0x221: {  	s17 =	sshra.s32 s17, $0x2;
	v1 =	vld [tilespmem:s13+$0xFFFFFFF0];
	[tilespmem:s8+$0x0] =	vst v0;
	s8 =	smov.u32 s13  }
0x222: {  	v0 =	vld [tilespmem:s17+$0x15800]  }
0x223: {  	v2 =	vld [tilespmem:s13+$0x0]  }
.Ltmp7:
0x224: {  	(pc) =	sbr.rel @p0 .LBB2_16-.Ltmp7, $3  }
0x225: {  	_ =	sdelay $0x1  }
0x226: {  	v1 =	vmul.f32 v1, v0  }
0x227: {  	v0 =	vmul.f32 v2, v0  }
0x228: {  	[tilespmem:s8+$0xFFFFFFF0] =	vst v1  }
0x229: {  	s18 =	rddreg [dreg:$0xa];
	[tilespmem:s8+$0x0] =	vst v0  }
0x22a: {  	[hbm4b:s18+s3] =	stream.linear.scatter [tilespmem:s29], [sflag:$0x9], $0x5000, $0x38;
	[tilespmem:$0x1D000] =	vst v63  }
0x22b: {  	_ =	swait.ge [sflag:s19], $0x5000  }
0x22c: {  	s15 =	sadd.s32 $0x1, s15;
	s26 =	rddreg [dreg:$0xb]  }
0x22d: {  	p0 =	sne.s32 s15, s26  }
.Ltmp8:
0x22e: {  	_ = 	snop;
	(pc) =	sbr.rel @p0 .LBB2_1-.Ltmp8, $3  }
0x22f: {  	_ =	sdelay $0x1  }
0x230: {  	[sflag:s19] =	ssyncset.done $0x0  }
0x231: {  	[sflag:s19] =	ssyncadd.s32 $0xFFFFB000  }
0x232: {  	_ =	sfence.sel $0x180000  }
0x233: {  	[bflag:$0x0] =	sbarrier.arrive $0xFFFF  }
0x234: {  	_ =	strace $0x9000004D  }
0x235: {  	s0 =	stileid.u32;
	[bflag:$0x2] =	sbarrier.arrive $0xFFFF  }
0x236: {  	p0 =	sne.s32 s0, $0x0;
	s0 =	rddreg [dreg:$0x2]  }
0x237: {  	s0 =	sadd.s32 @!p0 $0x100000, s0  }
0x238: {  	[sflag:s0] =	ssyncadd.tile.s32 @!p0 $0x1;
	_ =	shalt  }
.Lfunc_end2:
_tile_overlayer_lowered:
.L_overlay_start_2:
0x239: {  	(tag) =	ssettag $0x2  }
0x23a: {  	s0 =	rddreg [dreg:$0x0];
	s2 =	stileid.u32  }
0x23b: {  	s1 =	rddreg [dreg:$0x1];
	p0 =	sne.s32 s2, $0x0  }
0x23c: {  	s3 =	rddreg [dreg:$0x2];
	[bflag:$0x3] =	sbarrier.arrive $0xFFFF;
	s2 =	simm.s32 @!p0 $0x1C09  }
0x23d: {  	[timem:s3], [sflag:s2] =	dma.local @!p0 [hbm:s0], s1  }
0x23e: {  	s0 =	simm.s32 @!p0 $0x9  }
0x23f: {  	_ =	swait.ge @!p0 [sflag:s0], s1  }
0x240: {  	s1 =	ssub.s32 @!p0 $0x0, s1;
	[sflag:s0] =	ssyncset.done @!p0 $0x0  }
0x241: {  	[sflag:s0] =	ssyncadd.s32 @!p0 s1  }
0x242: {  	[bflag:$0x3] =	sbarrier.arrive $0xFFFF  }
0x243: {  	_ =	shalt  }

// kernel: kernel.8.cloned.1.call-start
scs
__scs_entry_jumppad:
0x0: {  	(pc) =	sbr.rel $0x88, $3  }
0x1: {  	(tag) =	ssettag $0x0;
	lr =	simm.s32 $0x1  }
0x2: {  	[smem:$0x3F95] =	sst lr;
	_ =	strace $0xD0000000  }
0x3: {  	_ = 	snop  }
0x4: {  	_ = 	snop  }
0x5: {  	_ = 	snop  }
0x6: {  	_ = 	snop  }
0x7: {  	_ = 	snop  }
__scs_overlays_trampoline_lowered:
0x8: {  	[smem:$0x3FA4] =	sst s0  }
0x9: {  	[smem:$0x3FA5] =	sst s1  }
0xa: {  	[smem:$0x3FA6] =	sst s2  }
0xb: {  	[smem:$0x3FA7] =	sst s3  }
0xc: {  	[smem:$0x3FA8] =	sst s4  }
0xd: {  	[smem:$0x3FA9] =	sst s5  }
0xe: {  	[smem:$0x3FAA] =	sst s6  }
0xf: {  	[smem:$0x3FAB] =	sst s7  }
0x10: {  	[smem:$0x3FAC] =	sst s8  }
0x11: {  	[smem:$0x3FAD] =	sst s9;
	s0 =	simm.s32 @!p0 $0x0  }
0x12: {  	s1 =	sld [smem:$0x3F93];
	s0 =	simm.s32 @p0 $0x1  }
0x13: {  	[smem:$0x3FAE] =	sst s0;
	s0 =	simm.s32 @!p1 $0x0  }
0x14: {  	s2 =	sld [smem:$0x3F92];
	s0 =	simm.s32 @p1 $0x1  }
0x15: {  	[smem:$0x3FAF] =	sst s0;
	s0 =	simm.s32 @!p2 $0x0  }
0x16: {  	s3 =	sld [smem:$0x3FDB];
	s0 =	simm.s32 @p2 $0x1  }
0x17: {  	s4 =	simm.s32 $0x1BF5;
	[smem:$0x3FB1] =	sst s0  }
0x18: {  	s0 =	sld [smem:$0x3F94];
	_ =	swait.ge [sflag:s4], $0x0  }
0x19: {  	s7 =	sld [smem:$0x3F95]  }
0x1a: {  	s8 =	sadd.s32 $0xFFFFE003, lr  }
0x1b: {  	s9 =	sadd.s32 $0xFFFFFEF7, lr;
	s5 =	simm.s32 $0xFFFFFFFF;
	p2 =	slt.u32 s8, $0xFFFFF086  }
0x1c: {  	p1 =	slt.u32 s9, $0xF7A;
	s5 =	simm.s32 @!p2 $0x0  }
0x1d: {  	s5 =	simm.s32 @p1 $0x1;
	p0 =	seq.s32 s7, s2  }
0x1e: {  	s7 =	smul.u32 @!p0 $0xF7A, s2;
	p2 =	seq.s32 @!p0 s5, $0x0  }
0x1f: {  	s9 =	smul.u32 $0xF7A, s1;
	s8 =	simm.s32 @!p0 $0x1BF5;
	p2 =	por !p2, p0  }
0x20: {  	[sflag:s8] =	ssyncset.s32 @!p0 $0xFFFFF086;
	s6 =	sadd.s32 @!p0 s3, s7;
	s7 =	simm.s32 @!p0 $0x108  }
0x21: {  	s3 =	sadd.s32 s3, s9;
	s6 =	sadd.s32 @!p0 $0x88, s6;
	s7 =	simm.s32 @p2 $0x1082  }
0x22: {  	[simem:s7], [sflag:s8] =	dma.local @!p0 [hbm:s6], $0xF7A  }
0x23: {  	s9 =	sor.u32 $0xD0000000, s2;
	s6 =	simm.s32 $0x108;
	_ =	swait.ge @!p0 [sflag:s8], $0x0  }
0x24: {  	s3 =	sadd.s32 $0x88, s3;
	s6 =	simm.s32 @!p1 $0x1082;
	[sflag:s4] =	ssyncset.s32 $0xFFFFF086  }
0x25: {  	[simem:s6], [sflag:s4] =	dma.local [hbm:s3], $0xF7A  }
0x26: {  	[smem:$0x3F95] =	sst s1;
	(tag) =	ssettag s2;
	_ =	strace s9  }
0x27: {  	s1 =	sld [smem:$0x3FA5]  }
0x28: {  	s2 =	sld [smem:$0x3FA6]  }
0x29: {  	s4 =	sld [smem:$0x3FA8]  }
0x2a: {  	p0 =	seq.s32 s5, $0x0;
	s5 =	sld [smem:$0x3FA9]  }
0x2b: {  	s6 =	sld [smem:$0x3FAA]  }
0x2c: {  	s7 =	sld [smem:$0x3FAB]  }
0x2d: {  	s3 =	simm.s32 $0x108;
	s8 =	sld [smem:$0x3FAC]  }
0x2e: {  	s3 =	simm.s32 @!p0 $0x1082;
	s9 =	sld [smem:$0x3FAD]  }
0x2f: {  	lr =	sadd.s32 s0, s3;
	s0 =	sld [smem:$0x3FA4]  }
0x30: {  	s3 =	sld [smem:$0x3FA7]  }
0x31: {  	[smem:$0x3FB0] =	sst s10  }
0x32: {  	s10 =	sld [smem:$0x3FAE];
	_ =	sdelay $0x3  }
0x33: {  	p0 =	seq.s32 s10, $0x1;
	s10 =	sld [smem:$0x3FB0];
	_ =	sdelay $0x3  }
0x34: {  	[smem:$0x3FB0] =	sst s10  }
0x35: {  	s10 =	sld [smem:$0x3FAF];
	_ =	sdelay $0x3  }
0x36: {  	p1 =	seq.s32 s10, $0x1;
	s10 =	sld [smem:$0x3FB0];
	_ =	sdelay $0x3  }
0x37: {  	[smem:$0x3FB0] =	sst s10  }
0x38: {  	s10 =	sld [smem:$0x3FB1]  }
0x39: {  	_ = 	snop;
	(pc) =	sbr.ind lr, $3  }
0x3a: {  	_ = 	snop  }
0x3b: {  	_ = 	snop  }
0x3c: {  	p2 =	seq.s32 s10, $0x1;
	s10 =	sld [smem:$0x3FB0]  }
0x3d: {  	_ =	shalt  }
0x3e: {  	_ =	shalt  }
0x3f: {  	_ =	shalt  }
0x40: {  	_ =	shalt  }
0x41: {  	_ =	shalt  }
0x42: {  	_ =	shalt  }
0x43: {  	_ =	shalt  }
0x44: {  	_ =	shalt  }
0x45: {  	_ =	shalt  }
0x46: {  	_ =	shalt  }
0x47: {  	_ =	shalt  }
0x48: {  	_ =	shalt  }
0x49: {  	_ =	shalt  }
0x4a: {  	_ =	shalt  }
0x4b: {  	_ =	shalt  }
0x4c: {  	_ =	shalt  }
0x4d: {  	_ =	shalt  }
0x4e: {  	_ =	shalt  }
0x4f: {  	_ =	shalt  }
0x50: {  	_ =	shalt  }
0x51: {  	_ =	shalt  }
0x52: {  	_ =	shalt  }
0x53: {  	_ =	shalt  }
0x54: {  	_ =	shalt  }
0x55: {  	_ =	shalt  }
0x56: {  	_ =	shalt  }
0x57: {  	_ =	shalt  }
0x58: {  	_ =	shalt  }
0x59: {  	_ =	shalt  }
0x5a: {  	_ =	shalt  }
0x5b: {  	_ =	shalt  }
0x5c: {  	_ =	shalt  }
0x5d: {  	_ =	shalt  }
0x5e: {  	_ =	shalt  }
0x5f: {  	_ =	shalt  }
0x60: {  	_ =	shalt  }
0x61: {  	_ =	shalt  }
0x62: {  	_ =	shalt  }
0x63: {  	_ =	shalt  }
0x64: {  	_ =	shalt  }
0x65: {  	_ =	shalt  }
0x66: {  	_ =	shalt  }
0x67: {  	_ =	shalt  }
0x68: {  	_ =	shalt  }
0x69: {  	_ =	shalt  }
0x6a: {  	_ =	shalt  }
0x6b: {  	_ =	shalt  }
0x6c: {  	_ =	shalt  }
0x6d: {  	_ =	shalt  }
0x6e: {  	_ =	shalt  }
0x6f: {  	_ =	shalt  }
0x70: {  	_ =	shalt  }
0x71: {  	_ =	shalt  }
0x72: {  	_ =	shalt  }
0x73: {  	_ =	shalt  }
0x74: {  	_ =	shalt  }
0x75: {  	_ =	shalt  }
0x76: {  	_ =	shalt  }
0x77: {  	_ =	shalt  }
0x78: {  	_ =	shalt  }
0x79: {  	_ =	shalt  }
0x7a: {  	_ =	shalt  }
0x7b: {  	_ =	shalt  }
0x7c: {  	_ =	shalt  }
0x7d: {  	_ =	shalt  }
0x7e: {  	_ =	shalt  }
0x7f: {  	_ =	shalt  }
0x80: {  	_ =	shalt  }
0x81: {  	_ =	shalt  }
0x82: {  	_ =	shalt  }
0x83: {  	_ =	shalt  }
0x84: {  	_ =	shalt  }
0x85: {  	_ =	shalt  }
0x86: {  	_ =	shalt  }
0x87: {  	_ =	shalt  }
.Lfunc_end0:
.L_simem_size_0:
called_computation_lowered:
.L_overlay_start_0:
0x88: {  	s2 =	sld [smem:$0x3FD9]  }
0x89: {  	s3 =	sld [smem:$0x3FFE];
	_ =	sdelay $0x1  }
0x8a: {  	s1 =	srdreg.scid  }
0x8b: {  	s0 =	sand.u32 $0x1, s1  }
0x8c: {  	s16 =	sshll.u32 s0, $0xA;
	s2 =	sadd.s32 s3, s2  }
0x8d: {  	s2 =	sadd.s32 s2, s16  }
0x8e: {  	[smem:$0x3FBC] =	sst s2  }
0x8f: {  	_ = 	snop  }
0x90: {  	(tm) =	ssettm $0x1  }
0x91: {  	s17 =	sld [smem:$0x3FFB];
	_ =	sdelay $0x3  }
0x92: {  	_ =	strace s17  }
0x93: {  	s2 =	sld [smem:$0x3FFC];
	_ =	sdelay $0x3  }
0x94: {  	_ =	strace s2  }
0x95: {  	s2 =	sld [smem:$0x3FFD];
	_ =	sdelay $0x3  }
0x96: {  	_ =	strace s2  }
0x97: {  	_ =	strace $0x8FFFFFFF  }
0x98: {  	s18 =	sld [smem:$0x3FDB];
	_ =	sdelay $0x1  }
0x99: {  	s19 =	simm.s32 $_scs_section_size  }
0x9a: {  	s4 =	simm.s32 $_size__tile_overlayer_lowered;
	s5 =	simm.s32 $_tile_overlayer_lowered  }
0x9b: {  	s22 =	simm.s32 $0x1BFF;
	s21 =	sshll.u32 s5, $0x1;
	s2 =	sadd.s32 s19, s18  }
0x9c: {  	s6 =	simm.s32 $0x0;
	s20 =	sshll.u32 s4, $0x1;
	s4 =	sadd.s32 s21, s2  }
0x9d: {  	[timem:s6], [sflag:s22] =	dma.local [hbm:s4], s20  }
0x9e: {  	_ =	swait.ge [sflag:s22], s20  }
0x9f: {  	s3 =	ssub.s32 $0x0, s20;
	[sflag:s22] =	ssyncset.done $0x0  }
0xa0: {  	[sflag:s22] =	ssyncadd.s32 s3;
	_ =	sdelay $0x1  }
0xa1: {  	s23 =	simm.s32 $0x1B8B  }
0xa2: {  	_ =	swait.ge [sflag:s23], $0x1  }
0xa3: {  	[sflag:s23] =	ssyncset.done $0x0  }
0xa4: {  	s25 =	simm.s32 $0x1B8E;
	s24 =	sld [smem:$0x3FFE];
	[sflag:s23] =	ssyncadd.s32 $0xFFFFFFFF  }
0xa5: {  	s26 =	simm.s32 $execute0_lowered;
	[smem:$0x3FD2] =	sst s25  }
0xa6: {  	s4 =	sshll.u32 s26, $0x1;
	_ =	strace $0x80000046;
	[dreg:$0x1] =	wrdreg $0xFFFFFFFF  }
0xa7: {  	s28 =	simm.s32 $_size_execute0_lowered;
	s2 =	sadd.s32 s2, s4;
	[dreg:$0x0] =	wrdreg $0x0  }
0xa8: {  	s4 =	sshll.u32 s28, $0x1;
	[dreg:$0x2] =	wrdreg s2  }
0xa9: {  	[dreg:$0x3] =	wrdreg s4  }
0xaa: {  	[dreg:$0x4] =	wrdreg $0xC0  }
0xab: {  	_ =	task [dreg:s6], $0x5FFFF  }
0xac: {  	[dreg:$0x1] =	wrdreg $0xFFFFFFFF  }
0xad: {  	[dreg:$0x0] =	wrdreg $0x60  }
0xae: {  	[dreg:$0x2] =	wrdreg s24  }
0xaf: {  	[dreg:$0x3] =	wrdreg $0xF8000  }
0xb0: {  	[dreg:$0x4] =	wrdreg $0x9  }
0xb1: {  	_ =	task.clear_ibuf [dreg:s6], $0x5FFFF;
	_ =	strace $0x90000046  }
0xb2: {  	s29 =	simm.s32 $0x9;
	_ =	strace $0x80000048  }
0xb3: {  	_ =	swait.ge [sflag:s29], $0x1  }
0xb4: {  	[sflag:s29] =	ssyncadd.s32 $0xFFFFFFFF  }
0xb5: {  	_ =	strace $0x90000048  }
0xb6: {  	_ =	sfence  }
0xb7: {  	s30 =	sld [smem:$0x0];
	_ =	sdelay $0x2  }
0xb8: {  	s31 =	sshll.u32 s1, $0xD;
	s1 =	sshrl.u32 s1, $0x2  }
0xb9: {  	s3 =	sand.u32 $0x4000, s31;
	s1 =	sadd.s32 s1, s30  }
0xba: {  	s0 =	sor.u32 s3, s0;
	s1 =	sshll.u32 s1, $0x11  }
0xbb: {  	s0 =	sor.u32 s1, s0  }
0xbc: {  	s0 =	sadd.s32 $0x8F2B, s0  }
0xbd: {  	[sflag:s0] =	ssyncadd.remote.s32 $0x1  }
0xbe: {  	_ =	sfence.sel $0xFFFF  }
0xbf: {  	[dreg:$0x0] =	wrdreg $0xFFFFFFFF;
	(pc) =	sbr.abs _section_cstart, $3  }
0xc0: {  	[dreg:$0x1] =	wrdreg $0xFFFFFFFF  }
0xc1: {  	_ =	task.clear_ibuf [dreg:s6], $0x2FFFF;
	_ =	strace $0x9FFFFFFF  }
0xc2: {  	(tm) =	ssettm $0x7FFFFFFF  }
0xc3: {  	_ =	shalt  }
tec
execute0_lowered:
.L_overlay_start_1:
0x0: {  	(tag) =	ssettag $0x1  }
0x1: {  	s6 =	rddreg [dreg:$0x0]  }
0x2: {  	s2 =	rddreg [dreg:$0x1]  }
0x3: {  	s0 =	rddreg [dreg:$0x2];
	s1 =	stileid.u32  }
0x4: {  	s5 =	srdreg.scid;
	s3 =	simm.s32 $0x0;
	s14 =	simm.s32 $0x1  }
0x5: {  	s15 =	simm.s32 $0x5000;
	s16 =	simm.s32 $0xA000;
	s17 =	simm.s32 $0x80  }
0x6: {  	s18 =	simm.s32 $0xA800;
	s19 =	simm.s32 $0xD000;
	s4 =	smul.u32 $0xA00, s1  }
0x7: {  	s20 =	simm.s32 $0x0;
	s5 =	sand.u32 $0x1, s5;
	s7 =	smul.u32 $0x2800, s1  }
0x8: {  	[smem:$0x7FF] =	sst s3;
	s31 =	sshll.u32 s1, $0x6;
	s8 =	smul.u32 $0x28000, s5  }
0x9: {  	_ =	strace $0x80000047;
	s10 =	ssub.s32 $0x2, s5;
	s5 =	sadd.s32 $0x17600, s6  }
0xa: {  	s9 =	sadd.s32 s4, s6;
	s11 =	sshrl.u32 s10, $0x1;
	s8 =	sadd.s32 s7, s8  }
0xb: {  	s4 =	sadd.s32 $0x17000, s6;
	s13 =	ssub.s32 s10, s11;
	s8 =	sshrl.u32 s8, $0x3  }
0xc: {  	s12 =	sadd.s32 s8, s6;
	s6 =	sadd.s32 s7, s2;
	s7 =	sor.u32 $0x1C01, s31  }
0xd: {  	s8 =	sadd.s32 $0xD000, s9;
	s9 =	sadd.s32 $0x3000, s9;
	s10 =	sadd.s32 $0x17800, s12  }
0xe: {  	s11 =	sadd.s32 $0x21800, s12;
	s12 =	smax.u32 s13, $0x1;
	s13 =	sshrl.u32 s6, $0x3  }
.LBB2_1:
0xf: {  	[spmem:s13], [sflag:s7] =	dma.local [hbm:s4], $0x500  }
0x10: {  	_ =	swait.ge [sflag:s14], $0x500  }
0x11: {  	[sflag:s14] =	ssyncset.done $0x0  }
0x12: {  	[sflag:s14] =	ssyncadd.s32 $0xFFFFFB00  }
0x13: {  	[tilespmem:s3], [sflag:$0x1] =	stream.linear.gather [hbm4b:s8+s3], $0x5000, $0x38;
	[tilespmem:$0x12000] =	vst v63  }
0x14: {  	_ =	swait.ge [sflag:s14], $0x5000  }
0x15: {  	[sflag:s14] =	ssyncset.done $0x0  }
0x16: {  	[sflag:s14] =	ssyncadd.s32 $0xFFFFB000  }
0x17: {  	[tilespmem:s15], [sflag:$0x1] =	stream.linear.gather [hbm4b:s9+s3], $0x5000, $0x38;
	[tilespmem:$0x12000] =	vst v63  }
0x18: {  	_ =	swait.ge [sflag:s14], $0x5000  }
0x19: {  	[sflag:s14] =	ssyncset.done $0x0  }
0x1a: {  	[sflag:s14] =	ssyncadd.s32 $0xFFFFB000  }
0x1b: {  	[tilespmem:s16], [sflag:$0x1] =	stream.linear.gather [hbm4b:s5+s3], $0x800, $0x38;
	[tilespmem:$0x12000] =	vst v63  }
0x1c: {  	_ =	swait.ge [sflag:s14], $0x800  }
0x1d: {  	[sflag:s14] =	ssyncset.done $0x0  }
0x1e: {  	[sflag:s14] =	ssyncadd.s32 $0xFFFFF800  }
0x1f: {  	s21 =	simm.s32 $0x5000;
	[bflag:$0x0] =	sbarrier.arrive $0xFFFF  }
0x20: {  	[spmem:s2] =	stream.indirect.scatter.add.f32 [tilespmem:s16], [sflag:$0x1], $0x10, s21, s17, $0xb8;
	[tilespmem:$0x12000] =	vst v63  }
0x21: {  	s21 =	simm.s32 $0x200;
	_ =	swait.ge [sflag:s14], $0x800  }
.LBB2_2:
0x22: {  	s22 =	sshra.s32 s21, $0x2;
	[sflag:s14] =	ssyncset.done $0x0;
	p0 =	sne.s32 s21, $0x13E00  }
.Ltmp0:
0x23: {  	s22 =	sadd.s32 $0x5000, s22;
	[sflag:s14] =	ssyncadd.s32 $0xFFFFF800;
	(pc) =	sbr.rel @p0 .LBB2_2-.Ltmp0, $3  }
0x24: {  	[spmem:s2] =	stream.indirect.scatter.add.f32 [tilespmem:s16], [sflag:$0x1], $0x10, s22, s17, $0xb8;
	[tilespmem:$0x12000] =	vst v63  }
0x25: {  	s21 =	sadd.s32 $0x200, s21;
	_ =	sdelay $0x1  }
0x26: {  	_ =	swait.ge [sflag:s14], $0x800  }
0x27: {  	[sflag:s14] =	ssyncset.done $0x0  }
0x28: {  	[sflag:s14] =	ssyncadd.s32 $0xFFFFF800  }
0x29: {  	[bflag:$0x0] =	sbarrier.arrive $0xFFFF  }
0x2a: {  	[tilespmem:s18], [sflag:$0x1] =	stream.linear.gather [spmem:s6], $0x2800, $0x38;
	[tilespmem:$0x12000] =	vst v63  }
0x2b: {  	_ =	swait.ge [sflag:s14], $0x2800  }
0x2c: {  	[sflag:s14] =	ssyncset.done $0x0  }
0x2d: {  	s21 =	simm.s32 $0x0;
	[sflag:s14] =	ssyncadd.s32 $0xFFFFD800  }
0x2e: {  	v0 =	vld [tilespmem:s21+$0xA800];
	_ =	sdelay $0x4  }
0x2f: {  	s22 =	simm.s32 $0x10;
	(erf) = vrcp.f32 v0  }
0x30: {  	v1 =	vld [tilespmem:s22+$0xA800];
	_ =	sdelay $0x3  }
0x31: {  	s23 =	simm.s32 $0x80  }
.LBB2_4:
0x32: {  	s24 =	sshra.s32 s23, $0x2;
	p0 =	sne.s32 s23, $0x9FC0;
	s23 =	sadd.s32 $0x40, s23;
	(erf) = vrcp.f32 v1;
	v2 =	vmov v1  }
.Ltmp1:
0x33: {  	v1 =	vld [tilespmem:s24+$0xA800];
	(pc) =	sbr.rel @p0 .LBB2_4-.Ltmp1, $4  }
0x34: {  	_ = 	snop  }
0x35: {  	vm0 =	vgt.f32 v0, $0.0e+00;
	v0 =	vmov v2;
	v3 =	vpop (erf)  }
0x36: {  	v2 =	vnsel vm0, $0x0, v3  }
0x37: {  	[tilespmem:s21+$0xD000] =	vst v2;
	s21 =	smov.u32 s22;
	s22 =	smov.u32 s24  }
0x38: {  	(erf) = vrcp.f32 v1;
	_ =	sdelay $0x7  }
0x39: {  	vm0 =	vgt.f32 v0, $0.0e+00;
	v61 =	vpop (erf)  }
0x3a: {  	vm15 =	vgt.f32 v1, $0.0e+00;
	v0 =	vnsel vm0, $0x0, v61;
	v62 =	vpop (erf)  }
0x3b: {  	[tilespmem:s21+$0xD000] =	vst v0;
	v63 =	vnsel vm15, $0x0, v62  }
0x3c: {  	s30 =	simm.s32 $0x0;
	[tilespmem:s22+$0xD000] =	vst v63  }
0x3d: {  	[hbm4b:s10+s30] =	stream.linear.scatter [tilespmem:s19], [sflag:$0x1], $0x2800, $0x38;
	[tilespmem:$0x12000] =	vst v63  }
0x3e: {  	_ =	swait.ge [sflag:s14], $0x2800  }
0x3f: {  	[sflag:s14] =	ssyncset.done $0x0  }
0x40: {  	[sflag:s14] =	ssyncadd.s32 $0xFFFFD800  }
0x41: {  	[spmem:s13], [sflag:s7] =	dma.local [hbm:s4], $0x500  }
0x42: {  	_ =	swait.ge [sflag:s14], $0x500  }
0x43: {  	[sflag:s14] =	ssyncset.done $0x0  }
0x44: {  	[sflag:s14] =	ssyncadd.s32 $0xFFFFFB00  }
0x45: {  	s31 =	simm.s32 $0x0;
	[bflag:$0x0] =	sbarrier.arrive $0xFFFF  }
0x46: {  	[spmem:s2] =	stream.indirect.scatter.add.f32 [tilespmem:s16], [sflag:$0x1], $0x10, s31, s17, $0xb8;
	[tilespmem:$0x12000] =	vst v63  }
0x47: {  	_ =	swait.ge [sflag:s14], $0x800  }
0x48: {  	s21 =	simm.s32 $0x200;
	[sflag:s14] =	ssyncset.done $0x0  }
.LBB2_6:
0x49: {  	s22 =	sshra.s32 s21, $0x2;
	[sflag:s14] =	ssyncadd.s32 $0xFFFFF800;
	p0 =	sne.s32 s21, $0x13E00  }
0x4a: {  	[spmem:s2] =	stream.indirect.scatter.add.f32 [tilespmem:s16], [sflag:$0x1], $0x10, s22, s17, $0xb8;
	[tilespmem:$0x12000] =	vst v63  }
.Ltmp2:
0x4b: {  	_ = 	snop;
	(pc) =	sbr.rel @p0 .LBB2_6-.Ltmp2, $4  }
0x4c: {  	_ = 	snop  }
0x4d: {  	s21 =	sadd.s32 $0x200, s21  }
0x4e: {  	_ =	swait.ge [sflag:s14], $0x800  }
0x4f: {  	[sflag:s14] =	ssyncset.done $0x0  }
0x50: {  	[sflag:s14] =	ssyncadd.s32 $0xFFFFF800  }
0x51: {  	[bflag:$0x0] =	sbarrier.arrive $0xFFFF  }
0x52: {  	[tilespmem:s18], [sflag:$0x1] =	stream.linear.gather [spmem:s6], $0x2800, $0x38;
	[tilespmem:$0x12000] =	vst v63  }
0x53: {  	_ =	swait.ge [sflag:s14], $0x2800  }
0x54: {  	[sflag:s14] =	ssyncset.done $0x0  }
0x55: {  	s21 =	simm.s32 $0x0;
	[sflag:s14] =	ssyncadd.s32 $0xFFFFD800  }
0x56: {  	v0 =	vld [tilespmem:s21+$0xA800];
	_ =	sdelay $0x4  }
0x57: {  	s22 =	simm.s32 $0x10;
	(erf) = vrcp.f32 v0  }
0x58: {  	v1 =	vld [tilespmem:s22+$0xA800];
	_ =	sdelay $0x3  }
0x59: {  	s23 =	simm.s32 $0x80  }
.LBB2_8:
0x5a: {  	s24 =	sshra.s32 s23, $0x2;
	p0 =	sne.s32 s23, $0x9FC0;
	s23 =	sadd.s32 $0x40, s23;
	(erf) = vrcp.f32 v1;
	v2 =	vmov v1  }
.Ltmp3:
0x5b: {  	v1 =	vld [tilespmem:s24+$0xA800];
	(pc) =	sbr.rel @p0 .LBB2_8-.Ltmp3, $4  }
0x5c: {  	_ = 	snop  }
0x5d: {  	vm0 =	vgt.f32 v0, $0.0e+00;
	v0 =	vmov v2;
	v3 =	vpop (erf)  }
0x5e: {  	v2 =	vnsel vm0, $0x0, v3  }
0x5f: {  	[tilespmem:s21+$0xD000] =	vst v2;
	s21 =	smov.u32 s22;
	s22 =	smov.u32 s24  }
0x60: {  	(erf) = vrcp.f32 v1;
	_ =	sdelay $0x7  }
0x61: {  	vm0 =	vgt.f32 v0, $0.0e+00;
	v61 =	vpop (erf)  }
0x62: {  	vm15 =	vgt.f32 v1, $0.0e+00;
	s20 =	sadd.s32 $0x1, s20;
	v0 =	vnsel vm0, $0x0, v61;
	v62 =	vpop (erf)  }
0x63: {  	p0 =	sne.s32 s20, s12;
	[tilespmem:s21+$0xD000] =	vst v0;
	v63 =	vnsel vm15, $0x0, v62  }
.Ltmp4:
0x64: {  	[tilespmem:s22+$0xD000] =	vst v63;
	(pc) =	sbr.rel @p0 .LBB2_1-.Ltmp4, $4  }
0x65: {  	[hbm4b:s11+s3] =	stream.linear.scatter [tilespmem:s19], [sflag:$0x1], $0x2800, $0x38;
	[tilespmem:$0x12000] =	vst v63  }
0x66: {  	_ =	swait.ge [sflag:s14], $0x2800  }
0x67: {  	[sflag:s14] =	ssyncset.done $0x0  }
0x68: {  	[sflag:s14] =	ssyncadd.s32 $0xFFFFD800  }
0x69: {  	_ =	sfence.sel $0x180000  }
0x6a: {  	[bflag:$0x0] =	sbarrier.arrive $0xFFFF  }
0x6b: {  	p0 =	sne.s32 s1, $0x0;
	_ =	strace $0x90000047  }
0x6c: {  	s0 =	sadd.s32 @!p0 $0x100000, s0;
	[bflag:$0x2] =	sbarrier.arrive $0xFFFF  }
0x6d: {  	[sflag:s0] =	ssyncadd.tile.s32 @!p0 $0x1;
	_ =	shalt  }
.Lfunc_end2:
_tile_overlayer_lowered:
.L_overlay_start_2:
0x6e: {  	(tag) =	ssettag $0x2  }
0x6f: {  	s0 =	rddreg [dreg:$0x0];
	s2 =	stileid.u32  }
0x70: {  	s1 =	rddreg [dreg:$0x1];
	p0 =	sne.s32 s2, $0x0  }
0x71: {  	s3 =	rddreg [dreg:$0x2];
	[bflag:$0x3] =	sbarrier.arrive $0xFFFF;
	s2 =	simm.s32 @!p0 $0x1C01  }
0x72: {  	[timem:s3], [sflag:s2] =	dma.local @!p0 [hbm:s0], s1  }
0x73: {  	s0 =	simm.s32 @!p0 $0x1  }
0x74: {  	_ =	swait.ge @!p0 [sflag:s0], s1  }
0x75: {  	s1 =	ssub.s32 @!p0 $0x0, s1;
	[sflag:s0] =	ssyncset.done @!p0 $0x0  }
0x76: {  	[sflag:s0] =	ssyncadd.s32 @!p0 s1  }
0x77: {  	[bflag:$0x3] =	sbarrier.arrive $0xFFFF  }
0x78: {  	_ =	shalt  }

</sc_bundles>
